<compile_context>
chip_gen: v7x
topology: tpu7x:2x2x1
jax: 0.10.2.dev20260603
libtpu: 0.0.44.dev20260713+nightly
codegen_flags: <defaults>
</compile_context>

<pallas_src>
import functools

import jax
import jax.numpy as jnp
from jax import lax
from jax.experimental import pallas as pl
from jax.experimental.pallas import tpu as pltpu
from jax.experimental.pallas import tpu_sc as plsc

NU = 25000
EMB = 64
NC = 2
NS = 16
NW = NC * NS
CH = 128
RPT = 1568
PAD_N = RPT * NS

_MESH = dict(core_axis_name="c", subcore_axis_name="s")


def _chunk_counts(n_chunks):
    base = n_chunks // NW
    extra = n_chunks - base * NW
    return base, extra


HALF = PAD_N // NC
RPT2 = HALF // NS
SENT = -1


def _sc_degree(edge_flat, ones_rows, zeros128):
    M = edge_flat.shape[0]
    n_chunks = M // CH
    assert n_chunks * CH == M
    base = n_chunks // NS
    extra = n_chunks - base * NS
    SLC = 112
    mesh = plsc.VectorSubcoreMesh(**_MESH)

    @functools.partial(
        pl.kernel,
        mesh=mesh,
        out_type=jax.ShapeDtypeStruct((NC * HALF, 128), jnp.float32),
        scratch_types=[
            pltpu.VMEM((CH,), jnp.int32),
            pltpu.VMEM((CH,), jnp.int32),
            pltpu.VMEM((CH, 128), jnp.float32),
            pltpu.VMEM_SHARED((HALF, 128), jnp.float32),
        ],
    )
    def k(e_hbm, ones_hbm, z_hbm, out_hbm, idx_v, s0, buf, tbl):
        cid = lax.axis_index("c")
        sid = lax.axis_index("s")
        lo = cid * HALF
        hi = lo + HALF
        pltpu.sync_copy(z_hbm, buf.at[pl.ds(0, SLC)])
        for t in range(RPT2 // SLC):
            pltpu.sync_copy(buf.at[pl.ds(0, SLC)],
                            tbl.at[pl.ds(sid * RPT2 + t * SLC, SLC)])
        pltpu.sync_copy(ones_hbm, buf)
        plsc.subcore_barrier()
        cnt = base + jnp.where(sid < extra, 1, 0)

        def body(i, carry):
            cb = (i * NS + sid) * CH
            pltpu.sync_copy(e_hbm.at[pl.ds(cb, CH)], idx_v)

            def mask(j, c2):
                sj = pl.ds(j * 16, 16)
                a = idx_v[sj]
                own = (a >= lo) & (a < hi)
                s0[sj] = jnp.where(own, a - lo, SENT)
                return c2

            lax.fori_loop(0, CH // 16, mask, 0)
            pltpu.sync_copy(
                buf, tbl.at[plsc.Indices(s0, ignored_value=SENT)], add=True)
            return carry

        lax.fori_loop(0, cnt, body, 0)
        plsc.subcore_barrier()
        ob = cid * HALF + sid * RPT2
        for t in range(RPT2 // SLC):
            pltpu.sync_copy(tbl.at[pl.ds(sid * RPT2 + t * SLC, SLC)],
                            buf.at[pl.ds(0, SLC)])
            pltpu.sync_copy(buf.at[pl.ds(0, SLC)],
                            out_hbm.at[pl.ds(ob + t * SLC, SLC)])

    return k(edge_flat, ones_rows, zeros128)


@functools.lru_cache(maxsize=None)
def _conv_scatter_kernel(E):
    n_chunks = E // CH
    assert n_chunks * CH == E
    base = n_chunks // NS
    extra = n_chunks - base * NS
    SLC = 112
    mesh = plsc.VectorSubcoreMesh(**_MESH)

    @functools.partial(
        pl.kernel,
        mesh=mesh,
        out_type=jax.ShapeDtypeStruct((NC * HALF, 128), jnp.float32),
        scratch_types=[
            pltpu.VMEM((CH,), jnp.int32),
            pltpu.VMEM((CH,), jnp.int32),
            pltpu.VMEM((CH,), jnp.int32),
            pltpu.VMEM((CH,), jnp.int32),
            pltpu.VMEM((CH,), jnp.int32),
            pltpu.VMEM((CH,), jnp.int32),
            pltpu.VMEM((CH, 128), jnp.float32),
            pltpu.VMEM_SHARED((HALF, 128), jnp.float32),
            pltpu.SemaphoreType.DMA,
        ],
    )
    def k(y_hbm, e_hbm, z_hbm, out_hbm,
          i0, i1, g0, s0, g1, s1, ra, tbl, sem):
        cid = lax.axis_index("c")
        sid = lax.axis_index("s")
        lo = cid * HALF
        hi = lo + HALF
        pltpu.sync_copy(z_hbm, ra.at[pl.ds(0, SLC)])
        for t in range(RPT2 // SLC):
            pltpu.sync_copy(ra.at[pl.ds(0, SLC)],
                            tbl.at[pl.ds(sid * RPT2 + t * SLC, SLC)])
        plsc.subcore_barrier()
        cnt = base + jnp.where(sid < extra, 1, 0)

        def body(i, carry):
            cb = (i * NS + sid) * CH
            pltpu.sync_copy(e_hbm.at[pl.ds(cb, CH)], i0)
            pltpu.sync_copy(e_hbm.at[pl.ds(E + cb, CH)], i1)

            def mask(j, c2):
                sj = pl.ds(j * 16, 16)
                a = i0[sj]
                b = i1[sj]
                own_b = (b >= lo) & (b < hi)
                own_a = (a >= lo) & (a < hi)
                g0[sj] = jnp.where(own_b, a, SENT)
                s0[sj] = jnp.where(own_b, b - lo, SENT)
                g1[sj] = jnp.where(own_a, b, SENT)
                s1[sj] = jnp.where(own_a, a - lo, SENT)
                return c2

            lax.fori_loop(0, CH // 16, mask, 0)
            pltpu.async_copy(
                y_hbm.at[plsc.Indices(g0, ignored_value=SENT)], ra, sem).wait()
            pltpu.sync_copy(
                ra, tbl.at[plsc.Indices(s0, ignored_value=SENT)], add=True)
            pltpu.async_copy(
                y_hbm.at[plsc.Indices(g1, ignored_value=SENT)], ra, sem).wait()
            pltpu.sync_copy(
                ra, tbl.at[plsc.Indices(s1, ignored_value=SENT)], add=True)
            return carry

        lax.fori_loop(0, cnt, body, 0)
        plsc.subcore_barrier()
        ob = cid * HALF + sid * RPT2
        for t in range(RPT2 // SLC):
            pltpu.sync_copy(tbl.at[pl.ds(sid * RPT2 + t * SLC, SLC)],
                            ra.at[pl.ds(0, SLC)])
            pltpu.sync_copy(ra.at[pl.ds(0, SLC)],
                            out_hbm.at[pl.ds(ob + t * SLC, SLC)])

    return k


def _sc_conv_scatter(y128, edge_flat, zeros128):
    return _conv_scatter_kernel(edge_flat.shape[0] // 2)(
        y128, edge_flat, zeros128)


def _sc_edge_gather_mul(un, pn, edge_flat):
    M = edge_flat.shape[0]
    E = M // 2
    n_chunks = E // CH
    base, extra = _chunk_counts(n_chunks)
    mesh = plsc.VectorSubcoreMesh(**_MESH)

    @functools.partial(
        pl.kernel,
        mesh=mesh,
        out_type=jax.ShapeDtypeStruct((E, EMB), jnp.float32),
        scratch_types=[
            pltpu.VMEM((CH,), jnp.int32),
            pltpu.VMEM((CH,), jnp.int32),
            pltpu.VMEM((CH, 128), jnp.float32),
            pltpu.VMEM((CH, 128), jnp.float32),
            pltpu.VMEM((CH, EMB), jnp.float32),
            pltpu.SemaphoreType.DMA,
        ],
    )
    def k(un_hbm, pn_hbm, e_hbm, out_hbm, i0, i1, ua, pb, zv, sem):
        cid = lax.axis_index("c")
        sid = lax.axis_index("s")
        gwid = cid * NS + sid
        cnt = base + jnp.where(gwid < extra, 1, 0)

        def body(i, carry):
            cb = (i * NW + gwid) * CH
            pltpu.sync_copy(e_hbm.at[pl.ds(cb, CH)], i0)
            pltpu.sync_copy(e_hbm.at[pl.ds(E + cb, CH)], i1)
            ga = pltpu.async_copy(un_hbm.at[i0], ua, sem)
            gb = pltpu.async_copy(pn_hbm.at[i1], pb, sem)
            ga.wait()
            gb.wait()

            def mul_row(r, c2):
                for c in range(EMB // 16):
                    s = pl.ds(c * 16, 16)
                    zv[r, s] = ua[r, s] * pb[r, s]
                return c2

            lax.fori_loop(0, CH, mul_row, 0)
            pltpu.sync_copy(zv, out_hbm.at[pl.ds(cb, CH)])
            return carry

        lax.fori_loop(0, cnt, body, 0)

    return k(un, pn, edge_flat)


def _tc_stage1(deg16, uf, pf, Wu, bu, Wp, bp, W1, b1, W2, b2):
    n = uf.shape[0]
    blk = 1000
    grid = n // blk
    fu = uf.shape[1]
    fp = pf.shape[1]

    def body(deg_ref, uf_ref, pf_ref, wu_ref, bu_ref, wp_ref, bp_ref,
             w1_ref, b1_ref, w2_ref, b2_ref, y1_ref, pn_ref):
        deg = deg_ref[:, 0:1] + 1.0
        dinv = 1.0 / jnp.sqrt(deg)
        dn = (((1,), (1,)), ((), ()))
        ux = lax.dot_general(uf_ref[...], wu_ref[...], dn,
                             preferred_element_type=jnp.float32, precision=lax.Precision.HIGHEST) + bu_ref[...]
        h1 = lax.dot_general(ux, w1_ref[...], dn,
                             preferred_element_type=jnp.float32, precision=lax.Precision.HIGHEST)
        px = lax.dot_general(pf_ref[...], wp_ref[...], dn,
                             preferred_element_type=jnp.float32, precision=lax.Precision.HIGHEST) + bp_ref[...]
        x1p = jnp.maximum(
            lax.dot_general(px, w1_ref[...], dn,
                            preferred_element_type=jnp.float32, precision=lax.Precision.HIGHEST) + b1_ref[...], 0.0)
        x2p = lax.dot_general(x1p, w2_ref[...], dn,
                              preferred_element_type=jnp.float32, precision=lax.Precision.HIGHEST) + b2_ref[...]
        y1 = dinv * h1
        y1_ref[...] = jnp.concatenate([y1, jnp.zeros_like(y1)], axis=1)
        nrm = jnp.sqrt(jnp.sum(x2p * x2p, axis=1, keepdims=True))
        pnv = x2p / jnp.maximum(nrm, 1e-12)
        pn_ref[...] = jnp.concatenate([pnv, jnp.zeros_like(pnv)], axis=1)

    return pl.pallas_call(
        body,
        grid=(grid,),
        in_specs=[
            pl.BlockSpec((blk, 128), lambda i: (i, 0)),
            pl.BlockSpec((blk, fu), lambda i: (i, 0)),
            pl.BlockSpec((blk, fp), lambda i: (i, 0)),
            pl.BlockSpec((EMB, fu), lambda i: (0, 0)),
            pl.BlockSpec((1, EMB), lambda i: (0, 0)),
            pl.BlockSpec((EMB, fp), lambda i: (0, 0)),
            pl.BlockSpec((1, EMB), lambda i: (0, 0)),
            pl.BlockSpec((EMB, EMB), lambda i: (0, 0)),
            pl.BlockSpec((1, EMB), lambda i: (0, 0)),
            pl.BlockSpec((EMB, EMB), lambda i: (0, 0)),
            pl.BlockSpec((1, EMB), lambda i: (0, 0)),
        ],
        out_specs=[
            pl.BlockSpec((blk, 128), lambda i: (i, 0)),
            pl.BlockSpec((blk, 128), lambda i: (i, 0)),
        ],
        out_shape=[
            jax.ShapeDtypeStruct((n, 128), jnp.float32),
            jax.ShapeDtypeStruct((n, 128), jnp.float32),
        ],
    )(deg16, uf, pf, Wu, bu, Wp, bp, W1, b1, W2, b2)


def _tc_combine(deg16, acc, yprev, W, b, relu, normalize):
    n = yprev.shape[0]
    blk = 1000
    grid = n // blk

    def body(deg_ref, acc_ref, y_ref, w_ref, b_ref, out_ref):
        deg = deg_ref[:, 0:1] + 1.0
        dinv = 1.0 / jnp.sqrt(deg)
        a = acc_ref[:, 0:EMB] + y_ref[:, 0:EMB]
        x = dinv * a + b_ref[...]
        if relu:
            x = jnp.maximum(x, 0.0)
        if normalize:
            nrm = jnp.sqrt(jnp.sum(x * x, axis=1, keepdims=True))
            out = x / jnp.maximum(nrm, 1e-12)
        else:
            dn = (((1,), (1,)), ((), ()))
            h = lax.dot_general(x, w_ref[...], dn,
                                preferred_element_type=jnp.float32, precision=lax.Precision.HIGHEST)
            out = dinv * h
        out_ref[...] = jnp.concatenate([out, jnp.zeros_like(out)], axis=1)

    return pl.pallas_call(
        body,
        grid=(grid,),
        in_specs=[
            pl.BlockSpec((blk, 128), lambda i: (i, 0)),
            pl.BlockSpec((blk, 128), lambda i: (i, 0)),
            pl.BlockSpec((blk, 128), lambda i: (i, 0)),
            pl.BlockSpec((EMB, EMB), lambda i: (0, 0)),
            pl.BlockSpec((1, EMB), lambda i: (0, 0)),
        ],
        out_specs=pl.BlockSpec((blk, 128), lambda i: (i, 0)),
        out_shape=jax.ShapeDtypeStruct((n, 128), jnp.float32),
    )(deg16, acc, yprev, W, b)


def _tc_edge_mlp(z, P1w, P1b, P2w, P2b):
    e = z.shape[0]
    blk = 4000
    grid = e // blk

    def body(z_ref, w1_ref, b1_ref, w2_ref, b2_ref, out_ref):
        dn = (((1,), (1,)), ((), ()))
        h = jnp.maximum(
            lax.dot_general(z_ref[...], w1_ref[...], dn,
                            preferred_element_type=jnp.float32, precision=lax.Precision.HIGHEST) + b1_ref[...], 0.0)
        p = jnp.sum(h * w2_ref[...], axis=1, keepdims=True) + b2_ref[0, 0]
        out_ref[...] = p

    return pl.pallas_call(
        body,
        grid=(grid,),
        in_specs=[
            pl.BlockSpec((blk, EMB), lambda i: (i, 0)),
            pl.BlockSpec((EMB, EMB), lambda i: (0, 0)),
            pl.BlockSpec((1, EMB), lambda i: (0, 0)),
            pl.BlockSpec((1, EMB), lambda i: (0, 0)),
            pl.BlockSpec(memory_space=pltpu.SMEM),
        ],
        out_specs=pl.BlockSpec((blk, 1), lambda i: (i, 0)),
        out_shape=jax.ShapeDtypeStruct((e, 1), jnp.float32),
    )(z, P1w, P1b, P2w, P2b)


def kernel(edge_index, user_features, product_features, Wu, bu, Wp, bp,
           W1, b1, W2, b2, P1w, P1b, P2w, P2b):
    edge_flat = jnp.ravel(edge_index)
    ones_rows = jnp.zeros((CH, 128), jnp.float32).at[:, 0].set(1.0)
    zeros128 = jnp.zeros((112, 128), jnp.float32)

    deg16 = _sc_degree(edge_flat, ones_rows, zeros128)

    bu2, bp2, b12, b22, p1b2 = (v.reshape(1, EMB) for v in (bu, bp, b1, b2, P1b))
    y1u, pn = _tc_stage1(deg16, user_features, product_features,
                         Wu, bu2, Wp, bp2, W1, b12, W2, b22)

    acc1 = _sc_conv_scatter(y1u, edge_flat, zeros128)
    y2u = _tc_combine(deg16, acc1, y1u, W2, b12, relu=True, normalize=False)
    acc2 = _sc_conv_scatter(y2u, edge_flat, zeros128)
    un = _tc_combine(deg16, acc2, y2u, W2, b22, relu=False, normalize=True)

    z = _sc_edge_gather_mul(un, pn, edge_flat)
    pred = _tc_edge_mlp(z, P1w, p1b2, P2w, P2b.reshape(1, 1))
    return pred.reshape(-1)

# --- scband reference (transcript-rebuilt; emitter-appended) ---
"""Pipeline reference for scband-experiment-1-85684597555590 (READ-ONLY COPY).

The authoritative reference and input builder live on the scoring server;
editing this copy changes nothing except your own understanding.
"""

import jax, jax.numpy as jnp
import numpy as np

NUM_USERS = 25000
NUM_PRODUCTS = 25000
USER_FEAT = 128
PROD_FEAT = 128
EMB = 64
E = 800000


def setup_inputs(seed: int = 0) -> dict:
    key = jax.random.key(seed)
    ks = jax.random.split(key, 16)
    edge_index = jax.random.randint(ks[0], (2, E), 0, NUM_USERS, dtype=jnp.int32)
    user_features = jax.random.normal(ks[1], (NUM_USERS, USER_FEAT), dtype=jnp.float32)
    product_features = jax.random.normal(ks[2], (NUM_PRODUCTS, PROD_FEAT), dtype=jnp.float32)
    s = 0.05
    Wu = jax.random.normal(ks[3], (EMB, USER_FEAT), dtype=jnp.float32) * s
    bu = jax.random.normal(ks[4], (EMB,), dtype=jnp.float32) * s
    Wp = jax.random.normal(ks[5], (EMB, PROD_FEAT), dtype=jnp.float32) * s
    bp = jax.random.normal(ks[6], (EMB,), dtype=jnp.float32) * s
    W1 = jax.random.normal(ks[7], (EMB, EMB), dtype=jnp.float32) * s
    b1 = jax.random.normal(ks[8], (EMB,), dtype=jnp.float32) * s
    W2 = jax.random.normal(ks[9], (EMB, EMB), dtype=jnp.float32) * s
    b2 = jax.random.normal(ks[10], (EMB,), dtype=jnp.float32) * s
    P1w = jax.random.normal(ks[11], (EMB, EMB), dtype=jnp.float32) * s
    P1b = jax.random.normal(ks[12], (EMB,), dtype=jnp.float32) * s
    P2w = jax.random.normal(ks[13], (1, EMB), dtype=jnp.float32) * s
    P2b = jax.random.normal(ks[14], (1,), dtype=jnp.float32) * s
    return {"edge_index": edge_index, "user_features": user_features, "product_features": product_features,
            "Wu": Wu, "bu": bu, "Wp": Wp, "bp": bp, "W1": W1, "b1": b1, "W2": W2, "b2": b2,
            "P1w": P1w, "P1b": P1b, "P2w": P2w, "P2b": P2b}


def gcn_conv(x, edge_index, W, b):
    # Faithful PyG GCNConv: add self-loops, symmetric normalization, sum aggregation.
    N = x.shape[0]
    x = x @ W.T
    src = edge_index[0]
    dst = edge_index[1]
    loop = jnp.arange(N, dtype=src.dtype)
    src = jnp.concatenate([src, loop])
    dst = jnp.concatenate([dst, loop])
    deg = jnp.zeros((N,), dtype=x.dtype).at[dst].add(1.0)
    dinv = jnp.where(deg > 0, 1.0 / jnp.sqrt(deg), 0.0)
    norm = dinv[src] * dinv[dst]
    out = jnp.zeros_like(x).at[dst].add(norm[:, None] * x[src])
    return out + b


def l2_normalize(v, eps=1e-12):
    n = jnp.linalg.norm(v, axis=-1, keepdims=True)
    return v / jnp.maximum(n, eps)


def reference(edge_index, user_features, product_features, Wu, bu, Wp, bp, W1, b1, W2, b2, P1w, P1b, P2w, P2b):
    nu = user_features.shape[0]
    npd = product_features.shape[0]
    user_indices = edge_index[0]
    product_indices = edge_index[1] - nu
    # torch allows negative indexing (wraps); replicate explicitly for JAX
    product_indices = jnp.where(product_indices < 0, product_indices + npd, product_indices)
    user_x = user_features @ Wu.T + bu
    product_x = product_features @ Wp.T + bp
    x = jnp.concatenate([user_x, product_x], axis=0)
    combined_edge_index = jnp.concatenate([edge_index, jnp.stack([edge_index[1], edge_index[0]], axis=0)], axis=1)
    x = jax.nn.relu(gcn_conv(x, combined_edge_index, W1, b1))
    # dropout p=0.2 is identity in eval mode
    x = gcn_conv(x, combined_edge_index, W2, b2)
    user_embeddings = x[:nu]
    product_embeddings = x[nu:]
    user_emb = user_embeddings[user_indices]
    product_emb = product_embeddings[product_indices]
    user_emb_norm = l2_normalize(user_emb)
    product_emb_norm = l2_normalize(product_emb)
    dot_product = user_emb_norm * product_emb_norm
    h = jax.nn.relu(dot_product @ P1w.T + P1b)
    predictions = (h @ P2w.T + P2b).squeeze()
    return predictions

if __name__ == "__main__":
    import jax
    _d = setup_inputs()
    print(jax.jit(kernel)(*tuple(_d.values())))

</pallas_src>

<mosaic_0001>
#map = affine_map<(d0, d1) -> (0, 0)>
#map1 = affine_map<(d0, d1) -> (0)>
module attributes {stable_mosaic.version = 14 : i64} {
  func.func @k(%arg0: i32, %arg1: i32, %arg2: memref<25000x128xf32, #tpu.memory_space<hbm>>, %arg3: memref<1600000xi32, #tpu.memory_space<hbm>>, %arg4: memref<112x128xf32, #tpu.memory_space<hbm>>, %arg5: memref<25088x128xf32, #tpu.memory_space<hbm>>, %arg6: memref<128xi32, #tpu.memory_space<vmem>>, %arg7: memref<128xi32, #tpu.memory_space<vmem>>, %arg8: memref<128xi32, #tpu.memory_space<vmem>>, %arg9: memref<128xi32, #tpu.memory_space<vmem>>, %arg10: memref<128xi32, #tpu.memory_space<vmem>>, %arg11: memref<128xi32, #tpu.memory_space<vmem>>, %arg12: memref<128x128xf32, #tpu.memory_space<vmem>>, %arg13: memref<12544x128xf32, #tpu.memory_space<vmem_shared>>, %arg14: memref<!tpu.dma_semaphore, #tpu.memory_space<semaphore_mem>>) attributes {dimension_semantics = [#tpu.dimension_semantics<core_parallel>, #tpu.dimension_semantics<subcore_parallel>], iteration_bounds = array<i64: 2, 16>, scalar_prefetch = 0 : i64, scratch_operands = 9 : i64, tpu.core_type = #tpu.core_type<sc_vector_subcore>, window_params = [{transform_indices = #map}, {transform_indices = #map1}, {transform_indices = #map}, {transform_indices = #map}]} {
    %mul3A = arith.constant 12544 : i32
    %mul3A_0 = arith.muli %arg0, %mul3A : i32
    %add3A = arith.constant 12544 : i32
    %add3A_1 = arith.addi %mul3A_0, %add3A : i32
    "tpu.region"() ({
      %run_scoped3A = tpu.sem_alloc : memref<!tpu.dma_semaphore, #tpu.memory_space<semaphore_mem>>
      %dma_start3A = arith.constant 0 : i32
      %dma_start3A_91 = arith.constant 0 : i32
      %dma_start3A_92 = tpu.memref_slice %arg12[%dma_start3A, %dma_start3A_91] : memref<128x128xf32, #tpu.memory_space<vmem>> -> memref<112x128xf32, #tpu.memory_space<vmem>>
      %dma_start3A_93 = arith.constant 0 : i32
      %dma_start3A_94 = arith.constant 0 : i32
      %dma_start3A_95 = tpu.memref_slice %arg12[%dma_start3A_93, %dma_start3A_94] : memref<128x128xf32, #tpu.memory_space<vmem>> -> memref<112x128xf32, #tpu.memory_space<vmem>>
      tpu.enqueue_dma source(%arg4 : memref<112x128xf32, #tpu.memory_space<hbm>>) target(%dma_start3A_95 : memref<112x128xf32, #tpu.memory_space<vmem>>) target_semaphore(%run_scoped3A : memref<!tpu.dma_semaphore, #tpu.memory_space<semaphore_mem>>)
      %dma_wait3A = arith.constant 0 : i32
      %dma_wait3A_96 = arith.constant 0 : i32
      %dma_wait3A_97 = tpu.memref_slice %arg12[%dma_wait3A, %dma_wait3A_96] : memref<128x128xf32, #tpu.memory_space<vmem>> -> memref<112x128xf32, #tpu.memory_space<vmem>>
      %dma_wait3A_98 = arith.constant 0 : i32
      %dma_wait3A_99 = arith.constant 0 : i32
      %dma_wait3A_100 = tpu.memref_slice %arg12[%dma_wait3A_98, %dma_wait3A_99] : memref<128x128xf32, #tpu.memory_space<vmem>> -> memref<112x128xf32, #tpu.memory_space<vmem>>
      tpu.wait_dma2 semaphore(%run_scoped3A : memref<!tpu.dma_semaphore, #tpu.memory_space<semaphore_mem>>) src(%arg4 : memref<112x128xf32, #tpu.memory_space<hbm>>) dst(%dma_wait3A_100 : memref<112x128xf32, #tpu.memory_space<vmem>>)
      tpu.yield
    }) : () -> ()
    %mul3A_2 = arith.constant 784 : i32
    %mul3A_3 = arith.muli %arg1, %mul3A_2 : i32
    %add3A_4 = arith.constant 0 : i32
    %add3A_5 = arith.addi %mul3A_3, %add3A_4 : i32
    "tpu.region"() ({
      %run_scoped3A = tpu.sem_alloc : memref<!tpu.dma_semaphore, #tpu.memory_space<semaphore_mem>>
      %dma_start3A = arith.constant 0 : i32
      %dma_start3A_91 = arith.constant 0 : i32
      %dma_start3A_92 = tpu.memref_slice %arg12[%dma_start3A, %dma_start3A_91] : memref<128x128xf32, #tpu.memory_space<vmem>> -> memref<112x128xf32, #tpu.memory_space<vmem>>
      %dma_start3A_93 = arith.constant 0 : i32
      %dma_start3A_94 = tpu.memref_slice %arg13[%add3A_5, %dma_start3A_93] : memref<12544x128xf32, #tpu.memory_space<vmem_shared>> -> memref<112x128xf32, #tpu.memory_space<vmem_shared>>
      %dma_start3A_95 = arith.constant 0 : i32
      %dma_start3A_96 = tpu.memref_slice %arg13[%add3A_5, %dma_start3A_95] : memref<12544x128xf32, #tpu.memory_space<vmem_shared>> -> memref<112x128xf32, #tpu.memory_space<vmem_shared>>
      %dma_start3A_97 = arith.constant 0 : i32
      %dma_start3A_98 = arith.constant 0 : i32
      %dma_start3A_99 = tpu.memref_slice %arg12[%dma_start3A_97, %dma_start3A_98] : memref<128x128xf32, #tpu.memory_space<vmem>> -> memref<112x128xf32, #tpu.memory_space<vmem>>
      tpu.enqueue_dma source(%dma_start3A_99 : memref<112x128xf32, #tpu.memory_space<vmem>>) target(%dma_start3A_96 : memref<112x128xf32, #tpu.memory_space<vmem_shared>>) target_semaphore(%run_scoped3A : memref<!tpu.dma_semaphore, #tpu.memory_space<semaphore_mem>>)
      %dma_wait3A = arith.constant 0 : i32
      %dma_wait3A_100 = arith.constant 0 : i32
      %dma_wait3A_101 = tpu.memref_slice %arg12[%dma_wait3A, %dma_wait3A_100] : memref<128x128xf32, #tpu.memory_space<vmem>> -> memref<112x128xf32, #tpu.memory_space<vmem>>
      %dma_wait3A_102 = arith.constant 0 : i32
      %dma_wait3A_103 = tpu.memref_slice %arg13[%add3A_5, %dma_wait3A_102] : memref<12544x128xf32, #tpu.memory_space<vmem_shared>> -> memref<112x128xf32, #tpu.memory_space<vmem_shared>>
      %dma_wait3A_104 = arith.constant 0 : i32
      %dma_wait3A_105 = tpu.memref_slice %arg13[%add3A_5, %dma_wait3A_104] : memref<12544x128xf32, #tpu.memory_space<vmem_shared>> -> memref<112x128xf32, #tpu.memory_space<vmem_shared>>
      %dma_wait3A_106 = arith.constant 0 : i32
      %dma_wait3A_107 = arith.constant 0 : i32
      %dma_wait3A_108 = tpu.memref_slice %arg12[%dma_wait3A_106, %dma_wait3A_107] : memref<128x128xf32, #tpu.memory_space<vmem>> -> memref<112x128xf32, #tpu.memory_space<vmem>>
      tpu.wait_dma2 semaphore(%run_scoped3A : memref<!tpu.dma_semaphore, #tpu.memory_space<semaphore_mem>>) src(%dma_wait3A_108 : memref<112x128xf32, #tpu.memory_space<vmem>>) dst(%dma_wait3A_105 : memref<112x128xf32, #tpu.memory_space<vmem_shared>>)
      tpu.yield
    }) : () -> ()
    %mul3A_6 = arith.constant 784 : i32
    %mul3A_7 = arith.muli %arg1, %mul3A_6 : i32
    %add3A_8 = arith.constant 112 : i32
    %add3A_9 = arith.addi %mul3A_7, %add3A_8 : i32
    "tpu.region"() ({
      %run_scoped3A = tpu.sem_alloc : memref<!tpu.dma_semaphore, #tpu.memory_space<semaphore_mem>>
      %dma_start3A = arith.constant 0 : i32
      %dma_start3A_91 = arith.constant 0 : i32
      %dma_start3A_92 = tpu.memref_slice %arg12[%dma_start3A, %dma_start3A_91] : memref<128x128xf32, #tpu.memory_space<vmem>> -> memref<112x128xf32, #tpu.memory_space<vmem>>
      %dma_start3A_93 = arith.constant 0 : i32
      %dma_start3A_94 = tpu.memref_slice %arg13[%add3A_9, %dma_start3A_93] : memref<12544x128xf32, #tpu.memory_space<vmem_shared>> -> memref<112x128xf32, #tpu.memory_space<vmem_shared>>
      %dma_start3A_95 = arith.constant 0 : i32
      %dma_start3A_96 = tpu.memref_slice %arg13[%add3A_9, %dma_start3A_95] : memref<12544x128xf32, #tpu.memory_space<vmem_shared>> -> memref<112x128xf32, #tpu.memory_space<vmem_shared>>
      %dma_start3A_97 = arith.constant 0 : i32
      %dma_start3A_98 = arith.constant 0 : i32
      %dma_start3A_99 = tpu.memref_slice %arg12[%dma_start3A_97, %dma_start3A_98] : memref<128x128xf32, #tpu.memory_space<vmem>> -> memref<112x128xf32, #tpu.memory_space<vmem>>
      tpu.enqueue_dma source(%dma_start3A_99 : memref<112x128xf32, #tpu.memory_space<vmem>>) target(%dma_start3A_96 : memref<112x128xf32, #tpu.memory_space<vmem_shared>>) target_semaphore(%run_scoped3A : memref<!tpu.dma_semaphore, #tpu.memory_space<semaphore_mem>>)
      %dma_wait3A = arith.constant 0 : i32
      %dma_wait3A_100 = arith.constant 0 : i32
      %dma_wait3A_101 = tpu.memref_slice %arg12[%dma_wait3A, %dma_wait3A_100] : memref<128x128xf32, #tpu.memory_space<vmem>> -> memref<112x128xf32, #tpu.memory_space<vmem>>
      %dma_wait3A_102 = arith.constant 0 : i32
      %dma_wait3A_103 = tpu.memref_slice %arg13[%add3A_9, %dma_wait3A_102] : memref<12544x128xf32, #tpu.memory_space<vmem_shared>> -> memref<112x128xf32, #tpu.memory_space<vmem_shared>>
      %dma_wait3A_104 = arith.constant 0 : i32
      %dma_wait3A_105 = tpu.memref_slice %arg13[%add3A_9, %dma_wait3A_104] : memref<12544x128xf32, #tpu.memory_space<vmem_shared>> -> memref<112x128xf32, #tpu.memory_space<vmem_shared>>
      %dma_wait3A_106 = arith.constant 0 : i32
      %dma_wait3A_107 = arith.constant 0 : i32
      %dma_wait3A_108 = tpu.memref_slice %arg12[%dma_wait3A_106, %dma_wait3A_107] : memref<128x128xf32, #tpu.memory_space<vmem>> -> memref<112x128xf32, #tpu.memory_space<vmem>>
      tpu.wait_dma2 semaphore(%run_scoped3A : memref<!tpu.dma_semaphore, #tpu.memory_space<semaphore_mem>>) src(%dma_wait3A_108 : memref<112x128xf32, #tpu.memory_space<vmem>>) dst(%dma_wait3A_105 : memref<112x128xf32, #tpu.memory_space<vmem_shared>>)
      tpu.yield
    }) : () -> ()
    %mul3A_10 = arith.constant 784 : i32
    %mul3A_11 = arith.muli %arg1, %mul3A_10 : i32
    %add3A_12 = arith.constant 224 : i32
    %add3A_13 = arith.addi %mul3A_11, %add3A_12 : i32
    "tpu.region"() ({
      %run_scoped3A = tpu.sem_alloc : memref<!tpu.dma_semaphore, #tpu.memory_space<semaphore_mem>>
      %dma_start3A = arith.constant 0 : i32
      %dma_start3A_91 = arith.constant 0 : i32
      %dma_start3A_92 = tpu.memref_slice %arg12[%dma_start3A, %dma_start3A_91] : memref<128x128xf32, #tpu.memory_space<vmem>> -> memref<112x128xf32, #tpu.memory_space<vmem>>
      %dma_start3A_93 = arith.constant 0 : i32
      %dma_start3A_94 = tpu.memref_slice %arg13[%add3A_13, %dma_start3A_93] : memref<12544x128xf32, #tpu.memory_space<vmem_shared>> -> memref<112x128xf32, #tpu.memory_space<vmem_shared>>
      %dma_start3A_95 = arith.constant 0 : i32
      %dma_start3A_96 = tpu.memref_slice %arg13[%add3A_13, %dma_start3A_95] : memref<12544x128xf32, #tpu.memory_space<vmem_shared>> -> memref<112x128xf32, #tpu.memory_space<vmem_shared>>
      %dma_start3A_97 = arith.constant 0 : i32
      %dma_start3A_98 = arith.constant 0 : i32
      %dma_start3A_99 = tpu.memref_slice %arg12[%dma_start3A_97, %dma_start3A_98] : memref<128x128xf32, #tpu.memory_space<vmem>> -> memref<112x128xf32, #tpu.memory_space<vmem>>
      tpu.enqueue_dma source(%dma_start3A_99 : memref<112x128xf32, #tpu.memory_space<vmem>>) target(%dma_start3A_96 : memref<112x128xf32, #tpu.memory_space<vmem_shared>>) target_semaphore(%run_scoped3A : memref<!tpu.dma_semaphore, #tpu.memory_space<semaphore_mem>>)
      %dma_wait3A = arith.constant 0 : i32
      %dma_wait3A_100 = arith.constant 0 : i32
      %dma_wait3A_101 = tpu.memref_slice %arg12[%dma_wait3A, %dma_wait3A_100] : memref<128x128xf32, #tpu.memory_space<vmem>> -> memref<112x128xf32, #tpu.memory_space<vmem>>
      %dma_wait3A_102 = arith.constant 0 : i32
      %dma_wait3A_103 = tpu.memref_slice %arg13[%add3A_13, %dma_wait3A_102] : memref<12544x128xf32, #tpu.memory_space<vmem_shared>> -> memref<112x128xf32, #tpu.memory_space<vmem_shared>>
      %dma_wait3A_104 = arith.constant 0 : i32
      %dma_wait3A_105 = tpu.memref_slice %arg13[%add3A_13, %dma_wait3A_104] : memref<12544x128xf32, #tpu.memory_space<vmem_shared>> -> memref<112x128xf32, #tpu.memory_space<vmem_shared>>
      %dma_wait3A_106 = arith.constant 0 : i32
      %dma_wait3A_107 = arith.constant 0 : i32
      %dma_wait3A_108 = tpu.memref_slice %arg12[%dma_wait3A_106, %dma_wait3A_107] : memref<128x128xf32, #tpu.memory_space<vmem>> -> memref<112x128xf32, #tpu.memory_space<vmem>>
      tpu.wait_dma2 semaphore(%run_scoped3A : memref<!tpu.dma_semaphore, #tpu.memory_space<semaphore_mem>>) src(%dma_wait3A_108 : memref<112x128xf32, #tpu.memory_space<vmem>>) dst(%dma_wait3A_105 : memref<112x128xf32, #tpu.memory_space<vmem_shared>>)
      tpu.yield
    }) : () -> ()
    %mul3A_14 = arith.constant 784 : i32
    %mul3A_15 = arith.muli %arg1, %mul3A_14 : i32
    %add3A_16 = arith.constant 336 : i32
    %add3A_17 = arith.addi %mul3A_15, %add3A_16 : i32
    "tpu.region"() ({
      %run_scoped3A = tpu.sem_alloc : memref<!tpu.dma_semaphore, #tpu.memory_space<semaphore_mem>>
      %dma_start3A = arith.constant 0 : i32
      %dma_start3A_91 = arith.constant 0 : i32
      %dma_start3A_92 = tpu.memref_slice %arg12[%dma_start3A, %dma_start3A_91] : memref<128x128xf32, #tpu.memory_space<vmem>> -> memref<112x128xf32, #tpu.memory_space<vmem>>
      %dma_start3A_93 = arith.constant 0 : i32
      %dma_start3A_94 = tpu.memref_slice %arg13[%add3A_17, %dma_start3A_93] : memref<12544x128xf32, #tpu.memory_space<vmem_shared>> -> memref<112x128xf32, #tpu.memory_space<vmem_shared>>
      %dma_start3A_95 = arith.constant 0 : i32
      %dma_start3A_96 = tpu.memref_slice %arg13[%add3A_17, %dma_start3A_95] : memref<12544x128xf32, #tpu.memory_space<vmem_shared>> -> memref<112x128xf32, #tpu.memory_space<vmem_shared>>
      %dma_start3A_97 = arith.constant 0 : i32
      %dma_start3A_98 = arith.constant 0 : i32
      %dma_start3A_99 = tpu.memref_slice %arg12[%dma_start3A_97, %dma_start3A_98] : memref<128x128xf32, #tpu.memory_space<vmem>> -> memref<112x128xf32, #tpu.memory_space<vmem>>
      tpu.enqueue_dma source(%dma_start3A_99 : memref<112x128xf32, #tpu.memory_space<vmem>>) target(%dma_start3A_96 : memref<112x128xf32, #tpu.memory_space<vmem_shared>>) target_semaphore(%run_scoped3A : memref<!tpu.dma_semaphore, #tpu.memory_space<semaphore_mem>>)
      %dma_wait3A = arith.constant 0 : i32
      %dma_wait3A_100 = arith.constant 0 : i32
      %dma_wait3A_101 = tpu.memref_slice %arg12[%dma_wait3A, %dma_wait3A_100] : memref<128x128xf32, #tpu.memory_space<vmem>> -> memref<112x128xf32, #tpu.memory_space<vmem>>
      %dma_wait3A_102 = arith.constant 0 : i32
      %dma_wait3A_103 = tpu.memref_slice %arg13[%add3A_17, %dma_wait3A_102] : memref<12544x128xf32, #tpu.memory_space<vmem_shared>> -> memref<112x128xf32, #tpu.memory_space<vmem_shared>>
      %dma_wait3A_104 = arith.constant 0 : i32
      %dma_wait3A_105 = tpu.memref_slice %arg13[%add3A_17, %dma_wait3A_104] : memref<12544x128xf32, #tpu.memory_space<vmem_shared>> -> memref<112x128xf32, #tpu.memory_space<vmem_shared>>
      %dma_wait3A_106 = arith.constant 0 : i32
      %dma_wait3A_107 = arith.constant 0 : i32
      %dma_wait3A_108 = tpu.memref_slice %arg12[%dma_wait3A_106, %dma_wait3A_107] : memref<128x128xf32, #tpu.memory_space<vmem>> -> memref<112x128xf32, #tpu.memory_space<vmem>>
      tpu.wait_dma2 semaphore(%run_scoped3A : memref<!tpu.dma_semaphore, #tpu.memory_space<semaphore_mem>>) src(%dma_wait3A_108 : memref<112x128xf32, #tpu.memory_space<vmem>>) dst(%dma_wait3A_105 : memref<112x128xf32, #tpu.memory_space<vmem_shared>>)
      tpu.yield
    }) : () -> ()
    %mul3A_18 = arith.constant 784 : i32
    %mul3A_19 = arith.muli %arg1, %mul3A_18 : i32
    %add3A_20 = arith.constant 448 : i32
    %add3A_21 = arith.addi %mul3A_19, %add3A_20 : i32
    "tpu.region"() ({
      %run_scoped3A = tpu.sem_alloc : memref<!tpu.dma_semaphore, #tpu.memory_space<semaphore_mem>>
      %dma_start3A = arith.constant 0 : i32
      %dma_start3A_91 = arith.constant 0 : i32
      %dma_start3A_92 = tpu.memref_slice %arg12[%dma_start3A, %dma_start3A_91] : memref<128x128xf32, #tpu.memory_space<vmem>> -> memref<112x128xf32, #tpu.memory_space<vmem>>
      %dma_start3A_93 = arith.constant 0 : i32
      %dma_start3A_94 = tpu.memref_slice %arg13[%add3A_21, %dma_start3A_93] : memref<12544x128xf32, #tpu.memory_space<vmem_shared>> -> memref<112x128xf32, #tpu.memory_space<vmem_shared>>
      %dma_start3A_95 = arith.constant 0 : i32
      %dma_start3A_96 = tpu.memref_slice %arg13[%add3A_21, %dma_start3A_95] : memref<12544x128xf32, #tpu.memory_space<vmem_shared>> -> memref<112x128xf32, #tpu.memory_space<vmem_shared>>
      %dma_start3A_97 = arith.constant 0 : i32
      %dma_start3A_98 = arith.constant 0 : i32
      %dma_start3A_99 = tpu.memref_slice %arg12[%dma_start3A_97, %dma_start3A_98] : memref<128x128xf32, #tpu.memory_space<vmem>> -> memref<112x128xf32, #tpu.memory_space<vmem>>
      tpu.enqueue_dma source(%dma_start3A_99 : memref<112x128xf32, #tpu.memory_space<vmem>>) target(%dma_start3A_96 : memref<112x128xf32, #tpu.memory_space<vmem_shared>>) target_semaphore(%run_scoped3A : memref<!tpu.dma_semaphore, #tpu.memory_space<semaphore_mem>>)
      %dma_wait3A = arith.constant 0 : i32
      %dma_wait3A_100 = arith.constant 0 : i32
      %dma_wait3A_101 = tpu.memref_slice %arg12[%dma_wait3A, %dma_wait3A_100] : memref<128x128xf32, #tpu.memory_space<vmem>> -> memref<112x128xf32, #tpu.memory_space<vmem>>
      %dma_wait3A_102 = arith.constant 0 : i32
      %dma_wait3A_103 = tpu.memref_slice %arg13[%add3A_21, %dma_wait3A_102] : memref<12544x128xf32, #tpu.memory_space<vmem_shared>> -> memref<112x128xf32, #tpu.memory_space<vmem_shared>>
      %dma_wait3A_104 = arith.constant 0 : i32
      %dma_wait3A_105 = tpu.memref_slice %arg13[%add3A_21, %dma_wait3A_104] : memref<12544x128xf32, #tpu.memory_space<vmem_shared>> -> memref<112x128xf32, #tpu.memory_space<vmem_shared>>
      %dma_wait3A_106 = arith.constant 0 : i32
      %dma_wait3A_107 = arith.constant 0 : i32
      %dma_wait3A_108 = tpu.memref_slice %arg12[%dma_wait3A_106, %dma_wait3A_107] : memref<128x128xf32, #tpu.memory_space<vmem>> -> memref<112x128xf32, #tpu.memory_space<vmem>>
      tpu.wait_dma2 semaphore(%run_scoped3A : memref<!tpu.dma_semaphore, #tpu.memory_space<semaphore_mem>>) src(%dma_wait3A_108 : memref<112x128xf32, #tpu.memory_space<vmem>>) dst(%dma_wait3A_105 : memref<112x128xf32, #tpu.memory_space<vmem_shared>>)
      tpu.yield
    }) : () -> ()
    %mul3A_22 = arith.constant 784 : i32
    %mul3A_23 = arith.muli %arg1, %mul3A_22 : i32
    %add3A_24 = arith.constant 560 : i32
    %add3A_25 = arith.addi %mul3A_23, %add3A_24 : i32
    "tpu.region"() ({
      %run_scoped3A = tpu.sem_alloc : memref<!tpu.dma_semaphore, #tpu.memory_space<semaphore_mem>>
      %dma_start3A = arith.constant 0 : i32
      %dma_start3A_91 = arith.constant 0 : i32
      %dma_start3A_92 = tpu.memref_slice %arg12[%dma_start3A, %dma_start3A_91] : memref<128x128xf32, #tpu.memory_space<vmem>> -> memref<112x128xf32, #tpu.memory_space<vmem>>
      %dma_start3A_93 = arith.constant 0 : i32
      %dma_start3A_94 = tpu.memref_slice %arg13[%add3A_25, %dma_start3A_93] : memref<12544x128xf32, #tpu.memory_space<vmem_shared>> -> memref<112x128xf32, #tpu.memory_space<vmem_shared>>
      %dma_start3A_95 = arith.constant 0 : i32
      %dma_start3A_96 = tpu.memref_slice %arg13[%add3A_25, %dma_start3A_95] : memref<12544x128xf32, #tpu.memory_space<vmem_shared>> -> memref<112x128xf32, #tpu.memory_space<vmem_shared>>
      %dma_start3A_97 = arith.constant 0 : i32
      %dma_start3A_98 = arith.constant 0 : i32
      %dma_start3A_99 = tpu.memref_slice %arg12[%dma_start3A_97, %dma_start3A_98] : memref<128x128xf32, #tpu.memory_space<vmem>> -> memref<112x128xf32, #tpu.memory_space<vmem>>
      tpu.enqueue_dma source(%dma_start3A_99 : memref<112x128xf32, #tpu.memory_space<vmem>>) target(%dma_start3A_96 : memref<112x128xf32, #tpu.memory_space<vmem_shared>>) target_semaphore(%run_scoped3A : memref<!tpu.dma_semaphore, #tpu.memory_space<semaphore_mem>>)
      %dma_wait3A = arith.constant 0 : i32
      %dma_wait3A_100 = arith.constant 0 : i32
      %dma_wait3A_101 = tpu.memref_slice %arg12[%dma_wait3A, %dma_wait3A_100] : memref<128x128xf32, #tpu.memory_space<vmem>> -> memref<112x128xf32, #tpu.memory_space<vmem>>
      %dma_wait3A_102 = arith.constant 0 : i32
      %dma_wait3A_103 = tpu.memref_slice %arg13[%add3A_25, %dma_wait3A_102] : memref<12544x128xf32, #tpu.memory_space<vmem_shared>> -> memref<112x128xf32, #tpu.memory_space<vmem_shared>>
      %dma_wait3A_104 = arith.constant 0 : i32
      %dma_wait3A_105 = tpu.memref_slice %arg13[%add3A_25, %dma_wait3A_104] : memref<12544x128xf32, #tpu.memory_space<vmem_shared>> -> memref<112x128xf32, #tpu.memory_space<vmem_shared>>
      %dma_wait3A_106 = arith.constant 0 : i32
      %dma_wait3A_107 = arith.constant 0 : i32
      %dma_wait3A_108 = tpu.memref_slice %arg12[%dma_wait3A_106, %dma_wait3A_107] : memref<128x128xf32, #tpu.memory_space<vmem>> -> memref<112x128xf32, #tpu.memory_space<vmem>>
      tpu.wait_dma2 semaphore(%run_scoped3A : memref<!tpu.dma_semaphore, #tpu.memory_space<semaphore_mem>>) src(%dma_wait3A_108 : memref<112x128xf32, #tpu.memory_space<vmem>>) dst(%dma_wait3A_105 : memref<112x128xf32, #tpu.memory_space<vmem_shared>>)
      tpu.yield
    }) : () -> ()
    %mul3A_26 = arith.constant 784 : i32
    %mul3A_27 = arith.muli %arg1, %mul3A_26 : i32
    %add3A_28 = arith.constant 672 : i32
    %add3A_29 = arith.addi %mul3A_27, %add3A_28 : i32
    "tpu.region"() ({
      %run_scoped3A = tpu.sem_alloc : memref<!tpu.dma_semaphore, #tpu.memory_space<semaphore_mem>>
      %dma_start3A = arith.constant 0 : i32
      %dma_start3A_91 = arith.constant 0 : i32
      %dma_start3A_92 = tpu.memref_slice %arg12[%dma_start3A, %dma_start3A_91] : memref<128x128xf32, #tpu.memory_space<vmem>> -> memref<112x128xf32, #tpu.memory_space<vmem>>
      %dma_start3A_93 = arith.constant 0 : i32
      %dma_start3A_94 = tpu.memref_slice %arg13[%add3A_29, %dma_start3A_93] : memref<12544x128xf32, #tpu.memory_space<vmem_shared>> -> memref<112x128xf32, #tpu.memory_space<vmem_shared>>
      %dma_start3A_95 = arith.constant 0 : i32
      %dma_start3A_96 = tpu.memref_slice %arg13[%add3A_29, %dma_start3A_95] : memref<12544x128xf32, #tpu.memory_space<vmem_shared>> -> memref<112x128xf32, #tpu.memory_space<vmem_shared>>
      %dma_start3A_97 = arith.constant 0 : i32
      %dma_start3A_98 = arith.constant 0 : i32
      %dma_start3A_99 = tpu.memref_slice %arg12[%dma_start3A_97, %dma_start3A_98] : memref<128x128xf32, #tpu.memory_space<vmem>> -> memref<112x128xf32, #tpu.memory_space<vmem>>
      tpu.enqueue_dma source(%dma_start3A_99 : memref<112x128xf32, #tpu.memory_space<vmem>>) target(%dma_start3A_96 : memref<112x128xf32, #tpu.memory_space<vmem_shared>>) target_semaphore(%run_scoped3A : memref<!tpu.dma_semaphore, #tpu.memory_space<semaphore_mem>>)
      %dma_wait3A = arith.constant 0 : i32
      %dma_wait3A_100 = arith.constant 0 : i32
      %dma_wait3A_101 = tpu.memref_slice %arg12[%dma_wait3A, %dma_wait3A_100] : memref<128x128xf32, #tpu.memory_space<vmem>> -> memref<112x128xf32, #tpu.memory_space<vmem>>
      %dma_wait3A_102 = arith.constant 0 : i32
      %dma_wait3A_103 = tpu.memref_slice %arg13[%add3A_29, %dma_wait3A_102] : memref<12544x128xf32, #tpu.memory_space<vmem_shared>> -> memref<112x128xf32, #tpu.memory_space<vmem_shared>>
      %dma_wait3A_104 = arith.constant 0 : i32
      %dma_wait3A_105 = tpu.memref_slice %arg13[%add3A_29, %dma_wait3A_104] : memref<12544x128xf32, #tpu.memory_space<vmem_shared>> -> memref<112x128xf32, #tpu.memory_space<vmem_shared>>
      %dma_wait3A_106 = arith.constant 0 : i32
      %dma_wait3A_107 = arith.constant 0 : i32
      %dma_wait3A_108 = tpu.memref_slice %arg12[%dma_wait3A_106, %dma_wait3A_107] : memref<128x128xf32, #tpu.memory_space<vmem>> -> memref<112x128xf32, #tpu.memory_space<vmem>>
      tpu.wait_dma2 semaphore(%run_scoped3A : memref<!tpu.dma_semaphore, #tpu.memory_space<semaphore_mem>>) src(%dma_wait3A_108 : memref<112x128xf32, #tpu.memory_space<vmem>>) dst(%dma_wait3A_105 : memref<112x128xf32, #tpu.memory_space<vmem_shared>>)
      tpu.yield
    }) : () -> ()
    %barrier3A = arith.constant 0 : index
    tpu.barrier barrier_id(%barrier3A)
    %lt3A = arith.constant 10 : i32
    %lt3A_30 = arith.cmpi slt, %arg1, %lt3A : i32
    %jit3A = arith.constant 1 : i32
    %jit3A_31 = arith.constant 0 : i32
    %select_n3A = arith.select %lt3A_30, %jit3A, %jit3A_31 : i32
    %add3A_32 = arith.constant 390 : i32
    %add3A_33 = arith.addi %add3A_32, %select_n3A : i32
    %while3A = arith.constant 0 : i32
    %while3A_34 = arith.constant 0 : i32
    %while3A_35 = arith.subi %add3A_33, %while3A_34 : i32
    %while3A_36 = arith.addi %while3A_34, %while3A_35 : i32
    %while3A_37 = arith.constant 1 : i32
    %while3A_38 = arith.divsi %while3A_35, %while3A_37 : i32
    %while3A_39 = arith.muli %while3A_38, %while3A_37 : i32
    %while3A_40 = arith.addi %while3A_34, %while3A_39 : i32
    %while3A_41 = arith.constant 1 : i32
    scf.for %while3A_91 = %while3A_34 to %while3A_40 step %while3A_41  : i32 {
      %mul3A_92 = arith.constant 16 : i32
      %mul3A_93 = arith.muli %while3A_91, %mul3A_92 : i32
      %add3A_94 = arith.addi %mul3A_93, %arg1 : i32
      %mul3A_95 = arith.constant 128 : i32
      %mul3A_96 = arith.muli %add3A_94, %mul3A_95 : i32
      "tpu.region"() ({
        %run_scoped3A = tpu.sem_alloc : memref<!tpu.dma_semaphore, #tpu.memory_space<semaphore_mem>>
        %dma_start3A_116 = tpu.memref_slice %arg3[%mul3A_96] : memref<1600000xi32, #tpu.memory_space<hbm>> -> memref<128xi32, #tpu.memory_space<hbm>>
        %dma_start3A_117 = tpu.memref_slice %arg3[%mul3A_96] : memref<1600000xi32, #tpu.memory_space<hbm>> -> memref<128xi32, #tpu.memory_space<hbm>>
        tpu.enqueue_dma source(%dma_start3A_117 : memref<128xi32, #tpu.memory_space<hbm>>) target(%arg6 : memref<128xi32, #tpu.memory_space<vmem>>) target_semaphore(%run_scoped3A : memref<!tpu.dma_semaphore, #tpu.memory_space<semaphore_mem>>)
        %dma_wait3A_118 = tpu.memref_slice %arg3[%mul3A_96] : memref<1600000xi32, #tpu.memory_space<hbm>> -> memref<128xi32, #tpu.memory_space<hbm>>
        %dma_wait3A_119 = tpu.memref_slice %arg3[%mul3A_96] : memref<1600000xi32, #tpu.memory_space<hbm>> -> memref<128xi32, #tpu.memory_space<hbm>>
        tpu.wait_dma2 semaphore(%run_scoped3A : memref<!tpu.dma_semaphore, #tpu.memory_space<semaphore_mem>>) src(%dma_wait3A_119 : memref<128xi32, #tpu.memory_space<hbm>>) dst(%arg6 : memref<128xi32, #tpu.memory_space<vmem>>)
        tpu.yield
      }) : () -> ()
      %add3A_97 = arith.constant 800000 : i32
      %add3A_98 = arith.addi %add3A_97, %mul3A_96 : i32
      "tpu.region"() ({
        %run_scoped3A = tpu.sem_alloc : memref<!tpu.dma_semaphore, #tpu.memory_space<semaphore_mem>>
        %dma_start3A_116 = tpu.memref_slice %arg3[%add3A_98] : memref<1600000xi32, #tpu.memory_space<hbm>> -> memref<128xi32, #tpu.memory_space<hbm>>
        %dma_start3A_117 = tpu.memref_slice %arg3[%add3A_98] : memref<1600000xi32, #tpu.memory_space<hbm>> -> memref<128xi32, #tpu.memory_space<hbm>>
        tpu.enqueue_dma source(%dma_start3A_117 : memref<128xi32, #tpu.memory_space<hbm>>) target(%arg7 : memref<128xi32, #tpu.memory_space<vmem>>) target_semaphore(%run_scoped3A : memref<!tpu.dma_semaphore, #tpu.memory_space<semaphore_mem>>)
        %dma_wait3A_118 = tpu.memref_slice %arg3[%add3A_98] : memref<1600000xi32, #tpu.memory_space<hbm>> -> memref<128xi32, #tpu.memory_space<hbm>>
        %dma_wait3A_119 = tpu.memref_slice %arg3[%add3A_98] : memref<1600000xi32, #tpu.memory_space<hbm>> -> memref<128xi32, #tpu.memory_space<hbm>>
        tpu.wait_dma2 semaphore(%run_scoped3A : memref<!tpu.dma_semaphore, #tpu.memory_space<semaphore_mem>>) src(%dma_wait3A_119 : memref<128xi32, #tpu.memory_space<hbm>>) dst(%arg7 : memref<128xi32, #tpu.memory_space<vmem>>)
        tpu.yield
      }) : () -> ()
      %scan3A = arith.constant 0 : i32
      %scan3A_99 = arith.constant 0 : i32
      %scan3A_100 = arith.constant 8 : i32
      %scan3A_101 = arith.addi %scan3A_99, %scan3A_100 : i32
      %scan3A_102 = arith.constant 1 : i32
      scf.for %scan3A_116 = %scan3A_99 to %scan3A_101 step %scan3A_102  : i32 {
        %mul3A_117 = arith.constant 16 : i32
        %mul3A_118 = arith.muli %scan3A_116, %mul3A_117 : i32
        %get3A = arith.index_cast %mul3A_118 : i32 to index
        %get3A_119 = tpu.vector_load %arg6[%get3A] {strides = array<i32>} : memref<128xi32, #tpu.memory_space<vmem>>, vector<16xi32>,
        %get3A_120 = vector.shape_cast %get3A_119 : vector<16xi32> to vector<16xi32>
        %get3A_121 = arith.index_cast %mul3A_118 : i32 to index
        %get3A_122 = tpu.vector_load %arg7[%get3A_121] {strides = array<i32>} : memref<128xi32, #tpu.memory_space<vmem>>, vector<16xi32>,
        %get3A_123 = vector.shape_cast %get3A_122 : vector<16xi32> to vector<16xi32>
        %ge3A = vector.broadcast %mul3A_0 : i32 to vector<16xi32>
        %ge3A_124 = arith.cmpi sge, %get3A_123, %ge3A : vector<16xi32>
        %lt3A_125 = vector.broadcast %add3A_1 : i32 to vector<16xi32>
        %lt3A_126 = arith.cmpi slt, %get3A_123, %lt3A_125 : vector<16xi32>
        %and3A = arith.andi %ge3A_124, %lt3A_126 : vector<16xi1>
        %ge3A_127 = vector.broadcast %mul3A_0 : i32 to vector<16xi32>
        %ge3A_128 = arith.cmpi sge, %get3A_120, %ge3A_127 : vector<16xi32>
        %lt3A_129 = vector.broadcast %add3A_1 : i32 to vector<16xi32>
        %lt3A_130 = arith.cmpi slt, %get3A_120, %lt3A_129 : vector<16xi32>
        %and3A_131 = arith.andi %ge3A_128, %lt3A_130 : vector<16xi1>
        %jit3A_132 = arith.constant -1 : i32
        %broadcast_in_dim3A = vector.broadcast %jit3A_132 : i32 to vector<16xi32>
        %select_n3A_133 = arith.select %and3A, %get3A_120, %broadcast_in_dim3A : vector<16xi1>, vector<16xi32>
        %swap3A = arith.index_cast %mul3A_118 : i32 to index
        %swap3A_134 = tpu.vector_load %arg8[%swap3A] {strides = array<i32>} : memref<128xi32, #tpu.memory_space<vmem>>, vector<16xi32>,
        %swap3A_135 = vector.shape_cast %swap3A_134 : vector<16xi32> to vector<16xi32>
        %swap3A_136 = vector.shape_cast %select_n3A_133 : vector<16xi32> to vector<16xi32>
        tpu.vector_store %arg8[%swap3A], %swap3A_136 {strides = array<i32>} : memref<128xi32, #tpu.memory_space<vmem>>, vector<16xi32>,
        %sub3A = vector.broadcast %mul3A_0 : i32 to vector<16xi32>
        %sub3A_137 = arith.subi %get3A_123, %sub3A : vector<16xi32>
        %jit3A_138 = arith.constant -1 : i32
        %broadcast_in_dim3A_139 = vector.broadcast %jit3A_138 : i32 to vector<16xi32>
        %select_n3A_140 = arith.select %and3A, %sub3A_137, %broadcast_in_dim3A_139 : vector<16xi1>, vector<16xi32>
        %swap3A_141 = arith.index_cast %mul3A_118 : i32 to index
        %swap3A_142 = tpu.vector_load %arg9[%swap3A_141] {strides = array<i32>} : memref<128xi32, #tpu.memory_space<vmem>>, vector<16xi32>,
        %swap3A_143 = vector.shape_cast %swap3A_142 : vector<16xi32> to vector<16xi32>
        %swap3A_144 = vector.shape_cast %select_n3A_140 : vector<16xi32> to vector<16xi32>
        tpu.vector_store %arg9[%swap3A_141], %swap3A_144 {strides = array<i32>} : memref<128xi32, #tpu.memory_space<vmem>>, vector<16xi32>,
        %jit3A_145 = arith.constant -1 : i32
        %broadcast_in_dim3A_146 = vector.broadcast %jit3A_145 : i32 to vector<16xi32>
        %select_n3A_147 = arith.select %and3A_131, %get3A_123, %broadcast_in_dim3A_146 : vector<16xi1>, vector<16xi32>
        %swap3A_148 = arith.index_cast %mul3A_118 : i32 to index
        %swap3A_149 = tpu.vector_load %arg10[%swap3A_148] {strides = array<i32>} : memref<128xi32, #tpu.memory_space<vmem>>, vector<16xi32>,
        %swap3A_150 = vector.shape_cast %swap3A_149 : vector<16xi32> to vector<16xi32>
        %swap3A_151 = vector.shape_cast %select_n3A_147 : vector<16xi32> to vector<16xi32>
        tpu.vector_store %arg10[%swap3A_148], %swap3A_151 {strides = array<i32>} : memref<128xi32, #tpu.memory_space<vmem>>, vector<16xi32>,
        %sub3A_152 = vector.broadcast %mul3A_0 : i32 to vector<16xi32>
        %sub3A_153 = arith.subi %get3A_120, %sub3A_152 : vector<16xi32>
        %jit3A_154 = arith.constant -1 : i32
        %broadcast_in_dim3A_155 = vector.broadcast %jit3A_154 : i32 to vector<16xi32>
        %select_n3A_156 = arith.select %and3A_131, %sub3A_153, %broadcast_in_dim3A_155 : vector<16xi1>, vector<16xi32>
        %swap3A_157 = arith.index_cast %mul3A_118 : i32 to index
        %swap3A_158 = tpu.vector_load %arg11[%swap3A_157] {strides = array<i32>} : memref<128xi32, #tpu.memory_space<vmem>>, vector<16xi32>,
        %swap3A_159 = vector.shape_cast %swap3A_158 : vector<16xi32> to vector<16xi32>
        %swap3A_160 = vector.shape_cast %select_n3A_156 : vector<16xi32> to vector<16xi32>
        tpu.vector_store %arg11[%swap3A_157], %swap3A_160 {strides = array<i32>} : memref<128xi32, #tpu.memory_space<vmem>>, vector<16xi32>,
      }
      %scan3A_103 = arith.constant 8 : i32
      %dma_start3A = arith.constant 0 : i32
      %dma_start3A_104 = arith.constant 0 : i32
      %dma_start3A_105 = tpu.memref_slice %arg2[%dma_start3A, %dma_start3A_104] : memref<25000x128xf32, #tpu.memory_space<hbm>> -> memref<25000x128xf32, #tpu.memory_space<hbm>>
      %dma_start3A_106 = arith.constant -1 : i32
      tpu.enqueue_indirect_dma source(%dma_start3A_105 : memref<25000x128xf32, #tpu.memory_space<hbm>>) target(%arg12 : memref<128x128xf32, #tpu.memory_space<vmem>>) offsets(%arg8 : memref<128xi32, #tpu.memory_space<vmem>>) offset_filter(%dma_start3A_106) semaphore(%arg14 : memref<!tpu.dma_semaphore, #tpu.memory_space<semaphore_mem>>)
      %dma_wait3A = arith.constant 0 : i32
      %dma_wait3A_107 = arith.constant 0 : i32
      %dma_wait3A_108 = tpu.memref_slice %arg2[%dma_wait3A, %dma_wait3A_107] : memref<25000x128xf32, #tpu.memory_space<hbm>> -> memref<25000x128xf32, #tpu.memory_space<hbm>>
      tpu.wait_indirect_dma semaphore(%arg14 : memref<!tpu.dma_semaphore, #tpu.memory_space<semaphore_mem>>) src(%dma_wait3A_108 : memref<25000x128xf32, #tpu.memory_space<hbm>>) dst(%arg12 : memref<128x128xf32, #tpu.memory_space<vmem>>)
      "tpu.region"() ({
        %run_scoped3A = tpu.sem_alloc : memref<!tpu.dma_semaphore, #tpu.memory_space<semaphore_mem>>
        %dma_start3A_116 = arith.constant 0 : i32
        %dma_start3A_117 = arith.constant 0 : i32
        %dma_start3A_118 = tpu.memref_slice %arg13[%dma_start3A_116, %dma_start3A_117] : memref<12544x128xf32, #tpu.memory_space<vmem_shared>> -> memref<12544x128xf32, #tpu.memory_space<vmem_shared>>
        %dma_start3A_119 = arith.constant -1 : i32
        tpu.enqueue_indirect_dma source(%arg12 : memref<128x128xf32, #tpu.memory_space<vmem>>) target(%dma_start3A_118 : memref<12544x128xf32, #tpu.memory_space<vmem_shared>>) offsets(%arg9 : memref<128xi32, #tpu.memory_space<vmem>>) offset_filter(%dma_start3A_119) semaphore(%run_scoped3A : memref<!tpu.dma_semaphore, #tpu.memory_space<semaphore_mem>>) {add = true}
        %dma_wait3A_120 = arith.constant 0 : i32
        %dma_wait3A_121 = arith.constant 0 : i32
        %dma_wait3A_122 = tpu.memref_slice %arg13[%dma_wait3A_120, %dma_wait3A_121] : memref<12544x128xf32, #tpu.memory_space<vmem_shared>> -> memref<12544x128xf32, #tpu.memory_space<vmem_shared>>
        tpu.wait_indirect_dma semaphore(%run_scoped3A : memref<!tpu.dma_semaphore, #tpu.memory_space<semaphore_mem>>) src(%arg12 : memref<128x128xf32, #tpu.memory_space<vmem>>) dst(%dma_wait3A_122 : memref<12544x128xf32, #tpu.memory_space<vmem_shared>>)
        tpu.yield
      }) : () -> ()
      %dma_start3A_109 = arith.constant 0 : i32
      %dma_start3A_110 = arith.constant 0 : i32
      %dma_start3A_111 = tpu.memref_slice %arg2[%dma_start3A_109, %dma_start3A_110] : memref<25000x128xf32, #tpu.memory_space<hbm>> -> memref<25000x128xf32, #tpu.memory_space<hbm>>
      %dma_start3A_112 = arith.constant -1 : i32
      tpu.enqueue_indirect_dma source(%dma_start3A_111 : memref<25000x128xf32, #tpu.memory_space<hbm>>) target(%arg12 : memref<128x128xf32, #tpu.memory_space<vmem>>) offsets(%arg10 : memref<128xi32, #tpu.memory_space<vmem>>) offset_filter(%dma_start3A_112) semaphore(%arg14 : memref<!tpu.dma_semaphore, #tpu.memory_space<semaphore_mem>>)
      %dma_wait3A_113 = arith.constant 0 : i32
      %dma_wait3A_114 = arith.constant 0 : i32
      %dma_wait3A_115 = tpu.memref_slice %arg2[%dma_wait3A_113, %dma_wait3A_114] : memref<25000x128xf32, #tpu.memory_space<hbm>> -> memref<25000x128xf32, #tpu.memory_space<hbm>>
      tpu.wait_indirect_dma semaphore(%arg14 : memref<!tpu.dma_semaphore, #tpu.memory_space<semaphore_mem>>) src(%dma_wait3A_115 : memref<25000x128xf32, #tpu.memory_space<hbm>>) dst(%arg12 : memref<128x128xf32, #tpu.memory_space<vmem>>)
      "tpu.region"() ({
        %run_scoped3A = tpu.sem_alloc : memref<!tpu.dma_semaphore, #tpu.memory_space<semaphore_mem>>
        %dma_start3A_116 = arith.constant 0 : i32
        %dma_start3A_117 = arith.constant 0 : i32
        %dma_start3A_118 = tpu.memref_slice %arg13[%dma_start3A_116, %dma_start3A_117] : memref<12544x128xf32, #tpu.memory_space<vmem_shared>> -> memref<12544x128xf32, #tpu.memory_space<vmem_shared>>
        %dma_start3A_119 = arith.constant -1 : i32
        tpu.enqueue_indirect_dma source(%arg12 : memref<128x128xf32, #tpu.memory_space<vmem>>) target(%dma_start3A_118 : memref<12544x128xf32, #tpu.memory_space<vmem_shared>>) offsets(%arg11 : memref<128xi32, #tpu.memory_space<vmem>>) offset_filter(%dma_start3A_119) semaphore(%run_scoped3A : memref<!tpu.dma_semaphore, #tpu.memory_space<semaphore_mem>>) {add = true}
        %dma_wait3A_120 = arith.constant 0 : i32
        %dma_wait3A_121 = arith.constant 0 : i32
        %dma_wait3A_122 = tpu.memref_slice %arg13[%dma_wait3A_120, %dma_wait3A_121] : memref<12544x128xf32, #tpu.memory_space<vmem_shared>> -> memref<12544x128xf32, #tpu.memory_space<vmem_shared>>
        tpu.wait_indirect_dma semaphore(%run_scoped3A : memref<!tpu.dma_semaphore, #tpu.memory_space<semaphore_mem>>) src(%arg12 : memref<128x128xf32, #tpu.memory_space<vmem>>) dst(%dma_wait3A_122 : memref<12544x128xf32, #tpu.memory_space<vmem_shared>>)
        tpu.yield
      }) : () -> ()
    }
    %while3A_42 = arith.constant 1 : i32
    scf.for %while3A_91 = %while3A_40 to %while3A_36 step %while3A_42  : i32 {
      %mul3A_92 = arith.constant 16 : i32
      %mul3A_93 = arith.muli %while3A_91, %mul3A_92 : i32
      %add3A_94 = arith.addi %mul3A_93, %arg1 : i32
      %mul3A_95 = arith.constant 128 : i32
      %mul3A_96 = arith.muli %add3A_94, %mul3A_95 : i32
      "tpu.region"() ({
        %run_scoped3A = tpu.sem_alloc : memref<!tpu.dma_semaphore, #tpu.memory_space<semaphore_mem>>
        %dma_start3A_116 = tpu.memref_slice %arg3[%mul3A_96] : memref<1600000xi32, #tpu.memory_space<hbm>> -> memref<128xi32, #tpu.memory_space<hbm>>
        %dma_start3A_117 = tpu.memref_slice %arg3[%mul3A_96] : memref<1600000xi32, #tpu.memory_space<hbm>> -> memref<128xi32, #tpu.memory_space<hbm>>
        tpu.enqueue_dma source(%dma_start3A_117 : memref<128xi32, #tpu.memory_space<hbm>>) target(%arg6 : memref<128xi32, #tpu.memory_space<vmem>>) target_semaphore(%run_scoped3A : memref<!tpu.dma_semaphore, #tpu.memory_space<semaphore_mem>>)
        %dma_wait3A_118 = tpu.memref_slice %arg3[%mul3A_96] : memref<1600000xi32, #tpu.memory_space<hbm>> -> memref<128xi32, #tpu.memory_space<hbm>>
        %dma_wait3A_119 = tpu.memref_slice %arg3[%mul3A_96] : memref<1600000xi32, #tpu.memory_space<hbm>> -> memref<128xi32, #tpu.memory_space<hbm>>
        tpu.wait_dma2 semaphore(%run_scoped3A : memref<!tpu.dma_semaphore, #tpu.memory_space<semaphore_mem>>) src(%dma_wait3A_119 : memref<128xi32, #tpu.memory_space<hbm>>) dst(%arg6 : memref<128xi32, #tpu.memory_space<vmem>>)
        tpu.yield
      }) : () -> ()
      %add3A_97 = arith.constant 800000 : i32
      %add3A_98 = arith.addi %add3A_97, %mul3A_96 : i32
      "tpu.region"() ({
        %run_scoped3A = tpu.sem_alloc : memref<!tpu.dma_semaphore, #tpu.memory_space<semaphore_mem>>
        %dma_start3A_116 = tpu.memref_slice %arg3[%add3A_98] : memref<1600000xi32, #tpu.memory_space<hbm>> -> memref<128xi32, #tpu.memory_space<hbm>>
        %dma_start3A_117 = tpu.memref_slice %arg3[%add3A_98] : memref<1600000xi32, #tpu.memory_space<hbm>> -> memref<128xi32, #tpu.memory_space<hbm>>
        tpu.enqueue_dma source(%dma_start3A_117 : memref<128xi32, #tpu.memory_space<hbm>>) target(%arg7 : memref<128xi32, #tpu.memory_space<vmem>>) target_semaphore(%run_scoped3A : memref<!tpu.dma_semaphore, #tpu.memory_space<semaphore_mem>>)
        %dma_wait3A_118 = tpu.memref_slice %arg3[%add3A_98] : memref<1600000xi32, #tpu.memory_space<hbm>> -> memref<128xi32, #tpu.memory_space<hbm>>
        %dma_wait3A_119 = tpu.memref_slice %arg3[%add3A_98] : memref<1600000xi32, #tpu.memory_space<hbm>> -> memref<128xi32, #tpu.memory_space<hbm>>
        tpu.wait_dma2 semaphore(%run_scoped3A : memref<!tpu.dma_semaphore, #tpu.memory_space<semaphore_mem>>) src(%dma_wait3A_119 : memref<128xi32, #tpu.memory_space<hbm>>) dst(%arg7 : memref<128xi32, #tpu.memory_space<vmem>>)
        tpu.yield
      }) : () -> ()
      %scan3A = arith.constant 0 : i32
      %scan3A_99 = arith.constant 0 : i32
      %scan3A_100 = arith.constant 8 : i32
      %scan3A_101 = arith.addi %scan3A_99, %scan3A_100 : i32
      %scan3A_102 = arith.constant 1 : i32
      scf.for %scan3A_116 = %scan3A_99 to %scan3A_101 step %scan3A_102  : i32 {
        %mul3A_117 = arith.constant 16 : i32
        %mul3A_118 = arith.muli %scan3A_116, %mul3A_117 : i32
        %get3A = arith.index_cast %mul3A_118 : i32 to index
        %get3A_119 = tpu.vector_load %arg6[%get3A] {strides = array<i32>} : memref<128xi32, #tpu.memory_space<vmem>>, vector<16xi32>,
        %get3A_120 = vector.shape_cast %get3A_119 : vector<16xi32> to vector<16xi32>
        %get3A_121 = arith.index_cast %mul3A_118 : i32 to index
        %get3A_122 = tpu.vector_load %arg7[%get3A_121] {strides = array<i32>} : memref<128xi32, #tpu.memory_space<vmem>>, vector<16xi32>,
        %get3A_123 = vector.shape_cast %get3A_122 : vector<16xi32> to vector<16xi32>
        %ge3A = vector.broadcast %mul3A_0 : i32 to vector<16xi32>
        %ge3A_124 = arith.cmpi sge, %get3A_123, %ge3A : vector<16xi32>
        %lt3A_125 = vector.broadcast %add3A_1 : i32 to vector<16xi32>
        %lt3A_126 = arith.cmpi slt, %get3A_123, %lt3A_125 : vector<16xi32>
        %and3A = arith.andi %ge3A_124, %lt3A_126 : vector<16xi1>
        %ge3A_127 = vector.broadcast %mul3A_0 : i32 to vector<16xi32>
        %ge3A_128 = arith.cmpi sge, %get3A_120, %ge3A_127 : vector<16xi32>
        %lt3A_129 = vector.broadcast %add3A_1 : i32 to vector<16xi32>
        %lt3A_130 = arith.cmpi slt, %get3A_120, %lt3A_129 : vector<16xi32>
        %and3A_131 = arith.andi %ge3A_128, %lt3A_130 : vector<16xi1>
        %jit3A_132 = arith.constant -1 : i32
        %broadcast_in_dim3A = vector.broadcast %jit3A_132 : i32 to vector<16xi32>
        %select_n3A_133 = arith.select %and3A, %get3A_120, %broadcast_in_dim3A : vector<16xi1>, vector<16xi32>
        %swap3A = arith.index_cast %mul3A_118 : i32 to index
        %swap3A_134 = tpu.vector_load %arg8[%swap3A] {strides = array<i32>} : memref<128xi32, #tpu.memory_space<vmem>>, vector<16xi32>,
        %swap3A_135 = vector.shape_cast %swap3A_134 : vector<16xi32> to vector<16xi32>
        %swap3A_136 = vector.shape_cast %select_n3A_133 : vector<16xi32> to vector<16xi32>
        tpu.vector_store %arg8[%swap3A], %swap3A_136 {strides = array<i32>} : memref<128xi32, #tpu.memory_space<vmem>>, vector<16xi32>,
        %sub3A = vector.broadcast %mul3A_0 : i32 to vector<16xi32>
        %sub3A_137 = arith.subi %get3A_123, %sub3A : vector<16xi32>
        %jit3A_138 = arith.constant -1 : i32
        %broadcast_in_dim3A_139 = vector.broadcast %jit3A_138 : i32 to vector<16xi32>
        %select_n3A_140 = arith.select %and3A, %sub3A_137, %broadcast_in_dim3A_139 : vector<16xi1>, vector<16xi32>
        %swap3A_141 = arith.index_cast %mul3A_118 : i32 to index
        %swap3A_142 = tpu.vector_load %arg9[%swap3A_141] {strides = array<i32>} : memref<128xi32, #tpu.memory_space<vmem>>, vector<16xi32>,
        %swap3A_143 = vector.shape_cast %swap3A_142 : vector<16xi32> to vector<16xi32>
        %swap3A_144 = vector.shape_cast %select_n3A_140 : vector<16xi32> to vector<16xi32>
        tpu.vector_store %arg9[%swap3A_141], %swap3A_144 {strides = array<i32>} : memref<128xi32, #tpu.memory_space<vmem>>, vector<16xi32>,
        %jit3A_145 = arith.constant -1 : i32
        %broadcast_in_dim3A_146 = vector.broadcast %jit3A_145 : i32 to vector<16xi32>
        %select_n3A_147 = arith.select %and3A_131, %get3A_123, %broadcast_in_dim3A_146 : vector<16xi1>, vector<16xi32>
        %swap3A_148 = arith.index_cast %mul3A_118 : i32 to index
        %swap3A_149 = tpu.vector_load %arg10[%swap3A_148] {strides = array<i32>} : memref<128xi32, #tpu.memory_space<vmem>>, vector<16xi32>,
        %swap3A_150 = vector.shape_cast %swap3A_149 : vector<16xi32> to vector<16xi32>
        %swap3A_151 = vector.shape_cast %select_n3A_147 : vector<16xi32> to vector<16xi32>
        tpu.vector_store %arg10[%swap3A_148], %swap3A_151 {strides = array<i32>} : memref<128xi32, #tpu.memory_space<vmem>>, vector<16xi32>,
        %sub3A_152 = vector.broadcast %mul3A_0 : i32 to vector<16xi32>
        %sub3A_153 = arith.subi %get3A_120, %sub3A_152 : vector<16xi32>
        %jit3A_154 = arith.constant -1 : i32
        %broadcast_in_dim3A_155 = vector.broadcast %jit3A_154 : i32 to vector<16xi32>
        %select_n3A_156 = arith.select %and3A_131, %sub3A_153, %broadcast_in_dim3A_155 : vector<16xi1>, vector<16xi32>
        %swap3A_157 = arith.index_cast %mul3A_118 : i32 to index
        %swap3A_158 = tpu.vector_load %arg11[%swap3A_157] {strides = array<i32>} : memref<128xi32, #tpu.memory_space<vmem>>, vector<16xi32>,
        %swap3A_159 = vector.shape_cast %swap3A_158 : vector<16xi32> to vector<16xi32>
        %swap3A_160 = vector.shape_cast %select_n3A_156 : vector<16xi32> to vector<16xi32>
        tpu.vector_store %arg11[%swap3A_157], %swap3A_160 {strides = array<i32>} : memref<128xi32, #tpu.memory_space<vmem>>, vector<16xi32>,
      }
      %scan3A_103 = arith.constant 8 : i32
      %dma_start3A = arith.constant 0 : i32
      %dma_start3A_104 = arith.constant 0 : i32
      %dma_start3A_105 = tpu.memref_slice %arg2[%dma_start3A, %dma_start3A_104] : memref<25000x128xf32, #tpu.memory_space<hbm>> -> memref<25000x128xf32, #tpu.memory_space<hbm>>
      %dma_start3A_106 = arith.constant -1 : i32
      tpu.enqueue_indirect_dma source(%dma_start3A_105 : memref<25000x128xf32, #tpu.memory_space<hbm>>) target(%arg12 : memref<128x128xf32, #tpu.memory_space<vmem>>) offsets(%arg8 : memref<128xi32, #tpu.memory_space<vmem>>) offset_filter(%dma_start3A_106) semaphore(%arg14 : memref<!tpu.dma_semaphore, #tpu.memory_space<semaphore_mem>>)
      %dma_wait3A = arith.constant 0 : i32
      %dma_wait3A_107 = arith.constant 0 : i32
      %dma_wait3A_108 = tpu.memref_slice %arg2[%dma_wait3A, %dma_wait3A_107] : memref<25000x128xf32, #tpu.memory_space<hbm>> -> memref<25000x128xf32, #tpu.memory_space<hbm>>
      tpu.wait_indirect_dma semaphore(%arg14 : memref<!tpu.dma_semaphore, #tpu.memory_space<semaphore_mem>>) src(%dma_wait3A_108 : memref<25000x128xf32, #tpu.memory_space<hbm>>) dst(%arg12 : memref<128x128xf32, #tpu.memory_space<vmem>>)
      "tpu.region"() ({
        %run_scoped3A = tpu.sem_alloc : memref<!tpu.dma_semaphore, #tpu.memory_space<semaphore_mem>>
        %dma_start3A_116 = arith.constant 0 : i32
        %dma_start3A_117 = arith.constant 0 : i32
        %dma_start3A_118 = tpu.memref_slice %arg13[%dma_start3A_116, %dma_start3A_117] : memref<12544x128xf32, #tpu.memory_space<vmem_shared>> -> memref<12544x128xf32, #tpu.memory_space<vmem_shared>>
        %dma_start3A_119 = arith.constant -1 : i32
        tpu.enqueue_indirect_dma source(%arg12 : memref<128x128xf32, #tpu.memory_space<vmem>>) target(%dma_start3A_118 : memref<12544x128xf32, #tpu.memory_space<vmem_shared>>) offsets(%arg9 : memref<128xi32, #tpu.memory_space<vmem>>) offset_filter(%dma_start3A_119) semaphore(%run_scoped3A : memref<!tpu.dma_semaphore, #tpu.memory_space<semaphore_mem>>) {add = true}
        %dma_wait3A_120 = arith.constant 0 : i32
        %dma_wait3A_121 = arith.constant 0 : i32
        %dma_wait3A_122 = tpu.memref_slice %arg13[%dma_wait3A_120, %dma_wait3A_121] : memref<12544x128xf32, #tpu.memory_space<vmem_shared>> -> memref<12544x128xf32, #tpu.memory_space<vmem_shared>>
        tpu.wait_indirect_dma semaphore(%run_scoped3A : memref<!tpu.dma_semaphore, #tpu.memory_space<semaphore_mem>>) src(%arg12 : memref<128x128xf32, #tpu.memory_space<vmem>>) dst(%dma_wait3A_122 : memref<12544x128xf32, #tpu.memory_space<vmem_shared>>)
        tpu.yield
      }) : () -> ()
      %dma_start3A_109 = arith.constant 0 : i32
      %dma_start3A_110 = arith.constant 0 : i32
      %dma_start3A_111 = tpu.memref_slice %arg2[%dma_start3A_109, %dma_start3A_110] : memref<25000x128xf32, #tpu.memory_space<hbm>> -> memref<25000x128xf32, #tpu.memory_space<hbm>>
      %dma_start3A_112 = arith.constant -1 : i32
      tpu.enqueue_indirect_dma source(%dma_start3A_111 : memref<25000x128xf32, #tpu.memory_space<hbm>>) target(%arg12 : memref<128x128xf32, #tpu.memory_space<vmem>>) offsets(%arg10 : memref<128xi32, #tpu.memory_space<vmem>>) offset_filter(%dma_start3A_112) semaphore(%arg14 : memref<!tpu.dma_semaphore, #tpu.memory_space<semaphore_mem>>)
      %dma_wait3A_113 = arith.constant 0 : i32
      %dma_wait3A_114 = arith.constant 0 : i32
      %dma_wait3A_115 = tpu.memref_slice %arg2[%dma_wait3A_113, %dma_wait3A_114] : memref<25000x128xf32, #tpu.memory_space<hbm>> -> memref<25000x128xf32, #tpu.memory_space<hbm>>
      tpu.wait_indirect_dma semaphore(%arg14 : memref<!tpu.dma_semaphore, #tpu.memory_space<semaphore_mem>>) src(%dma_wait3A_115 : memref<25000x128xf32, #tpu.memory_space<hbm>>) dst(%arg12 : memref<128x128xf32, #tpu.memory_space<vmem>>)
      "tpu.region"() ({
        %run_scoped3A = tpu.sem_alloc : memref<!tpu.dma_semaphore, #tpu.memory_space<semaphore_mem>>
        %dma_start3A_116 = arith.constant 0 : i32
        %dma_start3A_117 = arith.constant 0 : i32
        %dma_start3A_118 = tpu.memref_slice %arg13[%dma_start3A_116, %dma_start3A_117] : memref<12544x128xf32, #tpu.memory_space<vmem_shared>> -> memref<12544x128xf32, #tpu.memory_space<vmem_shared>>
        %dma_start3A_119 = arith.constant -1 : i32
        tpu.enqueue_indirect_dma source(%arg12 : memref<128x128xf32, #tpu.memory_space<vmem>>) target(%dma_start3A_118 : memref<12544x128xf32, #tpu.memory_space<vmem_shared>>) offsets(%arg11 : memref<128xi32, #tpu.memory_space<vmem>>) offset_filter(%dma_start3A_119) semaphore(%run_scoped3A : memref<!tpu.dma_semaphore, #tpu.memory_space<semaphore_mem>>) {add = true}
        %dma_wait3A_120 = arith.constant 0 : i32
        %dma_wait3A_121 = arith.constant 0 : i32
        %dma_wait3A_122 = tpu.memref_slice %arg13[%dma_wait3A_120, %dma_wait3A_121] : memref<12544x128xf32, #tpu.memory_space<vmem_shared>> -> memref<12544x128xf32, #tpu.memory_space<vmem_shared>>
        tpu.wait_indirect_dma semaphore(%run_scoped3A : memref<!tpu.dma_semaphore, #tpu.memory_space<semaphore_mem>>) src(%arg12 : memref<128x128xf32, #tpu.memory_space<vmem>>) dst(%dma_wait3A_122 : memref<12544x128xf32, #tpu.memory_space<vmem_shared>>)
        tpu.yield
      }) : () -> ()
    }
    %barrier3A_43 = arith.constant 0 : index
    tpu.barrier barrier_id(%barrier3A_43)
    %mul3A_44 = arith.constant 12544 : i32
    %mul3A_45 = arith.muli %arg0, %mul3A_44 : i32
    %mul3A_46 = arith.constant 784 : i32
    %mul3A_47 = arith.muli %arg1, %mul3A_46 : i32
    %add3A_48 = arith.addi %mul3A_45, %mul3A_47 : i32
    %mul3A_49 = arith.constant 784 : i32
    %mul3A_50 = arith.muli %arg1, %mul3A_49 : i32
    %add3A_51 = arith.constant 0 : i32
    %add3A_52 = arith.addi %mul3A_50, %add3A_51 : i32
    "tpu.region"() ({
      %run_scoped3A = tpu.sem_alloc : memref<!tpu.dma_semaphore, #tpu.memory_space<semaphore_mem>>
      %dma_start3A = arith.constant 0 : i32
      %dma_start3A_91 = arith.constant 0 : i32
      %dma_start3A_92 = tpu.memref_slice %arg12[%dma_start3A, %dma_start3A_91] : memref<128x128xf32, #tpu.memory_space<vmem>> -> memref<112x128xf32, #tpu.memory_space<vmem>>
      %dma_start3A_93 = arith.constant 0 : i32
      %dma_start3A_94 = tpu.memref_slice %arg13[%add3A_52, %dma_start3A_93] : memref<12544x128xf32, #tpu.memory_space<vmem_shared>> -> memref<112x128xf32, #tpu.memory_space<vmem_shared>>
      %dma_start3A_95 = arith.constant 0 : i32
      %dma_start3A_96 = arith.constant 0 : i32
      %dma_start3A_97 = tpu.memref_slice %arg12[%dma_start3A_95, %dma_start3A_96] : memref<128x128xf32, #tpu.memory_space<vmem>> -> memref<112x128xf32, #tpu.memory_space<vmem>>
      %dma_start3A_98 = arith.constant 0 : i32
      %dma_start3A_99 = tpu.memref_slice %arg13[%add3A_52, %dma_start3A_98] : memref<12544x128xf32, #tpu.memory_space<vmem_shared>> -> memref<112x128xf32, #tpu.memory_space<vmem_shared>>
      tpu.enqueue_dma source(%dma_start3A_99 : memref<112x128xf32, #tpu.memory_space<vmem_shared>>) target(%dma_start3A_97 : memref<112x128xf32, #tpu.memory_space<vmem>>) target_semaphore(%run_scoped3A : memref<!tpu.dma_semaphore, #tpu.memory_space<semaphore_mem>>)
      %dma_wait3A = arith.constant 0 : i32
      %dma_wait3A_100 = arith.constant 0 : i32
      %dma_wait3A_101 = tpu.memref_slice %arg12[%dma_wait3A, %dma_wait3A_100] : memref<128x128xf32, #tpu.memory_space<vmem>> -> memref<112x128xf32, #tpu.memory_space<vmem>>
      %dma_wait3A_102 = arith.constant 0 : i32
      %dma_wait3A_103 = tpu.memref_slice %arg13[%add3A_52, %dma_wait3A_102] : memref<12544x128xf32, #tpu.memory_space<vmem_shared>> -> memref<112x128xf32, #tpu.memory_space<vmem_shared>>
      %dma_wait3A_104 = arith.constant 0 : i32
      %dma_wait3A_105 = arith.constant 0 : i32
      %dma_wait3A_106 = tpu.memref_slice %arg12[%dma_wait3A_104, %dma_wait3A_105] : memref<128x128xf32, #tpu.memory_space<vmem>> -> memref<112x128xf32, #tpu.memory_space<vmem>>
      %dma_wait3A_107 = arith.constant 0 : i32
      %dma_wait3A_108 = tpu.memref_slice %arg13[%add3A_52, %dma_wait3A_107] : memref<12544x128xf32, #tpu.memory_space<vmem_shared>> -> memref<112x128xf32, #tpu.memory_space<vmem_shared>>
      tpu.wait_dma2 semaphore(%run_scoped3A : memref<!tpu.dma_semaphore, #tpu.memory_space<semaphore_mem>>) src(%dma_wait3A_108 : memref<112x128xf32, #tpu.memory_space<vmem_shared>>) dst(%dma_wait3A_106 : memref<112x128xf32, #tpu.memory_space<vmem>>)
      tpu.yield
    }) : () -> ()
    %add3A_53 = arith.constant 0 : i32
    %add3A_54 = arith.addi %add3A_48, %add3A_53 : i32
    "tpu.region"() ({
      %run_scoped3A = tpu.sem_alloc : memref<!tpu.dma_semaphore, #tpu.memory_space<semaphore_mem>>
      %dma_start3A = arith.constant 0 : i32
      %dma_start3A_91 = arith.constant 0 : i32
      %dma_start3A_92 = tpu.memref_slice %arg12[%dma_start3A, %dma_start3A_91] : memref<128x128xf32, #tpu.memory_space<vmem>> -> memref<112x128xf32, #tpu.memory_space<vmem>>
      %dma_start3A_93 = arith.constant 0 : i32
      %dma_start3A_94 = tpu.memref_slice %arg5[%add3A_54, %dma_start3A_93] : memref<25088x128xf32, #tpu.memory_space<hbm>> -> memref<112x128xf32, #tpu.memory_space<hbm>>
      %dma_start3A_95 = arith.constant 0 : i32
      %dma_start3A_96 = tpu.memref_slice %arg5[%add3A_54, %dma_start3A_95] : memref<25088x128xf32, #tpu.memory_space<hbm>> -> memref<112x128xf32, #tpu.memory_space<hbm>>
      %dma_start3A_97 = arith.constant 0 : i32
      %dma_start3A_98 = arith.constant 0 : i32
      %dma_start3A_99 = tpu.memref_slice %arg12[%dma_start3A_97, %dma_start3A_98] : memref<128x128xf32, #tpu.memory_space<vmem>> -> memref<112x128xf32, #tpu.memory_space<vmem>>
      tpu.enqueue_dma source(%dma_start3A_99 : memref<112x128xf32, #tpu.memory_space<vmem>>) target(%dma_start3A_96 : memref<112x128xf32, #tpu.memory_space<hbm>>) target_semaphore(%run_scoped3A : memref<!tpu.dma_semaphore, #tpu.memory_space<semaphore_mem>>)
      %dma_wait3A = arith.constant 0 : i32
      %dma_wait3A_100 = arith.constant 0 : i32
      %dma_wait3A_101 = tpu.memref_slice %arg12[%dma_wait3A, %dma_wait3A_100] : memref<128x128xf32, #tpu.memory_space<vmem>> -> memref<112x128xf32, #tpu.memory_space<vmem>>
      %dma_wait3A_102 = arith.constant 0 : i32
      %dma_wait3A_103 = tpu.memref_slice %arg5[%add3A_54, %dma_wait3A_102] : memref<25088x128xf32, #tpu.memory_space<hbm>> -> memref<112x128xf32, #tpu.memory_space<hbm>>
      %dma_wait3A_104 = arith.constant 0 : i32
      %dma_wait3A_105 = tpu.memref_slice %arg5[%add3A_54, %dma_wait3A_104] : memref<25088x128xf32, #tpu.memory_space<hbm>> -> memref<112x128xf32, #tpu.memory_space<hbm>>
      %dma_wait3A_106 = arith.constant 0 : i32
      %dma_wait3A_107 = arith.constant 0 : i32
      %dma_wait3A_108 = tpu.memref_slice %arg12[%dma_wait3A_106, %dma_wait3A_107] : memref<128x128xf32, #tpu.memory_space<vmem>> -> memref<112x128xf32, #tpu.memory_space<vmem>>
      tpu.wait_dma2 semaphore(%run_scoped3A : memref<!tpu.dma_semaphore, #tpu.memory_space<semaphore_mem>>) src(%dma_wait3A_108 : memref<112x128xf32, #tpu.memory_space<vmem>>) dst(%dma_wait3A_105 : memref<112x128xf32, #tpu.memory_space<hbm>>)
      tpu.yield
    }) : () -> ()
    %mul3A_55 = arith.constant 784 : i32
    %mul3A_56 = arith.muli %arg1, %mul3A_55 : i32
    %add3A_57 = arith.constant 112 : i32
    %add3A_58 = arith.addi %mul3A_56, %add3A_57 : i32
    "tpu.region"() ({
      %run_scoped3A = tpu.sem_alloc : memref<!tpu.dma_semaphore, #tpu.memory_space<semaphore_mem>>
      %dma_start3A = arith.constant 0 : i32
      %dma_start3A_91 = arith.constant 0 : i32
      %dma_start3A_92 = tpu.memref_slice %arg12[%dma_start3A, %dma_start3A_91] : memref<128x128xf32, #tpu.memory_space<vmem>> -> memref<112x128xf32, #tpu.memory_space<vmem>>
      %dma_start3A_93 = arith.constant 0 : i32
      %dma_start3A_94 = tpu.memref_slice %arg13[%add3A_58, %dma_start3A_93] : memref<12544x128xf32, #tpu.memory_space<vmem_shared>> -> memref<112x128xf32, #tpu.memory_space<vmem_shared>>
      %dma_start3A_95 = arith.constant 0 : i32
      %dma_start3A_96 = arith.constant 0 : i32
      %dma_start3A_97 = tpu.memref_slice %arg12[%dma_start3A_95, %dma_start3A_96] : memref<128x128xf32, #tpu.memory_space<vmem>> -> memref<112x128xf32, #tpu.memory_space<vmem>>
      %dma_start3A_98 = arith.constant 0 : i32
      %dma_start3A_99 = tpu.memref_slice %arg13[%add3A_58, %dma_start3A_98] : memref<12544x128xf32, #tpu.memory_space<vmem_shared>> -> memref<112x128xf32, #tpu.memory_space<vmem_shared>>
      tpu.enqueue_dma source(%dma_start3A_99 : memref<112x128xf32, #tpu.memory_space<vmem_shared>>) target(%dma_start3A_97 : memref<112x128xf32, #tpu.memory_space<vmem>>) target_semaphore(%run_scoped3A : memref<!tpu.dma_semaphore, #tpu.memory_space<semaphore_mem>>)
      %dma_wait3A = arith.constant 0 : i32
      %dma_wait3A_100 = arith.constant 0 : i32
      %dma_wait3A_101 = tpu.memref_slice %arg12[%dma_wait3A, %dma_wait3A_100] : memref<128x128xf32, #tpu.memory_space<vmem>> -> memref<112x128xf32, #tpu.memory_space<vmem>>
      %dma_wait3A_102 = arith.constant 0 : i32
      %dma_wait3A_103 = tpu.memref_slice %arg13[%add3A_58, %dma_wait3A_102] : memref<12544x128xf32, #tpu.memory_space<vmem_shared>> -> memref<112x128xf32, #tpu.memory_space<vmem_shared>>
      %dma_wait3A_104 = arith.constant 0 : i32
      %dma_wait3A_105 = arith.constant 0 : i32
      %dma_wait3A_106 = tpu.memref_slice %arg12[%dma_wait3A_104, %dma_wait3A_105] : memref<128x128xf32, #tpu.memory_space<vmem>> -> memref<112x128xf32, #tpu.memory_space<vmem>>
      %dma_wait3A_107 = arith.constant 0 : i32
      %dma_wait3A_108 = tpu.memref_slice %arg13[%add3A_58, %dma_wait3A_107] : memref<12544x128xf32, #tpu.memory_space<vmem_shared>> -> memref<112x128xf32, #tpu.memory_space<vmem_shared>>
      tpu.wait_dma2 semaphore(%run_scoped3A : memref<!tpu.dma_semaphore, #tpu.memory_space<semaphore_mem>>) src(%dma_wait3A_108 : memref<112x128xf32, #tpu.memory_space<vmem_shared>>) dst(%dma_wait3A_106 : memref<112x128xf32, #tpu.memory_space<vmem>>)
      tpu.yield
    }) : () -> ()
    %add3A_59 = arith.constant 112 : i32
    %add3A_60 = arith.addi %add3A_48, %add3A_59 : i32
    "tpu.region"() ({
      %run_scoped3A = tpu.sem_alloc : memref<!tpu.dma_semaphore, #tpu.memory_space<semaphore_mem>>
      %dma_start3A = arith.constant 0 : i32
      %dma_start3A_91 = arith.constant 0 : i32
      %dma_start3A_92 = tpu.memref_slice %arg12[%dma_start3A, %dma_start3A_91] : memref<128x128xf32, #tpu.memory_space<vmem>> -> memref<112x128xf32, #tpu.memory_space<vmem>>
      %dma_start3A_93 = arith.constant 0 : i32
      %dma_start3A_94 = tpu.memref_slice %arg5[%add3A_60, %dma_start3A_93] : memref<25088x128xf32, #tpu.memory_space<hbm>> -> memref<112x128xf32, #tpu.memory_space<hbm>>
      %dma_start3A_95 = arith.constant 0 : i32
      %dma_start3A_96 = tpu.memref_slice %arg5[%add3A_60, %dma_start3A_95] : memref<25088x128xf32, #tpu.memory_space<hbm>> -> memref<112x128xf32, #tpu.memory_space<hbm>>
      %dma_start3A_97 = arith.constant 0 : i32
      %dma_start3A_98 = arith.constant 0 : i32
      %dma_start3A_99 = tpu.memref_slice %arg12[%dma_start3A_97, %dma_start3A_98] : memref<128x128xf32, #tpu.memory_space<vmem>> -> memref<112x128xf32, #tpu.memory_space<vmem>>
      tpu.enqueue_dma source(%dma_start3A_99 : memref<112x128xf32, #tpu.memory_space<vmem>>) target(%dma_start3A_96 : memref<112x128xf32, #tpu.memory_space<hbm>>) target_semaphore(%run_scoped3A : memref<!tpu.dma_semaphore, #tpu.memory_space<semaphore_mem>>)
      %dma_wait3A = arith.constant 0 : i32
      %dma_wait3A_100 = arith.constant 0 : i32
      %dma_wait3A_101 = tpu.memref_slice %arg12[%dma_wait3A, %dma_wait3A_100] : memref<128x128xf32, #tpu.memory_space<vmem>> -> memref<112x128xf32, #tpu.memory_space<vmem>>
      %dma_wait3A_102 = arith.constant 0 : i32
      %dma_wait3A_103 = tpu.memref_slice %arg5[%add3A_60, %dma_wait3A_102] : memref<25088x128xf32, #tpu.memory_space<hbm>> -> memref<112x128xf32, #tpu.memory_space<hbm>>
      %dma_wait3A_104 = arith.constant 0 : i32
      %dma_wait3A_105 = tpu.memref_slice %arg5[%add3A_60, %dma_wait3A_104] : memref<25088x128xf32, #tpu.memory_space<hbm>> -> memref<112x128xf32, #tpu.memory_space<hbm>>
      %dma_wait3A_106 = arith.constant 0 : i32
      %dma_wait3A_107 = arith.constant 0 : i32
      %dma_wait3A_108 = tpu.memref_slice %arg12[%dma_wait3A_106, %dma_wait3A_107] : memref<128x128xf32, #tpu.memory_space<vmem>> -> memref<112x128xf32, #tpu.memory_space<vmem>>
      tpu.wait_dma2 semaphore(%run_scoped3A : memref<!tpu.dma_semaphore, #tpu.memory_space<semaphore_mem>>) src(%dma_wait3A_108 : memref<112x128xf32, #tpu.memory_space<vmem>>) dst(%dma_wait3A_105 : memref<112x128xf32, #tpu.memory_space<hbm>>)
      tpu.yield
    }) : () -> ()
    %mul3A_61 = arith.constant 784 : i32
    %mul3A_62 = arith.muli %arg1, %mul3A_61 : i32
    %add3A_63 = arith.constant 224 : i32
    %add3A_64 = arith.addi %mul3A_62, %add3A_63 : i32
    "tpu.region"() ({
      %run_scoped3A = tpu.sem_alloc : memref<!tpu.dma_semaphore, #tpu.memory_space<semaphore_mem>>
      %dma_start3A = arith.constant 0 : i32
      %dma_start3A_91 = arith.constant 0 : i32
      %dma_start3A_92 = tpu.memref_slice %arg12[%dma_start3A, %dma_start3A_91] : memref<128x128xf32, #tpu.memory_space<vmem>> -> memref<112x128xf32, #tpu.memory_space<vmem>>
      %dma_start3A_93 = arith.constant 0 : i32
      %dma_start3A_94 = tpu.memref_slice %arg13[%add3A_64, %dma_start3A_93] : memref<12544x128xf32, #tpu.memory_space<vmem_shared>> -> memref<112x128xf32, #tpu.memory_space<vmem_shared>>
      %dma_start3A_95 = arith.constant 0 : i32
      %dma_start3A_96 = arith.constant 0 : i32
      %dma_start3A_97 = tpu.memref_slice %arg12[%dma_start3A_95, %dma_start3A_96] : memref<128x128xf32, #tpu.memory_space<vmem>> -> memref<112x128xf32, #tpu.memory_space<vmem>>
      %dma_start3A_98 = arith.constant 0 : i32
      %dma_start3A_99 = tpu.memref_slice %arg13[%add3A_64, %dma_start3A_98] : memref<12544x128xf32, #tpu.memory_space<vmem_shared>> -> memref<112x128xf32, #tpu.memory_space<vmem_shared>>
      tpu.enqueue_dma source(%dma_start3A_99 : memref<112x128xf32, #tpu.memory_space<vmem_shared>>) target(%dma_start3A_97 : memref<112x128xf32, #tpu.memory_space<vmem>>) target_semaphore(%run_scoped3A : memref<!tpu.dma_semaphore, #tpu.memory_space<semaphore_mem>>)
      %dma_wait3A = arith.constant 0 : i32
      %dma_wait3A_100 = arith.constant 0 : i32
      %dma_wait3A_101 = tpu.memref_slice %arg12[%dma_wait3A, %dma_wait3A_100] : memref<128x128xf32, #tpu.memory_space<vmem>> -> memref<112x128xf32, #tpu.memory_space<vmem>>
      %dma_wait3A_102 = arith.constant 0 : i32
      %dma_wait3A_103 = tpu.memref_slice %arg13[%add3A_64, %dma_wait3A_102] : memref<12544x128xf32, #tpu.memory_space<vmem_shared>> -> memref<112x128xf32, #tpu.memory_space<vmem_shared>>
      %dma_wait3A_104 = arith.constant 0 : i32
      %dma_wait3A_105 = arith.constant 0 : i32
      %dma_wait3A_106 = tpu.memref_slice %arg12[%dma_wait3A_104, %dma_wait3A_105] : memref<128x128xf32, #tpu.memory_space<vmem>> -> memref<112x128xf32, #tpu.memory_space<vmem>>
      %dma_wait3A_107 = arith.constant 0 : i32
      %dma_wait3A_108 = tpu.memref_slice %arg13[%add3A_64, %dma_wait3A_107] : memref<12544x128xf32, #tpu.memory_space<vmem_shared>> -> memref<112x128xf32, #tpu.memory_space<vmem_shared>>
      tpu.wait_dma2 semaphore(%run_scoped3A : memref<!tpu.dma_semaphore, #tpu.memory_space<semaphore_mem>>) src(%dma_wait3A_108 : memref<112x128xf32, #tpu.memory_space<vmem_shared>>) dst(%dma_wait3A_106 : memref<112x128xf32, #tpu.memory_space<vmem>>)
      tpu.yield
    }) : () -> ()
    %add3A_65 = arith.constant 224 : i32
    %add3A_66 = arith.addi %add3A_48, %add3A_65 : i32
    "tpu.region"() ({
      %run_scoped3A = tpu.sem_alloc : memref<!tpu.dma_semaphore, #tpu.memory_space<semaphore_mem>>
      %dma_start3A = arith.constant 0 : i32
      %dma_start3A_91 = arith.constant 0 : i32
      %dma_start3A_92 = tpu.memref_slice %arg12[%dma_start3A, %dma_start3A_91] : memref<128x128xf32, #tpu.memory_space<vmem>> -> memref<112x128xf32, #tpu.memory_space<vmem>>
      %dma_start3A_93 = arith.constant 0 : i32
      %dma_start3A_94 = tpu.memref_slice %arg5[%add3A_66, %dma_start3A_93] : memref<25088x128xf32, #tpu.memory_space<hbm>> -> memref<112x128xf32, #tpu.memory_space<hbm>>
      %dma_start3A_95 = arith.constant 0 : i32
      %dma_start3A_96 = tpu.memref_slice %arg5[%add3A_66, %dma_start3A_95] : memref<25088x128xf32, #tpu.memory_space<hbm>> -> memref<112x128xf32, #tpu.memory_space<hbm>>
      %dma_start3A_97 = arith.constant 0 : i32
      %dma_start3A_98 = arith.constant 0 : i32
      %dma_start3A_99 = tpu.memref_slice %arg12[%dma_start3A_97, %dma_start3A_98] : memref<128x128xf32, #tpu.memory_space<vmem>> -> memref<112x128xf32, #tpu.memory_space<vmem>>
      tpu.enqueue_dma source(%dma_start3A_99 : memref<112x128xf32, #tpu.memory_space<vmem>>) target(%dma_start3A_96 : memref<112x128xf32, #tpu.memory_space<hbm>>) target_semaphore(%run_scoped3A : memref<!tpu.dma_semaphore, #tpu.memory_space<semaphore_mem>>)
      %dma_wait3A = arith.constant 0 : i32
      %dma_wait3A_100 = arith.constant 0 : i32
      %dma_wait3A_101 = tpu.memref_slice %arg12[%dma_wait3A, %dma_wait3A_100] : memref<128x128xf32, #tpu.memory_space<vmem>> -> memref<112x128xf32, #tpu.memory_space<vmem>>
      %dma_wait3A_102 = arith.constant 0 : i32
      %dma_wait3A_103 = tpu.memref_slice %arg5[%add3A_66, %dma_wait3A_102] : memref<25088x128xf32, #tpu.memory_space<hbm>> -> memref<112x128xf32, #tpu.memory_space<hbm>>
      %dma_wait3A_104 = arith.constant 0 : i32
      %dma_wait3A_105 = tpu.memref_slice %arg5[%add3A_66, %dma_wait3A_104] : memref<25088x128xf32, #tpu.memory_space<hbm>> -> memref<112x128xf32, #tpu.memory_space<hbm>>
      %dma_wait3A_106 = arith.constant 0 : i32
      %dma_wait3A_107 = arith.constant 0 : i32
      %dma_wait3A_108 = tpu.memref_slice %arg12[%dma_wait3A_106, %dma_wait3A_107] : memref<128x128xf32, #tpu.memory_space<vmem>> -> memref<112x128xf32, #tpu.memory_space<vmem>>
      tpu.wait_dma2 semaphore(%run_scoped3A : memref<!tpu.dma_semaphore, #tpu.memory_space<semaphore_mem>>) src(%dma_wait3A_108 : memref<112x128xf32, #tpu.memory_space<vmem>>) dst(%dma_wait3A_105 : memref<112x128xf32, #tpu.memory_space<hbm>>)
      tpu.yield
    }) : () -> ()
    %mul3A_67 = arith.constant 784 : i32
    %mul3A_68 = arith.muli %arg1, %mul3A_67 : i32
    %add3A_69 = arith.constant 336 : i32
    %add3A_70 = arith.addi %mul3A_68, %add3A_69 : i32
    "tpu.region"() ({
      %run_scoped3A = tpu.sem_alloc : memref<!tpu.dma_semaphore, #tpu.memory_space<semaphore_mem>>
      %dma_start3A = arith.constant 0 : i32
      %dma_start3A_91 = arith.constant 0 : i32
      %dma_start3A_92 = tpu.memref_slice %arg12[%dma_start3A, %dma_start3A_91] : memref<128x128xf32, #tpu.memory_space<vmem>> -> memref<112x128xf32, #tpu.memory_space<vmem>>
      %dma_start3A_93 = arith.constant 0 : i32
      %dma_start3A_94 = tpu.memref_slice %arg13[%add3A_70, %dma_start3A_93] : memref<12544x128xf32, #tpu.memory_space<vmem_shared>> -> memref<112x128xf32, #tpu.memory_space<vmem_shared>>
      %dma_start3A_95 = arith.constant 0 : i32
      %dma_start3A_96 = arith.constant 0 : i32
      %dma_start3A_97 = tpu.memref_slice %arg12[%dma_start3A_95, %dma_start3A_96] : memref<128x128xf32, #tpu.memory_space<vmem>> -> memref<112x128xf32, #tpu.memory_space<vmem>>
      %dma_start3A_98 = arith.constant 0 : i32
      %dma_start3A_99 = tpu.memref_slice %arg13[%add3A_70, %dma_start3A_98] : memref<12544x128xf32, #tpu.memory_space<vmem_shared>> -> memref<112x128xf32, #tpu.memory_space<vmem_shared>>
      tpu.enqueue_dma source(%dma_start3A_99 : memref<112x128xf32, #tpu.memory_space<vmem_shared>>) target(%dma_start3A_97 : memref<112x128xf32, #tpu.memory_space<vmem>>) target_semaphore(%run_scoped3A : memref<!tpu.dma_semaphore, #tpu.memory_space<semaphore_mem>>)
      %dma_wait3A = arith.constant 0 : i32
      %dma_wait3A_100 = arith.constant 0 : i32
      %dma_wait3A_101 = tpu.memref_slice %arg12[%dma_wait3A, %dma_wait3A_100] : memref<128x128xf32, #tpu.memory_space<vmem>> -> memref<112x128xf32, #tpu.memory_space<vmem>>
      %dma_wait3A_102 = arith.constant 0 : i32
      %dma_wait3A_103 = tpu.memref_slice %arg13[%add3A_70, %dma_wait3A_102] : memref<12544x128xf32, #tpu.memory_space<vmem_shared>> -> memref<112x128xf32, #tpu.memory_space<vmem_shared>>
      %dma_wait3A_104 = arith.constant 0 : i32
      %dma_wait3A_105 = arith.constant 0 : i32
      %dma_wait3A_106 = tpu.memref_slice %arg12[%dma_wait3A_104, %dma_wait3A_105] : memref<128x128xf32, #tpu.memory_space<vmem>> -> memref<112x128xf32, #tpu.memory_space<vmem>>
      %dma_wait3A_107 = arith.constant 0 : i32
      %dma_wait3A_108 = tpu.memref_slice %arg13[%add3A_70, %dma_wait3A_107] : memref<12544x128xf32, #tpu.memory_space<vmem_shared>> -> memref<112x128xf32, #tpu.memory_space<vmem_shared>>
      tpu.wait_dma2 semaphore(%run_scoped3A : memref<!tpu.dma_semaphore, #tpu.memory_space<semaphore_mem>>) src(%dma_wait3A_108 : memref<112x128xf32, #tpu.memory_space<vmem_shared>>) dst(%dma_wait3A_106 : memref<112x128xf32, #tpu.memory_space<vmem>>)
      tpu.yield
    }) : () -> ()
    %add3A_71 = arith.constant 336 : i32
    %add3A_72 = arith.addi %add3A_48, %add3A_71 : i32
    "tpu.region"() ({
      %run_scoped3A = tpu.sem_alloc : memref<!tpu.dma_semaphore, #tpu.memory_space<semaphore_mem>>
      %dma_start3A = arith.constant 0 : i32
      %dma_start3A_91 = arith.constant 0 : i32
      %dma_start3A_92 = tpu.memref_slice %arg12[%dma_start3A, %dma_start3A_91] : memref<128x128xf32, #tpu.memory_space<vmem>> -> memref<112x128xf32, #tpu.memory_space<vmem>>
      %dma_start3A_93 = arith.constant 0 : i32
      %dma_start3A_94 = tpu.memref_slice %arg5[%add3A_72, %dma_start3A_93] : memref<25088x128xf32, #tpu.memory_space<hbm>> -> memref<112x128xf32, #tpu.memory_space<hbm>>
      %dma_start3A_95 = arith.constant 0 : i32
      %dma_start3A_96 = tpu.memref_slice %arg5[%add3A_72, %dma_start3A_95] : memref<25088x128xf32, #tpu.memory_space<hbm>> -> memref<112x128xf32, #tpu.memory_space<hbm>>
      %dma_start3A_97 = arith.constant 0 : i32
      %dma_start3A_98 = arith.constant 0 : i32
      %dma_start3A_99 = tpu.memref_slice %arg12[%dma_start3A_97, %dma_start3A_98] : memref<128x128xf32, #tpu.memory_space<vmem>> -> memref<112x128xf32, #tpu.memory_space<vmem>>
      tpu.enqueue_dma source(%dma_start3A_99 : memref<112x128xf32, #tpu.memory_space<vmem>>) target(%dma_start3A_96 : memref<112x128xf32, #tpu.memory_space<hbm>>) target_semaphore(%run_scoped3A : memref<!tpu.dma_semaphore, #tpu.memory_space<semaphore_mem>>)
      %dma_wait3A = arith.constant 0 : i32
      %dma_wait3A_100 = arith.constant 0 : i32
      %dma_wait3A_101 = tpu.memref_slice %arg12[%dma_wait3A, %dma_wait3A_100] : memref<128x128xf32, #tpu.memory_space<vmem>> -> memref<112x128xf32, #tpu.memory_space<vmem>>
      %dma_wait3A_102 = arith.constant 0 : i32
      %dma_wait3A_103 = tpu.memref_slice %arg5[%add3A_72, %dma_wait3A_102] : memref<25088x128xf32, #tpu.memory_space<hbm>> -> memref<112x128xf32, #tpu.memory_space<hbm>>
      %dma_wait3A_104 = arith.constant 0 : i32
      %dma_wait3A_105 = tpu.memref_slice %arg5[%add3A_72, %dma_wait3A_104] : memref<25088x128xf32, #tpu.memory_space<hbm>> -> memref<112x128xf32, #tpu.memory_space<hbm>>
      %dma_wait3A_106 = arith.constant 0 : i32
      %dma_wait3A_107 = arith.constant 0 : i32
      %dma_wait3A_108 = tpu.memref_slice %arg12[%dma_wait3A_106, %dma_wait3A_107] : memref<128x128xf32, #tpu.memory_space<vmem>> -> memref<112x128xf32, #tpu.memory_space<vmem>>
      tpu.wait_dma2 semaphore(%run_scoped3A : memref<!tpu.dma_semaphore, #tpu.memory_space<semaphore_mem>>) src(%dma_wait3A_108 : memref<112x128xf32, #tpu.memory_space<vmem>>) dst(%dma_wait3A_105 : memref<112x128xf32, #tpu.memory_space<hbm>>)
      tpu.yield
    }) : () -> ()
    %mul3A_73 = arith.constant 784 : i32
    %mul3A_74 = arith.muli %arg1, %mul3A_73 : i32
    %add3A_75 = arith.constant 448 : i32
    %add3A_76 = arith.addi %mul3A_74, %add3A_75 : i32
    "tpu.region"() ({
      %run_scoped3A = tpu.sem_alloc : memref<!tpu.dma_semaphore, #tpu.memory_space<semaphore_mem>>
      %dma_start3A = arith.constant 0 : i32
      %dma_start3A_91 = arith.constant 0 : i32
      %dma_start3A_92 = tpu.memref_slice %arg12[%dma_start3A, %dma_start3A_91] : memref<128x128xf32, #tpu.memory_space<vmem>> -> memref<112x128xf32, #tpu.memory_space<vmem>>
      %dma_start3A_93 = arith.constant 0 : i32
      %dma_start3A_94 = tpu.memref_slice %arg13[%add3A_76, %dma_start3A_93] : memref<12544x128xf32, #tpu.memory_space<vmem_shared>> -> memref<112x128xf32, #tpu.memory_space<vmem_shared>>
      %dma_start3A_95 = arith.constant 0 : i32
      %dma_start3A_96 = arith.constant 0 : i32
      %dma_start3A_97 = tpu.memref_slice %arg12[%dma_start3A_95, %dma_start3A_96] : memref<128x128xf32, #tpu.memory_space<vmem>> -> memref<112x128xf32, #tpu.memory_space<vmem>>
      %dma_start3A_98 = arith.constant 0 : i32
      %dma_start3A_99 = tpu.memref_slice %arg13[%add3A_76, %dma_start3A_98] : memref<12544x128xf32, #tpu.memory_space<vmem_shared>> -> memref<112x128xf32, #tpu.memory_space<vmem_shared>>
      tpu.enqueue_dma source(%dma_start3A_99 : memref<112x128xf32, #tpu.memory_space<vmem_shared>>) target(%dma_start3A_97 : memref<112x128xf32, #tpu.memory_space<vmem>>) target_semaphore(%run_scoped3A : memref<!tpu.dma_semaphore, #tpu.memory_space<semaphore_mem>>)
      %dma_wait3A = arith.constant 0 : i32
      %dma_wait3A_100 = arith.constant 0 : i32
      %dma_wait3A_101 = tpu.memref_slice %arg12[%dma_wait3A, %dma_wait3A_100] : memref<128x128xf32, #tpu.memory_space<vmem>> -> memref<112x128xf32, #tpu.memory_space<vmem>>
      %dma_wait3A_102 = arith.constant 0 : i32
      %dma_wait3A_103 = tpu.memref_slice %arg13[%add3A_76, %dma_wait3A_102] : memref<12544x128xf32, #tpu.memory_space<vmem_shared>> -> memref<112x128xf32, #tpu.memory_space<vmem_shared>>
      %dma_wait3A_104 = arith.constant 0 : i32
      %dma_wait3A_105 = arith.constant 0 : i32
      %dma_wait3A_106 = tpu.memref_slice %arg12[%dma_wait3A_104, %dma_wait3A_105] : memref<128x128xf32, #tpu.memory_space<vmem>> -> memref<112x128xf32, #tpu.memory_space<vmem>>
      %dma_wait3A_107 = arith.constant 0 : i32
      %dma_wait3A_108 = tpu.memref_slice %arg13[%add3A_76, %dma_wait3A_107] : memref<12544x128xf32, #tpu.memory_space<vmem_shared>> -> memref<112x128xf32, #tpu.memory_space<vmem_shared>>
      tpu.wait_dma2 semaphore(%run_scoped3A : memref<!tpu.dma_semaphore, #tpu.memory_space<semaphore_mem>>) src(%dma_wait3A_108 : memref<112x128xf32, #tpu.memory_space<vmem_shared>>) dst(%dma_wait3A_106 : memref<112x128xf32, #tpu.memory_space<vmem>>)
      tpu.yield
    }) : () -> ()
    %add3A_77 = arith.constant 448 : i32
    %add3A_78 = arith.addi %add3A_48, %add3A_77 : i32
    "tpu.region"() ({
      %run_scoped3A = tpu.sem_alloc : memref<!tpu.dma_semaphore, #tpu.memory_space<semaphore_mem>>
      %dma_start3A = arith.constant 0 : i32
      %dma_start3A_91 = arith.constant 0 : i32
      %dma_start3A_92 = tpu.memref_slice %arg12[%dma_start3A, %dma_start3A_91] : memref<128x128xf32, #tpu.memory_space<vmem>> -> memref<112x128xf32, #tpu.memory_space<vmem>>
      %dma_start3A_93 = arith.constant 0 : i32
      %dma_start3A_94 = tpu.memref_slice %arg5[%add3A_78, %dma_start3A_93] : memref<25088x128xf32, #tpu.memory_space<hbm>> -> memref<112x128xf32, #tpu.memory_space<hbm>>
      %dma_start3A_95 = arith.constant 0 : i32
      %dma_start3A_96 = tpu.memref_slice %arg5[%add3A_78, %dma_start3A_95] : memref<25088x128xf32, #tpu.memory_space<hbm>> -> memref<112x128xf32, #tpu.memory_space<hbm>>
      %dma_start3A_97 = arith.constant 0 : i32
      %dma_start3A_98 = arith.constant 0 : i32
      %dma_start3A_99 = tpu.memref_slice %arg12[%dma_start3A_97, %dma_start3A_98] : memref<128x128xf32, #tpu.memory_space<vmem>> -> memref<112x128xf32, #tpu.memory_space<vmem>>
      tpu.enqueue_dma source(%dma_start3A_99 : memref<112x128xf32, #tpu.memory_space<vmem>>) target(%dma_start3A_96 : memref<112x128xf32, #tpu.memory_space<hbm>>) target_semaphore(%run_scoped3A : memref<!tpu.dma_semaphore, #tpu.memory_space<semaphore_mem>>)
      %dma_wait3A = arith.constant 0 : i32
      %dma_wait3A_100 = arith.constant 0 : i32
      %dma_wait3A_101 = tpu.memref_slice %arg12[%dma_wait3A, %dma_wait3A_100] : memref<128x128xf32, #tpu.memory_space<vmem>> -> memref<112x128xf32, #tpu.memory_space<vmem>>
      %dma_wait3A_102 = arith.constant 0 : i32
      %dma_wait3A_103 = tpu.memref_slice %arg5[%add3A_78, %dma_wait3A_102] : memref<25088x128xf32, #tpu.memory_space<hbm>> -> memref<112x128xf32, #tpu.memory_space<hbm>>
      %dma_wait3A_104 = arith.constant 0 : i32
      %dma_wait3A_105 = tpu.memref_slice %arg5[%add3A_78, %dma_wait3A_104] : memref<25088x128xf32, #tpu.memory_space<hbm>> -> memref<112x128xf32, #tpu.memory_space<hbm>>
      %dma_wait3A_106 = arith.constant 0 : i32
      %dma_wait3A_107 = arith.constant 0 : i32
      %dma_wait3A_108 = tpu.memref_slice %arg12[%dma_wait3A_106, %dma_wait3A_107] : memref<128x128xf32, #tpu.memory_space<vmem>> -> memref<112x128xf32, #tpu.memory_space<vmem>>
      tpu.wait_dma2 semaphore(%run_scoped3A : memref<!tpu.dma_semaphore, #tpu.memory_space<semaphore_mem>>) src(%dma_wait3A_108 : memref<112x128xf32, #tpu.memory_space<vmem>>) dst(%dma_wait3A_105 : memref<112x128xf32, #tpu.memory_space<hbm>>)
      tpu.yield
    }) : () -> ()
    %mul3A_79 = arith.constant 784 : i32
    %mul3A_80 = arith.muli %arg1, %mul3A_79 : i32
    %add3A_81 = arith.constant 560 : i32
    %add3A_82 = arith.addi %mul3A_80, %add3A_81 : i32
    "tpu.region"() ({
      %run_scoped3A = tpu.sem_alloc : memref<!tpu.dma_semaphore, #tpu.memory_space<semaphore_mem>>
      %dma_start3A = arith.constant 0 : i32
      %dma_start3A_91 = arith.constant 0 : i32
      %dma_start3A_92 = tpu.memref_slice %arg12[%dma_start3A, %dma_start3A_91] : memref<128x128xf32, #tpu.memory_space<vmem>> -> memref<112x128xf32, #tpu.memory_space<vmem>>
      %dma_start3A_93 = arith.constant 0 : i32
      %dma_start3A_94 = tpu.memref_slice %arg13[%add3A_82, %dma_start3A_93] : memref<12544x128xf32, #tpu.memory_space<vmem_shared>> -> memref<112x128xf32, #tpu.memory_space<vmem_shared>>
      %dma_start3A_95 = arith.constant 0 : i32
      %dma_start3A_96 = arith.constant 0 : i32
      %dma_start3A_97 = tpu.memref_slice %arg12[%dma_start3A_95, %dma_start3A_96] : memref<128x128xf32, #tpu.memory_space<vmem>> -> memref<112x128xf32, #tpu.memory_space<vmem>>
      %dma_start3A_98 = arith.constant 0 : i32
      %dma_start3A_99 = tpu.memref_slice %arg13[%add3A_82, %dma_start3A_98] : memref<12544x128xf32, #tpu.memory_space<vmem_shared>> -> memref<112x128xf32, #tpu.memory_space<vmem_shared>>
      tpu.enqueue_dma source(%dma_start3A_99 : memref<112x128xf32, #tpu.memory_space<vmem_shared>>) target(%dma_start3A_97 : memref<112x128xf32, #tpu.memory_space<vmem>>) target_semaphore(%run_scoped3A : memref<!tpu.dma_semaphore, #tpu.memory_space<semaphore_mem>>)
      %dma_wait3A = arith.constant 0 : i32
      %dma_wait3A_100 = arith.constant 0 : i32
      %dma_wait3A_101 = tpu.memref_slice %arg12[%dma_wait3A, %dma_wait3A_100] : memref<128x128xf32, #tpu.memory_space<vmem>> -> memref<112x128xf32, #tpu.memory_space<vmem>>
      %dma_wait3A_102 = arith.constant 0 : i32
      %dma_wait3A_103 = tpu.memref_slice %arg13[%add3A_82, %dma_wait3A_102] : memref<12544x128xf32, #tpu.memory_space<vmem_shared>> -> memref<112x128xf32, #tpu.memory_space<vmem_shared>>
      %dma_wait3A_104 = arith.constant 0 : i32
      %dma_wait3A_105 = arith.constant 0 : i32
      %dma_wait3A_106 = tpu.memref_slice %arg12[%dma_wait3A_104, %dma_wait3A_105] : memref<128x128xf32, #tpu.memory_space<vmem>> -> memref<112x128xf32, #tpu.memory_space<vmem>>
      %dma_wait3A_107 = arith.constant 0 : i32
      %dma_wait3A_108 = tpu.memref_slice %arg13[%add3A_82, %dma_wait3A_107] : memref<12544x128xf32, #tpu.memory_space<vmem_shared>> -> memref<112x128xf32, #tpu.memory_space<vmem_shared>>
      tpu.wait_dma2 semaphore(%run_scoped3A : memref<!tpu.dma_semaphore, #tpu.memory_space<semaphore_mem>>) src(%dma_wait3A_108 : memref<112x128xf32, #tpu.memory_space<vmem_shared>>) dst(%dma_wait3A_106 : memref<112x128xf32, #tpu.memory_space<vmem>>)
      tpu.yield
    }) : () -> ()
    %add3A_83 = arith.constant 560 : i32
    %add3A_84 = arith.addi %add3A_48, %add3A_83 : i32
    "tpu.region"() ({
      %run_scoped3A = tpu.sem_alloc : memref<!tpu.dma_semaphore, #tpu.memory_space<semaphore_mem>>
      %dma_start3A = arith.constant 0 : i32
      %dma_start3A_91 = arith.constant 0 : i32
      %dma_start3A_92 = tpu.memref_slice %arg12[%dma_start3A, %dma_start3A_91] : memref<128x128xf32, #tpu.memory_space<vmem>> -> memref<112x128xf32, #tpu.memory_space<vmem>>
      %dma_start3A_93 = arith.constant 0 : i32
      %dma_start3A_94 = tpu.memref_slice %arg5[%add3A_84, %dma_start3A_93] : memref<25088x128xf32, #tpu.memory_space<hbm>> -> memref<112x128xf32, #tpu.memory_space<hbm>>
      %dma_start3A_95 = arith.constant 0 : i32
      %dma_start3A_96 = tpu.memref_slice %arg5[%add3A_84, %dma_start3A_95] : memref<25088x128xf32, #tpu.memory_space<hbm>> -> memref<112x128xf32, #tpu.memory_space<hbm>>
      %dma_start3A_97 = arith.constant 0 : i32
      %dma_start3A_98 = arith.constant 0 : i32
      %dma_start3A_99 = tpu.memref_slice %arg12[%dma_start3A_97, %dma_start3A_98] : memref<128x128xf32, #tpu.memory_space<vmem>> -> memref<112x128xf32, #tpu.memory_space<vmem>>
      tpu.enqueue_dma source(%dma_start3A_99 : memref<112x128xf32, #tpu.memory_space<vmem>>) target(%dma_start3A_96 : memref<112x128xf32, #tpu.memory_space<hbm>>) target_semaphore(%run_scoped3A : memref<!tpu.dma_semaphore, #tpu.memory_space<semaphore_mem>>)
      %dma_wait3A = arith.constant 0 : i32
      %dma_wait3A_100 = arith.constant 0 : i32
      %dma_wait3A_101 = tpu.memref_slice %arg12[%dma_wait3A, %dma_wait3A_100] : memref<128x128xf32, #tpu.memory_space<vmem>> -> memref<112x128xf32, #tpu.memory_space<vmem>>
      %dma_wait3A_102 = arith.constant 0 : i32
      %dma_wait3A_103 = tpu.memref_slice %arg5[%add3A_84, %dma_wait3A_102] : memref<25088x128xf32, #tpu.memory_space<hbm>> -> memref<112x128xf32, #tpu.memory_space<hbm>>
      %dma_wait3A_104 = arith.constant 0 : i32
      %dma_wait3A_105 = tpu.memref_slice %arg5[%add3A_84, %dma_wait3A_104] : memref<25088x128xf32, #tpu.memory_space<hbm>> -> memref<112x128xf32, #tpu.memory_space<hbm>>
      %dma_wait3A_106 = arith.constant 0 : i32
      %dma_wait3A_107 = arith.constant 0 : i32
      %dma_wait3A_108 = tpu.memref_slice %arg12[%dma_wait3A_106, %dma_wait3A_107] : memref<128x128xf32, #tpu.memory_space<vmem>> -> memref<112x128xf32, #tpu.memory_space<vmem>>
      tpu.wait_dma2 semaphore(%run_scoped3A : memref<!tpu.dma_semaphore, #tpu.memory_space<semaphore_mem>>) src(%dma_wait3A_108 : memref<112x128xf32, #tpu.memory_space<vmem>>) dst(%dma_wait3A_105 : memref<112x128xf32, #tpu.memory_space<hbm>>)
      tpu.yield
    }) : () -> ()
    %mul3A_85 = arith.constant 784 : i32
    %mul3A_86 = arith.muli %arg1, %mul3A_85 : i32
    %add3A_87 = arith.constant 672 : i32
    %add3A_88 = arith.addi %mul3A_86, %add3A_87 : i32
    "tpu.region"() ({
      %run_scoped3A = tpu.sem_alloc : memref<!tpu.dma_semaphore, #tpu.memory_space<semaphore_mem>>
      %dma_start3A = arith.constant 0 : i32
      %dma_start3A_91 = arith.constant 0 : i32
      %dma_start3A_92 = tpu.memref_slice %arg12[%dma_start3A, %dma_start3A_91] : memref<128x128xf32, #tpu.memory_space<vmem>> -> memref<112x128xf32, #tpu.memory_space<vmem>>
      %dma_start3A_93 = arith.constant 0 : i32
      %dma_start3A_94 = tpu.memref_slice %arg13[%add3A_88, %dma_start3A_93] : memref<12544x128xf32, #tpu.memory_space<vmem_shared>> -> memref<112x128xf32, #tpu.memory_space<vmem_shared>>
      %dma_start3A_95 = arith.constant 0 : i32
      %dma_start3A_96 = arith.constant 0 : i32
      %dma_start3A_97 = tpu.memref_slice %arg12[%dma_start3A_95, %dma_start3A_96] : memref<128x128xf32, #tpu.memory_space<vmem>> -> memref<112x128xf32, #tpu.memory_space<vmem>>
      %dma_start3A_98 = arith.constant 0 : i32
      %dma_start3A_99 = tpu.memref_slice %arg13[%add3A_88, %dma_start3A_98] : memref<12544x128xf32, #tpu.memory_space<vmem_shared>> -> memref<112x128xf32, #tpu.memory_space<vmem_shared>>
      tpu.enqueue_dma source(%dma_start3A_99 : memref<112x128xf32, #tpu.memory_space<vmem_shared>>) target(%dma_start3A_97 : memref<112x128xf32, #tpu.memory_space<vmem>>) target_semaphore(%run_scoped3A : memref<!tpu.dma_semaphore, #tpu.memory_space<semaphore_mem>>)
      %dma_wait3A = arith.constant 0 : i32
      %dma_wait3A_100 = arith.constant 0 : i32
      %dma_wait3A_101 = tpu.memref_slice %arg12[%dma_wait3A, %dma_wait3A_100] : memref<128x128xf32, #tpu.memory_space<vmem>> -> memref<112x128xf32, #tpu.memory_space<vmem>>
      %dma_wait3A_102 = arith.constant 0 : i32
      %dma_wait3A_103 = tpu.memref_slice %arg13[%add3A_88, %dma_wait3A_102] : memref<12544x128xf32, #tpu.memory_space<vmem_shared>> -> memref<112x128xf32, #tpu.memory_space<vmem_shared>>
      %dma_wait3A_104 = arith.constant 0 : i32
      %dma_wait3A_105 = arith.constant 0 : i32
      %dma_wait3A_106 = tpu.memref_slice %arg12[%dma_wait3A_104, %dma_wait3A_105] : memref<128x128xf32, #tpu.memory_space<vmem>> -> memref<112x128xf32, #tpu.memory_space<vmem>>
      %dma_wait3A_107 = arith.constant 0 : i32
      %dma_wait3A_108 = tpu.memref_slice %arg13[%add3A_88, %dma_wait3A_107] : memref<12544x128xf32, #tpu.memory_space<vmem_shared>> -> memref<112x128xf32, #tpu.memory_space<vmem_shared>>
      tpu.wait_dma2 semaphore(%run_scoped3A : memref<!tpu.dma_semaphore, #tpu.memory_space<semaphore_mem>>) src(%dma_wait3A_108 : memref<112x128xf32, #tpu.memory_space<vmem_shared>>) dst(%dma_wait3A_106 : memref<112x128xf32, #tpu.memory_space<vmem>>)
      tpu.yield
    }) : () -> ()
    %add3A_89 = arith.constant 672 : i32
    %add3A_90 = arith.addi %add3A_48, %add3A_89 : i32
    "tpu.region"() ({
      %run_scoped3A = tpu.sem_alloc : memref<!tpu.dma_semaphore, #tpu.memory_space<semaphore_mem>>
      %dma_start3A = arith.constant 0 : i32
      %dma_start3A_91 = arith.constant 0 : i32
      %dma_start3A_92 = tpu.memref_slice %arg12[%dma_start3A, %dma_start3A_91] : memref<128x128xf32, #tpu.memory_space<vmem>> -> memref<112x128xf32, #tpu.memory_space<vmem>>
      %dma_start3A_93 = arith.constant 0 : i32
      %dma_start3A_94 = tpu.memref_slice %arg5[%add3A_90, %dma_start3A_93] : memref<25088x128xf32, #tpu.memory_space<hbm>> -> memref<112x128xf32, #tpu.memory_space<hbm>>
      %dma_start3A_95 = arith.constant 0 : i32
      %dma_start3A_96 = tpu.memref_slice %arg5[%add3A_90, %dma_start3A_95] : memref<25088x128xf32, #tpu.memory_space<hbm>> -> memref<112x128xf32, #tpu.memory_space<hbm>>
      %dma_start3A_97 = arith.constant 0 : i32
      %dma_start3A_98 = arith.constant 0 : i32
      %dma_start3A_99 = tpu.memref_slice %arg12[%dma_start3A_97, %dma_start3A_98] : memref<128x128xf32, #tpu.memory_space<vmem>> -> memref<112x128xf32, #tpu.memory_space<vmem>>
      tpu.enqueue_dma source(%dma_start3A_99 : memref<112x128xf32, #tpu.memory_space<vmem>>) target(%dma_start3A_96 : memref<112x128xf32, #tpu.memory_space<hbm>>) target_semaphore(%run_scoped3A : memref<!tpu.dma_semaphore, #tpu.memory_space<semaphore_mem>>)
      %dma_wait3A = arith.constant 0 : i32
      %dma_wait3A_100 = arith.constant 0 : i32
      %dma_wait3A_101 = tpu.memref_slice %arg12[%dma_wait3A, %dma_wait3A_100] : memref<128x128xf32, #tpu.memory_space<vmem>> -> memref<112x128xf32, #tpu.memory_space<vmem>>
      %dma_wait3A_102 = arith.constant 0 : i32
      %dma_wait3A_103 = tpu.memref_slice %arg5[%add3A_90, %dma_wait3A_102] : memref<25088x128xf32, #tpu.memory_space<hbm>> -> memref<112x128xf32, #tpu.memory_space<hbm>>
      %dma_wait3A_104 = arith.constant 0 : i32
      %dma_wait3A_105 = tpu.memref_slice %arg5[%add3A_90, %dma_wait3A_104] : memref<25088x128xf32, #tpu.memory_space<hbm>> -> memref<112x128xf32, #tpu.memory_space<hbm>>
      %dma_wait3A_106 = arith.constant 0 : i32
      %dma_wait3A_107 = arith.constant 0 : i32
      %dma_wait3A_108 = tpu.memref_slice %arg12[%dma_wait3A_106, %dma_wait3A_107] : memref<128x128xf32, #tpu.memory_space<vmem>> -> memref<112x128xf32, #tpu.memory_space<vmem>>
      tpu.wait_dma2 semaphore(%run_scoped3A : memref<!tpu.dma_semaphore, #tpu.memory_space<semaphore_mem>>) src(%dma_wait3A_108 : memref<112x128xf32, #tpu.memory_space<vmem>>) dst(%dma_wait3A_105 : memref<112x128xf32, #tpu.memory_space<hbm>>)
      tpu.yield
    }) : () -> ()
    return
  }
}

#map = affine_map<(d0, d1) -> (0, 0)>
#map1 = affine_map<(d0, d1) -> (0)>
module attributes {stable_mosaic.version = 14 : i64} {
  func.func @k(%arg0: i32, %arg1: i32, %arg2: memref<25000x128xf32, #tpu.memory_space<hbm>>, %arg3: memref<1600000xi32, #tpu.memory_space<hbm>>, %arg4: memref<112x128xf32, #tpu.memory_space<hbm>>, %arg5: memref<25088x128xf32, #tpu.memory_space<hbm>>, %arg6: memref<128xi32, #tpu.memory_space<vmem>>, %arg7: memref<128xi32, #tpu.memory_space<vmem>>, %arg8: memref<128xi32, #tpu.memory_space<vmem>>, %arg9: memref<128xi32, #tpu.memory_space<vmem>>, %arg10: memref<128xi32, #tpu.memory_space<vmem>>, %arg11: memref<128xi32, #tpu.memory_space<vmem>>, %arg12: memref<128x128xf32, #tpu.memory_space<vmem>>, %arg13: memref<12544x128xf32, #tpu.memory_space<vmem_shared>>, %arg14: memref<!tpu.dma_semaphore, #tpu.memory_space<semaphore_mem>>) attributes {dimension_semantics = [#tpu.dimension_semantics<core_parallel>, #tpu.dimension_semantics<subcore_parallel>], iteration_bounds = array<i64: 2, 16>, scalar_prefetch = 0 : i64, scratch_operands = 9 : i64, tpu.core_type = #tpu.core_type<sc_vector_subcore>, window_params = [{transform_indices = #map}, {transform_indices = #map1}, {transform_indices = #map}, {transform_indices = #map}]} {
    %mul3A = arith.constant 12544 : i32
    %mul3A_0 = arith.muli %arg0, %mul3A : i32
    %add3A = arith.constant 12544 : i32
    %add3A_1 = arith.addi %mul3A_0, %add3A : i32
    "tpu.region"() ({
      %run_scoped3A = tpu.sem_alloc : memref<!tpu.dma_semaphore, #tpu.memory_space<semaphore_mem>>
      %dma_start3A = arith.constant 0 : i32
      %dma_start3A_91 = arith.constant 0 : i32
      %dma_start3A_92 = tpu.memref_slice %arg12[%dma_start3A, %dma_start3A_91] : memref<128x128xf32, #tpu.memory_space<vmem>> -> memref<112x128xf32, #tpu.memory_space<vmem>>
      %dma_start3A_93 = arith.constant 0 : i32
      %dma_start3A_94 = arith.constant 0 : i32
      %dma_start3A_95 = tpu.memref_slice %arg12[%dma_start3A_93, %dma_start3A_94] : memref<128x128xf32, #tpu.memory_space<vmem>> -> memref<112x128xf32, #tpu.memory_space<vmem>>
      tpu.enqueue_dma source(%arg4 : memref<112x128xf32, #tpu.memory_space<hbm>>) target(%dma_start3A_95 : memref<112x128xf32, #tpu.memory_space<vmem>>) target_semaphore(%run_scoped3A : memref<!tpu.dma_semaphore, #tpu.memory_space<semaphore_mem>>)
      %dma_wait3A = arith.constant 0 : i32
      %dma_wait3A_96 = arith.constant 0 : i32
      %dma_wait3A_97 = tpu.memref_slice %arg12[%dma_wait3A, %dma_wait3A_96] : memref<128x128xf32, #tpu.memory_space<vmem>> -> memref<112x128xf32, #tpu.memory_space<vmem>>
      %dma_wait3A_98 = arith.constant 0 : i32
      %dma_wait3A_99 = arith.constant 0 : i32
      %dma_wait3A_100 = tpu.memref_slice %arg12[%dma_wait3A_98, %dma_wait3A_99] : memref<128x128xf32, #tpu.memory_space<vmem>> -> memref<112x128xf32, #tpu.memory_space<vmem>>
      tpu.wait_dma2 semaphore(%run_scoped3A : memref<!tpu.dma_semaphore, #tpu.memory_space<semaphore_mem>>) src(%arg4 : memref<112x128xf32, #tpu.memory_space<hbm>>) dst(%dma_wait3A_100 : memref<112x128xf32, #tpu.memory_space<vmem>>)
      tpu.yield
    }) : () -> ()
    %mul3A_2 = arith.constant 784 : i32
    %mul3A_3 = arith.muli %arg1, %mul3A_2 : i32
    %add3A_4 = arith.constant 0 : i32
    %add3A_5 = arith.addi %mul3A_3, %add3A_4 : i32
    "tpu.region"() ({
      %run_scoped3A = tpu.sem_alloc : memref<!tpu.dma_semaphore, #tpu.memory_space<semaphore_mem>>
      %dma_start3A = arith.constant 0 : i32
      %dma_start3A_91 = arith.constant 0 : i32
      %dma_start3A_92 = tpu.memref_slice %arg12[%dma_start3A, %dma_start3A_91] : memref<128x128xf32, #tpu.memory_space<vmem>> -> memref<112x128xf32, #tpu.memory_space<vmem>>
      %dma_start3A_93 = arith.constant 0 : i32
      %dma_start3A_94 = tpu.memref_slice %arg13[%add3A_5, %dma_start3A_93] : memref<12544x128xf32, #tpu.memory_space<vmem_shared>> -> memref<112x128xf32, #tpu.memory_space<vmem_shared>>
      %dma_start3A_95 = arith.constant 0 : i32
      %dma_start3A_96 = tpu.memref_slice %arg13[%add3A_5, %dma_start3A_95] : memref<12544x128xf32, #tpu.memory_space<vmem_shared>> -> memref<112x128xf32, #tpu.memory_space<vmem_shared>>
      %dma_start3A_97 = arith.constant 0 : i32
      %dma_start3A_98 = arith.constant 0 : i32
      %dma_start3A_99 = tpu.memref_slice %arg12[%dma_start3A_97, %dma_start3A_98] : memref<128x128xf32, #tpu.memory_space<vmem>> -> memref<112x128xf32, #tpu.memory_space<vmem>>
      tpu.enqueue_dma source(%dma_start3A_99 : memref<112x128xf32, #tpu.memory_space<vmem>>) target(%dma_start3A_96 : memref<112x128xf32, #tpu.memory_space<vmem_shared>>) target_semaphore(%run_scoped3A : memref<!tpu.dma_semaphore, #tpu.memory_space<semaphore_mem>>)
      %dma_wait3A = arith.constant 0 : i32
      %dma_wait3A_100 = arith.constant 0 : i32
      %dma_wait3A_101 = tpu.memref_slice %arg12[%dma_wait3A, %dma_wait3A_100] : memref<128x128xf32, #tpu.memory_space<vmem>> -> memref<112x128xf32, #tpu.memory_space<vmem>>
      %dma_wait3A_102 = arith.constant 0 : i32
      %dma_wait3A_103 = tpu.memref_slice %arg13[%add3A_5, %dma_wait3A_102] : memref<12544x128xf32, #tpu.memory_space<vmem_shared>> -> memref<112x128xf32, #tpu.memory_space<vmem_shared>>
      %dma_wait3A_104 = arith.constant 0 : i32
      %dma_wait3A_105 = tpu.memref_slice %arg13[%add3A_5, %dma_wait3A_104] : memref<12544x128xf32, #tpu.memory_space<vmem_shared>> -> memref<112x128xf32, #tpu.memory_space<vmem_shared>>
      %dma_wait3A_106 = arith.constant 0 : i32
      %dma_wait3A_107 = arith.constant 0 : i32
      %dma_wait3A_108 = tpu.memref_slice %arg12[%dma_wait3A_106, %dma_wait3A_107] : memref<128x128xf32, #tpu.memory_space<vmem>> -> memref<112x128xf32, #tpu.memory_space<vmem>>
      tpu.wait_dma2 semaphore(%run_scoped3A : memref<!tpu.dma_semaphore, #tpu.memory_space<semaphore_mem>>) src(%dma_wait3A_108 : memref<112x128xf32, #tpu.memory_space<vmem>>) dst(%dma_wait3A_105 : memref<112x128xf32, #tpu.memory_space<vmem_shared>>)
      tpu.yield
    }) : () -> ()
    %mul3A_6 = arith.constant 784 : i32
    %mul3A_7 = arith.muli %arg1, %mul3A_6 : i32
    %add3A_8 = arith.constant 112 : i32
    %add3A_9 = arith.addi %mul3A_7, %add3A_8 : i32
    "tpu.region"() ({
      %run_scoped3A = tpu.sem_alloc : memref<!tpu.dma_semaphore, #tpu.memory_space<semaphore_mem>>
      %dma_start3A = arith.constant 0 : i32
      %dma_start3A_91 = arith.constant 0 : i32
      %dma_start3A_92 = tpu.memref_slice %arg12[%dma_start3A, %dma_start3A_91] : memref<128x128xf32, #tpu.memory_space<vmem>> -> memref<112x128xf32, #tpu.memory_space<vmem>>
      %dma_start3A_93 = arith.constant 0 : i32
      %dma_start3A_94 = tpu.memref_slice %arg13[%add3A_9, %dma_start3A_93] : memref<12544x128xf32, #tpu.memory_space<vmem_shared>> -> memref<112x128xf32, #tpu.memory_space<vmem_shared>>
      %dma_start3A_95 = arith.constant 0 : i32
      %dma_start3A_96 = tpu.memref_slice %arg13[%add3A_9, %dma_start3A_95] : memref<12544x128xf32, #tpu.memory_space<vmem_shared>> -> memref<112x128xf32, #tpu.memory_space<vmem_shared>>
      %dma_start3A_97 = arith.constant 0 : i32
      %dma_start3A_98 = arith.constant 0 : i32
      %dma_start3A_99 = tpu.memref_slice %arg12[%dma_start3A_97, %dma_start3A_98] : memref<128x128xf32, #tpu.memory_space<vmem>> -> memref<112x128xf32, #tpu.memory_space<vmem>>
      tpu.enqueue_dma source(%dma_start3A_99 : memref<112x128xf32, #tpu.memory_space<vmem>>) target(%dma_start3A_96 : memref<112x128xf32, #tpu.memory_space<vmem_shared>>) target_semaphore(%run_scoped3A : memref<!tpu.dma_semaphore, #tpu.memory_space<semaphore_mem>>)
      %dma_wait3A = arith.constant 0 : i32
      %dma_wait3A_100 = arith.constant 0 : i32
      %dma_wait3A_101 = tpu.memref_slice %arg12[%dma_wait3A, %dma_wait3A_100] : memref<128x128xf32, #tpu.memory_space<vmem>> -> memref<112x128xf32, #tpu.memory_space<vmem>>
      %dma_wait3A_102 = arith.constant 0 : i32
      %dma_wait3A_103 = tpu.memref_slice %arg13[%add3A_9, %dma_wait3A_102] : memref<12544x128xf32, #tpu.memory_space<vmem_shared>> -> memref<112x128xf32, #tpu.memory_space<vmem_shared>>
      %dma_wait3A_104 = arith.constant 0 : i32
      %dma_wait3A_105 = tpu.memref_slice %arg13[%add3A_9, %dma_wait3A_104] : memref<12544x128xf32, #tpu.memory_space<vmem_shared>> -> memref<112x128xf32, #tpu.memory_space<vmem_shared>>
      %dma_wait3A_106 = arith.constant 0 : i32
      %dma_wait3A_107 = arith.constant 0 : i32
      %dma_wait3A_108 = tpu.memref_slice %arg12[%dma_wait3A_106, %dma_wait3A_107] : memref<128x128xf32, #tpu.memory_space<vmem>> -> memref<112x128xf32, #tpu.memory_space<vmem>>
      tpu.wait_dma2 semaphore(%run_scoped3A : memref<!tpu.dma_semaphore, #tpu.memory_space<semaphore_mem>>) src(%dma_wait3A_108 : memref<112x128xf32, #tpu.memory_space<vmem>>) dst(%dma_wait3A_105 : memref<112x128xf32, #tpu.memory_space<vmem_shared>>)
      tpu.yield
    }) : () -> ()
    %mul3A_10 = arith.constant 784 : i32
    %mul3A_11 = arith.muli %arg1, %mul3A_10 : i32
    %add3A_12 = arith.constant 224 : i32
    %add3A_13 = arith.addi %mul3A_11, %add3A_12 : i32
    "tpu.region"() ({
      %run_scoped3A = tpu.sem_alloc : memref<!tpu.dma_semaphore, #tpu.memory_space<semaphore_mem>>
      %dma_start3A = arith.constant 0 : i32
      %dma_start3A_91 = arith.constant 0 : i32
      %dma_start3A_92 = tpu.memref_slice %arg12[%dma_start3A, %dma_start3A_91] : memref<128x128xf32, #tpu.memory_space<vmem>> -> memref<112x128xf32, #tpu.memory_space<vmem>>
      %dma_start3A_93 = arith.constant 0 : i32
      %dma_start3A_94 = tpu.memref_slice %arg13[%add3A_13, %dma_start3A_93] : memref<12544x128xf32, #tpu.memory_space<vmem_shared>> -> memref<112x128xf32, #tpu.memory_space<vmem_shared>>
      %dma_start3A_95 = arith.constant 0 : i32
      %dma_start3A_96 = tpu.memref_slice %arg13[%add3A_13, %dma_start3A_95] : memref<12544x128xf32, #tpu.memory_space<vmem_shared>> -> memref<112x128xf32, #tpu.memory_space<vmem_shared>>
      %dma_start3A_97 = arith.constant 0 : i32
      %dma_start3A_98 = arith.constant 0 : i32
      %dma_start3A_99 = tpu.memref_slice %arg12[%dma_start3A_97, %dma_start3A_98] : memref<128x128xf32, #tpu.memory_space<vmem>> -> memref<112x128xf32, #tpu.memory_space<vmem>>
      tpu.enqueue_dma source(%dma_start3A_99 : memref<112x128xf32, #tpu.memory_space<vmem>>) target(%dma_start3A_96 : memref<112x128xf32, #tpu.memory_space<vmem_shared>>) target_semaphore(%run_scoped3A : memref<!tpu.dma_semaphore, #tpu.memory_space<semaphore_mem>>)
      %dma_wait3A = arith.constant 0 : i32
      %dma_wait3A_100 = arith.constant 0 : i32
      %dma_wait3A_101 = tpu.memref_slice %arg12[%dma_wait3A, %dma_wait3A_100] : memref<128x128xf32, #tpu.memory_space<vmem>> -> memref<112x128xf32, #tpu.memory_space<vmem>>
      %dma_wait3A_102 = arith.constant 0 : i32
      %dma_wait3A_103 = tpu.memref_slice %arg13[%add3A_13, %dma_wait3A_102] : memref<12544x128xf32, #tpu.memory_space<vmem_shared>> -> memref<112x128xf32, #tpu.memory_space<vmem_shared>>
      %dma_wait3A_104 = arith.constant 0 : i32
      %dma_wait3A_105 = tpu.memref_slice %arg13[%add3A_13, %dma_wait3A_104] : memref<12544x128xf32, #tpu.memory_space<vmem_shared>> -> memref<112x128xf32, #tpu.memory_space<vmem_shared>>
      %dma_wait3A_106 = arith.constant 0 : i32
      %dma_wait3A_107 = arith.constant 0 : i32
      %dma_wait3A_108 = tpu.memref_slice %arg12[%dma_wait3A_106, %dma_wait3A_107] : memref<128x128xf32, #tpu.memory_space<vmem>> -> memref<112x128xf32, #tpu.memory_space<vmem>>
      tpu.wait_dma2 semaphore(%run_scoped3A : memref<!tpu.dma_semaphore, #tpu.memory_space<semaphore_mem>>) src(%dma_wait3A_108 : memref<112x128xf32, #tpu.memory_space<vmem>>) dst(%dma_wait3A_105 : memref<112x128xf32, #tpu.memory_space<vmem_shared>>)
      tpu.yield
    }) : () -> ()
    %mul3A_14 = arith.constant 784 : i32
    %mul3A_15 = arith.muli %arg1, %mul3A_14 : i32
    %add3A_16 = arith.constant 336 : i32
    %add3A_17 = arith.addi %mul3A_15, %add3A_16 : i32
    "tpu.region"() ({
      %run_scoped3A = tpu.sem_alloc : memref<!tpu.dma_semaphore, #tpu.memory_space<semaphore_mem>>
      %dma_start3A = arith.constant 0 : i32
      %dma_start3A_91 = arith.constant 0 : i32
      %dma_start3A_92 = tpu.memref_slice %arg12[%dma_start3A, %dma_start3A_91] : memref<128x128xf32, #tpu.memory_space<vmem>> -> memref<112x128xf32, #tpu.memory_space<vmem>>
      %dma_start3A_93 = arith.constant 0 : i32
      %dma_start3A_94 = tpu.memref_slice %arg13[%add3A_17, %dma_start3A_93] : memref<12544x128xf32, #tpu.memory_space<vmem_shared>> -> memref<112x128xf32, #tpu.memory_space<vmem_shared>>
      %dma_start3A_95 = arith.constant 0 : i32
      %dma_start3A_96 = tpu.memref_slice %arg13[%add3A_17, %dma_start3A_95] : memref<12544x128xf32, #tpu.memory_space<vmem_shared>> -> memref<112x128xf32, #tpu.memory_space<vmem_shared>>
      %dma_start3A_97 = arith.constant 0 : i32
      %dma_start3A_98 = arith.constant 0 : i32
      %dma_start3A_99 = tpu.memref_slice %arg12[%dma_start3A_97, %dma_start3A_98] : memref<128x128xf32, #tpu.memory_space<vmem>> -> memref<112x128xf32, #tpu.memory_space<vmem>>
      tpu.enqueue_dma source(%dma_start3A_99 : memref<112x128xf32, #tpu.memory_space<vmem>>) target(%dma_start3A_96 : memref<112x128xf32, #tpu.memory_space<vmem_shared>>) target_semaphore(%run_scoped3A : memref<!tpu.dma_semaphore, #tpu.memory_space<semaphore_mem>>)
      %dma_wait3A = arith.constant 0 : i32
      %dma_wait3A_100 = arith.constant 0 : i32
      %dma_wait3A_101 = tpu.memref_slice %arg12[%dma_wait3A, %dma_wait3A_100] : memref<128x128xf32, #tpu.memory_space<vmem>> -> memref<112x128xf32, #tpu.memory_space<vmem>>
      %dma_wait3A_102 = arith.constant 0 : i32
      %dma_wait3A_103 = tpu.memref_slice %arg13[%add3A_17, %dma_wait3A_102] : memref<12544x128xf32, #tpu.memory_space<vmem_shared>> -> memref<112x128xf32, #tpu.memory_space<vmem_shared>>
      %dma_wait3A_104 = arith.constant 0 : i32
      %dma_wait3A_105 = tpu.memref_slice %arg13[%add3A_17, %dma_wait3A_104] : memref<12544x128xf32, #tpu.memory_space<vmem_shared>> -> memref<112x128xf32, #tpu.memory_space<vmem_shared>>
      %dma_wait3A_106 = arith.constant 0 : i32
      %dma_wait3A_107 = arith.constant 0 : i32
      %dma_wait3A_108 = tpu.memref_slice %arg12[%dma_wait3A_106, %dma_wait3A_107] : memref<128x128xf32, #tpu.memory_space<vmem>> -> memref<112x128xf32, #tpu.memory_space<vmem>>
      tpu.wait_dma2 semaphore(%run_scoped3A : memref<!tpu.dma_semaphore, #tpu.memory_space<semaphore_mem>>) src(%dma_wait3A_108 : memref<112x128xf32, #tpu.memory_space<vmem>>) dst(%dma_wait3A_105 : memref<112x128xf32, #tpu.memory_space<vmem_shared>>)
      tpu.yield
    }) : () -> ()
    %mul3A_18 = arith.constant 784 : i32
    %mul3A_19 = arith.muli %arg1, %mul3A_18 : i32
    %add3A_20 = arith.constant 448 : i32
    %add3A_21 = arith.addi %mul3A_19, %add3A_20 : i32
    "tpu.region"() ({
      %run_scoped3A = tpu.sem_alloc : memref<!tpu.dma_semaphore, #tpu.memory_space<semaphore_mem>>
      %dma_start3A = arith.constant 0 : i32
      %dma_start3A_91 = arith.constant 0 : i32
      %dma_start3A_92 = tpu.memref_slice %arg12[%dma_start3A, %dma_start3A_91] : memref<128x128xf32, #tpu.memory_space<vmem>> -> memref<112x128xf32, #tpu.memory_space<vmem>>
      %dma_start3A_93 = arith.constant 0 : i32
      %dma_start3A_94 = tpu.memref_slice %arg13[%add3A_21, %dma_start3A_93] : memref<12544x128xf32, #tpu.memory_space<vmem_shared>> -> memref<112x128xf32, #tpu.memory_space<vmem_shared>>
      %dma_start3A_95 = arith.constant 0 : i32
      %dma_start3A_96 = tpu.memref_slice %arg13[%add3A_21, %dma_start3A_95] : memref<12544x128xf32, #tpu.memory_space<vmem_shared>> -> memref<112x128xf32, #tpu.memory_space<vmem_shared>>
      %dma_start3A_97 = arith.constant 0 : i32
      %dma_start3A_98 = arith.constant 0 : i32
      %dma_start3A_99 = tpu.memref_slice %arg12[%dma_start3A_97, %dma_start3A_98] : memref<128x128xf32, #tpu.memory_space<vmem>> -> memref<112x128xf32, #tpu.memory_space<vmem>>
      tpu.enqueue_dma source(%dma_start3A_99 : memref<112x128xf32, #tpu.memory_space<vmem>>) target(%dma_start3A_96 : memref<112x128xf32, #tpu.memory_space<vmem_shared>>) target_semaphore(%run_scoped3A : memref<!tpu.dma_semaphore, #tpu.memory_space<semaphore_mem>>)
      %dma_wait3A = arith.constant 0 : i32
      %dma_wait3A_100 = arith.constant 0 : i32
      %dma_wait3A_101 = tpu.memref_slice %arg12[%dma_wait3A, %dma_wait3A_100] : memref<128x128xf32, #tpu.memory_space<vmem>> -> memref<112x128xf32, #tpu.memory_space<vmem>>
      %dma_wait3A_102 = arith.constant 0 : i32
      %dma_wait3A_103 = tpu.memref_slice %arg13[%add3A_21, %dma_wait3A_102] : memref<12544x128xf32, #tpu.memory_space<vmem_shared>> -> memref<112x128xf32, #tpu.memory_space<vmem_shared>>
      %dma_wait3A_104 = arith.constant 0 : i32
      %dma_wait3A_105 = tpu.memref_slice %arg13[%add3A_21, %dma_wait3A_104] : memref<12544x128xf32, #tpu.memory_space<vmem_shared>> -> memref<112x128xf32, #tpu.memory_space<vmem_shared>>
      %dma_wait3A_106 = arith.constant 0 : i32
      %dma_wait3A_107 = arith.constant 0 : i32
      %dma_wait3A_108 = tpu.memref_slice %arg12[%dma_wait3A_106, %dma_wait3A_107] : memref<128x128xf32, #tpu.memory_space<vmem>> -> memref<112x128xf32, #tpu.memory_space<vmem>>
      tpu.wait_dma2 semaphore(%run_scoped3A : memref<!tpu.dma_semaphore, #tpu.memory_space<semaphore_mem>>) src(%dma_wait3A_108 : memref<112x128xf32, #tpu.memory_space<vmem>>) dst(%dma_wait3A_105 : memref<112x128xf32, #tpu.memory_space<vmem_shared>>)
      tpu.yield
    }) : () -> ()
    %mul3A_22 = arith.constant 784 : i32
    %mul3A_23 = arith.muli %arg1, %mul3A_22 : i32
    %add3A_24 = arith.constant 560 : i32
    %add3A_25 = arith.addi %mul3A_23, %add3A_24 : i32
    "tpu.region"() ({
      %run_scoped3A = tpu.sem_alloc : memref<!tpu.dma_semaphore, #tpu.memory_space<semaphore_mem>>
      %dma_start3A = arith.constant 0 : i32
      %dma_start3A_91 = arith.constant 0 : i32
      %dma_start3A_92 = tpu.memref_slice %arg12[%dma_start3A, %dma_start3A_91] : memref<128x128xf32, #tpu.memory_space<vmem>> -> memref<112x128xf32, #tpu.memory_space<vmem>>
      %dma_start3A_93 = arith.constant 0 : i32
      %dma_start3A_94 = tpu.memref_slice %arg13[%add3A_25, %dma_start3A_93] : memref<12544x128xf32, #tpu.memory_space<vmem_shared>> -> memref<112x128xf32, #tpu.memory_space<vmem_shared>>
      %dma_start3A_95 = arith.constant 0 : i32
      %dma_start3A_96 = tpu.memref_slice %arg13[%add3A_25, %dma_start3A_95] : memref<12544x128xf32, #tpu.memory_space<vmem_shared>> -> memref<112x128xf32, #tpu.memory_space<vmem_shared>>
      %dma_start3A_97 = arith.constant 0 : i32
      %dma_start3A_98 = arith.constant 0 : i32
      %dma_start3A_99 = tpu.memref_slice %arg12[%dma_start3A_97, %dma_start3A_98] : memref<128x128xf32, #tpu.memory_space<vmem>> -> memref<112x128xf32, #tpu.memory_space<vmem>>
      tpu.enqueue_dma source(%dma_start3A_99 : memref<112x128xf32, #tpu.memory_space<vmem>>) target(%dma_start3A_96 : memref<112x128xf32, #tpu.memory_space<vmem_shared>>) target_semaphore(%run_scoped3A : memref<!tpu.dma_semaphore, #tpu.memory_space<semaphore_mem>>)
      %dma_wait3A = arith.constant 0 : i32
      %dma_wait3A_100 = arith.constant 0 : i32
      %dma_wait3A_101 = tpu.memref_slice %arg12[%dma_wait3A, %dma_wait3A_100] : memref<128x128xf32, #tpu.memory_space<vmem>> -> memref<112x128xf32, #tpu.memory_space<vmem>>
      %dma_wait3A_102 = arith.constant 0 : i32
      %dma_wait3A_103 = tpu.memref_slice %arg13[%add3A_25, %dma_wait3A_102] : memref<12544x128xf32, #tpu.memory_space<vmem_shared>> -> memref<112x128xf32, #tpu.memory_space<vmem_shared>>
      %dma_wait3A_104 = arith.constant 0 : i32
      %dma_wait3A_105 = tpu.memref_slice %arg13[%add3A_25, %dma_wait3A_104] : memref<12544x128xf32, #tpu.memory_space<vmem_shared>> -> memref<112x128xf32, #tpu.memory_space<vmem_shared>>
      %dma_wait3A_106 = arith.constant 0 : i32
      %dma_wait3A_107 = arith.constant 0 : i32
      %dma_wait3A_108 = tpu.memref_slice %arg12[%dma_wait3A_106, %dma_wait3A_107] : memref<128x128xf32, #tpu.memory_space<vmem>> -> memref<112x128xf32, #tpu.memory_space<vmem>>
      tpu.wait_dma2 semaphore(%run_scoped3A : memref<!tpu.dma_semaphore, #tpu.memory_space<semaphore_mem>>) src(%dma_wait3A_108 : memref<112x128xf32, #tpu.memory_space<vmem>>) dst(%dma_wait3A_105 : memref<112x128xf32, #tpu.memory_space<vmem_shared>>)
      tpu.yield
    }) : () -> ()
    %mul3A_26 = arith.constant 784 : i32
    %mul3A_27 = arith.muli %arg1, %mul3A_26 : i32
    %add3A_28 = arith.constant 672 : i32
    %add3A_29 = arith.addi %mul3A_27, %add3A_28 : i32
    "tpu.region"() ({
      %run_scoped3A = tpu.sem_alloc : memref<!tpu.dma_semaphore, #tpu.memory_space<semaphore_mem>>
      %dma_start3A = arith.constant 0 : i32
      %dma_start3A_91 = arith.constant 0 : i32
      %dma_start3A_92 = tpu.memref_slice %arg12[%dma_start3A, %dma_start3A_91] : memref<128x128xf32, #tpu.memory_space<vmem>> -> memref<112x128xf32, #tpu.memory_space<vmem>>
      %dma_start3A_93 = arith.constant 0 : i32
      %dma_start3A_94 = tpu.memref_slice %arg13[%add3A_29, %dma_start3A_93] : memref<12544x128xf32, #tpu.memory_space<vmem_shared>> -> memref<112x128xf32, #tpu.memory_space<vmem_shared>>
      %dma_start3A_95 = arith.constant 0 : i32
      %dma_start3A_96 = tpu.memref_slice %arg13[%add3A_29, %dma_start3A_95] : memref<12544x128xf32, #tpu.memory_space<vmem_shared>> -> memref<112x128xf32, #tpu.memory_space<vmem_shared>>
      %dma_start3A_97 = arith.constant 0 : i32
      %dma_start3A_98 = arith.constant 0 : i32
      %dma_start3A_99 = tpu.memref_slice %arg12[%dma_start3A_97, %dma_start3A_98] : memref<128x128xf32, #tpu.memory_space<vmem>> -> memref<112x128xf32, #tpu.memory_space<vmem>>
      tpu.enqueue_dma source(%dma_start3A_99 : memref<112x128xf32, #tpu.memory_space<vmem>>) target(%dma_start3A_96 : memref<112x128xf32, #tpu.memory_space<vmem_shared>>) target_semaphore(%run_scoped3A : memref<!tpu.dma_semaphore, #tpu.memory_space<semaphore_mem>>)
      %dma_wait3A = arith.constant 0 : i32
      %dma_wait3A_100 = arith.constant 0 : i32
      %dma_wait3A_101 = tpu.memref_slice %arg12[%dma_wait3A, %dma_wait3A_100] : memref<128x128xf32, #tpu.memory_space<vmem>> -> memref<112x128xf32, #tpu.memory_space<vmem>>
      %dma_wait3A_102 = arith.constant 0 : i32
      %dma_wait3A_103 = tpu.memref_slice %arg13[%add3A_29, %dma_wait3A_102] : memref<12544x128xf32, #tpu.memory_space<vmem_shared>> -> memref<112x128xf32, #tpu.memory_space<vmem_shared>>
      %dma_wait3A_104 = arith.constant 0 : i32
      %dma_wait3A_105 = tpu.memref_slice %arg13[%add3A_29, %dma_wait3A_104] : memref<12544x128xf32, #tpu.memory_space<vmem_shared>> -> memref<112x128xf32, #tpu.memory_space<vmem_shared>>
      %dma_wait3A_106 = arith.constant 0 : i32
      %dma_wait3A_107 = arith.constant 0 : i32
      %dma_wait3A_108 = tpu.memref_slice %arg12[%dma_wait3A_106, %dma_wait3A_107] : memref<128x128xf32, #tpu.memory_space<vmem>> -> memref<112x128xf32, #tpu.memory_space<vmem>>
      tpu.wait_dma2 semaphore(%run_scoped3A : memref<!tpu.dma_semaphore, #tpu.memory_space<semaphore_mem>>) src(%dma_wait3A_108 : memref<112x128xf32, #tpu.memory_space<vmem>>) dst(%dma_wait3A_105 : memref<112x128xf32, #tpu.memory_space<vmem_shared>>)
      tpu.yield
    }) : () -> ()
    %barrier3A = arith.constant 0 : index
    tpu.barrier barrier_id(%barrier3A)
    %lt3A = arith.constant 10 : i32
    %lt3A_30 = arith.cmpi slt, %arg1, %lt3A : i32
    %jit3A = arith.constant 1 : i32
    %jit3A_31 = arith.constant 0 : i32
    %select_n3A = arith.select %lt3A_30, %jit3A, %jit3A_31 : i32
    %add3A_32 = arith.constant 390 : i32
    %add3A_33 = arith.addi %add3A_32, %select_n3A : i32
    %while3A = arith.constant 0 : i32
    %while3A_34 = arith.constant 0 : i32
    %while3A_35 = arith.subi %add3A_33, %while3A_34 : i32
    %while3A_36 = arith.addi %while3A_34, %while3A_35 : i32
    %while3A_37 = arith.constant 1 : i32
    %while3A_38 = arith.divsi %while3A_35, %while3A_37 : i32
    %while3A_39 = arith.muli %while3A_38, %while3A_37 : i32
    %while3A_40 = arith.addi %while3A_34, %while3A_39 : i32
    %while3A_41 = arith.constant 1 : i32
    scf.for %while3A_91 = %while3A_34 to %while3A_40 step %while3A_41  : i32 {
      %mul3A_92 = arith.constant 16 : i32
      %mul3A_93 = arith.muli %while3A_91, %mul3A_92 : i32
      %add3A_94 = arith.addi %mul3A_93, %arg1 : i32
      %mul3A_95 = arith.constant 128 : i32
      %mul3A_96 = arith.muli %add3A_94, %mul3A_95 : i32
      "tpu.region"() ({
        %run_scoped3A = tpu.sem_alloc : memref<!tpu.dma_semaphore, #tpu.memory_space<semaphore_mem>>
        %dma_start3A_116 = tpu.memref_slice %arg3[%mul3A_96] : memref<1600000xi32, #tpu.memory_space<hbm>> -> memref<128xi32, #tpu.memory_space<hbm>>
        %dma_start3A_117 = tpu.memref_slice %arg3[%mul3A_96] : memref<1600000xi32, #tpu.memory_space<hbm>> -> memref<128xi32, #tpu.memory_space<hbm>>
        tpu.enqueue_dma source(%dma_start3A_117 : memref<128xi32, #tpu.memory_space<hbm>>) target(%arg6 : memref<128xi32, #tpu.memory_space<vmem>>) target_semaphore(%run_scoped3A : memref<!tpu.dma_semaphore, #tpu.memory_space<semaphore_mem>>)
        %dma_wait3A_118 = tpu.memref_slice %arg3[%mul3A_96] : memref<1600000xi32, #tpu.memory_space<hbm>> -> memref<128xi32, #tpu.memory_space<hbm>>
        %dma_wait3A_119 = tpu.memref_slice %arg3[%mul3A_96] : memref<1600000xi32, #tpu.memory_space<hbm>> -> memref<128xi32, #tpu.memory_space<hbm>>
        tpu.wait_dma2 semaphore(%run_scoped3A : memref<!tpu.dma_semaphore, #tpu.memory_space<semaphore_mem>>) src(%dma_wait3A_119 : memref<128xi32, #tpu.memory_space<hbm>>) dst(%arg6 : memref<128xi32, #tpu.memory_space<vmem>>)
        tpu.yield
      }) : () -> ()
      %add3A_97 = arith.constant 800000 : i32
      %add3A_98 = arith.addi %add3A_97, %mul3A_96 : i32
      "tpu.region"() ({
        %run_scoped3A = tpu.sem_alloc : memref<!tpu.dma_semaphore, #tpu.memory_space<semaphore_mem>>
        %dma_start3A_116 = tpu.memref_slice %arg3[%add3A_98] : memref<1600000xi32, #tpu.memory_space<hbm>> -> memref<128xi32, #tpu.memory_space<hbm>>
        %dma_start3A_117 = tpu.memref_slice %arg3[%add3A_98] : memref<1600000xi32, #tpu.memory_space<hbm>> -> memref<128xi32, #tpu.memory_space<hbm>>
        tpu.enqueue_dma source(%dma_start3A_117 : memref<128xi32, #tpu.memory_space<hbm>>) target(%arg7 : memref<128xi32, #tpu.memory_space<vmem>>) target_semaphore(%run_scoped3A : memref<!tpu.dma_semaphore, #tpu.memory_space<semaphore_mem>>)
        %dma_wait3A_118 = tpu.memref_slice %arg3[%add3A_98] : memref<1600000xi32, #tpu.memory_space<hbm>> -> memref<128xi32, #tpu.memory_space<hbm>>
        %dma_wait3A_119 = tpu.memref_slice %arg3[%add3A_98] : memref<1600000xi32, #tpu.memory_space<hbm>> -> memref<128xi32, #tpu.memory_space<hbm>>
        tpu.wait_dma2 semaphore(%run_scoped3A : memref<!tpu.dma_semaphore, #tpu.memory_space<semaphore_mem>>) src(%dma_wait3A_119 : memref<128xi32, #tpu.memory_space<hbm>>) dst(%arg7 : memref<128xi32, #tpu.memory_space<vmem>>)
        tpu.yield
      }) : () -> ()
      %scan3A = arith.constant 0 : i32
      %scan3A_99 = arith.constant 0 : i32
      %scan3A_100 = arith.constant 8 : i32
      %scan3A_101 = arith.addi %scan3A_99, %scan3A_100 : i32
      %scan3A_102 = arith.constant 1 : i32
      scf.for %scan3A_116 = %scan3A_99 to %scan3A_101 step %scan3A_102  : i32 {
        %mul3A_117 = arith.constant 16 : i32
        %mul3A_118 = arith.muli %scan3A_116, %mul3A_117 : i32
        %get3A = arith.index_cast %mul3A_118 : i32 to index
        %get3A_119 = tpu.vector_load %arg6[%get3A] {strides = array<i32>} : memref<128xi32, #tpu.memory_space<vmem>>, vector<16xi32>,
        %get3A_120 = vector.shape_cast %get3A_119 : vector<16xi32> to vector<16xi32>
        %get3A_121 = arith.index_cast %mul3A_118 : i32 to index
        %get3A_122 = tpu.vector_load %arg7[%get3A_121] {strides = array<i32>} : memref<128xi32, #tpu.memory_space<vmem>>, vector<16xi32>,
        %get3A_123 = vector.shape_cast %get3A_122 : vector<16xi32> to vector<16xi32>
        %ge3A = vector.broadcast %mul3A_0 : i32 to vector<16xi32>
        %ge3A_124 = arith.cmpi sge, %get3A_123, %ge3A : vector<16xi32>
        %lt3A_125 = vector.broadcast %add3A_1 : i32 to vector<16xi32>
        %lt3A_126 = arith.cmpi slt, %get3A_123, %lt3A_125 : vector<16xi32>
        %and3A = arith.andi %ge3A_124, %lt3A_126 : vector<16xi1>
        %ge3A_127 = vector.broadcast %mul3A_0 : i32 to vector<16xi32>
        %ge3A_128 = arith.cmpi sge, %get3A_120, %ge3A_127 : vector<16xi32>
        %lt3A_129 = vector.broadcast %add3A_1 : i32 to vector<16xi32>
        %lt3A_130 = arith.cmpi slt, %get3A_120, %lt3A_129 : vector<16xi32>
        %and3A_131 = arith.andi %ge3A_128, %lt3A_130 : vector<16xi1>
        %jit3A_132 = arith.constant -1 : i32
        %broadcast_in_dim3A = vector.broadcast %jit3A_132 : i32 to vector<16xi32>
        %select_n3A_133 = arith.select %and3A, %get3A_120, %broadcast_in_dim3A : vector<16xi1>, vector<16xi32>
        %swap3A = arith.index_cast %mul3A_118 : i32 to index
        %swap3A_134 = tpu.vector_load %arg8[%swap3A] {strides = array<i32>} : memref<128xi32, #tpu.memory_space<vmem>>, vector<16xi32>,
        %swap3A_135 = vector.shape_cast %swap3A_134 : vector<16xi32> to vector<16xi32>
        %swap3A_136 = vector.shape_cast %select_n3A_133 : vector<16xi32> to vector<16xi32>
        tpu.vector_store %arg8[%swap3A], %swap3A_136 {strides = array<i32>} : memref<128xi32, #tpu.memory_space<vmem>>, vector<16xi32>,
        %sub3A = vector.broadcast %mul3A_0 : i32 to vector<16xi32>
        %sub3A_137 = arith.subi %get3A_123, %sub3A : vector<16xi32>
        %jit3A_138 = arith.constant -1 : i32
        %broadcast_in_dim3A_139 = vector.broadcast %jit3A_138 : i32 to vector<16xi32>
        %select_n3A_140 = arith.select %and3A, %sub3A_137, %broadcast_in_dim3A_139 : vector<16xi1>, vector<16xi32>
        %swap3A_141 = arith.index_cast %mul3A_118 : i32 to index
        %swap3A_142 = tpu.vector_load %arg9[%swap3A_141] {strides = array<i32>} : memref<128xi32, #tpu.memory_space<vmem>>, vector<16xi32>,
        %swap3A_143 = vector.shape_cast %swap3A_142 : vector<16xi32> to vector<16xi32>
        %swap3A_144 = vector.shape_cast %select_n3A_140 : vector<16xi32> to vector<16xi32>
        tpu.vector_store %arg9[%swap3A_141], %swap3A_144 {strides = array<i32>} : memref<128xi32, #tpu.memory_space<vmem>>, vector<16xi32>,
        %jit3A_145 = arith.constant -1 : i32
        %broadcast_in_dim3A_146 = vector.broadcast %jit3A_145 : i32 to vector<16xi32>
        %select_n3A_147 = arith.select %and3A_131, %get3A_123, %broadcast_in_dim3A_146 : vector<16xi1>, vector<16xi32>
        %swap3A_148 = arith.index_cast %mul3A_118 : i32 to index
        %swap3A_149 = tpu.vector_load %arg10[%swap3A_148] {strides = array<i32>} : memref<128xi32, #tpu.memory_space<vmem>>, vector<16xi32>,
        %swap3A_150 = vector.shape_cast %swap3A_149 : vector<16xi32> to vector<16xi32>
        %swap3A_151 = vector.shape_cast %select_n3A_147 : vector<16xi32> to vector<16xi32>
        tpu.vector_store %arg10[%swap3A_148], %swap3A_151 {strides = array<i32>} : memref<128xi32, #tpu.memory_space<vmem>>, vector<16xi32>,
        %sub3A_152 = vector.broadcast %mul3A_0 : i32 to vector<16xi32>
        %sub3A_153 = arith.subi %get3A_120, %sub3A_152 : vector<16xi32>
        %jit3A_154 = arith.constant -1 : i32
        %broadcast_in_dim3A_155 = vector.broadcast %jit3A_154 : i32 to vector<16xi32>
        %select_n3A_156 = arith.select %and3A_131, %sub3A_153, %broadcast_in_dim3A_155 : vector<16xi1>, vector<16xi32>
        %swap3A_157 = arith.index_cast %mul3A_118 : i32 to index
        %swap3A_158 = tpu.vector_load %arg11[%swap3A_157] {strides = array<i32>} : memref<128xi32, #tpu.memory_space<vmem>>, vector<16xi32>,
        %swap3A_159 = vector.shape_cast %swap3A_158 : vector<16xi32> to vector<16xi32>
        %swap3A_160 = vector.shape_cast %select_n3A_156 : vector<16xi32> to vector<16xi32>
        tpu.vector_store %arg11[%swap3A_157], %swap3A_160 {strides = array<i32>} : memref<128xi32, #tpu.memory_space<vmem>>, vector<16xi32>,
      }
      %scan3A_103 = arith.constant 8 : i32
      %dma_start3A = arith.constant 0 : i32
      %dma_start3A_104 = arith.constant 0 : i32
      %dma_start3A_105 = tpu.memref_slice %arg2[%dma_start3A, %dma_start3A_104] : memref<25000x128xf32, #tpu.memory_space<hbm>> -> memref<25000x128xf32, #tpu.memory_space<hbm>>
      %dma_start3A_106 = arith.constant -1 : i32
      tpu.enqueue_indirect_dma source(%dma_start3A_105 : memref<25000x128xf32, #tpu.memory_space<hbm>>) target(%arg12 : memref<128x128xf32, #tpu.memory_space<vmem>>) offsets(%arg8 : memref<128xi32, #tpu.memory_space<vmem>>) offset_filter(%dma_start3A_106) semaphore(%arg14 : memref<!tpu.dma_semaphore, #tpu.memory_space<semaphore_mem>>)
      %dma_wait3A = arith.constant 0 : i32
      %dma_wait3A_107 = arith.constant 0 : i32
      %dma_wait3A_108 = tpu.memref_slice %arg2[%dma_wait3A, %dma_wait3A_107] : memref<25000x128xf32, #tpu.memory_space<hbm>> -> memref<25000x128xf32, #tpu.memory_space<hbm>>
      tpu.wait_indirect_dma semaphore(%arg14 : memref<!tpu.dma_semaphore, #tpu.memory_space<semaphore_mem>>) src(%dma_wait3A_108 : memref<25000x128xf32, #tpu.memory_space<hbm>>) dst(%arg12 : memref<128x128xf32, #tpu.memory_space<vmem>>)
      "tpu.region"() ({
        %run_scoped3A = tpu.sem_alloc : memref<!tpu.dma_semaphore, #tpu.memory_space<semaphore_mem>>
        %dma_start3A_116 = arith.constant 0 : i32
        %dma_start3A_117 = arith.constant 0 : i32
        %dma_start3A_118 = tpu.memref_slice %arg13[%dma_start3A_116, %dma_start3A_117] : memref<12544x128xf32, #tpu.memory_space<vmem_shared>> -> memref<12544x128xf32, #tpu.memory_space<vmem_shared>>
        %dma_start3A_119 = arith.constant -1 : i32
        tpu.enqueue_indirect_dma source(%arg12 : memref<128x128xf32, #tpu.memory_space<vmem>>) target(%dma_start3A_118 : memref<12544x128xf32, #tpu.memory_space<vmem_shared>>) offsets(%arg9 : memref<128xi32, #tpu.memory_space<vmem>>) offset_filter(%dma_start3A_119) semaphore(%run_scoped3A : memref<!tpu.dma_semaphore, #tpu.memory_space<semaphore_mem>>) {add = true}
        %dma_wait3A_120 = arith.constant 0 : i32
        %dma_wait3A_121 = arith.constant 0 : i32
        %dma_wait3A_122 = tpu.memref_slice %arg13[%dma_wait3A_120, %dma_wait3A_121] : memref<12544x128xf32, #tpu.memory_space<vmem_shared>> -> memref<12544x128xf32, #tpu.memory_space<vmem_shared>>
        tpu.wait_indirect_dma semaphore(%run_scoped3A : memref<!tpu.dma_semaphore, #tpu.memory_space<semaphore_mem>>) src(%arg12 : memref<128x128xf32, #tpu.memory_space<vmem>>) dst(%dma_wait3A_122 : memref<12544x128xf32, #tpu.memory_space<vmem_shared>>)
        tpu.yield
      }) : () -> ()
      %dma_start3A_109 = arith.constant 0 : i32
      %dma_start3A_110 = arith.constant 0 : i32
      %dma_start3A_111 = tpu.memref_slice %arg2[%dma_start3A_109, %dma_start3A_110] : memref<25000x128xf32, #tpu.memory_space<hbm>> -> memref<25000x128xf32, #tpu.memory_space<hbm>>
      %dma_start3A_112 = arith.constant -1 : i32
      tpu.enqueue_indirect_dma source(%dma_start3A_111 : memref<25000x128xf32, #tpu.memory_space<hbm>>) target(%arg12 : memref<128x128xf32, #tpu.memory_space<vmem>>) offsets(%arg10 : memref<128xi32, #tpu.memory_space<vmem>>) offset_filter(%dma_start3A_112) semaphore(%arg14 : memref<!tpu.dma_semaphore, #tpu.memory_space<semaphore_mem>>)
      %dma_wait3A_113 = arith.constant 0 : i32
      %dma_wait3A_114 = arith.constant 0 : i32
      %dma_wait3A_115 = tpu.memref_slice %arg2[%dma_wait3A_113, %dma_wait3A_114] : memref<25000x128xf32, #tpu.memory_space<hbm>> -> memref<25000x128xf32, #tpu.memory_space<hbm>>
      tpu.wait_indirect_dma semaphore(%arg14 : memref<!tpu.dma_semaphore, #tpu.memory_space<semaphore_mem>>) src(%dma_wait3A_115 : memref<25000x128xf32, #tpu.memory_space<hbm>>) dst(%arg12 : memref<128x128xf32, #tpu.memory_space<vmem>>)
      "tpu.region"() ({
        %run_scoped3A = tpu.sem_alloc : memref<!tpu.dma_semaphore, #tpu.memory_space<semaphore_mem>>
        %dma_start3A_116 = arith.constant 0 : i32
        %dma_start3A_117 = arith.constant 0 : i32
        %dma_start3A_118 = tpu.memref_slice %arg13[%dma_start3A_116, %dma_start3A_117] : memref<12544x128xf32, #tpu.memory_space<vmem_shared>> -> memref<12544x128xf32, #tpu.memory_space<vmem_shared>>
        %dma_start3A_119 = arith.constant -1 : i32
        tpu.enqueue_indirect_dma source(%arg12 : memref<128x128xf32, #tpu.memory_space<vmem>>) target(%dma_start3A_118 : memref<12544x128xf32, #tpu.memory_space<vmem_shared>>) offsets(%arg11 : memref<128xi32, #tpu.memory_space<vmem>>) offset_filter(%dma_start3A_119) semaphore(%run_scoped3A : memref<!tpu.dma_semaphore, #tpu.memory_space<semaphore_mem>>) {add = true}
        %dma_wait3A_120 = arith.constant 0 : i32
        %dma_wait3A_121 = arith.constant 0 : i32
        %dma_wait3A_122 = tpu.memref_slice %arg13[%dma_wait3A_120, %dma_wait3A_121] : memref<12544x128xf32, #tpu.memory_space<vmem_shared>> -> memref<12544x128xf32, #tpu.memory_space<vmem_shared>>
        tpu.wait_indirect_dma semaphore(%run_scoped3A : memref<!tpu.dma_semaphore, #tpu.memory_space<semaphore_mem>>) src(%arg12 : memref<128x128xf32, #tpu.memory_space<vmem>>) dst(%dma_wait3A_122 : memref<12544x128xf32, #tpu.memory_space<vmem_shared>>)
        tpu.yield
      }) : () -> ()
    }
    %while3A_42 = arith.constant 1 : i32
    scf.for %while3A_91 = %while3A_40 to %while3A_36 step %while3A_42  : i32 {
      %mul3A_92 = arith.constant 16 : i32
      %mul3A_93 = arith.muli %while3A_91, %mul3A_92 : i32
      %add3A_94 = arith.addi %mul3A_93, %arg1 : i32
      %mul3A_95 = arith.constant 128 : i32
      %mul3A_96 = arith.muli %add3A_94, %mul3A_95 : i32
      "tpu.region"() ({
        %run_scoped3A = tpu.sem_alloc : memref<!tpu.dma_semaphore, #tpu.memory_space<semaphore_mem>>
        %dma_start3A_116 = tpu.memref_slice %arg3[%mul3A_96] : memref<1600000xi32, #tpu.memory_space<hbm>> -> memref<128xi32, #tpu.memory_space<hbm>>
        %dma_start3A_117 = tpu.memref_slice %arg3[%mul3A_96] : memref<1600000xi32, #tpu.memory_space<hbm>> -> memref<128xi32, #tpu.memory_space<hbm>>
        tpu.enqueue_dma source(%dma_start3A_117 : memref<128xi32, #tpu.memory_space<hbm>>) target(%arg6 : memref<128xi32, #tpu.memory_space<vmem>>) target_semaphore(%run_scoped3A : memref<!tpu.dma_semaphore, #tpu.memory_space<semaphore_mem>>)
        %dma_wait3A_118 = tpu.memref_slice %arg3[%mul3A_96] : memref<1600000xi32, #tpu.memory_space<hbm>> -> memref<128xi32, #tpu.memory_space<hbm>>
        %dma_wait3A_119 = tpu.memref_slice %arg3[%mul3A_96] : memref<1600000xi32, #tpu.memory_space<hbm>> -> memref<128xi32, #tpu.memory_space<hbm>>
        tpu.wait_dma2 semaphore(%run_scoped3A : memref<!tpu.dma_semaphore, #tpu.memory_space<semaphore_mem>>) src(%dma_wait3A_119 : memref<128xi32, #tpu.memory_space<hbm>>) dst(%arg6 : memref<128xi32, #tpu.memory_space<vmem>>)
        tpu.yield
      }) : () -> ()
      %add3A_97 = arith.constant 800000 : i32
      %add3A_98 = arith.addi %add3A_97, %mul3A_96 : i32
      "tpu.region"() ({
        %run_scoped3A = tpu.sem_alloc : memref<!tpu.dma_semaphore, #tpu.memory_space<semaphore_mem>>
        %dma_start3A_116 = tpu.memref_slice %arg3[%add3A_98] : memref<1600000xi32, #tpu.memory_space<hbm>> -> memref<128xi32, #tpu.memory_space<hbm>>
        %dma_start3A_117 = tpu.memref_slice %arg3[%add3A_98] : memref<1600000xi32, #tpu.memory_space<hbm>> -> memref<128xi32, #tpu.memory_space<hbm>>
        tpu.enqueue_dma source(%dma_start3A_117 : memref<128xi32, #tpu.memory_space<hbm>>) target(%arg7 : memref<128xi32, #tpu.memory_space<vmem>>) target_semaphore(%run_scoped3A : memref<!tpu.dma_semaphore, #tpu.memory_space<semaphore_mem>>)
        %dma_wait3A_118 = tpu.memref_slice %arg3[%add3A_98] : memref<1600000xi32, #tpu.memory_space<hbm>> -> memref<128xi32, #tpu.memory_space<hbm>>
        %dma_wait3A_119 = tpu.memref_slice %arg3[%add3A_98] : memref<1600000xi32, #tpu.memory_space<hbm>> -> memref<128xi32, #tpu.memory_space<hbm>>
        tpu.wait_dma2 semaphore(%run_scoped3A : memref<!tpu.dma_semaphore, #tpu.memory_space<semaphore_mem>>) src(%dma_wait3A_119 : memref<128xi32, #tpu.memory_space<hbm>>) dst(%arg7 : memref<128xi32, #tpu.memory_space<vmem>>)
        tpu.yield
      }) : () -> ()
      %scan3A = arith.constant 0 : i32
      %scan3A_99 = arith.constant 0 : i32
      %scan3A_100 = arith.constant 8 : i32
      %scan3A_101 = arith.addi %scan3A_99, %scan3A_100 : i32
      %scan3A_102 = arith.constant 1 : i32
      scf.for %scan3A_116 = %scan3A_99 to %scan3A_101 step %scan3A_102  : i32 {
        %mul3A_117 = arith.constant 16 : i32
        %mul3A_118 = arith.muli %scan3A_116, %mul3A_117 : i32
        %get3A = arith.index_cast %mul3A_118 : i32 to index
        %get3A_119 = tpu.vector_load %arg6[%get3A] {strides = array<i32>} : memref<128xi32, #tpu.memory_space<vmem>>, vector<16xi32>,
        %get3A_120 = vector.shape_cast %get3A_119 : vector<16xi32> to vector<16xi32>
        %get3A_121 = arith.index_cast %mul3A_118 : i32 to index
        %get3A_122 = tpu.vector_load %arg7[%get3A_121] {strides = array<i32>} : memref<128xi32, #tpu.memory_space<vmem>>, vector<16xi32>,
        %get3A_123 = vector.shape_cast %get3A_122 : vector<16xi32> to vector<16xi32>
        %ge3A = vector.broadcast %mul3A_0 : i32 to vector<16xi32>
        %ge3A_124 = arith.cmpi sge, %get3A_123, %ge3A : vector<16xi32>
        %lt3A_125 = vector.broadcast %add3A_1 : i32 to vector<16xi32>
        %lt3A_126 = arith.cmpi slt, %get3A_123, %lt3A_125 : vector<16xi32>
        %and3A = arith.andi %ge3A_124, %lt3A_126 : vector<16xi1>
        %ge3A_127 = vector.broadcast %mul3A_0 : i32 to vector<16xi32>
        %ge3A_128 = arith.cmpi sge, %get3A_120, %ge3A_127 : vector<16xi32>
        %lt3A_129 = vector.broadcast %add3A_1 : i32 to vector<16xi32>
        %lt3A_130 = arith.cmpi slt, %get3A_120, %lt3A_129 : vector<16xi32>
        %and3A_131 = arith.andi %ge3A_128, %lt3A_130 : vector<16xi1>
        %jit3A_132 = arith.constant -1 : i32
        %broadcast_in_dim3A = vector.broadcast %jit3A_132 : i32 to vector<16xi32>
        %select_n3A_133 = arith.select %and3A, %get3A_120, %broadcast_in_dim3A : vector<16xi1>, vector<16xi32>
        %swap3A = arith.index_cast %mul3A_118 : i32 to index
        %swap3A_134 = tpu.vector_load %arg8[%swap3A] {strides = array<i32>} : memref<128xi32, #tpu.memory_space<vmem>>, vector<16xi32>,
        %swap3A_135 = vector.shape_cast %swap3A_134 : vector<16xi32> to vector<16xi32>
        %swap3A_136 = vector.shape_cast %select_n3A_133 : vector<16xi32> to vector<16xi32>
        tpu.vector_store %arg8[%swap3A], %swap3A_136 {strides = array<i32>} : memref<128xi32, #tpu.memory_space<vmem>>, vector<16xi32>,
        %sub3A = vector.broadcast %mul3A_0 : i32 to vector<16xi32>
        %sub3A_137 = arith.subi %get3A_123, %sub3A : vector<16xi32>
        %jit3A_138 = arith.constant -1 : i32
        %broadcast_in_dim3A_139 = vector.broadcast %jit3A_138 : i32 to vector<16xi32>
        %select_n3A_140 = arith.select %and3A, %sub3A_137, %broadcast_in_dim3A_139 : vector<16xi1>, vector<16xi32>
        %swap3A_141 = arith.index_cast %mul3A_118 : i32 to index
        %swap3A_142 = tpu.vector_load %arg9[%swap3A_141] {strides = array<i32>} : memref<128xi32, #tpu.memory_space<vmem>>, vector<16xi32>,
        %swap3A_143 = vector.shape_cast %swap3A_142 : vector<16xi32> to vector<16xi32>
        %swap3A_144 = vector.shape_cast %select_n3A_140 : vector<16xi32> to vector<16xi32>
        tpu.vector_store %arg9[%swap3A_141], %swap3A_144 {strides = array<i32>} : memref<128xi32, #tpu.memory_space<vmem>>, vector<16xi32>,
        %jit3A_145 = arith.constant -1 : i32
        %broadcast_in_dim3A_146 = vector.broadcast %jit3A_145 : i32 to vector<16xi32>
        %select_n3A_147 = arith.select %and3A_131, %get3A_123, %broadcast_in_dim3A_146 : vector<16xi1>, vector<16xi32>
        %swap3A_148 = arith.index_cast %mul3A_118 : i32 to index
        %swap3A_149 = tpu.vector_load %arg10[%swap3A_148] {strides = array<i32>} : memref<128xi32, #tpu.memory_space<vmem>>, vector<16xi32>,
        %swap3A_150 = vector.shape_cast %swap3A_149 : vector<16xi32> to vector<16xi32>
        %swap3A_151 = vector.shape_cast %select_n3A_147 : vector<16xi32> to vector<16xi32>
        tpu.vector_store %arg10[%swap3A_148], %swap3A_151 {strides = array<i32>} : memref<128xi32, #tpu.memory_space<vmem>>, vector<16xi32>,
        %sub3A_152 = vector.broadcast %mul3A_0 : i32 to vector<16xi32>
        %sub3A_153 = arith.subi %get3A_120, %sub3A_152 : vector<16xi32>
        %jit3A_154 = arith.constant -1 : i32
        %broadcast_in_dim3A_155 = vector.broadcast %jit3A_154 : i32 to vector<16xi32>
        %select_n3A_156 = arith.select %and3A_131, %sub3A_153, %broadcast_in_dim3A_155 : vector<16xi1>, vector<16xi32>
        %swap3A_157 = arith.index_cast %mul3A_118 : i32 to index
        %swap3A_158 = tpu.vector_load %arg11[%swap3A_157] {strides = array<i32>} : memref<128xi32, #tpu.memory_space<vmem>>, vector<16xi32>,
        %swap3A_159 = vector.shape_cast %swap3A_158 : vector<16xi32> to vector<16xi32>
        %swap3A_160 = vector.shape_cast %select_n3A_156 : vector<16xi32> to vector<16xi32>
        tpu.vector_store %arg11[%swap3A_157], %swap3A_160 {strides = array<i32>} : memref<128xi32, #tpu.memory_space<vmem>>, vector<16xi32>,
      }
      %scan3A_103 = arith.constant 8 : i32
      %dma_start3A = arith.constant 0 : i32
      %dma_start3A_104 = arith.constant 0 : i32
      %dma_start3A_105 = tpu.memref_slice %arg2[%dma_start3A, %dma_start3A_104] : memref<25000x128xf32, #tpu.memory_space<hbm>> -> memref<25000x128xf32, #tpu.memory_space<hbm>>
      %dma_start3A_106 = arith.constant -1 : i32
      tpu.enqueue_indirect_dma source(%dma_start3A_105 : memref<25000x128xf32, #tpu.memory_space<hbm>>) target(%arg12 : memref<128x128xf32, #tpu.memory_space<vmem>>) offsets(%arg8 : memref<128xi32, #tpu.memory_space<vmem>>) offset_filter(%dma_start3A_106) semaphore(%arg14 : memref<!tpu.dma_semaphore, #tpu.memory_space<semaphore_mem>>)
      %dma_wait3A = arith.constant 0 : i32
      %dma_wait3A_107 = arith.constant 0 : i32
      %dma_wait3A_108 = tpu.memref_slice %arg2[%dma_wait3A, %dma_wait3A_107] : memref<25000x128xf32, #tpu.memory_space<hbm>> -> memref<25000x128xf32, #tpu.memory_space<hbm>>
      tpu.wait_indirect_dma semaphore(%arg14 : memref<!tpu.dma_semaphore, #tpu.memory_space<semaphore_mem>>) src(%dma_wait3A_108 : memref<25000x128xf32, #tpu.memory_space<hbm>>) dst(%arg12 : memref<128x128xf32, #tpu.memory_space<vmem>>)
      "tpu.region"() ({
        %run_scoped3A = tpu.sem_alloc : memref<!tpu.dma_semaphore, #tpu.memory_space<semaphore_mem>>
        %dma_start3A_116 = arith.constant 0 : i32
        %dma_start3A_117 = arith.constant 0 : i32
        %dma_start3A_118 = tpu.memref_slice %arg13[%dma_start3A_116, %dma_start3A_117] : memref<12544x128xf32, #tpu.memory_space<vmem_shared>> -> memref<12544x128xf32, #tpu.memory_space<vmem_shared>>
        %dma_start3A_119 = arith.constant -1 : i32
        tpu.enqueue_indirect_dma source(%arg12 : memref<128x128xf32, #tpu.memory_space<vmem>>) target(%dma_start3A_118 : memref<12544x128xf32, #tpu.memory_space<vmem_shared>>) offsets(%arg9 : memref<128xi32, #tpu.memory_space<vmem>>) offset_filter(%dma_start3A_119) semaphore(%run_scoped3A : memref<!tpu.dma_semaphore, #tpu.memory_space<semaphore_mem>>) {add = true}
        %dma_wait3A_120 = arith.constant 0 : i32
        %dma_wait3A_121 = arith.constant 0 : i32
        %dma_wait3A_122 = tpu.memref_slice %arg13[%dma_wait3A_120, %dma_wait3A_121] : memref<12544x128xf32, #tpu.memory_space<vmem_shared>> -> memref<12544x128xf32, #tpu.memory_space<vmem_shared>>
        tpu.wait_indirect_dma semaphore(%run_scoped3A : memref<!tpu.dma_semaphore, #tpu.memory_space<semaphore_mem>>) src(%arg12 : memref<128x128xf32, #tpu.memory_space<vmem>>) dst(%dma_wait3A_122 : memref<12544x128xf32, #tpu.memory_space<vmem_shared>>)
        tpu.yield
      }) : () -> ()
      %dma_start3A_109 = arith.constant 0 : i32
      %dma_start3A_110 = arith.constant 0 : i32
      %dma_start3A_111 = tpu.memref_slice %arg2[%dma_start3A_109, %dma_start3A_110] : memref<25000x128xf32, #tpu.memory_space<hbm>> -> memref<25000x128xf32, #tpu.memory_space<hbm>>
      %dma_start3A_112 = arith.constant -1 : i32
      tpu.enqueue_indirect_dma source(%dma_start3A_111 : memref<25000x128xf32, #tpu.memory_space<hbm>>) target(%arg12 : memref<128x128xf32, #tpu.memory_space<vmem>>) offsets(%arg10 : memref<128xi32, #tpu.memory_space<vmem>>) offset_filter(%dma_start3A_112) semaphore(%arg14 : memref<!tpu.dma_semaphore, #tpu.memory_space<semaphore_mem>>)
      %dma_wait3A_113 = arith.constant 0 : i32
      %dma_wait3A_114 = arith.constant 0 : i32
      %dma_wait3A_115 = tpu.memref_slice %arg2[%dma_wait3A_113, %dma_wait3A_114] : memref<25000x128xf32, #tpu.memory_space<hbm>> -> memref<25000x128xf32, #tpu.memory_space<hbm>>
      tpu.wait_indirect_dma semaphore(%arg14 : memref<!tpu.dma_semaphore, #tpu.memory_space<semaphore_mem>>) src(%dma_wait3A_115 : memref<25000x128xf32, #tpu.memory_space<hbm>>) dst(%arg12 : memref<128x128xf32, #tpu.memory_space<vmem>>)
      "tpu.region"() ({
        %run_scoped3A = tpu.sem_alloc : memref<!tpu.dma_semaphore, #tpu.memory_space<semaphore_mem>>
        %dma_start3A_116 = arith.constant 0 : i32
        %dma_start3A_117 = arith.constant 0 : i32
        %dma_start3A_118 = tpu.memref_slice %arg13[%dma_start3A_116, %dma_start3A_117] : memref<12544x128xf32, #tpu.memory_space<vmem_shared>> -> memref<12544x128xf32, #tpu.memory_space<vmem_shared>>
        %dma_start3A_119 = arith.constant -1 : i32
        tpu.enqueue_indirect_dma source(%arg12 : memref<128x128xf32, #tpu.memory_space<vmem>>) target(%dma_start3A_118 : memref<12544x128xf32, #tpu.memory_space<vmem_shared>>) offsets(%arg11 : memref<128xi32, #tpu.memory_space<vmem>>) offset_filter(%dma_start3A_119) semaphore(%run_scoped3A : memref<!tpu.dma_semaphore, #tpu.memory_space<semaphore_mem>>) {add = true}
        %dma_wait3A_120 = arith.constant 0 : i32
        %dma_wait3A_121 = arith.constant 0 : i32
        %dma_wait3A_122 = tpu.memref_slice %arg13[%dma_wait3A_120, %dma_wait3A_121] : memref<12544x128xf32, #tpu.memory_space<vmem_shared>> -> memref<12544x128xf32, #tpu.memory_space<vmem_shared>>
        tpu.wait_indirect_dma semaphore(%run_scoped3A : memref<!tpu.dma_semaphore, #tpu.memory_space<semaphore_mem>>) src(%arg12 : memref<128x128xf32, #tpu.memory_space<vmem>>) dst(%dma_wait3A_122 : memref<12544x128xf32, #tpu.memory_space<vmem_shared>>)
        tpu.yield
      }) : () -> ()
    }
    %barrier3A_43 = arith.constant 0 : index
    tpu.barrier barrier_id(%barrier3A_43)
    %mul3A_44 = arith.constant 12544 : i32
    %mul3A_45 = arith.muli %arg0, %mul3A_44 : i32
    %mul3A_46 = arith.constant 784 : i32
    %mul3A_47 = arith.muli %arg1, %mul3A_46 : i32
    %add3A_48 = arith.addi %mul3A_45, %mul3A_47 : i32
    %mul3A_49 = arith.constant 784 : i32
    %mul3A_50 = arith.muli %arg1, %mul3A_49 : i32
    %add3A_51 = arith.constant 0 : i32
    %add3A_52 = arith.addi %mul3A_50, %add3A_51 : i32
    "tpu.region"() ({
      %run_scoped3A = tpu.sem_alloc : memref<!tpu.dma_semaphore, #tpu.memory_space<semaphore_mem>>
      %dma_start3A = arith.constant 0 : i32
      %dma_start3A_91 = arith.constant 0 : i32
      %dma_start3A_92 = tpu.memref_slice %arg12[%dma_start3A, %dma_start3A_91] : memref<128x128xf32, #tpu.memory_space<vmem>> -> memref<112x128xf32, #tpu.memory_space<vmem>>
      %dma_start3A_93 = arith.constant 0 : i32
      %dma_start3A_94 = tpu.memref_slice %arg13[%add3A_52, %dma_start3A_93] : memref<12544x128xf32, #tpu.memory_space<vmem_shared>> -> memref<112x128xf32, #tpu.memory_space<vmem_shared>>
      %dma_start3A_95 = arith.constant 0 : i32
      %dma_start3A_96 = arith.constant 0 : i32
      %dma_start3A_97 = tpu.memref_slice %arg12[%dma_start3A_95, %dma_start3A_96] : memref<128x128xf32, #tpu.memory_space<vmem>> -> memref<112x128xf32, #tpu.memory_space<vmem>>
      %dma_start3A_98 = arith.constant 0 : i32
      %dma_start3A_99 = tpu.memref_slice %arg13[%add3A_52, %dma_start3A_98] : memref<12544x128xf32, #tpu.memory_space<vmem_shared>> -> memref<112x128xf32, #tpu.memory_space<vmem_shared>>
      tpu.enqueue_dma source(%dma_start3A_99 : memref<112x128xf32, #tpu.memory_space<vmem_shared>>) target(%dma_start3A_97 : memref<112x128xf32, #tpu.memory_space<vmem>>) target_semaphore(%run_scoped3A : memref<!tpu.dma_semaphore, #tpu.memory_space<semaphore_mem>>)
      %dma_wait3A = arith.constant 0 : i32
      %dma_wait3A_100 = arith.constant 0 : i32
      %dma_wait3A_101 = tpu.memref_slice %arg12[%dma_wait3A, %dma_wait3A_100] : memref<128x128xf32, #tpu.memory_space<vmem>> -> memref<112x128xf32, #tpu.memory_space<vmem>>
      %dma_wait3A_102 = arith.constant 0 : i32
      %dma_wait3A_103 = tpu.memref_slice %arg13[%add3A_52, %dma_wait3A_102] : memref<12544x128xf32, #tpu.memory_space<vmem_shared>> -> memref<112x128xf32, #tpu.memory_space<vmem_shared>>
      %dma_wait3A_104 = arith.constant 0 : i32
      %dma_wait3A_105 = arith.constant 0 : i32
      %dma_wait3A_106 = tpu.memref_slice %arg12[%dma_wait3A_104, %dma_wait3A_105] : memref<128x128xf32, #tpu.memory_space<vmem>> -> memref<112x128xf32, #tpu.memory_space<vmem>>
      %dma_wait3A_107 = arith.constant 0 : i32
      %dma_wait3A_108 = tpu.memref_slice %arg13[%add3A_52, %dma_wait3A_107] : memref<12544x128xf32, #tpu.memory_space<vmem_shared>> -> memref<112x128xf32, #tpu.memory_space<vmem_shared>>
      tpu.wait_dma2 semaphore(%run_scoped3A : memref<!tpu.dma_semaphore, #tpu.memory_space<semaphore_mem>>) src(%dma_wait3A_108 : memref<112x128xf32, #tpu.memory_space<vmem_shared>>) dst(%dma_wait3A_106 : memref<112x128xf32, #tpu.memory_space<vmem>>)
      tpu.yield
    }) : () -> ()
    %add3A_53 = arith.constant 0 : i32
    %add3A_54 = arith.addi %add3A_48, %add3A_53 : i32
    "tpu.region"() ({
      %run_scoped3A = tpu.sem_alloc : memref<!tpu.dma_semaphore, #tpu.memory_space<semaphore_mem>>
      %dma_start3A = arith.constant 0 : i32
      %dma_start3A_91 = arith.constant 0 : i32
      %dma_start3A_92 = tpu.memref_slice %arg12[%dma_start3A, %dma_start3A_91] : memref<128x128xf32, #tpu.memory_space<vmem>> -> memref<112x128xf32, #tpu.memory_space<vmem>>
      %dma_start3A_93 = arith.constant 0 : i32
      %dma_start3A_94 = tpu.memref_slice %arg5[%add3A_54, %dma_start3A_93] : memref<25088x128xf32, #tpu.memory_space<hbm>> -> memref<112x128xf32, #tpu.memory_space<hbm>>
      %dma_start3A_95 = arith.constant 0 : i32
      %dma_start3A_96 = tpu.memref_slice %arg5[%add3A_54, %dma_start3A_95] : memref<25088x128xf32, #tpu.memory_space<hbm>> -> memref<112x128xf32, #tpu.memory_space<hbm>>
      %dma_start3A_97 = arith.constant 0 : i32
      %dma_start3A_98 = arith.constant 0 : i32
      %dma_start3A_99 = tpu.memref_slice %arg12[%dma_start3A_97, %dma_start3A_98] : memref<128x128xf32, #tpu.memory_space<vmem>> -> memref<112x128xf32, #tpu.memory_space<vmem>>
      tpu.enqueue_dma source(%dma_start3A_99 : memref<112x128xf32, #tpu.memory_space<vmem>>) target(%dma_start3A_96 : memref<112x128xf32, #tpu.memory_space<hbm>>) target_semaphore(%run_scoped3A : memref<!tpu.dma_semaphore, #tpu.memory_space<semaphore_mem>>)
      %dma_wait3A = arith.constant 0 : i32
      %dma_wait3A_100 = arith.constant 0 : i32
      %dma_wait3A_101 = tpu.memref_slice %arg12[%dma_wait3A, %dma_wait3A_100] : memref<128x128xf32, #tpu.memory_space<vmem>> -> memref<112x128xf32, #tpu.memory_space<vmem>>
      %dma_wait3A_102 = arith.constant 0 : i32
      %dma_wait3A_103 = tpu.memref_slice %arg5[%add3A_54, %dma_wait3A_102] : memref<25088x128xf32, #tpu.memory_space<hbm>> -> memref<112x128xf32, #tpu.memory_space<hbm>>
      %dma_wait3A_104 = arith.constant 0 : i32
      %dma_wait3A_105 = tpu.memref_slice %arg5[%add3A_54, %dma_wait3A_104] : memref<25088x128xf32, #tpu.memory_space<hbm>> -> memref<112x128xf32, #tpu.memory_space<hbm>>
      %dma_wait3A_106 = arith.constant 0 : i32
      %dma_wait3A_107 = arith.constant 0 : i32
      %dma_wait3A_108 = tpu.memref_slice %arg12[%dma_wait3A_106, %dma_wait3A_107] : memref<128x128xf32, #tpu.memory_space<vmem>> -> memref<112x128xf32, #tpu.memory_space<vmem>>
      tpu.wait_dma2 semaphore(%run_scoped3A : memref<!tpu.dma_semaphore, #tpu.memory_space<semaphore_mem>>) src(%dma_wait3A_108 : memref<112x128xf32, #tpu.memory_space<vmem>>) dst(%dma_wait3A_105 : memref<112x128xf32, #tpu.memory_space<hbm>>)
      tpu.yield
    }) : () -> ()
    %mul3A_55 = arith.constant 784 : i32
    %mul3A_56 = arith.muli %arg1, %mul3A_55 : i32
    %add3A_57 = arith.constant 112 : i32
    %add3A_58 = arith.addi %mul3A_56, %add3A_57 : i32
    "tpu.region"() ({
      %run_scoped3A = tpu.sem_alloc : memref<!tpu.dma_semaphore, #tpu.memory_space<semaphore_mem>>
      %dma_start3A = arith.constant 0 : i32
      %dma_start3A_91 = arith.constant 0 : i32
      %dma_start3A_92 = tpu.memref_slice %arg12[%dma_start3A, %dma_start3A_91] : memref<128x128xf32, #tpu.memory_space<vmem>> -> memref<112x128xf32, #tpu.memory_space<vmem>>
      %dma_start3A_93 = arith.constant 0 : i32
      %dma_start3A_94 = tpu.memref_slice %arg13[%add3A_58, %dma_start3A_93] : memref<12544x128xf32, #tpu.memory_space<vmem_shared>> -> memref<112x128xf32, #tpu.memory_space<vmem_shared>>
      %dma_start3A_95 = arith.constant 0 : i32
      %dma_start3A_96 = arith.constant 0 : i32
      %dma_start3A_97 = tpu.memref_slice %arg12[%dma_start3A_95, %dma_start3A_96] : memref<128x128xf32, #tpu.memory_space<vmem>> -> memref<112x128xf32, #tpu.memory_space<vmem>>
      %dma_start3A_98 = arith.constant 0 : i32
      %dma_start3A_99 = tpu.memref_slice %arg13[%add3A_58, %dma_start3A_98] : memref<12544x128xf32, #tpu.memory_space<vmem_shared>> -> memref<112x128xf32, #tpu.memory_space<vmem_shared>>
      tpu.enqueue_dma source(%dma_start3A_99 : memref<112x128xf32, #tpu.memory_space<vmem_shared>>) target(%dma_start3A_97 : memref<112x128xf32, #tpu.memory_space<vmem>>) target_semaphore(%run_scoped3A : memref<!tpu.dma_semaphore, #tpu.memory_space<semaphore_mem>>)
      %dma_wait3A = arith.constant 0 : i32
      %dma_wait3A_100 = arith.constant 0 : i32
      %dma_wait3A_101 = tpu.memref_slice %arg12[%dma_wait3A, %dma_wait3A_100] : memref<128x128xf32, #tpu.memory_space<vmem>> -> memref<112x128xf32, #tpu.memory_space<vmem>>
      %dma_wait3A_102 = arith.constant 0 : i32
      %dma_wait3A_103 = tpu.memref_slice %arg13[%add3A_58, %dma_wait3A_102] : memref<12544x128xf32, #tpu.memory_space<vmem_shared>> -> memref<112x128xf32, #tpu.memory_space<vmem_shared>>
      %dma_wait3A_104 = arith.constant 0 : i32
      %dma_wait3A_105 = arith.constant 0 : i32
      %dma_wait3A_106 = tpu.memref_slice %arg12[%dma_wait3A_104, %dma_wait3A_105] : memref<128x128xf32, #tpu.memory_space<vmem>> -> memref<112x128xf32, #tpu.memory_space<vmem>>
      %dma_wait3A_107 = arith.constant 0 : i32
      %dma_wait3A_108 = tpu.memref_slice %arg13[%add3A_58, %dma_wait3A_107] : memref<12544x128xf32, #tpu.memory_space<vmem_shared>> -> memref<112x128xf32, #tpu.memory_space<vmem_shared>>
      tpu.wait_dma2 semaphore(%run_scoped3A : memref<!tpu.dma_semaphore, #tpu.memory_space<semaphore_mem>>) src(%dma_wait3A_108 : memref<112x128xf32, #tpu.memory_space<vmem_shared>>) dst(%dma_wait3A_106 : memref<112x128xf32, #tpu.memory_space<vmem>>)
      tpu.yield
    }) : () -> ()
    %add3A_59 = arith.constant 112 : i32
    %add3A_60 = arith.addi %add3A_48, %add3A_59 : i32
    "tpu.region"() ({
      %run_scoped3A = tpu.sem_alloc : memref<!tpu.dma_semaphore, #tpu.memory_space<semaphore_mem>>
      %dma_start3A = arith.constant 0 : i32
      %dma_start3A_91 = arith.constant 0 : i32
      %dma_start3A_92 = tpu.memref_slice %arg12[%dma_start3A, %dma_start3A_91] : memref<128x128xf32, #tpu.memory_space<vmem>> -> memref<112x128xf32, #tpu.memory_space<vmem>>
      %dma_start3A_93 = arith.constant 0 : i32
      %dma_start3A_94 = tpu.memref_slice %arg5[%add3A_60, %dma_start3A_93] : memref<25088x128xf32, #tpu.memory_space<hbm>> -> memref<112x128xf32, #tpu.memory_space<hbm>>
      %dma_start3A_95 = arith.constant 0 : i32
      %dma_start3A_96 = tpu.memref_slice %arg5[%add3A_60, %dma_start3A_95] : memref<25088x128xf32, #tpu.memory_space<hbm>> -> memref<112x128xf32, #tpu.memory_space<hbm>>
      %dma_start3A_97 = arith.constant 0 : i32
      %dma_start3A_98 = arith.constant 0 : i32
      %dma_start3A_99 = tpu.memref_slice %arg12[%dma_start3A_97, %dma_start3A_98] : memref<128x128xf32, #tpu.memory_space<vmem>> -> memref<112x128xf32, #tpu.memory_space<vmem>>
      tpu.enqueue_dma source(%dma_start3A_99 : memref<112x128xf32, #tpu.memory_space<vmem>>) target(%dma_start3A_96 : memref<112x128xf32, #tpu.memory_space<hbm>>) target_semaphore(%run_scoped3A : memref<!tpu.dma_semaphore, #tpu.memory_space<semaphore_mem>>)
      %dma_wait3A = arith.constant 0 : i32
      %dma_wait3A_100 = arith.constant 0 : i32
      %dma_wait3A_101 = tpu.memref_slice %arg12[%dma_wait3A, %dma_wait3A_100] : memref<128x128xf32, #tpu.memory_space<vmem>> -> memref<112x128xf32, #tpu.memory_space<vmem>>
      %dma_wait3A_102 = arith.constant 0 : i32
      %dma_wait3A_103 = tpu.memref_slice %arg5[%add3A_60, %dma_wait3A_102] : memref<25088x128xf32, #tpu.memory_space<hbm>> -> memref<112x128xf32, #tpu.memory_space<hbm>>
      %dma_wait3A_104 = arith.constant 0 : i32
      %dma_wait3A_105 = tpu.memref_slice %arg5[%add3A_60, %dma_wait3A_104] : memref<25088x128xf32, #tpu.memory_space<hbm>> -> memref<112x128xf32, #tpu.memory_space<hbm>>
      %dma_wait3A_106 = arith.constant 0 : i32
      %dma_wait3A_107 = arith.constant 0 : i32
      %dma_wait3A_108 = tpu.memref_slice %arg12[%dma_wait3A_106, %dma_wait3A_107] : memref<128x128xf32, #tpu.memory_space<vmem>> -> memref<112x128xf32, #tpu.memory_space<vmem>>
      tpu.wait_dma2 semaphore(%run_scoped3A : memref<!tpu.dma_semaphore, #tpu.memory_space<semaphore_mem>>) src(%dma_wait3A_108 : memref<112x128xf32, #tpu.memory_space<vmem>>) dst(%dma_wait3A_105 : memref<112x128xf32, #tpu.memory_space<hbm>>)
      tpu.yield
    }) : () -> ()
    %mul3A_61 = arith.constant 784 : i32
    %mul3A_62 = arith.muli %arg1, %mul3A_61 : i32
    %add3A_63 = arith.constant 224 : i32
    %add3A_64 = arith.addi %mul3A_62, %add3A_63 : i32
    "tpu.region"() ({
      %run_scoped3A = tpu.sem_alloc : memref<!tpu.dma_semaphore, #tpu.memory_space<semaphore_mem>>
      %dma_start3A = arith.constant 0 : i32
      %dma_start3A_91 = arith.constant 0 : i32
      %dma_start3A_92 = tpu.memref_slice %arg12[%dma_start3A, %dma_start3A_91] : memref<128x128xf32, #tpu.memory_space<vmem>> -> memref<112x128xf32, #tpu.memory_space<vmem>>
      %dma_start3A_93 = arith.constant 0 : i32
      %dma_start3A_94 = tpu.memref_slice %arg13[%add3A_64, %dma_start3A_93] : memref<12544x128xf32, #tpu.memory_space<vmem_shared>> -> memref<112x128xf32, #tpu.memory_space<vmem_shared>>
      %dma_start3A_95 = arith.constant 0 : i32
      %dma_start3A_96 = arith.constant 0 : i32
      %dma_start3A_97 = tpu.memref_slice %arg12[%dma_start3A_95, %dma_start3A_96] : memref<128x128xf32, #tpu.memory_space<vmem>> -> memref<112x128xf32, #tpu.memory_space<vmem>>
      %dma_start3A_98 = arith.constant 0 : i32
      %dma_start3A_99 = tpu.memref_slice %arg13[%add3A_64, %dma_start3A_98] : memref<12544x128xf32, #tpu.memory_space<vmem_shared>> -> memref<112x128xf32, #tpu.memory_space<vmem_shared>>
      tpu.enqueue_dma source(%dma_start3A_99 : memref<112x128xf32, #tpu.memory_space<vmem_shared>>) target(%dma_start3A_97 : memref<112x128xf32, #tpu.memory_space<vmem>>) target_semaphore(%run_scoped3A : memref<!tpu.dma_semaphore, #tpu.memory_space<semaphore_mem>>)
      %dma_wait3A = arith.constant 0 : i32
      %dma_wait3A_100 = arith.constant 0 : i32
      %dma_wait3A_101 = tpu.memref_slice %arg12[%dma_wait3A, %dma_wait3A_100] : memref<128x128xf32, #tpu.memory_space<vmem>> -> memref<112x128xf32, #tpu.memory_space<vmem>>
      %dma_wait3A_102 = arith.constant 0 : i32
      %dma_wait3A_103 = tpu.memref_slice %arg13[%add3A_64, %dma_wait3A_102] : memref<12544x128xf32, #tpu.memory_space<vmem_shared>> -> memref<112x128xf32, #tpu.memory_space<vmem_shared>>
      %dma_wait3A_104 = arith.constant 0 : i32
      %dma_wait3A_105 = arith.constant 0 : i32
      %dma_wait3A_106 = tpu.memref_slice %arg12[%dma_wait3A_104, %dma_wait3A_105] : memref<128x128xf32, #tpu.memory_space<vmem>> -> memref<112x128xf32, #tpu.memory_space<vmem>>
      %dma_wait3A_107 = arith.constant 0 : i32
      %dma_wait3A_108 = tpu.memref_slice %arg13[%add3A_64, %dma_wait3A_107] : memref<12544x128xf32, #tpu.memory_space<vmem_shared>> -> memref<112x128xf32, #tpu.memory_space<vmem_shared>>
      tpu.wait_dma2 semaphore(%run_scoped3A : memref<!tpu.dma_semaphore, #tpu.memory_space<semaphore_mem>>) src(%dma_wait3A_108 : memref<112x128xf32, #tpu.memory_space<vmem_shared>>) dst(%dma_wait3A_106 : memref<112x128xf32, #tpu.memory_space<vmem>>)
      tpu.yield
    }) : () -> ()
    %add3A_65 = arith.constant 224 : i32
    %add3A_66 = arith.addi %add3A_48, %add3A_65 : i32
    "tpu.region"() ({
      %run_scoped3A = tpu.sem_alloc : memref<!tpu.dma_semaphore, #tpu.memory_space<semaphore_mem>>
      %dma_start3A = arith.constant 0 : i32
      %dma_start3A_91 = arith.constant 0 : i32
      %dma_start3A_92 = tpu.memref_slice %arg12[%dma_start3A, %dma_start3A_91] : memref<128x128xf32, #tpu.memory_space<vmem>> -> memref<112x128xf32, #tpu.memory_space<vmem>>
      %dma_start3A_93 = arith.constant 0 : i32
      %dma_start3A_94 = tpu.memref_slice %arg5[%add3A_66, %dma_start3A_93] : memref<25088x128xf32, #tpu.memory_space<hbm>> -> memref<112x128xf32, #tpu.memory_space<hbm>>
      %dma_start3A_95 = arith.constant 0 : i32
      %dma_start3A_96 = tpu.memref_slice %arg5[%add3A_66, %dma_start3A_95] : memref<25088x128xf32, #tpu.memory_space<hbm>> -> memref<112x128xf32, #tpu.memory_space<hbm>>
      %dma_start3A_97 = arith.constant 0 : i32
      %dma_start3A_98 = arith.constant 0 : i32
      %dma_start3A_99 = tpu.memref_slice %arg12[%dma_start3A_97, %dma_start3A_98] : memref<128x128xf32, #tpu.memory_space<vmem>> -> memref<112x128xf32, #tpu.memory_space<vmem>>
      tpu.enqueue_dma source(%dma_start3A_99 : memref<112x128xf32, #tpu.memory_space<vmem>>) target(%dma_start3A_96 : memref<112x128xf32, #tpu.memory_space<hbm>>) target_semaphore(%run_scoped3A : memref<!tpu.dma_semaphore, #tpu.memory_space<semaphore_mem>>)
      %dma_wait3A = arith.constant 0 : i32
      %dma_wait3A_100 = arith.constant 0 : i32
      %dma_wait3A_101 = tpu.memref_slice %arg12[%dma_wait3A, %dma_wait3A_100] : memref<128x128xf32, #tpu.memory_space<vmem>> -> memref<112x128xf32, #tpu.memory_space<vmem>>
      %dma_wait3A_102 = arith.constant 0 : i32
      %dma_wait3A_103 = tpu.memref_slice %arg5[%add3A_66, %dma_wait3A_102] : memref<25088x128xf32, #tpu.memory_space<hbm>> -> memref<112x128xf32, #tpu.memory_space<hbm>>
      %dma_wait3A_104 = arith.constant 0 : i32
      %dma_wait3A_105 = tpu.memref_slice %arg5[%add3A_66, %dma_wait3A_104] : memref<25088x128xf32, #tpu.memory_space<hbm>> -> memref<112x128xf32, #tpu.memory_space<hbm>>
      %dma_wait3A_106 = arith.constant 0 : i32
      %dma_wait3A_107 = arith.constant 0 : i32
      %dma_wait3A_108 = tpu.memref_slice %arg12[%dma_wait3A_106, %dma_wait3A_107] : memref<128x128xf32, #tpu.memory_space<vmem>> -> memref<112x128xf32, #tpu.memory_space<vmem>>
      tpu.wait_dma2 semaphore(%run_scoped3A : memref<!tpu.dma_semaphore, #tpu.memory_space<semaphore_mem>>) src(%dma_wait3A_108 : memref<112x128xf32, #tpu.memory_space<vmem>>) dst(%dma_wait3A_105 : memref<112x128xf32, #tpu.memory_space<hbm>>)
      tpu.yield
    }) : () -> ()
    %mul3A_67 = arith.constant 784 : i32
    %mul3A_68 = arith.muli %arg1, %mul3A_67 : i32
    %add3A_69 = arith.constant 336 : i32
    %add3A_70 = arith.addi %mul3A_68, %add3A_69 : i32
    "tpu.region"() ({
      %run_scoped3A = tpu.sem_alloc : memref<!tpu.dma_semaphore, #tpu.memory_space<semaphore_mem>>
      %dma_start3A = arith.constant 0 : i32
      %dma_start3A_91 = arith.constant 0 : i32
      %dma_start3A_92 = tpu.memref_slice %arg12[%dma_start3A, %dma_start3A_91] : memref<128x128xf32, #tpu.memory_space<vmem>> -> memref<112x128xf32, #tpu.memory_space<vmem>>
      %dma_start3A_93 = arith.constant 0 : i32
      %dma_start3A_94 = tpu.memref_slice %arg13[%add3A_70, %dma_start3A_93] : memref<12544x128xf32, #tpu.memory_space<vmem_shared>> -> memref<112x128xf32, #tpu.memory_space<vmem_shared>>
      %dma_start3A_95 = arith.constant 0 : i32
      %dma_start3A_96 = arith.constant 0 : i32
      %dma_start3A_97 = tpu.memref_slice %arg12[%dma_start3A_95, %dma_start3A_96] : memref<128x128xf32, #tpu.memory_space<vmem>> -> memref<112x128xf32, #tpu.memory_space<vmem>>
      %dma_start3A_98 = arith.constant 0 : i32
      %dma_start3A_99 = tpu.memref_slice %arg13[%add3A_70, %dma_start3A_98] : memref<12544x128xf32, #tpu.memory_space<vmem_shared>> -> memref<112x128xf32, #tpu.memory_space<vmem_shared>>
      tpu.enqueue_dma source(%dma_start3A_99 : memref<112x128xf32, #tpu.memory_space<vmem_shared>>) target(%dma_start3A_97 : memref<112x128xf32, #tpu.memory_space<vmem>>) target_semaphore(%run_scoped3A : memref<!tpu.dma_semaphore, #tpu.memory_space<semaphore_mem>>)
      %dma_wait3A = arith.constant 0 : i32
      %dma_wait3A_100 = arith.constant 0 : i32
      %dma_wait3A_101 = tpu.memref_slice %arg12[%dma_wait3A, %dma_wait3A_100] : memref<128x128xf32, #tpu.memory_space<vmem>> -> memref<112x128xf32, #tpu.memory_space<vmem>>
      %dma_wait3A_102 = arith.constant 0 : i32
      %dma_wait3A_103 = tpu.memref_slice %arg13[%add3A_70, %dma_wait3A_102] : memref<12544x128xf32, #tpu.memory_space<vmem_shared>> -> memref<112x128xf32, #tpu.memory_space<vmem_shared>>
      %dma_wait3A_104 = arith.constant 0 : i32
      %dma_wait3A_105 = arith.constant 0 : i32
      %dma_wait3A_106 = tpu.memref_slice %arg12[%dma_wait3A_104, %dma_wait3A_105] : memref<128x128xf32, #tpu.memory_space<vmem>> -> memref<112x128xf32, #tpu.memory_space<vmem>>
      %dma_wait3A_107 = arith.constant 0 : i32
      %dma_wait3A_108 = tpu.memref_slice %arg13[%add3A_70, %dma_wait3A_107] : memref<12544x128xf32, #tpu.memory_space<vmem_shared>> -> memref<112x128xf32, #tpu.memory_space<vmem_shared>>
      tpu.wait_dma2 semaphore(%run_scoped3A : memref<!tpu.dma_semaphore, #tpu.memory_space<semaphore_mem>>) src(%dma_wait3A_108 : memref<112x128xf32, #tpu.memory_space<vmem_shared>>) dst(%dma_wait3A_106 : memref<112x128xf32, #tpu.memory_space<vmem>>)
      tpu.yield
    }) : () -> ()
    %add3A_71 = arith.constant 336 : i32
    %add3A_72 = arith.addi %add3A_48, %add3A_71 : i32
    "tpu.region"() ({
      %run_scoped3A = tpu.sem_alloc : memref<!tpu.dma_semaphore, #tpu.memory_space<semaphore_mem>>
      %dma_start3A = arith.constant 0 : i32
      %dma_start3A_91 = arith.constant 0 : i32
      %dma_start3A_92 = tpu.memref_slice %arg12[%dma_start3A, %dma_start3A_91] : memref<128x128xf32, #tpu.memory_space<vmem>> -> memref<112x128xf32, #tpu.memory_space<vmem>>
      %dma_start3A_93 = arith.constant 0 : i32
      %dma_start3A_94 = tpu.memref_slice %arg5[%add3A_72, %dma_start3A_93] : memref<25088x128xf32, #tpu.memory_space<hbm>> -> memref<112x128xf32, #tpu.memory_space<hbm>>
      %dma_start3A_95 = arith.constant 0 : i32
      %dma_start3A_96 = tpu.memref_slice %arg5[%add3A_72, %dma_start3A_95] : memref<25088x128xf32, #tpu.memory_space<hbm>> -> memref<112x128xf32, #tpu.memory_space<hbm>>
      %dma_start3A_97 = arith.constant 0 : i32
      %dma_start3A_98 = arith.constant 0 : i32
      %dma_start3A_99 = tpu.memref_slice %arg12[%dma_start3A_97, %dma_start3A_98] : memref<128x128xf32, #tpu.memory_space<vmem>> -> memref<112x128xf32, #tpu.memory_space<vmem>>
      tpu.enqueue_dma source(%dma_start3A_99 : memref<112x128xf32, #tpu.memory_space<vmem>>) target(%dma_start3A_96 : memref<112x128xf32, #tpu.memory_space<hbm>>) target_semaphore(%run_scoped3A : memref<!tpu.dma_semaphore, #tpu.memory_space<semaphore_mem>>)
      %dma_wait3A = arith.constant 0 : i32
      %dma_wait3A_100 = arith.constant 0 : i32
      %dma_wait3A_101 = tpu.memref_slice %arg12[%dma_wait3A, %dma_wait3A_100] : memref<128x128xf32, #tpu.memory_space<vmem>> -> memref<112x128xf32, #tpu.memory_space<vmem>>
      %dma_wait3A_102 = arith.constant 0 : i32
      %dma_wait3A_103 = tpu.memref_slice %arg5[%add3A_72, %dma_wait3A_102] : memref<25088x128xf32, #tpu.memory_space<hbm>> -> memref<112x128xf32, #tpu.memory_space<hbm>>
      %dma_wait3A_104 = arith.constant 0 : i32
      %dma_wait3A_105 = tpu.memref_slice %arg5[%add3A_72, %dma_wait3A_104] : memref<25088x128xf32, #tpu.memory_space<hbm>> -> memref<112x128xf32, #tpu.memory_space<hbm>>
      %dma_wait3A_106 = arith.constant 0 : i32
      %dma_wait3A_107 = arith.constant 0 : i32
      %dma_wait3A_108 = tpu.memref_slice %arg12[%dma_wait3A_106, %dma_wait3A_107] : memref<128x128xf32, #tpu.memory_space<vmem>> -> memref<112x128xf32, #tpu.memory_space<vmem>>
      tpu.wait_dma2 semaphore(%run_scoped3A : memref<!tpu.dma_semaphore, #tpu.memory_space<semaphore_mem>>) src(%dma_wait3A_108 : memref<112x128xf32, #tpu.memory_space<vmem>>) dst(%dma_wait3A_105 : memref<112x128xf32, #tpu.memory_space<hbm>>)
      tpu.yield
    }) : () -> ()
    %mul3A_73 = arith.constant 784 : i32
    %mul3A_74 = arith.muli %arg1, %mul3A_73 : i32
    %add3A_75 = arith.constant 448 : i32
    %add3A_76 = arith.addi %mul3A_74, %add3A_75 : i32
    "tpu.region"() ({
      %run_scoped3A = tpu.sem_alloc : memref<!tpu.dma_semaphore, #tpu.memory_space<semaphore_mem>>
      %dma_start3A = arith.constant 0 : i32
      %dma_start3A_91 = arith.constant 0 : i32
      %dma_start3A_92 = tpu.memref_slice %arg12[%dma_start3A, %dma_start3A_91] : memref<128x128xf32, #tpu.memory_space<vmem>> -> memref<112x128xf32, #tpu.memory_space<vmem>>
      %dma_start3A_93 = arith.constant 0 : i32
      %dma_start3A_94 = tpu.memref_slice %arg13[%add3A_76, %dma_start3A_93] : memref<12544x128xf32, #tpu.memory_space<vmem_shared>> -> memref<112x128xf32, #tpu.memory_space<vmem_shared>>
      %dma_start3A_95 = arith.constant 0 : i32
      %dma_start3A_96 = arith.constant 0 : i32
      %dma_start3A_97 = tpu.memref_slice %arg12[%dma_start3A_95, %dma_start3A_96] : memref<128x128xf32, #tpu.memory_space<vmem>> -> memref<112x128xf32, #tpu.memory_space<vmem>>
      %dma_start3A_98 = arith.constant 0 : i32
      %dma_start3A_99 = tpu.memref_slice %arg13[%add3A_76, %dma_start3A_98] : memref<12544x128xf32, #tpu.memory_space<vmem_shared>> -> memref<112x128xf32, #tpu.memory_space<vmem_shared>>
      tpu.enqueue_dma source(%dma_start3A_99 : memref<112x128xf32, #tpu.memory_space<vmem_shared>>) target(%dma_start3A_97 : memref<112x128xf32, #tpu.memory_space<vmem>>) target_semaphore(%run_scoped3A : memref<!tpu.dma_semaphore, #tpu.memory_space<semaphore_mem>>)
      %dma_wait3A = arith.constant 0 : i32
      %dma_wait3A_100 = arith.constant 0 : i32
      %dma_wait3A_101 = tpu.memref_slice %arg12[%dma_wait3A, %dma_wait3A_100] : memref<128x128xf32, #tpu.memory_space<vmem>> -> memref<112x128xf32, #tpu.memory_space<vmem>>
      %dma_wait3A_102 = arith.constant 0 : i32
      %dma_wait3A_103 = tpu.memref_slice %arg13[%add3A_76, %dma_wait3A_102] : memref<12544x128xf32, #tpu.memory_space<vmem_shared>> -> memref<112x128xf32, #tpu.memory_space<vmem_shared>>
      %dma_wait3A_104 = arith.constant 0 : i32
      %dma_wait3A_105 = arith.constant 0 : i32
      %dma_wait3A_106 = tpu.memref_slice %arg12[%dma_wait3A_104, %dma_wait3A_105] : memref<128x128xf32, #tpu.memory_space<vmem>> -> memref<112x128xf32, #tpu.memory_space<vmem>>
      %dma_wait3A_107 = arith.constant 0 : i32
      %dma_wait3A_108 = tpu.memref_slice %arg13[%add3A_76, %dma_wait3A_107] : memref<12544x128xf32, #tpu.memory_space<vmem_shared>> -> memref<112x128xf32, #tpu.memory_space<vmem_shared>>
      tpu.wait_dma2 semaphore(%run_scoped3A : memref<!tpu.dma_semaphore, #tpu.memory_space<semaphore_mem>>) src(%dma_wait3A_108 : memref<112x128xf32, #tpu.memory_space<vmem_shared>>) dst(%dma_wait3A_106 : memref<112x128xf32, #tpu.memory_space<vmem>>)
      tpu.yield
    }) : () -> ()
    %add3A_77 = arith.constant 448 : i32
    %add3A_78 = arith.addi %add3A_48, %add3A_77 : i32
    "tpu.region"() ({
      %run_scoped3A = tpu.sem_alloc : memref<!tpu.dma_semaphore, #tpu.memory_space<semaphore_mem>>
      %dma_start3A = arith.constant 0 : i32
      %dma_start3A_91 = arith.constant 0 : i32
      %dma_start3A_92 = tpu.memref_slice %arg12[%dma_start3A, %dma_start3A_91] : memref<128x128xf32, #tpu.memory_space<vmem>> -> memref<112x128xf32, #tpu.memory_space<vmem>>
      %dma_start3A_93 = arith.constant 0 : i32
      %dma_start3A_94 = tpu.memref_slice %arg5[%add3A_78, %dma_start3A_93] : memref<25088x128xf32, #tpu.memory_space<hbm>> -> memref<112x128xf32, #tpu.memory_space<hbm>>
      %dma_start3A_95 = arith.constant 0 : i32
      %dma_start3A_96 = tpu.memref_slice %arg5[%add3A_78, %dma_start3A_95] : memref<25088x128xf32, #tpu.memory_space<hbm>> -> memref<112x128xf32, #tpu.memory_space<hbm>>
      %dma_start3A_97 = arith.constant 0 : i32
      %dma_start3A_98 = arith.constant 0 : i32
      %dma_start3A_99 = tpu.memref_slice %arg12[%dma_start3A_97, %dma_start3A_98] : memref<128x128xf32, #tpu.memory_space<vmem>> -> memref<112x128xf32, #tpu.memory_space<vmem>>
      tpu.enqueue_dma source(%dma_start3A_99 : memref<112x128xf32, #tpu.memory_space<vmem>>) target(%dma_start3A_96 : memref<112x128xf32, #tpu.memory_space<hbm>>) target_semaphore(%run_scoped3A : memref<!tpu.dma_semaphore, #tpu.memory_space<semaphore_mem>>)
      %dma_wait3A = arith.constant 0 : i32
      %dma_wait3A_100 = arith.constant 0 : i32
      %dma_wait3A_101 = tpu.memref_slice %arg12[%dma_wait3A, %dma_wait3A_100] : memref<128x128xf32, #tpu.memory_space<vmem>> -> memref<112x128xf32, #tpu.memory_space<vmem>>
      %dma_wait3A_102 = arith.constant 0 : i32
      %dma_wait3A_103 = tpu.memref_slice %arg5[%add3A_78, %dma_wait3A_102] : memref<25088x128xf32, #tpu.memory_space<hbm>> -> memref<112x128xf32, #tpu.memory_space<hbm>>
      %dma_wait3A_104 = arith.constant 0 : i32
      %dma_wait3A_105 = tpu.memref_slice %arg5[%add3A_78, %dma_wait3A_104] : memref<25088x128xf32, #tpu.memory_space<hbm>> -> memref<112x128xf32, #tpu.memory_space<hbm>>
      %dma_wait3A_106 = arith.constant 0 : i32
      %dma_wait3A_107 = arith.constant 0 : i32
      %dma_wait3A_108 = tpu.memref_slice %arg12[%dma_wait3A_106, %dma_wait3A_107] : memref<128x128xf32, #tpu.memory_space<vmem>> -> memref<112x128xf32, #tpu.memory_space<vmem>>
      tpu.wait_dma2 semaphore(%run_scoped3A : memref<!tpu.dma_semaphore, #tpu.memory_space<semaphore_mem>>) src(%dma_wait3A_108 : memref<112x128xf32, #tpu.memory_space<vmem>>) dst(%dma_wait3A_105 : memref<112x128xf32, #tpu.memory_space<hbm>>)
      tpu.yield
    }) : () -> ()
    %mul3A_79 = arith.constant 784 : i32
    %mul3A_80 = arith.muli %arg1, %mul3A_79 : i32
    %add3A_81 = arith.constant 560 : i32
    %add3A_82 = arith.addi %mul3A_80, %add3A_81 : i32
    "tpu.region"() ({
      %run_scoped3A = tpu.sem_alloc : memref<!tpu.dma_semaphore, #tpu.memory_space<semaphore_mem>>
      %dma_start3A = arith.constant 0 : i32
      %dma_start3A_91 = arith.constant 0 : i32
      %dma_start3A_92 = tpu.memref_slice %arg12[%dma_start3A, %dma_start3A_91] : memref<128x128xf32, #tpu.memory_space<vmem>> -> memref<112x128xf32, #tpu.memory_space<vmem>>
      %dma_start3A_93 = arith.constant 0 : i32
      %dma_start3A_94 = tpu.memref_slice %arg13[%add3A_82, %dma_start3A_93] : memref<12544x128xf32, #tpu.memory_space<vmem_shared>> -> memref<112x128xf32, #tpu.memory_space<vmem_shared>>
      %dma_start3A_95 = arith.constant 0 : i32
      %dma_start3A_96 = arith.constant 0 : i32
      %dma_start3A_97 = tpu.memref_slice %arg12[%dma_start3A_95, %dma_start3A_96] : memref<128x128xf32, #tpu.memory_space<vmem>> -> memref<112x128xf32, #tpu.memory_space<vmem>>
      %dma_start3A_98 = arith.constant 0 : i32
      %dma_start3A_99 = tpu.memref_slice %arg13[%add3A_82, %dma_start3A_98] : memref<12544x128xf32, #tpu.memory_space<vmem_shared>> -> memref<112x128xf32, #tpu.memory_space<vmem_shared>>
      tpu.enqueue_dma source(%dma_start3A_99 : memref<112x128xf32, #tpu.memory_space<vmem_shared>>) target(%dma_start3A_97 : memref<112x128xf32, #tpu.memory_space<vmem>>) target_semaphore(%run_scoped3A : memref<!tpu.dma_semaphore, #tpu.memory_space<semaphore_mem>>)
      %dma_wait3A = arith.constant 0 : i32
      %dma_wait3A_100 = arith.constant 0 : i32
      %dma_wait3A_101 = tpu.memref_slice %arg12[%dma_wait3A, %dma_wait3A_100] : memref<128x128xf32, #tpu.memory_space<vmem>> -> memref<112x128xf32, #tpu.memory_space<vmem>>
      %dma_wait3A_102 = arith.constant 0 : i32
      %dma_wait3A_103 = tpu.memref_slice %arg13[%add3A_82, %dma_wait3A_102] : memref<12544x128xf32, #tpu.memory_space<vmem_shared>> -> memref<112x128xf32, #tpu.memory_space<vmem_shared>>
      %dma_wait3A_104 = arith.constant 0 : i32
      %dma_wait3A_105 = arith.constant 0 : i32
      %dma_wait3A_106 = tpu.memref_slice %arg12[%dma_wait3A_104, %dma_wait3A_105] : memref<128x128xf32, #tpu.memory_space<vmem>> -> memref<112x128xf32, #tpu.memory_space<vmem>>
      %dma_wait3A_107 = arith.constant 0 : i32
      %dma_wait3A_108 = tpu.memref_slice %arg13[%add3A_82, %dma_wait3A_107] : memref<12544x128xf32, #tpu.memory_space<vmem_shared>> -> memref<112x128xf32, #tpu.memory_space<vmem_shared>>
      tpu.wait_dma2 semaphore(%run_scoped3A : memref<!tpu.dma_semaphore, #tpu.memory_space<semaphore_mem>>) src(%dma_wait3A_108 : memref<112x128xf32, #tpu.memory_space<vmem_shared>>) dst(%dma_wait3A_106 : memref<112x128xf32, #tpu.memory_space<vmem>>)
      tpu.yield
    }) : () -> ()
    %add3A_83 = arith.constant 560 : i32
    %add3A_84 = arith.addi %add3A_48, %add3A_83 : i32
    "tpu.region"() ({
      %run_scoped3A = tpu.sem_alloc : memref<!tpu.dma_semaphore, #tpu.memory_space<semaphore_mem>>
      %dma_start3A = arith.constant 0 : i32
      %dma_start3A_91 = arith.constant 0 : i32
      %dma_start3A_92 = tpu.memref_slice %arg12[%dma_start3A, %dma_start3A_91] : memref<128x128xf32, #tpu.memory_space<vmem>> -> memref<112x128xf32, #tpu.memory_space<vmem>>
      %dma_start3A_93 = arith.constant 0 : i32
      %dma_start3A_94 = tpu.memref_slice %arg5[%add3A_84, %dma_start3A_93] : memref<25088x128xf32, #tpu.memory_space<hbm>> -> memref<112x128xf32, #tpu.memory_space<hbm>>
      %dma_start3A_95 = arith.constant 0 : i32
      %dma_start3A_96 = tpu.memref_slice %arg5[%add3A_84, %dma_start3A_95] : memref<25088x128xf32, #tpu.memory_space<hbm>> -> memref<112x128xf32, #tpu.memory_space<hbm>>
      %dma_start3A_97 = arith.constant 0 : i32
      %dma_start3A_98 = arith.constant 0 : i32
      %dma_start3A_99 = tpu.memref_slice %arg12[%dma_start3A_97, %dma_start3A_98] : memref<128x128xf32, #tpu.memory_space<vmem>> -> memref<112x128xf32, #tpu.memory_space<vmem>>
      tpu.enqueue_dma source(%dma_start3A_99 : memref<112x128xf32, #tpu.memory_space<vmem>>) target(%dma_start3A_96 : memref<112x128xf32, #tpu.memory_space<hbm>>) target_semaphore(%run_scoped3A : memref<!tpu.dma_semaphore, #tpu.memory_space<semaphore_mem>>)
      %dma_wait3A = arith.constant 0 : i32
      %dma_wait3A_100 = arith.constant 0 : i32
      %dma_wait3A_101 = tpu.memref_slice %arg12[%dma_wait3A, %dma_wait3A_100] : memref<128x128xf32, #tpu.memory_space<vmem>> -> memref<112x128xf32, #tpu.memory_space<vmem>>
      %dma_wait3A_102 = arith.constant 0 : i32
      %dma_wait3A_103 = tpu.memref_slice %arg5[%add3A_84, %dma_wait3A_102] : memref<25088x128xf32, #tpu.memory_space<hbm>> -> memref<112x128xf32, #tpu.memory_space<hbm>>
      %dma_wait3A_104 = arith.constant 0 : i32
      %dma_wait3A_105 = tpu.memref_slice %arg5[%add3A_84, %dma_wait3A_104] : memref<25088x128xf32, #tpu.memory_space<hbm>> -> memref<112x128xf32, #tpu.memory_space<hbm>>
      %dma_wait3A_106 = arith.constant 0 : i32
      %dma_wait3A_107 = arith.constant 0 : i32
      %dma_wait3A_108 = tpu.memref_slice %arg12[%dma_wait3A_106, %dma_wait3A_107] : memref<128x128xf32, #tpu.memory_space<vmem>> -> memref<112x128xf32, #tpu.memory_space<vmem>>
      tpu.wait_dma2 semaphore(%run_scoped3A : memref<!tpu.dma_semaphore, #tpu.memory_space<semaphore_mem>>) src(%dma_wait3A_108 : memref<112x128xf32, #tpu.memory_space<vmem>>) dst(%dma_wait3A_105 : memref<112x128xf32, #tpu.memory_space<hbm>>)
      tpu.yield
    }) : () -> ()
    %mul3A_85 = arith.constant 784 : i32
    %mul3A_86 = arith.muli %arg1, %mul3A_85 : i32
    %add3A_87 = arith.constant 672 : i32
    %add3A_88 = arith.addi %mul3A_86, %add3A_87 : i32
    "tpu.region"() ({
      %run_scoped3A = tpu.sem_alloc : memref<!tpu.dma_semaphore, #tpu.memory_space<semaphore_mem>>
      %dma_start3A = arith.constant 0 : i32
      %dma_start3A_91 = arith.constant 0 : i32
      %dma_start3A_92 = tpu.memref_slice %arg12[%dma_start3A, %dma_start3A_91] : memref<128x128xf32, #tpu.memory_space<vmem>> -> memref<112x128xf32, #tpu.memory_space<vmem>>
      %dma_start3A_93 = arith.constant 0 : i32
      %dma_start3A_94 = tpu.memref_slice %arg13[%add3A_88, %dma_start3A_93] : memref<12544x128xf32, #tpu.memory_space<vmem_shared>> -> memref<112x128xf32, #tpu.memory_space<vmem_shared>>
      %dma_start3A_95 = arith.constant 0 : i32
      %dma_start3A_96 = arith.constant 0 : i32
      %dma_start3A_97 = tpu.memref_slice %arg12[%dma_start3A_95, %dma_start3A_96] : memref<128x128xf32, #tpu.memory_space<vmem>> -> memref<112x128xf32, #tpu.memory_space<vmem>>
      %dma_start3A_98 = arith.constant 0 : i32
      %dma_start3A_99 = tpu.memref_slice %arg13[%add3A_88, %dma_start3A_98] : memref<12544x128xf32, #tpu.memory_space<vmem_shared>> -> memref<112x128xf32, #tpu.memory_space<vmem_shared>>
      tpu.enqueue_dma source(%dma_start3A_99 : memref<112x128xf32, #tpu.memory_space<vmem_shared>>) target(%dma_start3A_97 : memref<112x128xf32, #tpu.memory_space<vmem>>) target_semaphore(%run_scoped3A : memref<!tpu.dma_semaphore, #tpu.memory_space<semaphore_mem>>)
      %dma_wait3A = arith.constant 0 : i32
      %dma_wait3A_100 = arith.constant 0 : i32
      %dma_wait3A_101 = tpu.memref_slice %arg12[%dma_wait3A, %dma_wait3A_100] : memref<128x128xf32, #tpu.memory_space<vmem>> -> memref<112x128xf32, #tpu.memory_space<vmem>>
      %dma_wait3A_102 = arith.constant 0 : i32
      %dma_wait3A_103 = tpu.memref_slice %arg13[%add3A_88, %dma_wait3A_102] : memref<12544x128xf32, #tpu.memory_space<vmem_shared>> -> memref<112x128xf32, #tpu.memory_space<vmem_shared>>
      %dma_wait3A_104 = arith.constant 0 : i32
      %dma_wait3A_105 = arith.constant 0 : i32
      %dma_wait3A_106 = tpu.memref_slice %arg12[%dma_wait3A_104, %dma_wait3A_105] : memref<128x128xf32, #tpu.memory_space<vmem>> -> memref<112x128xf32, #tpu.memory_space<vmem>>
      %dma_wait3A_107 = arith.constant 0 : i32
      %dma_wait3A_108 = tpu.memref_slice %arg13[%add3A_88, %dma_wait3A_107] : memref<12544x128xf32, #tpu.memory_space<vmem_shared>> -> memref<112x128xf32, #tpu.memory_space<vmem_shared>>
      tpu.wait_dma2 semaphore(%run_scoped3A : memref<!tpu.dma_semaphore, #tpu.memory_space<semaphore_mem>>) src(%dma_wait3A_108 : memref<112x128xf32, #tpu.memory_space<vmem_shared>>) dst(%dma_wait3A_106 : memref<112x128xf32, #tpu.memory_space<vmem>>)
      tpu.yield
    }) : () -> ()
    %add3A_89 = arith.constant 672 : i32
    %add3A_90 = arith.addi %add3A_48, %add3A_89 : i32
    "tpu.region"() ({
      %run_scoped3A = tpu.sem_alloc : memref<!tpu.dma_semaphore, #tpu.memory_space<semaphore_mem>>
      %dma_start3A = arith.constant 0 : i32
      %dma_start3A_91 = arith.constant 0 : i32
      %dma_start3A_92 = tpu.memref_slice %arg12[%dma_start3A, %dma_start3A_91] : memref<128x128xf32, #tpu.memory_space<vmem>> -> memref<112x128xf32, #tpu.memory_space<vmem>>
      %dma_start3A_93 = arith.constant 0 : i32
      %dma_start3A_94 = tpu.memref_slice %arg5[%add3A_90, %dma_start3A_93] : memref<25088x128xf32, #tpu.memory_space<hbm>> -> memref<112x128xf32, #tpu.memory_space<hbm>>
      %dma_start3A_95 = arith.constant 0 : i32
      %dma_start3A_96 = tpu.memref_slice %arg5[%add3A_90, %dma_start3A_95] : memref<25088x128xf32, #tpu.memory_space<hbm>> -> memref<112x128xf32, #tpu.memory_space<hbm>>
      %dma_start3A_97 = arith.constant 0 : i32
      %dma_start3A_98 = arith.constant 0 : i32
      %dma_start3A_99 = tpu.memref_slice %arg12[%dma_start3A_97, %dma_start3A_98] : memref<128x128xf32, #tpu.memory_space<vmem>> -> memref<112x128xf32, #tpu.memory_space<vmem>>
      tpu.enqueue_dma source(%dma_start3A_99 : memref<112x128xf32, #tpu.memory_space<vmem>>) target(%dma_start3A_96 : memref<112x128xf32, #tpu.memory_space<hbm>>) target_semaphore(%run_scoped3A : memref<!tpu.dma_semaphore, #tpu.memory_space<semaphore_mem>>)
      %dma_wait3A = arith.constant 0 : i32
      %dma_wait3A_100 = arith.constant 0 : i32
      %dma_wait3A_101 = tpu.memref_slice %arg12[%dma_wait3A, %dma_wait3A_100] : memref<128x128xf32, #tpu.memory_space<vmem>> -> memref<112x128xf32, #tpu.memory_space<vmem>>
      %dma_wait3A_102 = arith.constant 0 : i32
      %dma_wait3A_103 = tpu.memref_slice %arg5[%add3A_90, %dma_wait3A_102] : memref<25088x128xf32, #tpu.memory_space<hbm>> -> memref<112x128xf32, #tpu.memory_space<hbm>>
      %dma_wait3A_104 = arith.constant 0 : i32
      %dma_wait3A_105 = tpu.memref_slice %arg5[%add3A_90, %dma_wait3A_104] : memref<25088x128xf32, #tpu.memory_space<hbm>> -> memref<112x128xf32, #tpu.memory_space<hbm>>
      %dma_wait3A_106 = arith.constant 0 : i32
      %dma_wait3A_107 = arith.constant 0 : i32
      %dma_wait3A_108 = tpu.memref_slice %arg12[%dma_wait3A_106, %dma_wait3A_107] : memref<128x128xf32, #tpu.memory_space<vmem>> -> memref<112x128xf32, #tpu.memory_space<vmem>>
      tpu.wait_dma2 semaphore(%run_scoped3A : memref<!tpu.dma_semaphore, #tpu.memory_space<semaphore_mem>>) src(%dma_wait3A_108 : memref<112x128xf32, #tpu.memory_space<vmem>>) dst(%dma_wait3A_105 : memref<112x128xf32, #tpu.memory_space<hbm>>)
      tpu.yield
    }) : () -> ()
    return
  }
}

#map = affine_map<(d0, d1) -> (0)>
#map1 = affine_map<(d0, d1) -> (0, 0)>
module attributes {stable_mosaic.version = 14 : i64} {
  func.func @k(%arg0: i32, %arg1: i32, %arg2: memref<1600000xi32, #tpu.memory_space<hbm>>, %arg3: memref<128x128xf32, #tpu.memory_space<hbm>>, %arg4: memref<112x128xf32, #tpu.memory_space<hbm>>, %arg5: memref<25088x128xf32, #tpu.memory_space<hbm>>, %arg6: memref<128xi32, #tpu.memory_space<vmem>>, %arg7: memref<128xi32, #tpu.memory_space<vmem>>, %arg8: memref<128x128xf32, #tpu.memory_space<vmem>>, %arg9: memref<12544x128xf32, #tpu.memory_space<vmem_shared>>) attributes {dimension_semantics = [#tpu.dimension_semantics<core_parallel>, #tpu.dimension_semantics<subcore_parallel>], iteration_bounds = array<i64: 2, 16>, scalar_prefetch = 0 : i64, scratch_operands = 4 : i64, tpu.core_type = #tpu.core_type<sc_vector_subcore>, window_params = [{transform_indices = #map}, {transform_indices = #map1}, {transform_indices = #map1}, {transform_indices = #map1}]} {
    %mul3A = arith.constant 12544 : i32
    %mul3A_0 = arith.muli %arg0, %mul3A : i32
    %add3A = arith.constant 12544 : i32
    %add3A_1 = arith.addi %mul3A_0, %add3A : i32
    "tpu.region"() ({
      %run_scoped3A = tpu.sem_alloc : memref<!tpu.dma_semaphore, #tpu.memory_space<semaphore_mem>>
      %dma_start3A = arith.constant 0 : i32
      %dma_start3A_91 = arith.constant 0 : i32
      %dma_start3A_92 = tpu.memref_slice %arg8[%dma_start3A, %dma_start3A_91] : memref<128x128xf32, #tpu.memory_space<vmem>> -> memref<112x128xf32, #tpu.memory_space<vmem>>
      %dma_start3A_93 = arith.constant 0 : i32
      %dma_start3A_94 = arith.constant 0 : i32
      %dma_start3A_95 = tpu.memref_slice %arg8[%dma_start3A_93, %dma_start3A_94] : memref<128x128xf32, #tpu.memory_space<vmem>> -> memref<112x128xf32, #tpu.memory_space<vmem>>
      tpu.enqueue_dma source(%arg4 : memref<112x128xf32, #tpu.memory_space<hbm>>) target(%dma_start3A_95 : memref<112x128xf32, #tpu.memory_space<vmem>>) target_semaphore(%run_scoped3A : memref<!tpu.dma_semaphore, #tpu.memory_space<semaphore_mem>>)
      %dma_wait3A = arith.constant 0 : i32
      %dma_wait3A_96 = arith.constant 0 : i32
      %dma_wait3A_97 = tpu.memref_slice %arg8[%dma_wait3A, %dma_wait3A_96] : memref<128x128xf32, #tpu.memory_space<vmem>> -> memref<112x128xf32, #tpu.memory_space<vmem>>
      %dma_wait3A_98 = arith.constant 0 : i32
      %dma_wait3A_99 = arith.constant 0 : i32
      %dma_wait3A_100 = tpu.memref_slice %arg8[%dma_wait3A_98, %dma_wait3A_99] : memref<128x128xf32, #tpu.memory_space<vmem>> -> memref<112x128xf32, #tpu.memory_space<vmem>>
      tpu.wait_dma2 semaphore(%run_scoped3A : memref<!tpu.dma_semaphore, #tpu.memory_space<semaphore_mem>>) src(%arg4 : memref<112x128xf32, #tpu.memory_space<hbm>>) dst(%dma_wait3A_100 : memref<112x128xf32, #tpu.memory_space<vmem>>)
      tpu.yield
    }) : () -> ()
    %mul3A_2 = arith.constant 784 : i32
    %mul3A_3 = arith.muli %arg1, %mul3A_2 : i32
    %add3A_4 = arith.constant 0 : i32
    %add3A_5 = arith.addi %mul3A_3, %add3A_4 : i32
    "tpu.region"() ({
      %run_scoped3A = tpu.sem_alloc : memref<!tpu.dma_semaphore, #tpu.memory_space<semaphore_mem>>
      %dma_start3A = arith.constant 0 : i32
      %dma_start3A_91 = arith.constant 0 : i32
      %dma_start3A_92 = tpu.memref_slice %arg8[%dma_start3A, %dma_start3A_91] : memref<128x128xf32, #tpu.memory_space<vmem>> -> memref<112x128xf32, #tpu.memory_space<vmem>>
      %dma_start3A_93 = arith.constant 0 : i32
      %dma_start3A_94 = tpu.memref_slice %arg9[%add3A_5, %dma_start3A_93] : memref<12544x128xf32, #tpu.memory_space<vmem_shared>> -> memref<112x128xf32, #tpu.memory_space<vmem_shared>>
      %dma_start3A_95 = arith.constant 0 : i32
      %dma_start3A_96 = tpu.memref_slice %arg9[%add3A_5, %dma_start3A_95] : memref<12544x128xf32, #tpu.memory_space<vmem_shared>> -> memref<112x128xf32, #tpu.memory_space<vmem_shared>>
      %dma_start3A_97 = arith.constant 0 : i32
      %dma_start3A_98 = arith.constant 0 : i32
      %dma_start3A_99 = tpu.memref_slice %arg8[%dma_start3A_97, %dma_start3A_98] : memref<128x128xf32, #tpu.memory_space<vmem>> -> memref<112x128xf32, #tpu.memory_space<vmem>>
      tpu.enqueue_dma source(%dma_start3A_99 : memref<112x128xf32, #tpu.memory_space<vmem>>) target(%dma_start3A_96 : memref<112x128xf32, #tpu.memory_space<vmem_shared>>) target_semaphore(%run_scoped3A : memref<!tpu.dma_semaphore, #tpu.memory_space<semaphore_mem>>)
      %dma_wait3A = arith.constant 0 : i32
      %dma_wait3A_100 = arith.constant 0 : i32
      %dma_wait3A_101 = tpu.memref_slice %arg8[%dma_wait3A, %dma_wait3A_100] : memref<128x128xf32, #tpu.memory_space<vmem>> -> memref<112x128xf32, #tpu.memory_space<vmem>>
      %dma_wait3A_102 = arith.constant 0 : i32
      %dma_wait3A_103 = tpu.memref_slice %arg9[%add3A_5, %dma_wait3A_102] : memref<12544x128xf32, #tpu.memory_space<vmem_shared>> -> memref<112x128xf32, #tpu.memory_space<vmem_shared>>
      %dma_wait3A_104 = arith.constant 0 : i32
      %dma_wait3A_105 = tpu.memref_slice %arg9[%add3A_5, %dma_wait3A_104] : memref<12544x128xf32, #tpu.memory_space<vmem_shared>> -> memref<112x128xf32, #tpu.memory_space<vmem_shared>>
      %dma_wait3A_106 = arith.constant 0 : i32
      %dma_wait3A_107 = arith.constant 0 : i32
      %dma_wait3A_108 = tpu.memref_slice %arg8[%dma_wait3A_106, %dma_wait3A_107] : memref<128x128xf32, #tpu.memory_space<vmem>> -> memref<112x128xf32, #tpu.memory_space<vmem>>
      tpu.wait_dma2 semaphore(%run_scoped3A : memref<!tpu.dma_semaphore, #tpu.memory_space<semaphore_mem>>) src(%dma_wait3A_108 : memref<112x128xf32, #tpu.memory_space<vmem>>) dst(%dma_wait3A_105 : memref<112x128xf32, #tpu.memory_space<vmem_shared>>)
      tpu.yield
    }) : () -> ()
    %mul3A_6 = arith.constant 784 : i32
    %mul3A_7 = arith.muli %arg1, %mul3A_6 : i32
    %add3A_8 = arith.constant 112 : i32
    %add3A_9 = arith.addi %mul3A_7, %add3A_8 : i32
    "tpu.region"() ({
      %run_scoped3A = tpu.sem_alloc : memref<!tpu.dma_semaphore, #tpu.memory_space<semaphore_mem>>
      %dma_start3A = arith.constant 0 : i32
      %dma_start3A_91 = arith.constant 0 : i32
      %dma_start3A_92 = tpu.memref_slice %arg8[%dma_start3A, %dma_start3A_91] : memref<128x128xf32, #tpu.memory_space<vmem>> -> memref<112x128xf32, #tpu.memory_space<vmem>>
      %dma_start3A_93 = arith.constant 0 : i32
      %dma_start3A_94 = tpu.memref_slice %arg9[%add3A_9, %dma_start3A_93] : memref<12544x128xf32, #tpu.memory_space<vmem_shared>> -> memref<112x128xf32, #tpu.memory_space<vmem_shared>>
      %dma_start3A_95 = arith.constant 0 : i32
      %dma_start3A_96 = tpu.memref_slice %arg9[%add3A_9, %dma_start3A_95] : memref<12544x128xf32, #tpu.memory_space<vmem_shared>> -> memref<112x128xf32, #tpu.memory_space<vmem_shared>>
      %dma_start3A_97 = arith.constant 0 : i32
      %dma_start3A_98 = arith.constant 0 : i32
      %dma_start3A_99 = tpu.memref_slice %arg8[%dma_start3A_97, %dma_start3A_98] : memref<128x128xf32, #tpu.memory_space<vmem>> -> memref<112x128xf32, #tpu.memory_space<vmem>>
      tpu.enqueue_dma source(%dma_start3A_99 : memref<112x128xf32, #tpu.memory_space<vmem>>) target(%dma_start3A_96 : memref<112x128xf32, #tpu.memory_space<vmem_shared>>) target_semaphore(%run_scoped3A : memref<!tpu.dma_semaphore, #tpu.memory_space<semaphore_mem>>)
      %dma_wait3A = arith.constant 0 : i32
      %dma_wait3A_100 = arith.constant 0 : i32
      %dma_wait3A_101 = tpu.memref_slice %arg8[%dma_wait3A, %dma_wait3A_100] : memref<128x128xf32, #tpu.memory_space<vmem>> -> memref<112x128xf32, #tpu.memory_space<vmem>>
      %dma_wait3A_102 = arith.constant 0 : i32
      %dma_wait3A_103 = tpu.memref_slice %arg9[%add3A_9, %dma_wait3A_102] : memref<12544x128xf32, #tpu.memory_space<vmem_shared>> -> memref<112x128xf32, #tpu.memory_space<vmem_shared>>
      %dma_wait3A_104 = arith.constant 0 : i32
      %dma_wait3A_105 = tpu.memref_slice %arg9[%add3A_9, %dma_wait3A_104] : memref<12544x128xf32, #tpu.memory_space<vmem_shared>> -> memref<112x128xf32, #tpu.memory_space<vmem_shared>>
      %dma_wait3A_106 = arith.constant 0 : i32
      %dma_wait3A_107 = arith.constant 0 : i32
      %dma_wait3A_108 = tpu.memref_slice %arg8[%dma_wait3A_106, %dma_wait3A_107] : memref<128x128xf32, #tpu.memory_space<vmem>> -> memref<112x128xf32, #tpu.memory_space<vmem>>
      tpu.wait_dma2 semaphore(%run_scoped3A : memref<!tpu.dma_semaphore, #tpu.memory_space<semaphore_mem>>) src(%dma_wait3A_108 : memref<112x128xf32, #tpu.memory_space<vmem>>) dst(%dma_wait3A_105 : memref<112x128xf32, #tpu.memory_space<vmem_shared>>)
      tpu.yield
    }) : () -> ()
    %mul3A_10 = arith.constant 784 : i32
    %mul3A_11 = arith.muli %arg1, %mul3A_10 : i32
    %add3A_12 = arith.constant 224 : i32
    %add3A_13 = arith.addi %mul3A_11, %add3A_12 : i32
    "tpu.region"() ({
      %run_scoped3A = tpu.sem_alloc : memref<!tpu.dma_semaphore, #tpu.memory_space<semaphore_mem>>
      %dma_start3A = arith.constant 0 : i32
      %dma_start3A_91 = arith.constant 0 : i32
      %dma_start3A_92 = tpu.memref_slice %arg8[%dma_start3A, %dma_start3A_91] : memref<128x128xf32, #tpu.memory_space<vmem>> -> memref<112x128xf32, #tpu.memory_space<vmem>>
      %dma_start3A_93 = arith.constant 0 : i32
      %dma_start3A_94 = tpu.memref_slice %arg9[%add3A_13, %dma_start3A_93] : memref<12544x128xf32, #tpu.memory_space<vmem_shared>> -> memref<112x128xf32, #tpu.memory_space<vmem_shared>>
      %dma_start3A_95 = arith.constant 0 : i32
      %dma_start3A_96 = tpu.memref_slice %arg9[%add3A_13, %dma_start3A_95] : memref<12544x128xf32, #tpu.memory_space<vmem_shared>> -> memref<112x128xf32, #tpu.memory_space<vmem_shared>>
      %dma_start3A_97 = arith.constant 0 : i32
      %dma_start3A_98 = arith.constant 0 : i32
      %dma_start3A_99 = tpu.memref_slice %arg8[%dma_start3A_97, %dma_start3A_98] : memref<128x128xf32, #tpu.memory_space<vmem>> -> memref<112x128xf32, #tpu.memory_space<vmem>>
      tpu.enqueue_dma source(%dma_start3A_99 : memref<112x128xf32, #tpu.memory_space<vmem>>) target(%dma_start3A_96 : memref<112x128xf32, #tpu.memory_space<vmem_shared>>) target_semaphore(%run_scoped3A : memref<!tpu.dma_semaphore, #tpu.memory_space<semaphore_mem>>)
      %dma_wait3A = arith.constant 0 : i32
      %dma_wait3A_100 = arith.constant 0 : i32
      %dma_wait3A_101 = tpu.memref_slice %arg8[%dma_wait3A, %dma_wait3A_100] : memref<128x128xf32, #tpu.memory_space<vmem>> -> memref<112x128xf32, #tpu.memory_space<vmem>>
      %dma_wait3A_102 = arith.constant 0 : i32
      %dma_wait3A_103 = tpu.memref_slice %arg9[%add3A_13, %dma_wait3A_102] : memref<12544x128xf32, #tpu.memory_space<vmem_shared>> -> memref<112x128xf32, #tpu.memory_space<vmem_shared>>
      %dma_wait3A_104 = arith.constant 0 : i32
      %dma_wait3A_105 = tpu.memref_slice %arg9[%add3A_13, %dma_wait3A_104] : memref<12544x128xf32, #tpu.memory_space<vmem_shared>> -> memref<112x128xf32, #tpu.memory_space<vmem_shared>>
      %dma_wait3A_106 = arith.constant 0 : i32
      %dma_wait3A_107 = arith.constant 0 : i32
      %dma_wait3A_108 = tpu.memref_slice %arg8[%dma_wait3A_106, %dma_wait3A_107] : memref<128x128xf32, #tpu.memory_space<vmem>> -> memref<112x128xf32, #tpu.memory_space<vmem>>
      tpu.wait_dma2 semaphore(%run_scoped3A : memref<!tpu.dma_semaphore, #tpu.memory_space<semaphore_mem>>) src(%dma_wait3A_108 : memref<112x128xf32, #tpu.memory_space<vmem>>) dst(%dma_wait3A_105 : memref<112x128xf32, #tpu.memory_space<vmem_shared>>)
      tpu.yield
    }) : () -> ()
    %mul3A_14 = arith.constant 784 : i32
    %mul3A_15 = arith.muli %arg1, %mul3A_14 : i32
    %add3A_16 = arith.constant 336 : i32
    %add3A_17 = arith.addi %mul3A_15, %add3A_16 : i32
    "tpu.region"() ({
      %run_scoped3A = tpu.sem_alloc : memref<!tpu.dma_semaphore, #tpu.memory_space<semaphore_mem>>
      %dma_start3A = arith.constant 0 : i32
      %dma_start3A_91 = arith.constant 0 : i32
      %dma_start3A_92 = tpu.memref_slice %arg8[%dma_start3A, %dma_start3A_91] : memref<128x128xf32, #tpu.memory_space<vmem>> -> memref<112x128xf32, #tpu.memory_space<vmem>>
      %dma_start3A_93 = arith.constant 0 : i32
      %dma_start3A_94 = tpu.memref_slice %arg9[%add3A_17, %dma_start3A_93] : memref<12544x128xf32, #tpu.memory_space<vmem_shared>> -> memref<112x128xf32, #tpu.memory_space<vmem_shared>>
      %dma_start3A_95 = arith.constant 0 : i32
      %dma_start3A_96 = tpu.memref_slice %arg9[%add3A_17, %dma_start3A_95] : memref<12544x128xf32, #tpu.memory_space<vmem_shared>> -> memref<112x128xf32, #tpu.memory_space<vmem_shared>>
      %dma_start3A_97 = arith.constant 0 : i32
      %dma_start3A_98 = arith.constant 0 : i32
      %dma_start3A_99 = tpu.memref_slice %arg8[%dma_start3A_97, %dma_start3A_98] : memref<128x128xf32, #tpu.memory_space<vmem>> -> memref<112x128xf32, #tpu.memory_space<vmem>>
      tpu.enqueue_dma source(%dma_start3A_99 : memref<112x128xf32, #tpu.memory_space<vmem>>) target(%dma_start3A_96 : memref<112x128xf32, #tpu.memory_space<vmem_shared>>) target_semaphore(%run_scoped3A : memref<!tpu.dma_semaphore, #tpu.memory_space<semaphore_mem>>)
      %dma_wait3A = arith.constant 0 : i32
      %dma_wait3A_100 = arith.constant 0 : i32
      %dma_wait3A_101 = tpu.memref_slice %arg8[%dma_wait3A, %dma_wait3A_100] : memref<128x128xf32, #tpu.memory_space<vmem>> -> memref<112x128xf32, #tpu.memory_space<vmem>>
      %dma_wait3A_102 = arith.constant 0 : i32
      %dma_wait3A_103 = tpu.memref_slice %arg9[%add3A_17, %dma_wait3A_102] : memref<12544x128xf32, #tpu.memory_space<vmem_shared>> -> memref<112x128xf32, #tpu.memory_space<vmem_shared>>
      %dma_wait3A_104 = arith.constant 0 : i32
      %dma_wait3A_105 = tpu.memref_slice %arg9[%add3A_17, %dma_wait3A_104] : memref<12544x128xf32, #tpu.memory_space<vmem_shared>> -> memref<112x128xf32, #tpu.memory_space<vmem_shared>>
      %dma_wait3A_106 = arith.constant 0 : i32
      %dma_wait3A_107 = arith.constant 0 : i32
      %dma_wait3A_108 = tpu.memref_slice %arg8[%dma_wait3A_106, %dma_wait3A_107] : memref<128x128xf32, #tpu.memory_space<vmem>> -> memref<112x128xf32, #tpu.memory_space<vmem>>
      tpu.wait_dma2 semaphore(%run_scoped3A : memref<!tpu.dma_semaphore, #tpu.memory_space<semaphore_mem>>) src(%dma_wait3A_108 : memref<112x128xf32, #tpu.memory_space<vmem>>) dst(%dma_wait3A_105 : memref<112x128xf32, #tpu.memory_space<vmem_shared>>)
      tpu.yield
    }) : () -> ()
    %mul3A_18 = arith.constant 784 : i32
    %mul3A_19 = arith.muli %arg1, %mul3A_18 : i32
    %add3A_20 = arith.constant 448 : i32
    %add3A_21 = arith.addi %mul3A_19, %add3A_20 : i32
    "tpu.region"() ({
      %run_scoped3A = tpu.sem_alloc : memref<!tpu.dma_semaphore, #tpu.memory_space<semaphore_mem>>
      %dma_start3A = arith.constant 0 : i32
      %dma_start3A_91 = arith.constant 0 : i32
      %dma_start3A_92 = tpu.memref_slice %arg8[%dma_start3A, %dma_start3A_91] : memref<128x128xf32, #tpu.memory_space<vmem>> -> memref<112x128xf32, #tpu.memory_space<vmem>>
      %dma_start3A_93 = arith.constant 0 : i32
      %dma_start3A_94 = tpu.memref_slice %arg9[%add3A_21, %dma_start3A_93] : memref<12544x128xf32, #tpu.memory_space<vmem_shared>> -> memref<112x128xf32, #tpu.memory_space<vmem_shared>>
      %dma_start3A_95 = arith.constant 0 : i32
      %dma_start3A_96 = tpu.memref_slice %arg9[%add3A_21, %dma_start3A_95] : memref<12544x128xf32, #tpu.memory_space<vmem_shared>> -> memref<112x128xf32, #tpu.memory_space<vmem_shared>>
      %dma_start3A_97 = arith.constant 0 : i32
      %dma_start3A_98 = arith.constant 0 : i32
      %dma_start3A_99 = tpu.memref_slice %arg8[%dma_start3A_97, %dma_start3A_98] : memref<128x128xf32, #tpu.memory_space<vmem>> -> memref<112x128xf32, #tpu.memory_space<vmem>>
      tpu.enqueue_dma source(%dma_start3A_99 : memref<112x128xf32, #tpu.memory_space<vmem>>) target(%dma_start3A_96 : memref<112x128xf32, #tpu.memory_space<vmem_shared>>) target_semaphore(%run_scoped3A : memref<!tpu.dma_semaphore, #tpu.memory_space<semaphore_mem>>)
      %dma_wait3A = arith.constant 0 : i32
      %dma_wait3A_100 = arith.constant 0 : i32
      %dma_wait3A_101 = tpu.memref_slice %arg8[%dma_wait3A, %dma_wait3A_100] : memref<128x128xf32, #tpu.memory_space<vmem>> -> memref<112x128xf32, #tpu.memory_space<vmem>>
      %dma_wait3A_102 = arith.constant 0 : i32
      %dma_wait3A_103 = tpu.memref_slice %arg9[%add3A_21, %dma_wait3A_102] : memref<12544x128xf32, #tpu.memory_space<vmem_shared>> -> memref<112x128xf32, #tpu.memory_space<vmem_shared>>
      %dma_wait3A_104 = arith.constant 0 : i32
      %dma_wait3A_105 = tpu.memref_slice %arg9[%add3A_21, %dma_wait3A_104] : memref<12544x128xf32, #tpu.memory_space<vmem_shared>> -> memref<112x128xf32, #tpu.memory_space<vmem_shared>>
      %dma_wait3A_106 = arith.constant 0 : i32
      %dma_wait3A_107 = arith.constant 0 : i32
      %dma_wait3A_108 = tpu.memref_slice %arg8[%dma_wait3A_106, %dma_wait3A_107] : memref<128x128xf32, #tpu.memory_space<vmem>> -> memref<112x128xf32, #tpu.memory_space<vmem>>
      tpu.wait_dma2 semaphore(%run_scoped3A : memref<!tpu.dma_semaphore, #tpu.memory_space<semaphore_mem>>) src(%dma_wait3A_108 : memref<112x128xf32, #tpu.memory_space<vmem>>) dst(%dma_wait3A_105 : memref<112x128xf32, #tpu.memory_space<vmem_shared>>)
      tpu.yield
    }) : () -> ()
    %mul3A_22 = arith.constant 784 : i32
    %mul3A_23 = arith.muli %arg1, %mul3A_22 : i32
    %add3A_24 = arith.constant 560 : i32
    %add3A_25 = arith.addi %mul3A_23, %add3A_24 : i32
    "tpu.region"() ({
      %run_scoped3A = tpu.sem_alloc : memref<!tpu.dma_semaphore, #tpu.memory_space<semaphore_mem>>
      %dma_start3A = arith.constant 0 : i32
      %dma_start3A_91 = arith.constant 0 : i32
      %dma_start3A_92 = tpu.memref_slice %arg8[%dma_start3A, %dma_start3A_91] : memref<128x128xf32, #tpu.memory_space<vmem>> -> memref<112x128xf32, #tpu.memory_space<vmem>>
      %dma_start3A_93 = arith.constant 0 : i32
      %dma_start3A_94 = tpu.memref_slice %arg9[%add3A_25, %dma_start3A_93] : memref<12544x128xf32, #tpu.memory_space<vmem_shared>> -> memref<112x128xf32, #tpu.memory_space<vmem_shared>>
      %dma_start3A_95 = arith.constant 0 : i32
      %dma_start3A_96 = tpu.memref_slice %arg9[%add3A_25, %dma_start3A_95] : memref<12544x128xf32, #tpu.memory_space<vmem_shared>> -> memref<112x128xf32, #tpu.memory_space<vmem_shared>>
      %dma_start3A_97 = arith.constant 0 : i32
      %dma_start3A_98 = arith.constant 0 : i32
      %dma_start3A_99 = tpu.memref_slice %arg8[%dma_start3A_97, %dma_start3A_98] : memref<128x128xf32, #tpu.memory_space<vmem>> -> memref<112x128xf32, #tpu.memory_space<vmem>>
      tpu.enqueue_dma source(%dma_start3A_99 : memref<112x128xf32, #tpu.memory_space<vmem>>) target(%dma_start3A_96 : memref<112x128xf32, #tpu.memory_space<vmem_shared>>) target_semaphore(%run_scoped3A : memref<!tpu.dma_semaphore, #tpu.memory_space<semaphore_mem>>)
      %dma_wait3A = arith.constant 0 : i32
      %dma_wait3A_100 = arith.constant 0 : i32
      %dma_wait3A_101 = tpu.memref_slice %arg8[%dma_wait3A, %dma_wait3A_100] : memref<128x128xf32, #tpu.memory_space<vmem>> -> memref<112x128xf32, #tpu.memory_space<vmem>>
      %dma_wait3A_102 = arith.constant 0 : i32
      %dma_wait3A_103 = tpu.memref_slice %arg9[%add3A_25, %dma_wait3A_102] : memref<12544x128xf32, #tpu.memory_space<vmem_shared>> -> memref<112x128xf32, #tpu.memory_space<vmem_shared>>
      %dma_wait3A_104 = arith.constant 0 : i32
      %dma_wait3A_105 = tpu.memref_slice %arg9[%add3A_25, %dma_wait3A_104] : memref<12544x128xf32, #tpu.memory_space<vmem_shared>> -> memref<112x128xf32, #tpu.memory_space<vmem_shared>>
      %dma_wait3A_106 = arith.constant 0 : i32
      %dma_wait3A_107 = arith.constant 0 : i32
      %dma_wait3A_108 = tpu.memref_slice %arg8[%dma_wait3A_106, %dma_wait3A_107] : memref<128x128xf32, #tpu.memory_space<vmem>> -> memref<112x128xf32, #tpu.memory_space<vmem>>
      tpu.wait_dma2 semaphore(%run_scoped3A : memref<!tpu.dma_semaphore, #tpu.memory_space<semaphore_mem>>) src(%dma_wait3A_108 : memref<112x128xf32, #tpu.memory_space<vmem>>) dst(%dma_wait3A_105 : memref<112x128xf32, #tpu.memory_space<vmem_shared>>)
      tpu.yield
    }) : () -> ()
    %mul3A_26 = arith.constant 784 : i32
    %mul3A_27 = arith.muli %arg1, %mul3A_26 : i32
    %add3A_28 = arith.constant 672 : i32
    %add3A_29 = arith.addi %mul3A_27, %add3A_28 : i32
    "tpu.region"() ({
      %run_scoped3A = tpu.sem_alloc : memref<!tpu.dma_semaphore, #tpu.memory_space<semaphore_mem>>
      %dma_start3A = arith.constant 0 : i32
      %dma_start3A_91 = arith.constant 0 : i32
      %dma_start3A_92 = tpu.memref_slice %arg8[%dma_start3A, %dma_start3A_91] : memref<128x128xf32, #tpu.memory_space<vmem>> -> memref<112x128xf32, #tpu.memory_space<vmem>>
      %dma_start3A_93 = arith.constant 0 : i32
      %dma_start3A_94 = tpu.memref_slice %arg9[%add3A_29, %dma_start3A_93] : memref<12544x128xf32, #tpu.memory_space<vmem_shared>> -> memref<112x128xf32, #tpu.memory_space<vmem_shared>>
      %dma_start3A_95 = arith.constant 0 : i32
      %dma_start3A_96 = tpu.memref_slice %arg9[%add3A_29, %dma_start3A_95] : memref<12544x128xf32, #tpu.memory_space<vmem_shared>> -> memref<112x128xf32, #tpu.memory_space<vmem_shared>>
      %dma_start3A_97 = arith.constant 0 : i32
      %dma_start3A_98 = arith.constant 0 : i32
      %dma_start3A_99 = tpu.memref_slice %arg8[%dma_start3A_97, %dma_start3A_98] : memref<128x128xf32, #tpu.memory_space<vmem>> -> memref<112x128xf32, #tpu.memory_space<vmem>>
      tpu.enqueue_dma source(%dma_start3A_99 : memref<112x128xf32, #tpu.memory_space<vmem>>) target(%dma_start3A_96 : memref<112x128xf32, #tpu.memory_space<vmem_shared>>) target_semaphore(%run_scoped3A : memref<!tpu.dma_semaphore, #tpu.memory_space<semaphore_mem>>)
      %dma_wait3A = arith.constant 0 : i32
      %dma_wait3A_100 = arith.constant 0 : i32
      %dma_wait3A_101 = tpu.memref_slice %arg8[%dma_wait3A, %dma_wait3A_100] : memref<128x128xf32, #tpu.memory_space<vmem>> -> memref<112x128xf32, #tpu.memory_space<vmem>>
      %dma_wait3A_102 = arith.constant 0 : i32
      %dma_wait3A_103 = tpu.memref_slice %arg9[%add3A_29, %dma_wait3A_102] : memref<12544x128xf32, #tpu.memory_space<vmem_shared>> -> memref<112x128xf32, #tpu.memory_space<vmem_shared>>
      %dma_wait3A_104 = arith.constant 0 : i32
      %dma_wait3A_105 = tpu.memref_slice %arg9[%add3A_29, %dma_wait3A_104] : memref<12544x128xf32, #tpu.memory_space<vmem_shared>> -> memref<112x128xf32, #tpu.memory_space<vmem_shared>>
      %dma_wait3A_106 = arith.constant 0 : i32
      %dma_wait3A_107 = arith.constant 0 : i32
      %dma_wait3A_108 = tpu.memref_slice %arg8[%dma_wait3A_106, %dma_wait3A_107] : memref<128x128xf32, #tpu.memory_space<vmem>> -> memref<112x128xf32, #tpu.memory_space<vmem>>
      tpu.wait_dma2 semaphore(%run_scoped3A : memref<!tpu.dma_semaphore, #tpu.memory_space<semaphore_mem>>) src(%dma_wait3A_108 : memref<112x128xf32, #tpu.memory_space<vmem>>) dst(%dma_wait3A_105 : memref<112x128xf32, #tpu.memory_space<vmem_shared>>)
      tpu.yield
    }) : () -> ()
    "tpu.region"() ({
      %run_scoped3A = tpu.sem_alloc : memref<!tpu.dma_semaphore, #tpu.memory_space<semaphore_mem>>
      tpu.enqueue_dma source(%arg3 : memref<128x128xf32, #tpu.memory_space<hbm>>) target(%arg8 : memref<128x128xf32, #tpu.memory_space<vmem>>) target_semaphore(%run_scoped3A : memref<!tpu.dma_semaphore, #tpu.memory_space<semaphore_mem>>)
      tpu.wait_dma2 semaphore(%run_scoped3A : memref<!tpu.dma_semaphore, #tpu.memory_space<semaphore_mem>>) src(%arg3 : memref<128x128xf32, #tpu.memory_space<hbm>>) dst(%arg8 : memref<128x128xf32, #tpu.memory_space<vmem>>)
      tpu.yield
    }) : () -> ()
    %barrier3A = arith.constant 0 : index
    tpu.barrier barrier_id(%barrier3A)
    %lt3A = arith.constant 4 : i32
    %lt3A_30 = arith.cmpi slt, %arg1, %lt3A : i32
    %jit3A = arith.constant 1 : i32
    %jit3A_31 = arith.constant 0 : i32
    %select_n3A = arith.select %lt3A_30, %jit3A, %jit3A_31 : i32
    %add3A_32 = arith.constant 781 : i32
    %add3A_33 = arith.addi %add3A_32, %select_n3A : i32
    %while3A = arith.constant 0 : i32
    %while3A_34 = arith.constant 0 : i32
    %while3A_35 = arith.subi %add3A_33, %while3A_34 : i32
    %while3A_36 = arith.addi %while3A_34, %while3A_35 : i32
    %while3A_37 = arith.constant 1 : i32
    %while3A_38 = arith.divsi %while3A_35, %while3A_37 : i32
    %while3A_39 = arith.muli %while3A_38, %while3A_37 : i32
    %while3A_40 = arith.addi %while3A_34, %while3A_39 : i32
    %while3A_41 = arith.constant 1 : i32
    scf.for %while3A_91 = %while3A_34 to %while3A_40 step %while3A_41  : i32 {
      %mul3A_92 = arith.constant 16 : i32
      %mul3A_93 = arith.muli %while3A_91, %mul3A_92 : i32
      %add3A_94 = arith.addi %mul3A_93, %arg1 : i32
      %mul3A_95 = arith.constant 128 : i32
      %mul3A_96 = arith.muli %add3A_94, %mul3A_95 : i32
      "tpu.region"() ({
        %run_scoped3A = tpu.sem_alloc : memref<!tpu.dma_semaphore, #tpu.memory_space<semaphore_mem>>
        %dma_start3A = tpu.memref_slice %arg2[%mul3A_96] : memref<1600000xi32, #tpu.memory_space<hbm>> -> memref<128xi32, #tpu.memory_space<hbm>>
        %dma_start3A_102 = tpu.memref_slice %arg2[%mul3A_96] : memref<1600000xi32, #tpu.memory_space<hbm>> -> memref<128xi32, #tpu.memory_space<hbm>>
        tpu.enqueue_dma source(%dma_start3A_102 : memref<128xi32, #tpu.memory_space<hbm>>) target(%arg6 : memref<128xi32, #tpu.memory_space<vmem>>) target_semaphore(%run_scoped3A : memref<!tpu.dma_semaphore, #tpu.memory_space<semaphore_mem>>)
        %dma_wait3A = tpu.memref_slice %arg2[%mul3A_96] : memref<1600000xi32, #tpu.memory_space<hbm>> -> memref<128xi32, #tpu.memory_space<hbm>>
        %dma_wait3A_103 = tpu.memref_slice %arg2[%mul3A_96] : memref<1600000xi32, #tpu.memory_space<hbm>> -> memref<128xi32, #tpu.memory_space<hbm>>
        tpu.wait_dma2 semaphore(%run_scoped3A : memref<!tpu.dma_semaphore, #tpu.memory_space<semaphore_mem>>) src(%dma_wait3A_103 : memref<128xi32, #tpu.memory_space<hbm>>) dst(%arg6 : memref<128xi32, #tpu.memory_space<vmem>>)
        tpu.yield
      }) : () -> ()
      %scan3A = arith.constant 0 : i32
      %scan3A_97 = arith.constant 0 : i32
      %scan3A_98 = arith.constant 8 : i32
      %scan3A_99 = arith.addi %scan3A_97, %scan3A_98 : i32
      %scan3A_100 = arith.constant 1 : i32
      scf.for %scan3A_102 = %scan3A_97 to %scan3A_99 step %scan3A_100  : i32 {
        %mul3A_103 = arith.constant 16 : i32
        %mul3A_104 = arith.muli %scan3A_102, %mul3A_103 : i32
        %get3A = arith.index_cast %mul3A_104 : i32 to index
        %get3A_105 = tpu.vector_load %arg6[%get3A] {strides = array<i32>} : memref<128xi32, #tpu.memory_space<vmem>>, vector<16xi32>,
        %get3A_106 = vector.shape_cast %get3A_105 : vector<16xi32> to vector<16xi32>
        %ge3A = vector.broadcast %mul3A_0 : i32 to vector<16xi32>
        %ge3A_107 = arith.cmpi sge, %get3A_106, %ge3A : vector<16xi32>
        %lt3A_108 = vector.broadcast %add3A_1 : i32 to vector<16xi32>
        %lt3A_109 = arith.cmpi slt, %get3A_106, %lt3A_108 : vector<16xi32>
        %and3A = arith.andi %ge3A_107, %lt3A_109 : vector<16xi1>
        %sub3A = vector.broadcast %mul3A_0 : i32 to vector<16xi32>
        %sub3A_110 = arith.subi %get3A_106, %sub3A : vector<16xi32>
        %jit3A_111 = arith.constant -1 : i32
        %broadcast_in_dim3A = vector.broadcast %jit3A_111 : i32 to vector<16xi32>
        %select_n3A_112 = arith.select %and3A, %sub3A_110, %broadcast_in_dim3A : vector<16xi1>, vector<16xi32>
        %swap3A = arith.index_cast %mul3A_104 : i32 to index
        %swap3A_113 = tpu.vector_load %arg7[%swap3A] {strides = array<i32>} : memref<128xi32, #tpu.memory_space<vmem>>, vector<16xi32>,
        %swap3A_114 = vector.shape_cast %swap3A_113 : vector<16xi32> to vector<16xi32>
        %swap3A_115 = vector.shape_cast %select_n3A_112 : vector<16xi32> to vector<16xi32>
        tpu.vector_store %arg7[%swap3A], %swap3A_115 {strides = array<i32>} : memref<128xi32, #tpu.memory_space<vmem>>, vector<16xi32>,
      }
      %scan3A_101 = arith.constant 8 : i32
      "tpu.region"() ({
        %run_scoped3A = tpu.sem_alloc : memref<!tpu.dma_semaphore, #tpu.memory_space<semaphore_mem>>
        %dma_start3A = arith.constant 0 : i32
        %dma_start3A_102 = arith.constant 0 : i32
        %dma_start3A_103 = tpu.memref_slice %arg9[%dma_start3A, %dma_start3A_102] : memref<12544x128xf32, #tpu.memory_space<vmem_shared>> -> memref<12544x128xf32, #tpu.memory_space<vmem_shared>>
        %dma_start3A_104 = arith.constant -1 : i32
        tpu.enqueue_indirect_dma source(%arg8 : memref<128x128xf32, #tpu.memory_space<vmem>>) target(%dma_start3A_103 : memref<12544x128xf32, #tpu.memory_space<vmem_shared>>) offsets(%arg7 : memref<128xi32, #tpu.memory_space<vmem>>) offset_filter(%dma_start3A_104) semaphore(%run_scoped3A : memref<!tpu.dma_semaphore, #tpu.memory_space<semaphore_mem>>) {add = true}
        %dma_wait3A = arith.constant 0 : i32
        %dma_wait3A_105 = arith.constant 0 : i32
        %dma_wait3A_106 = tpu.memref_slice %arg9[%dma_wait3A, %dma_wait3A_105] : memref<12544x128xf32, #tpu.memory_space<vmem_shared>> -> memref<12544x128xf32, #tpu.memory_space<vmem_shared>>
        tpu.wait_indirect_dma semaphore(%run_scoped3A : memref<!tpu.dma_semaphore, #tpu.memory_space<semaphore_mem>>) src(%arg8 : memref<128x128xf32, #tpu.memory_space<vmem>>) dst(%dma_wait3A_106 : memref<12544x128xf32, #tpu.memory_space<vmem_shared>>)
        tpu.yield
      }) : () -> ()
    }
    %while3A_42 = arith.constant 1 : i32
    scf.for %while3A_91 = %while3A_40 to %while3A_36 step %while3A_42  : i32 {
      %mul3A_92 = arith.constant 16 : i32
      %mul3A_93 = arith.muli %while3A_91, %mul3A_92 : i32
      %add3A_94 = arith.addi %mul3A_93, %arg1 : i32
      %mul3A_95 = arith.constant 128 : i32
      %mul3A_96 = arith.muli %add3A_94, %mul3A_95 : i32
      "tpu.region"() ({
        %run_scoped3A = tpu.sem_alloc : memref<!tpu.dma_semaphore, #tpu.memory_space<semaphore_mem>>
        %dma_start3A = tpu.memref_slice %arg2[%mul3A_96] : memref<1600000xi32, #tpu.memory_space<hbm>> -> memref<128xi32, #tpu.memory_space<hbm>>
        %dma_start3A_102 = tpu.memref_slice %arg2[%mul3A_96] : memref<1600000xi32, #tpu.memory_space<hbm>> -> memref<128xi32, #tpu.memory_space<hbm>>
        tpu.enqueue_dma source(%dma_start3A_102 : memref<128xi32, #tpu.memory_space<hbm>>) target(%arg6 : memref<128xi32, #tpu.memory_space<vmem>>) target_semaphore(%run_scoped3A : memref<!tpu.dma_semaphore, #tpu.memory_space<semaphore_mem>>)
        %dma_wait3A = tpu.memref_slice %arg2[%mul3A_96] : memref<1600000xi32, #tpu.memory_space<hbm>> -> memref<128xi32, #tpu.memory_space<hbm>>
        %dma_wait3A_103 = tpu.memref_slice %arg2[%mul3A_96] : memref<1600000xi32, #tpu.memory_space<hbm>> -> memref<128xi32, #tpu.memory_space<hbm>>
        tpu.wait_dma2 semaphore(%run_scoped3A : memref<!tpu.dma_semaphore, #tpu.memory_space<semaphore_mem>>) src(%dma_wait3A_103 : memref<128xi32, #tpu.memory_space<hbm>>) dst(%arg6 : memref<128xi32, #tpu.memory_space<vmem>>)
        tpu.yield
      }) : () -> ()
      %scan3A = arith.constant 0 : i32
      %scan3A_97 = arith.constant 0 : i32
      %scan3A_98 = arith.constant 8 : i32
      %scan3A_99 = arith.addi %scan3A_97, %scan3A_98 : i32
      %scan3A_100 = arith.constant 1 : i32
      scf.for %scan3A_102 = %scan3A_97 to %scan3A_99 step %scan3A_100  : i32 {
        %mul3A_103 = arith.constant 16 : i32
        %mul3A_104 = arith.muli %scan3A_102, %mul3A_103 : i32
        %get3A = arith.index_cast %mul3A_104 : i32 to index
        %get3A_105 = tpu.vector_load %arg6[%get3A] {strides = array<i32>} : memref<128xi32, #tpu.memory_space<vmem>>, vector<16xi32>,
        %get3A_106 = vector.shape_cast %get3A_105 : vector<16xi32> to vector<16xi32>
        %ge3A = vector.broadcast %mul3A_0 : i32 to vector<16xi32>
        %ge3A_107 = arith.cmpi sge, %get3A_106, %ge3A : vector<16xi32>
        %lt3A_108 = vector.broadcast %add3A_1 : i32 to vector<16xi32>
        %lt3A_109 = arith.cmpi slt, %get3A_106, %lt3A_108 : vector<16xi32>
        %and3A = arith.andi %ge3A_107, %lt3A_109 : vector<16xi1>
        %sub3A = vector.broadcast %mul3A_0 : i32 to vector<16xi32>
        %sub3A_110 = arith.subi %get3A_106, %sub3A : vector<16xi32>
        %jit3A_111 = arith.constant -1 : i32
        %broadcast_in_dim3A = vector.broadcast %jit3A_111 : i32 to vector<16xi32>
        %select_n3A_112 = arith.select %and3A, %sub3A_110, %broadcast_in_dim3A : vector<16xi1>, vector<16xi32>
        %swap3A = arith.index_cast %mul3A_104 : i32 to index
        %swap3A_113 = tpu.vector_load %arg7[%swap3A] {strides = array<i32>} : memref<128xi32, #tpu.memory_space<vmem>>, vector<16xi32>,
        %swap3A_114 = vector.shape_cast %swap3A_113 : vector<16xi32> to vector<16xi32>
        %swap3A_115 = vector.shape_cast %select_n3A_112 : vector<16xi32> to vector<16xi32>
        tpu.vector_store %arg7[%swap3A], %swap3A_115 {strides = array<i32>} : memref<128xi32, #tpu.memory_space<vmem>>, vector<16xi32>,
      }
      %scan3A_101 = arith.constant 8 : i32
      "tpu.region"() ({
        %run_scoped3A = tpu.sem_alloc : memref<!tpu.dma_semaphore, #tpu.memory_space<semaphore_mem>>
        %dma_start3A = arith.constant 0 : i32
        %dma_start3A_102 = arith.constant 0 : i32
        %dma_start3A_103 = tpu.memref_slice %arg9[%dma_start3A, %dma_start3A_102] : memref<12544x128xf32, #tpu.memory_space<vmem_shared>> -> memref<12544x128xf32, #tpu.memory_space<vmem_shared>>
        %dma_start3A_104 = arith.constant -1 : i32
        tpu.enqueue_indirect_dma source(%arg8 : memref<128x128xf32, #tpu.memory_space<vmem>>) target(%dma_start3A_103 : memref<12544x128xf32, #tpu.memory_space<vmem_shared>>) offsets(%arg7 : memref<128xi32, #tpu.memory_space<vmem>>) offset_filter(%dma_start3A_104) semaphore(%run_scoped3A : memref<!tpu.dma_semaphore, #tpu.memory_space<semaphore_mem>>) {add = true}
        %dma_wait3A = arith.constant 0 : i32
        %dma_wait3A_105 = arith.constant 0 : i32
        %dma_wait3A_106 = tpu.memref_slice %arg9[%dma_wait3A, %dma_wait3A_105] : memref<12544x128xf32, #tpu.memory_space<vmem_shared>> -> memref<12544x128xf32, #tpu.memory_space<vmem_shared>>
        tpu.wait_indirect_dma semaphore(%run_scoped3A : memref<!tpu.dma_semaphore, #tpu.memory_space<semaphore_mem>>) src(%arg8 : memref<128x128xf32, #tpu.memory_space<vmem>>) dst(%dma_wait3A_106 : memref<12544x128xf32, #tpu.memory_space<vmem_shared>>)
        tpu.yield
      }) : () -> ()
    }
    %barrier3A_43 = arith.constant 0 : index
    tpu.barrier barrier_id(%barrier3A_43)
    %mul3A_44 = arith.constant 12544 : i32
    %mul3A_45 = arith.muli %arg0, %mul3A_44 : i32
    %mul3A_46 = arith.constant 784 : i32
    %mul3A_47 = arith.muli %arg1, %mul3A_46 : i32
    %add3A_48 = arith.addi %mul3A_45, %mul3A_47 : i32
    %mul3A_49 = arith.constant 784 : i32
    %mul3A_50 = arith.muli %arg1, %mul3A_49 : i32
    %add3A_51 = arith.constant 0 : i32
    %add3A_52 = arith.addi %mul3A_50, %add3A_51 : i32
    "tpu.region"() ({
      %run_scoped3A = tpu.sem_alloc : memref<!tpu.dma_semaphore, #tpu.memory_space<semaphore_mem>>
      %dma_start3A = arith.constant 0 : i32
      %dma_start3A_91 = arith.constant 0 : i32
      %dma_start3A_92 = tpu.memref_slice %arg8[%dma_start3A, %dma_start3A_91] : memref<128x128xf32, #tpu.memory_space<vmem>> -> memref<112x128xf32, #tpu.memory_space<vmem>>
      %dma_start3A_93 = arith.constant 0 : i32
      %dma_start3A_94 = tpu.memref_slice %arg9[%add3A_52, %dma_start3A_93] : memref<12544x128xf32, #tpu.memory_space<vmem_shared>> -> memref<112x128xf32, #tpu.memory_space<vmem_shared>>
      %dma_start3A_95 = arith.constant 0 : i32
      %dma_start3A_96 = arith.constant 0 : i32
      %dma_start3A_97 = tpu.memref_slice %arg8[%dma_start3A_95, %dma_start3A_96] : memref<128x128xf32, #tpu.memory_space<vmem>> -> memref<112x128xf32, #tpu.memory_space<vmem>>
      %dma_start3A_98 = arith.constant 0 : i32
      %dma_start3A_99 = tpu.memref_slice %arg9[%add3A_52, %dma_start3A_98] : memref<12544x128xf32, #tpu.memory_space<vmem_shared>> -> memref<112x128xf32, #tpu.memory_space<vmem_shared>>
      tpu.enqueue_dma source(%dma_start3A_99 : memref<112x128xf32, #tpu.memory_space<vmem_shared>>) target(%dma_start3A_97 : memref<112x128xf32, #tpu.memory_space<vmem>>) target_semaphore(%run_scoped3A : memref<!tpu.dma_semaphore, #tpu.memory_space<semaphore_mem>>)
      %dma_wait3A = arith.constant 0 : i32
      %dma_wait3A_100 = arith.constant 0 : i32
      %dma_wait3A_101 = tpu.memref_slice %arg8[%dma_wait3A, %dma_wait3A_100] : memref<128x128xf32, #tpu.memory_space<vmem>> -> memref<112x128xf32, #tpu.memory_space<vmem>>
      %dma_wait3A_102 = arith.constant 0 : i32
      %dma_wait3A_103 = tpu.memref_slice %arg9[%add3A_52, %dma_wait3A_102] : memref<12544x128xf32, #tpu.memory_space<vmem_shared>> -> memref<112x128xf32, #tpu.memory_space<vmem_shared>>
      %dma_wait3A_104 = arith.constant 0 : i32
      %dma_wait3A_105 = arith.constant 0 : i32
      %dma_wait3A_106 = tpu.memref_slice %arg8[%dma_wait3A_104, %dma_wait3A_105] : memref<128x128xf32, #tpu.memory_space<vmem>> -> memref<112x128xf32, #tpu.memory_space<vmem>>
      %dma_wait3A_107 = arith.constant 0 : i32
      %dma_wait3A_108 = tpu.memref_slice %arg9[%add3A_52, %dma_wait3A_107] : memref<12544x128xf32, #tpu.memory_space<vmem_shared>> -> memref<112x128xf32, #tpu.memory_space<vmem_shared>>
      tpu.wait_dma2 semaphore(%run_scoped3A : memref<!tpu.dma_semaphore, #tpu.memory_space<semaphore_mem>>) src(%dma_wait3A_108 : memref<112x128xf32, #tpu.memory_space<vmem_shared>>) dst(%dma_wait3A_106 : memref<112x128xf32, #tpu.memory_space<vmem>>)
      tpu.yield
    }) : () -> ()
    %add3A_53 = arith.constant 0 : i32
    %add3A_54 = arith.addi %add3A_48, %add3A_53 : i32
    "tpu.region"() ({
      %run_scoped3A = tpu.sem_alloc : memref<!tpu.dma_semaphore, #tpu.memory_space<semaphore_mem>>
      %dma_start3A = arith.constant 0 : i32
      %dma_start3A_91 = arith.constant 0 : i32
      %dma_start3A_92 = tpu.memref_slice %arg8[%dma_start3A, %dma_start3A_91] : memref<128x128xf32, #tpu.memory_space<vmem>> -> memref<112x128xf32, #tpu.memory_space<vmem>>
      %dma_start3A_93 = arith.constant 0 : i32
      %dma_start3A_94 = tpu.memref_slice %arg5[%add3A_54, %dma_start3A_93] : memref<25088x128xf32, #tpu.memory_space<hbm>> -> memref<112x128xf32, #tpu.memory_space<hbm>>
      %dma_start3A_95 = arith.constant 0 : i32
      %dma_start3A_96 = tpu.memref_slice %arg5[%add3A_54, %dma_start3A_95] : memref<25088x128xf32, #tpu.memory_space<hbm>> -> memref<112x128xf32, #tpu.memory_space<hbm>>
      %dma_start3A_97 = arith.constant 0 : i32
      %dma_start3A_98 = arith.constant 0 : i32
      %dma_start3A_99 = tpu.memref_slice %arg8[%dma_start3A_97, %dma_start3A_98] : memref<128x128xf32, #tpu.memory_space<vmem>> -> memref<112x128xf32, #tpu.memory_space<vmem>>
      tpu.enqueue_dma source(%dma_start3A_99 : memref<112x128xf32, #tpu.memory_space<vmem>>) target(%dma_start3A_96 : memref<112x128xf32, #tpu.memory_space<hbm>>) target_semaphore(%run_scoped3A : memref<!tpu.dma_semaphore, #tpu.memory_space<semaphore_mem>>)
      %dma_wait3A = arith.constant 0 : i32
      %dma_wait3A_100 = arith.constant 0 : i32
      %dma_wait3A_101 = tpu.memref_slice %arg8[%dma_wait3A, %dma_wait3A_100] : memref<128x128xf32, #tpu.memory_space<vmem>> -> memref<112x128xf32, #tpu.memory_space<vmem>>
      %dma_wait3A_102 = arith.constant 0 : i32
      %dma_wait3A_103 = tpu.memref_slice %arg5[%add3A_54, %dma_wait3A_102] : memref<25088x128xf32, #tpu.memory_space<hbm>> -> memref<112x128xf32, #tpu.memory_space<hbm>>
      %dma_wait3A_104 = arith.constant 0 : i32
      %dma_wait3A_105 = tpu.memref_slice %arg5[%add3A_54, %dma_wait3A_104] : memref<25088x128xf32, #tpu.memory_space<hbm>> -> memref<112x128xf32, #tpu.memory_space<hbm>>
      %dma_wait3A_106 = arith.constant 0 : i32
      %dma_wait3A_107 = arith.constant 0 : i32
      %dma_wait3A_108 = tpu.memref_slice %arg8[%dma_wait3A_106, %dma_wait3A_107] : memref<128x128xf32, #tpu.memory_space<vmem>> -> memref<112x128xf32, #tpu.memory_space<vmem>>
      tpu.wait_dma2 semaphore(%run_scoped3A : memref<!tpu.dma_semaphore, #tpu.memory_space<semaphore_mem>>) src(%dma_wait3A_108 : memref<112x128xf32, #tpu.memory_space<vmem>>) dst(%dma_wait3A_105 : memref<112x128xf32, #tpu.memory_space<hbm>>)
      tpu.yield
    }) : () -> ()
    %mul3A_55 = arith.constant 784 : i32
    %mul3A_56 = arith.muli %arg1, %mul3A_55 : i32
    %add3A_57 = arith.constant 112 : i32
    %add3A_58 = arith.addi %mul3A_56, %add3A_57 : i32
    "tpu.region"() ({
      %run_scoped3A = tpu.sem_alloc : memref<!tpu.dma_semaphore, #tpu.memory_space<semaphore_mem>>
      %dma_start3A = arith.constant 0 : i32
      %dma_start3A_91 = arith.constant 0 : i32
      %dma_start3A_92 = tpu.memref_slice %arg8[%dma_start3A, %dma_start3A_91] : memref<128x128xf32, #tpu.memory_space<vmem>> -> memref<112x128xf32, #tpu.memory_space<vmem>>
      %dma_start3A_93 = arith.constant 0 : i32
      %dma_start3A_94 = tpu.memref_slice %arg9[%add3A_58, %dma_start3A_93] : memref<12544x128xf32, #tpu.memory_space<vmem_shared>> -> memref<112x128xf32, #tpu.memory_space<vmem_shared>>
      %dma_start3A_95 = arith.constant 0 : i32
      %dma_start3A_96 = arith.constant 0 : i32
      %dma_start3A_97 = tpu.memref_slice %arg8[%dma_start3A_95, %dma_start3A_96] : memref<128x128xf32, #tpu.memory_space<vmem>> -> memref<112x128xf32, #tpu.memory_space<vmem>>
      %dma_start3A_98 = arith.constant 0 : i32
      %dma_start3A_99 = tpu.memref_slice %arg9[%add3A_58, %dma_start3A_98] : memref<12544x128xf32, #tpu.memory_space<vmem_shared>> -> memref<112x128xf32, #tpu.memory_space<vmem_shared>>
      tpu.enqueue_dma source(%dma_start3A_99 : memref<112x128xf32, #tpu.memory_space<vmem_shared>>) target(%dma_start3A_97 : memref<112x128xf32, #tpu.memory_space<vmem>>) target_semaphore(%run_scoped3A : memref<!tpu.dma_semaphore, #tpu.memory_space<semaphore_mem>>)
      %dma_wait3A = arith.constant 0 : i32
      %dma_wait3A_100 = arith.constant 0 : i32
      %dma_wait3A_101 = tpu.memref_slice %arg8[%dma_wait3A, %dma_wait3A_100] : memref<128x128xf32, #tpu.memory_space<vmem>> -> memref<112x128xf32, #tpu.memory_space<vmem>>
      %dma_wait3A_102 = arith.constant 0 : i32
      %dma_wait3A_103 = tpu.memref_slice %arg9[%add3A_58, %dma_wait3A_102] : memref<12544x128xf32, #tpu.memory_space<vmem_shared>> -> memref<112x128xf32, #tpu.memory_space<vmem_shared>>
      %dma_wait3A_104 = arith.constant 0 : i32
      %dma_wait3A_105 = arith.constant 0 : i32
      %dma_wait3A_106 = tpu.memref_slice %arg8[%dma_wait3A_104, %dma_wait3A_105] : memref<128x128xf32, #tpu.memory_space<vmem>> -> memref<112x128xf32, #tpu.memory_space<vmem>>
      %dma_wait3A_107 = arith.constant 0 : i32
      %dma_wait3A_108 = tpu.memref_slice %arg9[%add3A_58, %dma_wait3A_107] : memref<12544x128xf32, #tpu.memory_space<vmem_shared>> -> memref<112x128xf32, #tpu.memory_space<vmem_shared>>
      tpu.wait_dma2 semaphore(%run_scoped3A : memref<!tpu.dma_semaphore, #tpu.memory_space<semaphore_mem>>) src(%dma_wait3A_108 : memref<112x128xf32, #tpu.memory_space<vmem_shared>>) dst(%dma_wait3A_106 : memref<112x128xf32, #tpu.memory_space<vmem>>)
      tpu.yield
    }) : () -> ()
    %add3A_59 = arith.constant 112 : i32
    %add3A_60 = arith.addi %add3A_48, %add3A_59 : i32
    "tpu.region"() ({
      %run_scoped3A = tpu.sem_alloc : memref<!tpu.dma_semaphore, #tpu.memory_space<semaphore_mem>>
      %dma_start3A = arith.constant 0 : i32
      %dma_start3A_91 = arith.constant 0 : i32
      %dma_start3A_92 = tpu.memref_slice %arg8[%dma_start3A, %dma_start3A_91] : memref<128x128xf32, #tpu.memory_space<vmem>> -> memref<112x128xf32, #tpu.memory_space<vmem>>
      %dma_start3A_93 = arith.constant 0 : i32
      %dma_start3A_94 = tpu.memref_slice %arg5[%add3A_60, %dma_start3A_93] : memref<25088x128xf32, #tpu.memory_space<hbm>> -> memref<112x128xf32, #tpu.memory_space<hbm>>
      %dma_start3A_95 = arith.constant 0 : i32
      %dma_start3A_96 = tpu.memref_slice %arg5[%add3A_60, %dma_start3A_95] : memref<25088x128xf32, #tpu.memory_space<hbm>> -> memref<112x128xf32, #tpu.memory_space<hbm>>
      %dma_start3A_97 = arith.constant 0 : i32
      %dma_start3A_98 = arith.constant 0 : i32
      %dma_start3A_99 = tpu.memref_slice %arg8[%dma_start3A_97, %dma_start3A_98] : memref<128x128xf32, #tpu.memory_space<vmem>> -> memref<112x128xf32, #tpu.memory_space<vmem>>
      tpu.enqueue_dma source(%dma_start3A_99 : memref<112x128xf32, #tpu.memory_space<vmem>>) target(%dma_start3A_96 : memref<112x128xf32, #tpu.memory_space<hbm>>) target_semaphore(%run_scoped3A : memref<!tpu.dma_semaphore, #tpu.memory_space<semaphore_mem>>)
      %dma_wait3A = arith.constant 0 : i32
      %dma_wait3A_100 = arith.constant 0 : i32
      %dma_wait3A_101 = tpu.memref_slice %arg8[%dma_wait3A, %dma_wait3A_100] : memref<128x128xf32, #tpu.memory_space<vmem>> -> memref<112x128xf32, #tpu.memory_space<vmem>>
      %dma_wait3A_102 = arith.constant 0 : i32
      %dma_wait3A_103 = tpu.memref_slice %arg5[%add3A_60, %dma_wait3A_102] : memref<25088x128xf32, #tpu.memory_space<hbm>> -> memref<112x128xf32, #tpu.memory_space<hbm>>
      %dma_wait3A_104 = arith.constant 0 : i32
      %dma_wait3A_105 = tpu.memref_slice %arg5[%add3A_60, %dma_wait3A_104] : memref<25088x128xf32, #tpu.memory_space<hbm>> -> memref<112x128xf32, #tpu.memory_space<hbm>>
      %dma_wait3A_106 = arith.constant 0 : i32
      %dma_wait3A_107 = arith.constant 0 : i32
      %dma_wait3A_108 = tpu.memref_slice %arg8[%dma_wait3A_106, %dma_wait3A_107] : memref<128x128xf32, #tpu.memory_space<vmem>> -> memref<112x128xf32, #tpu.memory_space<vmem>>
      tpu.wait_dma2 semaphore(%run_scoped3A : memref<!tpu.dma_semaphore, #tpu.memory_space<semaphore_mem>>) src(%dma_wait3A_108 : memref<112x128xf32, #tpu.memory_space<vmem>>) dst(%dma_wait3A_105 : memref<112x128xf32, #tpu.memory_space<hbm>>)
      tpu.yield
    }) : () -> ()
    %mul3A_61 = arith.constant 784 : i32
    %mul3A_62 = arith.muli %arg1, %mul3A_61 : i32
    %add3A_63 = arith.constant 224 : i32
    %add3A_64 = arith.addi %mul3A_62, %add3A_63 : i32
    "tpu.region"() ({
      %run_scoped3A = tpu.sem_alloc : memref<!tpu.dma_semaphore, #tpu.memory_space<semaphore_mem>>
      %dma_start3A = arith.constant 0 : i32
      %dma_start3A_91 = arith.constant 0 : i32
      %dma_start3A_92 = tpu.memref_slice %arg8[%dma_start3A, %dma_start3A_91] : memref<128x128xf32, #tpu.memory_space<vmem>> -> memref<112x128xf32, #tpu.memory_space<vmem>>
      %dma_start3A_93 = arith.constant 0 : i32
      %dma_start3A_94 = tpu.memref_slice %arg9[%add3A_64, %dma_start3A_93] : memref<12544x128xf32, #tpu.memory_space<vmem_shared>> -> memref<112x128xf32, #tpu.memory_space<vmem_shared>>
      %dma_start3A_95 = arith.constant 0 : i32
      %dma_start3A_96 = arith.constant 0 : i32
      %dma_start3A_97 = tpu.memref_slice %arg8[%dma_start3A_95, %dma_start3A_96] : memref<128x128xf32, #tpu.memory_space<vmem>> -> memref<112x128xf32, #tpu.memory_space<vmem>>
      %dma_start3A_98 = arith.constant 0 : i32
      %dma_start3A_99 = tpu.memref_slice %arg9[%add3A_64, %dma_start3A_98] : memref<12544x128xf32, #tpu.memory_space<vmem_shared>> -> memref<112x128xf32, #tpu.memory_space<vmem_shared>>
      tpu.enqueue_dma source(%dma_start3A_99 : memref<112x128xf32, #tpu.memory_space<vmem_shared>>) target(%dma_start3A_97 : memref<112x128xf32, #tpu.memory_space<vmem>>) target_semaphore(%run_scoped3A : memref<!tpu.dma_semaphore, #tpu.memory_space<semaphore_mem>>)
      %dma_wait3A = arith.constant 0 : i32
      %dma_wait3A_100 = arith.constant 0 : i32
      %dma_wait3A_101 = tpu.memref_slice %arg8[%dma_wait3A, %dma_wait3A_100] : memref<128x128xf32, #tpu.memory_space<vmem>> -> memref<112x128xf32, #tpu.memory_space<vmem>>
      %dma_wait3A_102 = arith.constant 0 : i32
      %dma_wait3A_103 = tpu.memref_slice %arg9[%add3A_64, %dma_wait3A_102] : memref<12544x128xf32, #tpu.memory_space<vmem_shared>> -> memref<112x128xf32, #tpu.memory_space<vmem_shared>>
      %dma_wait3A_104 = arith.constant 0 : i32
      %dma_wait3A_105 = arith.constant 0 : i32
      %dma_wait3A_106 = tpu.memref_slice %arg8[%dma_wait3A_104, %dma_wait3A_105] : memref<128x128xf32, #tpu.memory_space<vmem>> -> memref<112x128xf32, #tpu.memory_space<vmem>>
      %dma_wait3A_107 = arith.constant 0 : i32
      %dma_wait3A_108 = tpu.memref_slice %arg9[%add3A_64, %dma_wait3A_107] : memref<12544x128xf32, #tpu.memory_space<vmem_shared>> -> memref<112x128xf32, #tpu.memory_space<vmem_shared>>
      tpu.wait_dma2 semaphore(%run_scoped3A : memref<!tpu.dma_semaphore, #tpu.memory_space<semaphore_mem>>) src(%dma_wait3A_108 : memref<112x128xf32, #tpu.memory_space<vmem_shared>>) dst(%dma_wait3A_106 : memref<112x128xf32, #tpu.memory_space<vmem>>)
      tpu.yield
    }) : () -> ()
    %add3A_65 = arith.constant 224 : i32
    %add3A_66 = arith.addi %add3A_48, %add3A_65 : i32
    "tpu.region"() ({
      %run_scoped3A = tpu.sem_alloc : memref<!tpu.dma_semaphore, #tpu.memory_space<semaphore_mem>>
      %dma_start3A = arith.constant 0 : i32
      %dma_start3A_91 = arith.constant 0 : i32
      %dma_start3A_92 = tpu.memref_slice %arg8[%dma_start3A, %dma_start3A_91] : memref<128x128xf32, #tpu.memory_space<vmem>> -> memref<112x128xf32, #tpu.memory_space<vmem>>
      %dma_start3A_93 = arith.constant 0 : i32
      %dma_start3A_94 = tpu.memref_slice %arg5[%add3A_66, %dma_start3A_93] : memref<25088x128xf32, #tpu.memory_space<hbm>> -> memref<112x128xf32, #tpu.memory_space<hbm>>
      %dma_start3A_95 = arith.constant 0 : i32
      %dma_start3A_96 = tpu.memref_slice %arg5[%add3A_66, %dma_start3A_95] : memref<25088x128xf32, #tpu.memory_space<hbm>> -> memref<112x128xf32, #tpu.memory_space<hbm>>
      %dma_start3A_97 = arith.constant 0 : i32
      %dma_start3A_98 = arith.constant 0 : i32
      %dma_start3A_99 = tpu.memref_slice %arg8[%dma_start3A_97, %dma_start3A_98] : memref<128x128xf32, #tpu.memory_space<vmem>> -> memref<112x128xf32, #tpu.memory_space<vmem>>
      tpu.enqueue_dma source(%dma_start3A_99 : memref<112x128xf32, #tpu.memory_space<vmem>>) target(%dma_start3A_96 : memref<112x128xf32, #tpu.memory_space<hbm>>) target_semaphore(%run_scoped3A : memref<!tpu.dma_semaphore, #tpu.memory_space<semaphore_mem>>)
      %dma_wait3A = arith.constant 0 : i32
      %dma_wait3A_100 = arith.constant 0 : i32
      %dma_wait3A_101 = tpu.memref_slice %arg8[%dma_wait3A, %dma_wait3A_100] : memref<128x128xf32, #tpu.memory_space<vmem>> -> memref<112x128xf32, #tpu.memory_space<vmem>>
      %dma_wait3A_102 = arith.constant 0 : i32
      %dma_wait3A_103 = tpu.memref_slice %arg5[%add3A_66, %dma_wait3A_102] : memref<25088x128xf32, #tpu.memory_space<hbm>> -> memref<112x128xf32, #tpu.memory_space<hbm>>
      %dma_wait3A_104 = arith.constant 0 : i32
      %dma_wait3A_105 = tpu.memref_slice %arg5[%add3A_66, %dma_wait3A_104] : memref<25088x128xf32, #tpu.memory_space<hbm>> -> memref<112x128xf32, #tpu.memory_space<hbm>>
      %dma_wait3A_106 = arith.constant 0 : i32
      %dma_wait3A_107 = arith.constant 0 : i32
      %dma_wait3A_108 = tpu.memref_slice %arg8[%dma_wait3A_106, %dma_wait3A_107] : memref<128x128xf32, #tpu.memory_space<vmem>> -> memref<112x128xf32, #tpu.memory_space<vmem>>
      tpu.wait_dma2 semaphore(%run_scoped3A : memref<!tpu.dma_semaphore, #tpu.memory_space<semaphore_mem>>) src(%dma_wait3A_108 : memref<112x128xf32, #tpu.memory_space<vmem>>) dst(%dma_wait3A_105 : memref<112x128xf32, #tpu.memory_space<hbm>>)
      tpu.yield
    }) : () -> ()
    %mul3A_67 = arith.constant 784 : i32
    %mul3A_68 = arith.muli %arg1, %mul3A_67 : i32
    %add3A_69 = arith.constant 336 : i32
    %add3A_70 = arith.addi %mul3A_68, %add3A_69 : i32
    "tpu.region"() ({
      %run_scoped3A = tpu.sem_alloc : memref<!tpu.dma_semaphore, #tpu.memory_space<semaphore_mem>>
      %dma_start3A = arith.constant 0 : i32
      %dma_start3A_91 = arith.constant 0 : i32
      %dma_start3A_92 = tpu.memref_slice %arg8[%dma_start3A, %dma_start3A_91] : memref<128x128xf32, #tpu.memory_space<vmem>> -> memref<112x128xf32, #tpu.memory_space<vmem>>
      %dma_start3A_93 = arith.constant 0 : i32
      %dma_start3A_94 = tpu.memref_slice %arg9[%add3A_70, %dma_start3A_93] : memref<12544x128xf32, #tpu.memory_space<vmem_shared>> -> memref<112x128xf32, #tpu.memory_space<vmem_shared>>
      %dma_start3A_95 = arith.constant 0 : i32
      %dma_start3A_96 = arith.constant 0 : i32
      %dma_start3A_97 = tpu.memref_slice %arg8[%dma_start3A_95, %dma_start3A_96] : memref<128x128xf32, #tpu.memory_space<vmem>> -> memref<112x128xf32, #tpu.memory_space<vmem>>
      %dma_start3A_98 = arith.constant 0 : i32
      %dma_start3A_99 = tpu.memref_slice %arg9[%add3A_70, %dma_start3A_98] : memref<12544x128xf32, #tpu.memory_space<vmem_shared>> -> memref<112x128xf32, #tpu.memory_space<vmem_shared>>
      tpu.enqueue_dma source(%dma_start3A_99 : memref<112x128xf32, #tpu.memory_space<vmem_shared>>) target(%dma_start3A_97 : memref<112x128xf32, #tpu.memory_space<vmem>>) target_semaphore(%run_scoped3A : memref<!tpu.dma_semaphore, #tpu.memory_space<semaphore_mem>>)
      %dma_wait3A = arith.constant 0 : i32
      %dma_wait3A_100 = arith.constant 0 : i32
      %dma_wait3A_101 = tpu.memref_slice %arg8[%dma_wait3A, %dma_wait3A_100] : memref<128x128xf32, #tpu.memory_space<vmem>> -> memref<112x128xf32, #tpu.memory_space<vmem>>
      %dma_wait3A_102 = arith.constant 0 : i32
      %dma_wait3A_103 = tpu.memref_slice %arg9[%add3A_70, %dma_wait3A_102] : memref<12544x128xf32, #tpu.memory_space<vmem_shared>> -> memref<112x128xf32, #tpu.memory_space<vmem_shared>>
      %dma_wait3A_104 = arith.constant 0 : i32
      %dma_wait3A_105 = arith.constant 0 : i32
      %dma_wait3A_106 = tpu.memref_slice %arg8[%dma_wait3A_104, %dma_wait3A_105] : memref<128x128xf32, #tpu.memory_space<vmem>> -> memref<112x128xf32, #tpu.memory_space<vmem>>
      %dma_wait3A_107 = arith.constant 0 : i32
      %dma_wait3A_108 = tpu.memref_slice %arg9[%add3A_70, %dma_wait3A_107] : memref<12544x128xf32, #tpu.memory_space<vmem_shared>> -> memref<112x128xf32, #tpu.memory_space<vmem_shared>>
      tpu.wait_dma2 semaphore(%run_scoped3A : memref<!tpu.dma_semaphore, #tpu.memory_space<semaphore_mem>>) src(%dma_wait3A_108 : memref<112x128xf32, #tpu.memory_space<vmem_shared>>) dst(%dma_wait3A_106 : memref<112x128xf32, #tpu.memory_space<vmem>>)
      tpu.yield
    }) : () -> ()
    %add3A_71 = arith.constant 336 : i32
    %add3A_72 = arith.addi %add3A_48, %add3A_71 : i32
    "tpu.region"() ({
      %run_scoped3A = tpu.sem_alloc : memref<!tpu.dma_semaphore, #tpu.memory_space<semaphore_mem>>
      %dma_start3A = arith.constant 0 : i32
      %dma_start3A_91 = arith.constant 0 : i32
      %dma_start3A_92 = tpu.memref_slice %arg8[%dma_start3A, %dma_start3A_91] : memref<128x128xf32, #tpu.memory_space<vmem>> -> memref<112x128xf32, #tpu.memory_space<vmem>>
      %dma_start3A_93 = arith.constant 0 : i32
      %dma_start3A_94 = tpu.memref_slice %arg5[%add3A_72, %dma_start3A_93] : memref<25088x128xf32, #tpu.memory_space<hbm>> -> memref<112x128xf32, #tpu.memory_space<hbm>>
      %dma_start3A_95 = arith.constant 0 : i32
      %dma_start3A_96 = tpu.memref_slice %arg5[%add3A_72, %dma_start3A_95] : memref<25088x128xf32, #tpu.memory_space<hbm>> -> memref<112x128xf32, #tpu.memory_space<hbm>>
      %dma_start3A_97 = arith.constant 0 : i32
      %dma_start3A_98 = arith.constant 0 : i32
      %dma_start3A_99 = tpu.memref_slice %arg8[%dma_start3A_97, %dma_start3A_98] : memref<128x128xf32, #tpu.memory_space<vmem>> -> memref<112x128xf32, #tpu.memory_space<vmem>>
      tpu.enqueue_dma source(%dma_start3A_99 : memref<112x128xf32, #tpu.memory_space<vmem>>) target(%dma_start3A_96 : memref<112x128xf32, #tpu.memory_space<hbm>>) target_semaphore(%run_scoped3A : memref<!tpu.dma_semaphore, #tpu.memory_space<semaphore_mem>>)
      %dma_wait3A = arith.constant 0 : i32
      %dma_wait3A_100 = arith.constant 0 : i32
      %dma_wait3A_101 = tpu.memref_slice %arg8[%dma_wait3A, %dma_wait3A_100] : memref<128x128xf32, #tpu.memory_space<vmem>> -> memref<112x128xf32, #tpu.memory_space<vmem>>
      %dma_wait3A_102 = arith.constant 0 : i32
      %dma_wait3A_103 = tpu.memref_slice %arg5[%add3A_72, %dma_wait3A_102] : memref<25088x128xf32, #tpu.memory_space<hbm>> -> memref<112x128xf32, #tpu.memory_space<hbm>>
      %dma_wait3A_104 = arith.constant 0 : i32
      %dma_wait3A_105 = tpu.memref_slice %arg5[%add3A_72, %dma_wait3A_104] : memref<25088x128xf32, #tpu.memory_space<hbm>> -> memref<112x128xf32, #tpu.memory_space<hbm>>
      %dma_wait3A_106 = arith.constant 0 : i32
      %dma_wait3A_107 = arith.constant 0 : i32
      %dma_wait3A_108 = tpu.memref_slice %arg8[%dma_wait3A_106, %dma_wait3A_107] : memref<128x128xf32, #tpu.memory_space<vmem>> -> memref<112x128xf32, #tpu.memory_space<vmem>>
      tpu.wait_dma2 semaphore(%run_scoped3A : memref<!tpu.dma_semaphore, #tpu.memory_space<semaphore_mem>>) src(%dma_wait3A_108 : memref<112x128xf32, #tpu.memory_space<vmem>>) dst(%dma_wait3A_105 : memref<112x128xf32, #tpu.memory_space<hbm>>)
      tpu.yield
    }) : () -> ()
    %mul3A_73 = arith.constant 784 : i32
    %mul3A_74 = arith.muli %arg1, %mul3A_73 : i32
    %add3A_75 = arith.constant 448 : i32
    %add3A_76 = arith.addi %mul3A_74, %add3A_75 : i32
    "tpu.region"() ({
      %run_scoped3A = tpu.sem_alloc : memref<!tpu.dma_semaphore, #tpu.memory_space<semaphore_mem>>
      %dma_start3A = arith.constant 0 : i32
      %dma_start3A_91 = arith.constant 0 : i32
      %dma_start3A_92 = tpu.memref_slice %arg8[%dma_start3A, %dma_start3A_91] : memref<128x128xf32, #tpu.memory_space<vmem>> -> memref<112x128xf32, #tpu.memory_space<vmem>>
      %dma_start3A_93 = arith.constant 0 : i32
      %dma_start3A_94 = tpu.memref_slice %arg9[%add3A_76, %dma_start3A_93] : memref<12544x128xf32, #tpu.memory_space<vmem_shared>> -> memref<112x128xf32, #tpu.memory_space<vmem_shared>>
      %dma_start3A_95 = arith.constant 0 : i32
      %dma_start3A_96 = arith.constant 0 : i32
      %dma_start3A_97 = tpu.memref_slice %arg8[%dma_start3A_95, %dma_start3A_96] : memref<128x128xf32, #tpu.memory_space<vmem>> -> memref<112x128xf32, #tpu.memory_space<vmem>>
      %dma_start3A_98 = arith.constant 0 : i32
      %dma_start3A_99 = tpu.memref_slice %arg9[%add3A_76, %dma_start3A_98] : memref<12544x128xf32, #tpu.memory_space<vmem_shared>> -> memref<112x128xf32, #tpu.memory_space<vmem_shared>>
      tpu.enqueue_dma source(%dma_start3A_99 : memref<112x128xf32, #tpu.memory_space<vmem_shared>>) target(%dma_start3A_97 : memref<112x128xf32, #tpu.memory_space<vmem>>) target_semaphore(%run_scoped3A : memref<!tpu.dma_semaphore, #tpu.memory_space<semaphore_mem>>)
      %dma_wait3A = arith.constant 0 : i32
      %dma_wait3A_100 = arith.constant 0 : i32
      %dma_wait3A_101 = tpu.memref_slice %arg8[%dma_wait3A, %dma_wait3A_100] : memref<128x128xf32, #tpu.memory_space<vmem>> -> memref<112x128xf32, #tpu.memory_space<vmem>>
      %dma_wait3A_102 = arith.constant 0 : i32
      %dma_wait3A_103 = tpu.memref_slice %arg9[%add3A_76, %dma_wait3A_102] : memref<12544x128xf32, #tpu.memory_space<vmem_shared>> -> memref<112x128xf32, #tpu.memory_space<vmem_shared>>
      %dma_wait3A_104 = arith.constant 0 : i32
      %dma_wait3A_105 = arith.constant 0 : i32
      %dma_wait3A_106 = tpu.memref_slice %arg8[%dma_wait3A_104, %dma_wait3A_105] : memref<128x128xf32, #tpu.memory_space<vmem>> -> memref<112x128xf32, #tpu.memory_space<vmem>>
      %dma_wait3A_107 = arith.constant 0 : i32
      %dma_wait3A_108 = tpu.memref_slice %arg9[%add3A_76, %dma_wait3A_107] : memref<12544x128xf32, #tpu.memory_space<vmem_shared>> -> memref<112x128xf32, #tpu.memory_space<vmem_shared>>
      tpu.wait_dma2 semaphore(%run_scoped3A : memref<!tpu.dma_semaphore, #tpu.memory_space<semaphore_mem>>) src(%dma_wait3A_108 : memref<112x128xf32, #tpu.memory_space<vmem_shared>>) dst(%dma_wait3A_106 : memref<112x128xf32, #tpu.memory_space<vmem>>)
      tpu.yield
    }) : () -> ()
    %add3A_77 = arith.constant 448 : i32
    %add3A_78 = arith.addi %add3A_48, %add3A_77 : i32
    "tpu.region"() ({
      %run_scoped3A = tpu.sem_alloc : memref<!tpu.dma_semaphore, #tpu.memory_space<semaphore_mem>>
      %dma_start3A = arith.constant 0 : i32
      %dma_start3A_91 = arith.constant 0 : i32
      %dma_start3A_92 = tpu.memref_slice %arg8[%dma_start3A, %dma_start3A_91] : memref<128x128xf32, #tpu.memory_space<vmem>> -> memref<112x128xf32, #tpu.memory_space<vmem>>
      %dma_start3A_93 = arith.constant 0 : i32
      %dma_start3A_94 = tpu.memref_slice %arg5[%add3A_78, %dma_start3A_93] : memref<25088x128xf32, #tpu.memory_space<hbm>> -> memref<112x128xf32, #tpu.memory_space<hbm>>
      %dma_start3A_95 = arith.constant 0 : i32
      %dma_start3A_96 = tpu.memref_slice %arg5[%add3A_78, %dma_start3A_95] : memref<25088x128xf32, #tpu.memory_space<hbm>> -> memref<112x128xf32, #tpu.memory_space<hbm>>
      %dma_start3A_97 = arith.constant 0 : i32
      %dma_start3A_98 = arith.constant 0 : i32
      %dma_start3A_99 = tpu.memref_slice %arg8[%dma_start3A_97, %dma_start3A_98] : memref<128x128xf32, #tpu.memory_space<vmem>> -> memref<112x128xf32, #tpu.memory_space<vmem>>
      tpu.enqueue_dma source(%dma_start3A_99 : memref<112x128xf32, #tpu.memory_space<vmem>>) target(%dma_start3A_96 : memref<112x128xf32, #tpu.memory_space<hbm>>) target_semaphore(%run_scoped3A : memref<!tpu.dma_semaphore, #tpu.memory_space<semaphore_mem>>)
      %dma_wait3A = arith.constant 0 : i32
      %dma_wait3A_100 = arith.constant 0 : i32
      %dma_wait3A_101 = tpu.memref_slice %arg8[%dma_wait3A, %dma_wait3A_100] : memref<128x128xf32, #tpu.memory_space<vmem>> -> memref<112x128xf32, #tpu.memory_space<vmem>>
      %dma_wait3A_102 = arith.constant 0 : i32
      %dma_wait3A_103 = tpu.memref_slice %arg5[%add3A_78, %dma_wait3A_102] : memref<25088x128xf32, #tpu.memory_space<hbm>> -> memref<112x128xf32, #tpu.memory_space<hbm>>
      %dma_wait3A_104 = arith.constant 0 : i32
      %dma_wait3A_105 = tpu.memref_slice %arg5[%add3A_78, %dma_wait3A_104] : memref<25088x128xf32, #tpu.memory_space<hbm>> -> memref<112x128xf32, #tpu.memory_space<hbm>>
      %dma_wait3A_106 = arith.constant 0 : i32
      %dma_wait3A_107 = arith.constant 0 : i32
      %dma_wait3A_108 = tpu.memref_slice %arg8[%dma_wait3A_106, %dma_wait3A_107] : memref<128x128xf32, #tpu.memory_space<vmem>> -> memref<112x128xf32, #tpu.memory_space<vmem>>
      tpu.wait_dma2 semaphore(%run_scoped3A : memref<!tpu.dma_semaphore, #tpu.memory_space<semaphore_mem>>) src(%dma_wait3A_108 : memref<112x128xf32, #tpu.memory_space<vmem>>) dst(%dma_wait3A_105 : memref<112x128xf32, #tpu.memory_space<hbm>>)
      tpu.yield
    }) : () -> ()
    %mul3A_79 = arith.constant 784 : i32
    %mul3A_80 = arith.muli %arg1, %mul3A_79 : i32
    %add3A_81 = arith.constant 560 : i32
    %add3A_82 = arith.addi %mul3A_80, %add3A_81 : i32
    "tpu.region"() ({
      %run_scoped3A = tpu.sem_alloc : memref<!tpu.dma_semaphore, #tpu.memory_space<semaphore_mem>>
      %dma_start3A = arith.constant 0 : i32
      %dma_start3A_91 = arith.constant 0 : i32
      %dma_start3A_92 = tpu.memref_slice %arg8[%dma_start3A, %dma_start3A_91] : memref<128x128xf32, #tpu.memory_space<vmem>> -> memref<112x128xf32, #tpu.memory_space<vmem>>
      %dma_start3A_93 = arith.constant 0 : i32
      %dma_start3A_94 = tpu.memref_slice %arg9[%add3A_82, %dma_start3A_93] : memref<12544x128xf32, #tpu.memory_space<vmem_shared>> -> memref<112x128xf32, #tpu.memory_space<vmem_shared>>
      %dma_start3A_95 = arith.constant 0 : i32
      %dma_start3A_96 = arith.constant 0 : i32
      %dma_start3A_97 = tpu.memref_slice %arg8[%dma_start3A_95, %dma_start3A_96] : memref<128x128xf32, #tpu.memory_space<vmem>> -> memref<112x128xf32, #tpu.memory_space<vmem>>
      %dma_start3A_98 = arith.constant 0 : i32
      %dma_start3A_99 = tpu.memref_slice %arg9[%add3A_82, %dma_start3A_98] : memref<12544x128xf32, #tpu.memory_space<vmem_shared>> -> memref<112x128xf32, #tpu.memory_space<vmem_shared>>
      tpu.enqueue_dma source(%dma_start3A_99 : memref<112x128xf32, #tpu.memory_space<vmem_shared>>) target(%dma_start3A_97 : memref<112x128xf32, #tpu.memory_space<vmem>>) target_semaphore(%run_scoped3A : memref<!tpu.dma_semaphore, #tpu.memory_space<semaphore_mem>>)
      %dma_wait3A = arith.constant 0 : i32
      %dma_wait3A_100 = arith.constant 0 : i32
      %dma_wait3A_101 = tpu.memref_slice %arg8[%dma_wait3A, %dma_wait3A_100] : memref<128x128xf32, #tpu.memory_space<vmem>> -> memref<112x128xf32, #tpu.memory_space<vmem>>
      %dma_wait3A_102 = arith.constant 0 : i32
      %dma_wait3A_103 = tpu.memref_slice %arg9[%add3A_82, %dma_wait3A_102] : memref<12544x128xf32, #tpu.memory_space<vmem_shared>> -> memref<112x128xf32, #tpu.memory_space<vmem_shared>>
      %dma_wait3A_104 = arith.constant 0 : i32
      %dma_wait3A_105 = arith.constant 0 : i32
      %dma_wait3A_106 = tpu.memref_slice %arg8[%dma_wait3A_104, %dma_wait3A_105] : memref<128x128xf32, #tpu.memory_space<vmem>> -> memref<112x128xf32, #tpu.memory_space<vmem>>
      %dma_wait3A_107 = arith.constant 0 : i32
      %dma_wait3A_108 = tpu.memref_slice %arg9[%add3A_82, %dma_wait3A_107] : memref<12544x128xf32, #tpu.memory_space<vmem_shared>> -> memref<112x128xf32, #tpu.memory_space<vmem_shared>>
      tpu.wait_dma2 semaphore(%run_scoped3A : memref<!tpu.dma_semaphore, #tpu.memory_space<semaphore_mem>>) src(%dma_wait3A_108 : memref<112x128xf32, #tpu.memory_space<vmem_shared>>) dst(%dma_wait3A_106 : memref<112x128xf32, #tpu.memory_space<vmem>>)
      tpu.yield
    }) : () -> ()
    %add3A_83 = arith.constant 560 : i32
    %add3A_84 = arith.addi %add3A_48, %add3A_83 : i32
    "tpu.region"() ({
      %run_scoped3A = tpu.sem_alloc : memref<!tpu.dma_semaphore, #tpu.memory_space<semaphore_mem>>
      %dma_start3A = arith.constant 0 : i32
      %dma_start3A_91 = arith.constant 0 : i32
      %dma_start3A_92 = tpu.memref_slice %arg8[%dma_start3A, %dma_start3A_91] : memref<128x128xf32, #tpu.memory_space<vmem>> -> memref<112x128xf32, #tpu.memory_space<vmem>>
      %dma_start3A_93 = arith.constant 0 : i32
      %dma_start3A_94 = tpu.memref_slice %arg5[%add3A_84, %dma_start3A_93] : memref<25088x128xf32, #tpu.memory_space<hbm>> -> memref<112x128xf32, #tpu.memory_space<hbm>>
      %dma_start3A_95 = arith.constant 0 : i32
      %dma_start3A_96 = tpu.memref_slice %arg5[%add3A_84, %dma_start3A_95] : memref<25088x128xf32, #tpu.memory_space<hbm>> -> memref<112x128xf32, #tpu.memory_space<hbm>>
      %dma_start3A_97 = arith.constant 0 : i32
      %dma_start3A_98 = arith.constant 0 : i32
      %dma_start3A_99 = tpu.memref_slice %arg8[%dma_start3A_97, %dma_start3A_98] : memref<128x128xf32, #tpu.memory_space<vmem>> -> memref<112x128xf32, #tpu.memory_space<vmem>>
      tpu.enqueue_dma source(%dma_start3A_99 : memref<112x128xf32, #tpu.memory_space<vmem>>) target(%dma_start3A_96 : memref<112x128xf32, #tpu.memory_space<hbm>>) target_semaphore(%run_scoped3A : memref<!tpu.dma_semaphore, #tpu.memory_space<semaphore_mem>>)
      %dma_wait3A = arith.constant 0 : i32
      %dma_wait3A_100 = arith.constant 0 : i32
      %dma_wait3A_101 = tpu.memref_slice %arg8[%dma_wait3A, %dma_wait3A_100] : memref<128x128xf32, #tpu.memory_space<vmem>> -> memref<112x128xf32, #tpu.memory_space<vmem>>
      %dma_wait3A_102 = arith.constant 0 : i32
      %dma_wait3A_103 = tpu.memref_slice %arg5[%add3A_84, %dma_wait3A_102] : memref<25088x128xf32, #tpu.memory_space<hbm>> -> memref<112x128xf32, #tpu.memory_space<hbm>>
      %dma_wait3A_104 = arith.constant 0 : i32
      %dma_wait3A_105 = tpu.memref_slice %arg5[%add3A_84, %dma_wait3A_104] : memref<25088x128xf32, #tpu.memory_space<hbm>> -> memref<112x128xf32, #tpu.memory_space<hbm>>
      %dma_wait3A_106 = arith.constant 0 : i32
      %dma_wait3A_107 = arith.constant 0 : i32
      %dma_wait3A_108 = tpu.memref_slice %arg8[%dma_wait3A_106, %dma_wait3A_107] : memref<128x128xf32, #tpu.memory_space<vmem>> -> memref<112x128xf32, #tpu.memory_space<vmem>>
      tpu.wait_dma2 semaphore(%run_scoped3A : memref<!tpu.dma_semaphore, #tpu.memory_space<semaphore_mem>>) src(%dma_wait3A_108 : memref<112x128xf32, #tpu.memory_space<vmem>>) dst(%dma_wait3A_105 : memref<112x128xf32, #tpu.memory_space<hbm>>)
      tpu.yield
    }) : () -> ()
    %mul3A_85 = arith.constant 784 : i32
    %mul3A_86 = arith.muli %arg1, %mul3A_85 : i32
    %add3A_87 = arith.constant 672 : i32
    %add3A_88 = arith.addi %mul3A_86, %add3A_87 : i32
    "tpu.region"() ({
      %run_scoped3A = tpu.sem_alloc : memref<!tpu.dma_semaphore, #tpu.memory_space<semaphore_mem>>
      %dma_start3A = arith.constant 0 : i32
      %dma_start3A_91 = arith.constant 0 : i32
      %dma_start3A_92 = tpu.memref_slice %arg8[%dma_start3A, %dma_start3A_91] : memref<128x128xf32, #tpu.memory_space<vmem>> -> memref<112x128xf32, #tpu.memory_space<vmem>>
      %dma_start3A_93 = arith.constant 0 : i32
      %dma_start3A_94 = tpu.memref_slice %arg9[%add3A_88, %dma_start3A_93] : memref<12544x128xf32, #tpu.memory_space<vmem_shared>> -> memref<112x128xf32, #tpu.memory_space<vmem_shared>>
      %dma_start3A_95 = arith.constant 0 : i32
      %dma_start3A_96 = arith.constant 0 : i32
      %dma_start3A_97 = tpu.memref_slice %arg8[%dma_start3A_95, %dma_start3A_96] : memref<128x128xf32, #tpu.memory_space<vmem>> -> memref<112x128xf32, #tpu.memory_space<vmem>>
      %dma_start3A_98 = arith.constant 0 : i32
      %dma_start3A_99 = tpu.memref_slice %arg9[%add3A_88, %dma_start3A_98] : memref<12544x128xf32, #tpu.memory_space<vmem_shared>> -> memref<112x128xf32, #tpu.memory_space<vmem_shared>>
      tpu.enqueue_dma source(%dma_start3A_99 : memref<112x128xf32, #tpu.memory_space<vmem_shared>>) target(%dma_start3A_97 : memref<112x128xf32, #tpu.memory_space<vmem>>) target_semaphore(%run_scoped3A : memref<!tpu.dma_semaphore, #tpu.memory_space<semaphore_mem>>)
      %dma_wait3A = arith.constant 0 : i32
      %dma_wait3A_100 = arith.constant 0 : i32
      %dma_wait3A_101 = tpu.memref_slice %arg8[%dma_wait3A, %dma_wait3A_100] : memref<128x128xf32, #tpu.memory_space<vmem>> -> memref<112x128xf32, #tpu.memory_space<vmem>>
      %dma_wait3A_102 = arith.constant 0 : i32
      %dma_wait3A_103 = tpu.memref_slice %arg9[%add3A_88, %dma_wait3A_102] : memref<12544x128xf32, #tpu.memory_space<vmem_shared>> -> memref<112x128xf32, #tpu.memory_space<vmem_shared>>
      %dma_wait3A_104 = arith.constant 0 : i32
      %dma_wait3A_105 = arith.constant 0 : i32
      %dma_wait3A_106 = tpu.memref_slice %arg8[%dma_wait3A_104, %dma_wait3A_105] : memref<128x128xf32, #tpu.memory_space<vmem>> -> memref<112x128xf32, #tpu.memory_space<vmem>>
      %dma_wait3A_107 = arith.constant 0 : i32
      %dma_wait3A_108 = tpu.memref_slice %arg9[%add3A_88, %dma_wait3A_107] : memref<12544x128xf32, #tpu.memory_space<vmem_shared>> -> memref<112x128xf32, #tpu.memory_space<vmem_shared>>
      tpu.wait_dma2 semaphore(%run_scoped3A : memref<!tpu.dma_semaphore, #tpu.memory_space<semaphore_mem>>) src(%dma_wait3A_108 : memref<112x128xf32, #tpu.memory_space<vmem_shared>>) dst(%dma_wait3A_106 : memref<112x128xf32, #tpu.memory_space<vmem>>)
      tpu.yield
    }) : () -> ()
    %add3A_89 = arith.constant 672 : i32
    %add3A_90 = arith.addi %add3A_48, %add3A_89 : i32
    "tpu.region"() ({
      %run_scoped3A = tpu.sem_alloc : memref<!tpu.dma_semaphore, #tpu.memory_space<semaphore_mem>>
      %dma_start3A = arith.constant 0 : i32
      %dma_start3A_91 = arith.constant 0 : i32
      %dma_start3A_92 = tpu.memref_slice %arg8[%dma_start3A, %dma_start3A_91] : memref<128x128xf32, #tpu.memory_space<vmem>> -> memref<112x128xf32, #tpu.memory_space<vmem>>
      %dma_start3A_93 = arith.constant 0 : i32
      %dma_start3A_94 = tpu.memref_slice %arg5[%add3A_90, %dma_start3A_93] : memref<25088x128xf32, #tpu.memory_space<hbm>> -> memref<112x128xf32, #tpu.memory_space<hbm>>
      %dma_start3A_95 = arith.constant 0 : i32
      %dma_start3A_96 = tpu.memref_slice %arg5[%add3A_90, %dma_start3A_95] : memref<25088x128xf32, #tpu.memory_space<hbm>> -> memref<112x128xf32, #tpu.memory_space<hbm>>
      %dma_start3A_97 = arith.constant 0 : i32
      %dma_start3A_98 = arith.constant 0 : i32
      %dma_start3A_99 = tpu.memref_slice %arg8[%dma_start3A_97, %dma_start3A_98] : memref<128x128xf32, #tpu.memory_space<vmem>> -> memref<112x128xf32, #tpu.memory_space<vmem>>
      tpu.enqueue_dma source(%dma_start3A_99 : memref<112x128xf32, #tpu.memory_space<vmem>>) target(%dma_start3A_96 : memref<112x128xf32, #tpu.memory_space<hbm>>) target_semaphore(%run_scoped3A : memref<!tpu.dma_semaphore, #tpu.memory_space<semaphore_mem>>)
      %dma_wait3A = arith.constant 0 : i32
      %dma_wait3A_100 = arith.constant 0 : i32
      %dma_wait3A_101 = tpu.memref_slice %arg8[%dma_wait3A, %dma_wait3A_100] : memref<128x128xf32, #tpu.memory_space<vmem>> -> memref<112x128xf32, #tpu.memory_space<vmem>>
      %dma_wait3A_102 = arith.constant 0 : i32
      %dma_wait3A_103 = tpu.memref_slice %arg5[%add3A_90, %dma_wait3A_102] : memref<25088x128xf32, #tpu.memory_space<hbm>> -> memref<112x128xf32, #tpu.memory_space<hbm>>
      %dma_wait3A_104 = arith.constant 0 : i32
      %dma_wait3A_105 = tpu.memref_slice %arg5[%add3A_90, %dma_wait3A_104] : memref<25088x128xf32, #tpu.memory_space<hbm>> -> memref<112x128xf32, #tpu.memory_space<hbm>>
      %dma_wait3A_106 = arith.constant 0 : i32
      %dma_wait3A_107 = arith.constant 0 : i32
      %dma_wait3A_108 = tpu.memref_slice %arg8[%dma_wait3A_106, %dma_wait3A_107] : memref<128x128xf32, #tpu.memory_space<vmem>> -> memref<112x128xf32, #tpu.memory_space<vmem>>
      tpu.wait_dma2 semaphore(%run_scoped3A : memref<!tpu.dma_semaphore, #tpu.memory_space<semaphore_mem>>) src(%dma_wait3A_108 : memref<112x128xf32, #tpu.memory_space<vmem>>) dst(%dma_wait3A_105 : memref<112x128xf32, #tpu.memory_space<hbm>>)
      tpu.yield
    }) : () -> ()
    return
  }
}

#map = affine_map<(d0, d1) -> (0, 0)>
#map1 = affine_map<(d0, d1) -> (0)>
module attributes {stable_mosaic.version = 14 : i64} {
  func.func @k(%arg0: i32, %arg1: i32, %arg2: memref<25000x128xf32, #tpu.memory_space<hbm>>, %arg3: memref<25000x128xf32, #tpu.memory_space<hbm>>, %arg4: memref<1600000xi32, #tpu.memory_space<hbm>>, %arg5: memref<800000x64xf32, #tpu.memory_space<hbm>>, %arg6: memref<128xi32, #tpu.memory_space<vmem>>, %arg7: memref<128xi32, #tpu.memory_space<vmem>>, %arg8: memref<128x128xf32, #tpu.memory_space<vmem>>, %arg9: memref<128x128xf32, #tpu.memory_space<vmem>>, %arg10: memref<128x64xf32, #tpu.memory_space<vmem>>, %arg11: memref<!tpu.dma_semaphore, #tpu.memory_space<semaphore_mem>>) attributes {dimension_semantics = [#tpu.dimension_semantics<core_parallel>, #tpu.dimension_semantics<subcore_parallel>], iteration_bounds = array<i64: 2, 16>, scalar_prefetch = 0 : i64, scratch_operands = 6 : i64, tpu.core_type = #tpu.core_type<sc_vector_subcore>, window_params = [{transform_indices = #map}, {transform_indices = #map}, {transform_indices = #map1}, {transform_indices = #map}]} {
    %mul3A = arith.constant 16 : i32
    %mul3A_0 = arith.muli %arg0, %mul3A : i32
    %add3A = arith.addi %mul3A_0, %arg1 : i32
    %lt3A = arith.constant 10 : i32
    %lt3A_1 = arith.cmpi slt, %add3A, %lt3A : i32
    %jit3A = arith.constant 1 : i32
    %jit3A_2 = arith.constant 0 : i32
    %select_n3A = arith.select %lt3A_1, %jit3A, %jit3A_2 : i32
    %add3A_3 = arith.constant 195 : i32
    %add3A_4 = arith.addi %add3A_3, %select_n3A : i32
    %while3A = arith.constant 0 : i32
    %while3A_5 = arith.constant 0 : i32
    %while3A_6 = arith.subi %add3A_4, %while3A_5 : i32
    %while3A_7 = arith.addi %while3A_5, %while3A_6 : i32
    %while3A_8 = arith.constant 1 : i32
    %while3A_9 = arith.divsi %while3A_6, %while3A_8 : i32
    %while3A_10 = arith.muli %while3A_9, %while3A_8 : i32
    %while3A_11 = arith.addi %while3A_5, %while3A_10 : i32
    %while3A_12 = arith.constant 1 : i32
    scf.for %while3A_14 = %while3A_5 to %while3A_11 step %while3A_12  : i32 {
      %mul3A_15 = arith.constant 32 : i32
      %mul3A_16 = arith.muli %while3A_14, %mul3A_15 : i32
      %add3A_17 = arith.addi %mul3A_16, %add3A : i32
      %mul3A_18 = arith.constant 128 : i32
      %mul3A_19 = arith.muli %add3A_17, %mul3A_18 : i32
      "tpu.region"() ({
        %run_scoped3A = tpu.sem_alloc : memref<!tpu.dma_semaphore, #tpu.memory_space<semaphore_mem>>
        %dma_start3A_37 = tpu.memref_slice %arg4[%mul3A_19] : memref<1600000xi32, #tpu.memory_space<hbm>> -> memref<128xi32, #tpu.memory_space<hbm>>
        %dma_start3A_38 = tpu.memref_slice %arg4[%mul3A_19] : memref<1600000xi32, #tpu.memory_space<hbm>> -> memref<128xi32, #tpu.memory_space<hbm>>
        tpu.enqueue_dma source(%dma_start3A_38 : memref<128xi32, #tpu.memory_space<hbm>>) target(%arg6 : memref<128xi32, #tpu.memory_space<vmem>>) target_semaphore(%run_scoped3A : memref<!tpu.dma_semaphore, #tpu.memory_space<semaphore_mem>>)
        %dma_wait3A_39 = tpu.memref_slice %arg4[%mul3A_19] : memref<1600000xi32, #tpu.memory_space<hbm>> -> memref<128xi32, #tpu.memory_space<hbm>>
        %dma_wait3A_40 = tpu.memref_slice %arg4[%mul3A_19] : memref<1600000xi32, #tpu.memory_space<hbm>> -> memref<128xi32, #tpu.memory_space<hbm>>
        tpu.wait_dma2 semaphore(%run_scoped3A : memref<!tpu.dma_semaphore, #tpu.memory_space<semaphore_mem>>) src(%dma_wait3A_40 : memref<128xi32, #tpu.memory_space<hbm>>) dst(%arg6 : memref<128xi32, #tpu.memory_space<vmem>>)
        tpu.yield
      }) : () -> ()
      %add3A_20 = arith.constant 800000 : i32
      %add3A_21 = arith.addi %add3A_20, %mul3A_19 : i32
      "tpu.region"() ({
        %run_scoped3A = tpu.sem_alloc : memref<!tpu.dma_semaphore, #tpu.memory_space<semaphore_mem>>
        %dma_start3A_37 = tpu.memref_slice %arg4[%add3A_21] : memref<1600000xi32, #tpu.memory_space<hbm>> -> memref<128xi32, #tpu.memory_space<hbm>>
        %dma_start3A_38 = tpu.memref_slice %arg4[%add3A_21] : memref<1600000xi32, #tpu.memory_space<hbm>> -> memref<128xi32, #tpu.memory_space<hbm>>
        tpu.enqueue_dma source(%dma_start3A_38 : memref<128xi32, #tpu.memory_space<hbm>>) target(%arg7 : memref<128xi32, #tpu.memory_space<vmem>>) target_semaphore(%run_scoped3A : memref<!tpu.dma_semaphore, #tpu.memory_space<semaphore_mem>>)
        %dma_wait3A_39 = tpu.memref_slice %arg4[%add3A_21] : memref<1600000xi32, #tpu.memory_space<hbm>> -> memref<128xi32, #tpu.memory_space<hbm>>
        %dma_wait3A_40 = tpu.memref_slice %arg4[%add3A_21] : memref<1600000xi32, #tpu.memory_space<hbm>> -> memref<128xi32, #tpu.memory_space<hbm>>
        tpu.wait_dma2 semaphore(%run_scoped3A : memref<!tpu.dma_semaphore, #tpu.memory_space<semaphore_mem>>) src(%dma_wait3A_40 : memref<128xi32, #tpu.memory_space<hbm>>) dst(%arg7 : memref<128xi32, #tpu.memory_space<vmem>>)
        tpu.yield
      }) : () -> ()
      %dma_start3A = arith.constant 0 : i32
      %dma_start3A_22 = arith.constant 0 : i32
      %dma_start3A_23 = tpu.memref_slice %arg2[%dma_start3A, %dma_start3A_22] : memref<25000x128xf32, #tpu.memory_space<hbm>> -> memref<25000x128xf32, #tpu.memory_space<hbm>>
      tpu.enqueue_indirect_dma source(%dma_start3A_23 : memref<25000x128xf32, #tpu.memory_space<hbm>>) target(%arg8 : memref<128x128xf32, #tpu.memory_space<vmem>>) offsets(%arg6 : memref<128xi32, #tpu.memory_space<vmem>>) semaphore(%arg11 : memref<!tpu.dma_semaphore, #tpu.memory_space<semaphore_mem>>)
      %dma_start3A_24 = arith.constant 0 : i32
      %dma_start3A_25 = arith.constant 0 : i32
      %dma_start3A_26 = tpu.memref_slice %arg3[%dma_start3A_24, %dma_start3A_25] : memref<25000x128xf32, #tpu.memory_space<hbm>> -> memref<25000x128xf32, #tpu.memory_space<hbm>>
      tpu.enqueue_indirect_dma source(%dma_start3A_26 : memref<25000x128xf32, #tpu.memory_space<hbm>>) target(%arg9 : memref<128x128xf32, #tpu.memory_space<vmem>>) offsets(%arg7 : memref<128xi32, #tpu.memory_space<vmem>>) semaphore(%arg11 : memref<!tpu.dma_semaphore, #tpu.memory_space<semaphore_mem>>)
      %dma_wait3A = arith.constant 0 : i32
      %dma_wait3A_27 = arith.constant 0 : i32
      %dma_wait3A_28 = tpu.memref_slice %arg2[%dma_wait3A, %dma_wait3A_27] : memref<25000x128xf32, #tpu.memory_space<hbm>> -> memref<25000x128xf32, #tpu.memory_space<hbm>>
      tpu.wait_indirect_dma semaphore(%arg11 : memref<!tpu.dma_semaphore, #tpu.memory_space<semaphore_mem>>) src(%dma_wait3A_28 : memref<25000x128xf32, #tpu.memory_space<hbm>>) dst(%arg8 : memref<128x128xf32, #tpu.memory_space<vmem>>)
      %dma_wait3A_29 = arith.constant 0 : i32
      %dma_wait3A_30 = arith.constant 0 : i32
      %dma_wait3A_31 = tpu.memref_slice %arg3[%dma_wait3A_29, %dma_wait3A_30] : memref<25000x128xf32, #tpu.memory_space<hbm>> -> memref<25000x128xf32, #tpu.memory_space<hbm>>
      tpu.wait_indirect_dma semaphore(%arg11 : memref<!tpu.dma_semaphore, #tpu.memory_space<semaphore_mem>>) src(%dma_wait3A_31 : memref<25000x128xf32, #tpu.memory_space<hbm>>) dst(%arg9 : memref<128x128xf32, #tpu.memory_space<vmem>>)
      %scan3A = arith.constant 0 : i32
      %scan3A_32 = arith.constant 0 : i32
      %scan3A_33 = arith.constant 128 : i32
      %scan3A_34 = arith.addi %scan3A_32, %scan3A_33 : i32
      %scan3A_35 = arith.constant 1 : i32
      scf.for %scan3A_37 = %scan3A_32 to %scan3A_34 step %scan3A_35  : i32 {
        %get3A = arith.index_cast %scan3A_37 : i32 to index
        %get3A_38 = arith.constant 0 : index
        %get3A_39 = tpu.vector_load %arg8[%get3A, %get3A_38] {strides = array<i32>} : memref<128x128xf32, #tpu.memory_space<vmem>>, vector<1x16xf32>,
        %get3A_40 = vector.shape_cast %get3A_39 : vector<1x16xf32> to vector<16xf32>
        %get3A_41 = arith.index_cast %scan3A_37 : i32 to index
        %get3A_42 = arith.constant 0 : index
        %get3A_43 = tpu.vector_load %arg9[%get3A_41, %get3A_42] {strides = array<i32>} : memref<128x128xf32, #tpu.memory_space<vmem>>, vector<1x16xf32>,
        %get3A_44 = vector.shape_cast %get3A_43 : vector<1x16xf32> to vector<16xf32>
        %mul3A_45 = arith.mulf %get3A_40, %get3A_44 : vector<16xf32>
        %swap3A = arith.index_cast %scan3A_37 : i32 to index
        %swap3A_46 = arith.constant 0 : index
        %swap3A_47 = tpu.vector_load %arg10[%swap3A, %swap3A_46] {strides = array<i32>} : memref<128x64xf32, #tpu.memory_space<vmem>>, vector<1x16xf32>,
        %swap3A_48 = vector.shape_cast %swap3A_47 : vector<1x16xf32> to vector<16xf32>
        %swap3A_49 = vector.shape_cast %mul3A_45 : vector<16xf32> to vector<1x16xf32>
        tpu.vector_store %arg10[%swap3A, %swap3A_46], %swap3A_49 {strides = array<i32>} : memref<128x64xf32, #tpu.memory_space<vmem>>, vector<1x16xf32>,
        %get3A_50 = arith.index_cast %scan3A_37 : i32 to index
        %get3A_51 = arith.constant 16 : index
        %get3A_52 = tpu.vector_load %arg8[%get3A_50, %get3A_51] {strides = array<i32>} : memref<128x128xf32, #tpu.memory_space<vmem>>, vector<1x16xf32>,
        %get3A_53 = vector.shape_cast %get3A_52 : vector<1x16xf32> to vector<16xf32>
        %get3A_54 = arith.index_cast %scan3A_37 : i32 to index
        %get3A_55 = arith.constant 16 : index
        %get3A_56 = tpu.vector_load %arg9[%get3A_54, %get3A_55] {strides = array<i32>} : memref<128x128xf32, #tpu.memory_space<vmem>>, vector<1x16xf32>,
        %get3A_57 = vector.shape_cast %get3A_56 : vector<1x16xf32> to vector<16xf32>
        %mul3A_58 = arith.mulf %get3A_53, %get3A_57 : vector<16xf32>
        %swap3A_59 = arith.index_cast %scan3A_37 : i32 to index
        %swap3A_60 = arith.constant 16 : index
        %swap3A_61 = tpu.vector_load %arg10[%swap3A_59, %swap3A_60] {strides = array<i32>} : memref<128x64xf32, #tpu.memory_space<vmem>>, vector<1x16xf32>,
        %swap3A_62 = vector.shape_cast %swap3A_61 : vector<1x16xf32> to vector<16xf32>
        %swap3A_63 = vector.shape_cast %mul3A_58 : vector<16xf32> to vector<1x16xf32>
        tpu.vector_store %arg10[%swap3A_59, %swap3A_60], %swap3A_63 {strides = array<i32>} : memref<128x64xf32, #tpu.memory_space<vmem>>, vector<1x16xf32>,
        %get3A_64 = arith.index_cast %scan3A_37 : i32 to index
        %get3A_65 = arith.constant 32 : index
        %get3A_66 = tpu.vector_load %arg8[%get3A_64, %get3A_65] {strides = array<i32>} : memref<128x128xf32, #tpu.memory_space<vmem>>, vector<1x16xf32>,
        %get3A_67 = vector.shape_cast %get3A_66 : vector<1x16xf32> to vector<16xf32>
        %get3A_68 = arith.index_cast %scan3A_37 : i32 to index
        %get3A_69 = arith.constant 32 : index
        %get3A_70 = tpu.vector_load %arg9[%get3A_68, %get3A_69] {strides = array<i32>} : memref<128x128xf32, #tpu.memory_space<vmem>>, vector<1x16xf32>,
        %get3A_71 = vector.shape_cast %get3A_70 : vector<1x16xf32> to vector<16xf32>
        %mul3A_72 = arith.mulf %get3A_67, %get3A_71 : vector<16xf32>
        %swap3A_73 = arith.index_cast %scan3A_37 : i32 to index
        %swap3A_74 = arith.constant 32 : index
        %swap3A_75 = tpu.vector_load %arg10[%swap3A_73, %swap3A_74] {strides = array<i32>} : memref<128x64xf32, #tpu.memory_space<vmem>>, vector<1x16xf32>,
        %swap3A_76 = vector.shape_cast %swap3A_75 : vector<1x16xf32> to vector<16xf32>
        %swap3A_77 = vector.shape_cast %mul3A_72 : vector<16xf32> to vector<1x16xf32>
        tpu.vector_store %arg10[%swap3A_73, %swap3A_74], %swap3A_77 {strides = array<i32>} : memref<128x64xf32, #tpu.memory_space<vmem>>, vector<1x16xf32>,
        %get3A_78 = arith.index_cast %scan3A_37 : i32 to index
        %get3A_79 = arith.constant 48 : index
        %get3A_80 = tpu.vector_load %arg8[%get3A_78, %get3A_79] {strides = array<i32>} : memref<128x128xf32, #tpu.memory_space<vmem>>, vector<1x16xf32>,
        %get3A_81 = vector.shape_cast %get3A_80 : vector<1x16xf32> to vector<16xf32>
        %get3A_82 = arith.index_cast %scan3A_37 : i32 to index
        %get3A_83 = arith.constant 48 : index
        %get3A_84 = tpu.vector_load %arg9[%get3A_82, %get3A_83] {strides = array<i32>} : memref<128x128xf32, #tpu.memory_space<vmem>>, vector<1x16xf32>,
        %get3A_85 = vector.shape_cast %get3A_84 : vector<1x16xf32> to vector<16xf32>
        %mul3A_86 = arith.mulf %get3A_81, %get3A_85 : vector<16xf32>
        %swap3A_87 = arith.index_cast %scan3A_37 : i32 to index
        %swap3A_88 = arith.constant 48 : index
        %swap3A_89 = tpu.vector_load %arg10[%swap3A_87, %swap3A_88] {strides = array<i32>} : memref<128x64xf32, #tpu.memory_space<vmem>>, vector<1x16xf32>,
        %swap3A_90 = vector.shape_cast %swap3A_89 : vector<1x16xf32> to vector<16xf32>
        %swap3A_91 = vector.shape_cast %mul3A_86 : vector<16xf32> to vector<1x16xf32>
        tpu.vector_store %arg10[%swap3A_87, %swap3A_88], %swap3A_91 {strides = array<i32>} : memref<128x64xf32, #tpu.memory_space<vmem>>, vector<1x16xf32>,
      }
      %scan3A_36 = arith.constant 128 : i32
      "tpu.region"() ({
        %run_scoped3A = tpu.sem_alloc : memref<!tpu.dma_semaphore, #tpu.memory_space<semaphore_mem>>
        %dma_start3A_37 = arith.constant 0 : i32
        %dma_start3A_38 = tpu.memref_slice %arg5[%mul3A_19, %dma_start3A_37] : memref<800000x64xf32, #tpu.memory_space<hbm>> -> memref<128x64xf32, #tpu.memory_space<hbm>>
        %dma_start3A_39 = arith.constant 0 : i32
        %dma_start3A_40 = tpu.memref_slice %arg5[%mul3A_19, %dma_start3A_39] : memref<800000x64xf32, #tpu.memory_space<hbm>> -> memref<128x64xf32, #tpu.memory_space<hbm>>
        tpu.enqueue_dma source(%arg10 : memref<128x64xf32, #tpu.memory_space<vmem>>) target(%dma_start3A_40 : memref<128x64xf32, #tpu.memory_space<hbm>>) target_semaphore(%run_scoped3A : memref<!tpu.dma_semaphore, #tpu.memory_space<semaphore_mem>>)
        %dma_wait3A_41 = arith.constant 0 : i32
        %dma_wait3A_42 = tpu.memref_slice %arg5[%mul3A_19, %dma_wait3A_41] : memref<800000x64xf32, #tpu.memory_space<hbm>> -> memref<128x64xf32, #tpu.memory_space<hbm>>
        %dma_wait3A_43 = arith.constant 0 : i32
        %dma_wait3A_44 = tpu.memref_slice %arg5[%mul3A_19, %dma_wait3A_43] : memref<800000x64xf32, #tpu.memory_space<hbm>> -> memref<128x64xf32, #tpu.memory_space<hbm>>
        tpu.wait_dma2 semaphore(%run_scoped3A : memref<!tpu.dma_semaphore, #tpu.memory_space<semaphore_mem>>) src(%arg10 : memref<128x64xf32, #tpu.memory_space<vmem>>) dst(%dma_wait3A_44 : memref<128x64xf32, #tpu.memory_space<hbm>>)
        tpu.yield
      }) : () -> ()
    }
    %while3A_13 = arith.constant 1 : i32
    scf.for %while3A_14 = %while3A_11 to %while3A_7 step %while3A_13  : i32 {
      %mul3A_15 = arith.constant 32 : i32
      %mul3A_16 = arith.muli %while3A_14, %mul3A_15 : i32
      %add3A_17 = arith.addi %mul3A_16, %add3A : i32
      %mul3A_18 = arith.constant 128 : i32
      %mul3A_19 = arith.muli %add3A_17, %mul3A_18 : i32
      "tpu.region"() ({
        %run_scoped3A = tpu.sem_alloc : memref<!tpu.dma_semaphore, #tpu.memory_space<semaphore_mem>>
        %dma_start3A_37 = tpu.memref_slice %arg4[%mul3A_19] : memref<1600000xi32, #tpu.memory_space<hbm>> -> memref<128xi32, #tpu.memory_space<hbm>>
        %dma_start3A_38 = tpu.memref_slice %arg4[%mul3A_19] : memref<1600000xi32, #tpu.memory_space<hbm>> -> memref<128xi32, #tpu.memory_space<hbm>>
        tpu.enqueue_dma source(%dma_start3A_38 : memref<128xi32, #tpu.memory_space<hbm>>) target(%arg6 : memref<128xi32, #tpu.memory_space<vmem>>) target_semaphore(%run_scoped3A : memref<!tpu.dma_semaphore, #tpu.memory_space<semaphore_mem>>)
        %dma_wait3A_39 = tpu.memref_slice %arg4[%mul3A_19] : memref<1600000xi32, #tpu.memory_space<hbm>> -> memref<128xi32, #tpu.memory_space<hbm>>
        %dma_wait3A_40 = tpu.memref_slice %arg4[%mul3A_19] : memref<1600000xi32, #tpu.memory_space<hbm>> -> memref<128xi32, #tpu.memory_space<hbm>>
        tpu.wait_dma2 semaphore(%run_scoped3A : memref<!tpu.dma_semaphore, #tpu.memory_space<semaphore_mem>>) src(%dma_wait3A_40 : memref<128xi32, #tpu.memory_space<hbm>>) dst(%arg6 : memref<128xi32, #tpu.memory_space<vmem>>)
        tpu.yield
      }) : () -> ()
      %add3A_20 = arith.constant 800000 : i32
      %add3A_21 = arith.addi %add3A_20, %mul3A_19 : i32
      "tpu.region"() ({
        %run_scoped3A = tpu.sem_alloc : memref<!tpu.dma_semaphore, #tpu.memory_space<semaphore_mem>>
        %dma_start3A_37 = tpu.memref_slice %arg4[%add3A_21] : memref<1600000xi32, #tpu.memory_space<hbm>> -> memref<128xi32, #tpu.memory_space<hbm>>
        %dma_start3A_38 = tpu.memref_slice %arg4[%add3A_21] : memref<1600000xi32, #tpu.memory_space<hbm>> -> memref<128xi32, #tpu.memory_space<hbm>>
        tpu.enqueue_dma source(%dma_start3A_38 : memref<128xi32, #tpu.memory_space<hbm>>) target(%arg7 : memref<128xi32, #tpu.memory_space<vmem>>) target_semaphore(%run_scoped3A : memref<!tpu.dma_semaphore, #tpu.memory_space<semaphore_mem>>)
        %dma_wait3A_39 = tpu.memref_slice %arg4[%add3A_21] : memref<1600000xi32, #tpu.memory_space<hbm>> -> memref<128xi32, #tpu.memory_space<hbm>>
        %dma_wait3A_40 = tpu.memref_slice %arg4[%add3A_21] : memref<1600000xi32, #tpu.memory_space<hbm>> -> memref<128xi32, #tpu.memory_space<hbm>>
        tpu.wait_dma2 semaphore(%run_scoped3A : memref<!tpu.dma_semaphore, #tpu.memory_space<semaphore_mem>>) src(%dma_wait3A_40 : memref<128xi32, #tpu.memory_space<hbm>>) dst(%arg7 : memref<128xi32, #tpu.memory_space<vmem>>)
        tpu.yield
      }) : () -> ()
      %dma_start3A = arith.constant 0 : i32
      %dma_start3A_22 = arith.constant 0 : i32
      %dma_start3A_23 = tpu.memref_slice %arg2[%dma_start3A, %dma_start3A_22] : memref<25000x128xf32, #tpu.memory_space<hbm>> -> memref<25000x128xf32, #tpu.memory_space<hbm>>
      tpu.enqueue_indirect_dma source(%dma_start3A_23 : memref<25000x128xf32, #tpu.memory_space<hbm>>) target(%arg8 : memref<128x128xf32, #tpu.memory_space<vmem>>) offsets(%arg6 : memref<128xi32, #tpu.memory_space<vmem>>) semaphore(%arg11 : memref<!tpu.dma_semaphore, #tpu.memory_space<semaphore_mem>>)
      %dma_start3A_24 = arith.constant 0 : i32
      %dma_start3A_25 = arith.constant 0 : i32
      %dma_start3A_26 = tpu.memref_slice %arg3[%dma_start3A_24, %dma_start3A_25] : memref<25000x128xf32, #tpu.memory_space<hbm>> -> memref<25000x128xf32, #tpu.memory_space<hbm>>
      tpu.enqueue_indirect_dma source(%dma_start3A_26 : memref<25000x128xf32, #tpu.memory_space<hbm>>) target(%arg9 : memref<128x128xf32, #tpu.memory_space<vmem>>) offsets(%arg7 : memref<128xi32, #tpu.memory_space<vmem>>) semaphore(%arg11 : memref<!tpu.dma_semaphore, #tpu.memory_space<semaphore_mem>>)
      %dma_wait3A = arith.constant 0 : i32
      %dma_wait3A_27 = arith.constant 0 : i32
      %dma_wait3A_28 = tpu.memref_slice %arg2[%dma_wait3A, %dma_wait3A_27] : memref<25000x128xf32, #tpu.memory_space<hbm>> -> memref<25000x128xf32, #tpu.memory_space<hbm>>
      tpu.wait_indirect_dma semaphore(%arg11 : memref<!tpu.dma_semaphore, #tpu.memory_space<semaphore_mem>>) src(%dma_wait3A_28 : memref<25000x128xf32, #tpu.memory_space<hbm>>) dst(%arg8 : memref<128x128xf32, #tpu.memory_space<vmem>>)
      %dma_wait3A_29 = arith.constant 0 : i32
      %dma_wait3A_30 = arith.constant 0 : i32
      %dma_wait3A_31 = tpu.memref_slice %arg3[%dma_wait3A_29, %dma_wait3A_30] : memref<25000x128xf32, #tpu.memory_space<hbm>> -> memref<25000x128xf32, #tpu.memory_space<hbm>>
      tpu.wait_indirect_dma semaphore(%arg11 : memref<!tpu.dma_semaphore, #tpu.memory_space<semaphore_mem>>) src(%dma_wait3A_31 : memref<25000x128xf32, #tpu.memory_space<hbm>>) dst(%arg9 : memref<128x128xf32, #tpu.memory_space<vmem>>)
      %scan3A = arith.constant 0 : i32
      %scan3A_32 = arith.constant 0 : i32
      %scan3A_33 = arith.constant 128 : i32
      %scan3A_34 = arith.addi %scan3A_32, %scan3A_33 : i32
      %scan3A_35 = arith.constant 1 : i32
      scf.for %scan3A_37 = %scan3A_32 to %scan3A_34 step %scan3A_35  : i32 {
        %get3A = arith.index_cast %scan3A_37 : i32 to index
        %get3A_38 = arith.constant 0 : index
        %get3A_39 = tpu.vector_load %arg8[%get3A, %get3A_38] {strides = array<i32>} : memref<128x128xf32, #tpu.memory_space<vmem>>, vector<1x16xf32>,
        %get3A_40 = vector.shape_cast %get3A_39 : vector<1x16xf32> to vector<16xf32>
        %get3A_41 = arith.index_cast %scan3A_37 : i32 to index
        %get3A_42 = arith.constant 0 : index
        %get3A_43 = tpu.vector_load %arg9[%get3A_41, %get3A_42] {strides = array<i32>} : memref<128x128xf32, #tpu.memory_space<vmem>>, vector<1x16xf32>,
        %get3A_44 = vector.shape_cast %get3A_43 : vector<1x16xf32> to vector<16xf32>
        %mul3A_45 = arith.mulf %get3A_40, %get3A_44 : vector<16xf32>
        %swap3A = arith.index_cast %scan3A_37 : i32 to index
        %swap3A_46 = arith.constant 0 : index
        %swap3A_47 = tpu.vector_load %arg10[%swap3A, %swap3A_46] {strides = array<i32>} : memref<128x64xf32, #tpu.memory_space<vmem>>, vector<1x16xf32>,
        %swap3A_48 = vector.shape_cast %swap3A_47 : vector<1x16xf32> to vector<16xf32>
        %swap3A_49 = vector.shape_cast %mul3A_45 : vector<16xf32> to vector<1x16xf32>
        tpu.vector_store %arg10[%swap3A, %swap3A_46], %swap3A_49 {strides = array<i32>} : memref<128x64xf32, #tpu.memory_space<vmem>>, vector<1x16xf32>,
        %get3A_50 = arith.index_cast %scan3A_37 : i32 to index
        %get3A_51 = arith.constant 16 : index
        %get3A_52 = tpu.vector_load %arg8[%get3A_50, %get3A_51] {strides = array<i32>} : memref<128x128xf32, #tpu.memory_space<vmem>>, vector<1x16xf32>,
        %get3A_53 = vector.shape_cast %get3A_52 : vector<1x16xf32> to vector<16xf32>
        %get3A_54 = arith.index_cast %scan3A_37 : i32 to index
        %get3A_55 = arith.constant 16 : index
        %get3A_56 = tpu.vector_load %arg9[%get3A_54, %get3A_55] {strides = array<i32>} : memref<128x128xf32, #tpu.memory_space<vmem>>, vector<1x16xf32>,
        %get3A_57 = vector.shape_cast %get3A_56 : vector<1x16xf32> to vector<16xf32>
        %mul3A_58 = arith.mulf %get3A_53, %get3A_57 : vector<16xf32>
        %swap3A_59 = arith.index_cast %scan3A_37 : i32 to index
        %swap3A_60 = arith.constant 16 : index
        %swap3A_61 = tpu.vector_load %arg10[%swap3A_59, %swap3A_60] {strides = array<i32>} : memref<128x64xf32, #tpu.memory_space<vmem>>, vector<1x16xf32>,
        %swap3A_62 = vector.shape_cast %swap3A_61 : vector<1x16xf32> to vector<16xf32>
        %swap3A_63 = vector.shape_cast %mul3A_58 : vector<16xf32> to vector<1x16xf32>
        tpu.vector_store %arg10[%swap3A_59, %swap3A_60], %swap3A_63 {strides = array<i32>} : memref<128x64xf32, #tpu.memory_space<vmem>>, vector<1x16xf32>,
        %get3A_64 = arith.index_cast %scan3A_37 : i32 to index
        %get3A_65 = arith.constant 32 : index
        %get3A_66 = tpu.vector_load %arg8[%get3A_64, %get3A_65] {strides = array<i32>} : memref<128x128xf32, #tpu.memory_space<vmem>>, vector<1x16xf32>,
        %get3A_67 = vector.shape_cast %get3A_66 : vector<1x16xf32> to vector<16xf32>
        %get3A_68 = arith.index_cast %scan3A_37 : i32 to index
        %get3A_69 = arith.constant 32 : index
        %get3A_70 = tpu.vector_load %arg9[%get3A_68, %get3A_69] {strides = array<i32>} : memref<128x128xf32, #tpu.memory_space<vmem>>, vector<1x16xf32>,
        %get3A_71 = vector.shape_cast %get3A_70 : vector<1x16xf32> to vector<16xf32>
        %mul3A_72 = arith.mulf %get3A_67, %get3A_71 : vector<16xf32>
        %swap3A_73 = arith.index_cast %scan3A_37 : i32 to index
        %swap3A_74 = arith.constant 32 : index
        %swap3A_75 = tpu.vector_load %arg10[%swap3A_73, %swap3A_74] {strides = array<i32>} : memref<128x64xf32, #tpu.memory_space<vmem>>, vector<1x16xf32>,
        %swap3A_76 = vector.shape_cast %swap3A_75 : vector<1x16xf32> to vector<16xf32>
        %swap3A_77 = vector.shape_cast %mul3A_72 : vector<16xf32> to vector<1x16xf32>
        tpu.vector_store %arg10[%swap3A_73, %swap3A_74], %swap3A_77 {strides = array<i32>} : memref<128x64xf32, #tpu.memory_space<vmem>>, vector<1x16xf32>,
        %get3A_78 = arith.index_cast %scan3A_37 : i32 to index
        %get3A_79 = arith.constant 48 : index
        %get3A_80 = tpu.vector_load %arg8[%get3A_78, %get3A_79] {strides = array<i32>} : memref<128x128xf32, #tpu.memory_space<vmem>>, vector<1x16xf32>,
        %get3A_81 = vector.shape_cast %get3A_80 : vector<1x16xf32> to vector<16xf32>
        %get3A_82 = arith.index_cast %scan3A_37 : i32 to index
        %get3A_83 = arith.constant 48 : index
        %get3A_84 = tpu.vector_load %arg9[%get3A_82, %get3A_83] {strides = array<i32>} : memref<128x128xf32, #tpu.memory_space<vmem>>, vector<1x16xf32>,
        %get3A_85 = vector.shape_cast %get3A_84 : vector<1x16xf32> to vector<16xf32>
        %mul3A_86 = arith.mulf %get3A_81, %get3A_85 : vector<16xf32>
        %swap3A_87 = arith.index_cast %scan3A_37 : i32 to index
        %swap3A_88 = arith.constant 48 : index
        %swap3A_89 = tpu.vector_load %arg10[%swap3A_87, %swap3A_88] {strides = array<i32>} : memref<128x64xf32, #tpu.memory_space<vmem>>, vector<1x16xf32>,
        %swap3A_90 = vector.shape_cast %swap3A_89 : vector<1x16xf32> to vector<16xf32>
        %swap3A_91 = vector.shape_cast %mul3A_86 : vector<16xf32> to vector<1x16xf32>
        tpu.vector_store %arg10[%swap3A_87, %swap3A_88], %swap3A_91 {strides = array<i32>} : memref<128x64xf32, #tpu.memory_space<vmem>>, vector<1x16xf32>,
      }
      %scan3A_36 = arith.constant 128 : i32
      "tpu.region"() ({
        %run_scoped3A = tpu.sem_alloc : memref<!tpu.dma_semaphore, #tpu.memory_space<semaphore_mem>>
        %dma_start3A_37 = arith.constant 0 : i32
        %dma_start3A_38 = tpu.memref_slice %arg5[%mul3A_19, %dma_start3A_37] : memref<800000x64xf32, #tpu.memory_space<hbm>> -> memref<128x64xf32, #tpu.memory_space<hbm>>
        %dma_start3A_39 = arith.constant 0 : i32
        %dma_start3A_40 = tpu.memref_slice %arg5[%mul3A_19, %dma_start3A_39] : memref<800000x64xf32, #tpu.memory_space<hbm>> -> memref<128x64xf32, #tpu.memory_space<hbm>>
        tpu.enqueue_dma source(%arg10 : memref<128x64xf32, #tpu.memory_space<vmem>>) target(%dma_start3A_40 : memref<128x64xf32, #tpu.memory_space<hbm>>) target_semaphore(%run_scoped3A : memref<!tpu.dma_semaphore, #tpu.memory_space<semaphore_mem>>)
        %dma_wait3A_41 = arith.constant 0 : i32
        %dma_wait3A_42 = tpu.memref_slice %arg5[%mul3A_19, %dma_wait3A_41] : memref<800000x64xf32, #tpu.memory_space<hbm>> -> memref<128x64xf32, #tpu.memory_space<hbm>>
        %dma_wait3A_43 = arith.constant 0 : i32
        %dma_wait3A_44 = tpu.memref_slice %arg5[%mul3A_19, %dma_wait3A_43] : memref<800000x64xf32, #tpu.memory_space<hbm>> -> memref<128x64xf32, #tpu.memory_space<hbm>>
        tpu.wait_dma2 semaphore(%run_scoped3A : memref<!tpu.dma_semaphore, #tpu.memory_space<semaphore_mem>>) src(%arg10 : memref<128x64xf32, #tpu.memory_space<vmem>>) dst(%dma_wait3A_44 : memref<128x64xf32, #tpu.memory_space<hbm>>)
        tpu.yield
      }) : () -> ()
    }
    return
  }
}

module attributes {stable_mosaic.version = 14 : i64} {
  func.func @body(%arg0: i32, %arg1: memref<1000x128xf32, #tpu.memory_space<vmem>>, %arg2: memref<1000x128xf32, #tpu.memory_space<vmem>>, %arg3: memref<1000x128xf32, #tpu.memory_space<vmem>>, %arg4: memref<64x64xf32, #tpu.memory_space<vmem>>, %arg5: memref<1x64xf32, #tpu.memory_space<vmem>>, %arg6: memref<1000x128xf32, #tpu.memory_space<vmem>>) attributes {dimension_semantics = [#tpu.dimension_semantics<arbitrary>], iteration_bounds = array<i64: 25>, scalar_prefetch = 0 : i64, scratch_operands = 0 : i64, tpu.core_type = #tpu.core_type<tc>, window_params = [{transform_indices = @transform_0, window_bounds = array<i64: 1000, 128>}, {transform_indices = @transform_1, window_bounds = array<i64: 1000, 128>}, {transform_indices = @transform_2, window_bounds = array<i64: 1000, 128>}, {pipeline_mode = #tpu.pipeline_mode<synchronous>, transform_indices = @transform_3, window_bounds = array<i64: 64, 64>}, {pipeline_mode = #tpu.pipeline_mode<synchronous>, transform_indices = @transform_4, window_bounds = array<i64: 1, 64>}, {transform_indices = @transform_5, window_bounds = array<i64: 1000, 128>}]} {
    %get3A = arith.constant 0 : index
    %get3A_0 = arith.constant 0 : index
    %get3A_1 = vector.load %arg1[%get3A, %get3A_0] : memref<1000x128xf32, #tpu.memory_space<vmem>>, vector<1000x1xf32>
    %add3A = arith.constant 1.000000e+00 : f32
    %add3A_2 = vector.broadcast %add3A : f32 to vector<1000x1xf32>
    %add3A_3 = arith.addf %get3A_1, %add3A_2 : vector<1000x1xf32>
    %sqrt3A = math.sqrt %add3A_3 : vector<1000x1xf32>
    %div3A = arith.constant 1.000000e+00 : f32
    %div3A_4 = vector.broadcast %div3A : f32 to vector<1000x1xf32>
    %div3A_5 = arith.divf %div3A_4, %sqrt3A : vector<1000x1xf32>
    %get3A_6 = arith.constant 0 : index
    %get3A_7 = arith.constant 0 : index
    %get3A_8 = vector.load %arg2[%get3A_6, %get3A_7] : memref<1000x128xf32, #tpu.memory_space<vmem>>, vector<1000x64xf32>
    %get3A_9 = arith.constant 0 : index
    %get3A_10 = arith.constant 0 : index
    %get3A_11 = vector.load %arg3[%get3A_9, %get3A_10] : memref<1000x128xf32, #tpu.memory_space<vmem>>, vector<1000x64xf32>
    %add3A_12 = arith.addf %get3A_8, %get3A_11 : vector<1000x64xf32>
    %mul3A = vector.broadcast %div3A_5 : vector<1000x1xf32> to vector<1000x64xf32>
    %mul3A_13 = arith.mulf %mul3A, %add3A_12 : vector<1000x64xf32>
    %get3A_14 = arith.constant 0 : index
    %get3A_15 = arith.constant 0 : index
    %get3A_16 = vector.load %arg5[%get3A_14, %get3A_15] : memref<1x64xf32, #tpu.memory_space<vmem>>, vector<1x64xf32>
    %add3A_17 = vector.broadcast %get3A_16 : vector<1x64xf32> to vector<1000x64xf32>
    %add3A_18 = arith.addf %mul3A_13, %add3A_17 : vector<1000x64xf32>
    %max3A = arith.constant 0.000000e+00 : f32
    %max3A_19 = vector.broadcast %max3A : f32 to vector<1000x64xf32>
    %max3A_20 = arith.maximumf %add3A_18, %max3A_19 : vector<1000x64xf32>
    %get3A_21 = arith.constant 0 : index
    %get3A_22 = arith.constant 0 : index
    %get3A_23 = vector.load %arg4[%get3A_21, %get3A_22] : memref<64x64xf32, #tpu.memory_space<vmem>>, vector<64x64xf32>
    %dot_general3A = arith.constant dense<0.000000e+00> : vector<1000x64xf32>
    %dot_general3A_24 = tpu.matmul %max3A_20, %get3A_23, %dot_general3A {dimension_numbers = #tpu.dot_dimension_numbers<[1], [1], [0], [0], [0, 0, 1, 0], [], []>, precision = #tpu.contract_precision<fp32>, transpose_lhs_hint = false} : vector<1000x64xf32>, vector<64x64xf32>, vector<1000x64xf32> -> vector<1000x64xf32>
    %mul3A_25 = vector.broadcast %div3A_5 : vector<1000x1xf32> to vector<1000x64xf32>
    %mul3A_26 = arith.mulf %mul3A_25, %dot_general3A_24 : vector<1000x64xf32>
    %broadcast_in_dim3A = arith.constant 0.000000e+00 : f32
    %broadcast_in_dim3A_27 = vector.broadcast %broadcast_in_dim3A : f32 to vector<1000x64xf32>
    %concatenate3A = tpu.concatenate %mul3A_26, %broadcast_in_dim3A_27 in 1 : vector<1000x64xf32>, vector<1000x64xf32> -> vector<1000x128xf32>
    %swap3A = arith.constant 0 : index
    %swap3A_28 = arith.constant 0 : index
    %swap3A_29 = vector.load %arg6[%swap3A, %swap3A_28] : memref<1000x128xf32, #tpu.memory_space<vmem>>, vector<1000x128xf32>
    tpu.vector_store %arg6[%swap3A, %swap3A_28], %concatenate3A {strides = array<i32>} : memref<1000x128xf32, #tpu.memory_space<vmem>>, vector<1000x128xf32>,
    return
  }
  func.func @transform_0(%arg0: i32) -> (i32, i32) {
    %c0_i32 = arith.constant 0 : i32
    %c0_i32_0 = arith.constant 0 : i32
    return %arg0, %c0_i32 : i32, i32
  }
  func.func @transform_1(%arg0: i32) -> (i32, i32) {
    %c0_i32 = arith.constant 0 : i32
    %c0_i32_0 = arith.constant 0 : i32
    return %arg0, %c0_i32 : i32, i32
  }
  func.func @transform_2(%arg0: i32) -> (i32, i32) {
    %c0_i32 = arith.constant 0 : i32
    %c0_i32_0 = arith.constant 0 : i32
    return %arg0, %c0_i32 : i32, i32
  }
  func.func @transform_3(%arg0: i32) -> (i32, i32) {
    %c0_i32 = arith.constant 0 : i32
    %c0_i32_0 = arith.constant 0 : i32
    %c0_i32_1 = arith.constant 0 : i32
    return %c0_i32, %c0_i32_0 : i32, i32
  }
  func.func @transform_4(%arg0: i32) -> (i32, i32) {
    %c0_i32 = arith.constant 0 : i32
    %c0_i32_0 = arith.constant 0 : i32
    %c0_i32_1 = arith.constant 0 : i32
    return %c0_i32, %c0_i32_0 : i32, i32
  }
  func.func @transform_5(%arg0: i32) -> (i32, i32) {
    %c0_i32 = arith.constant 0 : i32
    %c0_i32_0 = arith.constant 0 : i32
    return %arg0, %c0_i32 : i32, i32
  }
}

module attributes {stable_mosaic.version = 14 : i64} {
  func.func @body(%arg0: i32, %arg1: memref<1000x128xf32, #tpu.memory_space<vmem>>, %arg2: memref<1000x128xf32, #tpu.memory_space<vmem>>, %arg3: memref<1000x128xf32, #tpu.memory_space<vmem>>, %arg4: memref<64x64xf32, #tpu.memory_space<vmem>>, %arg5: memref<1x64xf32, #tpu.memory_space<vmem>>, %arg6: memref<1000x128xf32, #tpu.memory_space<vmem>>) attributes {dimension_semantics = [#tpu.dimension_semantics<arbitrary>], iteration_bounds = array<i64: 25>, scalar_prefetch = 0 : i64, scratch_operands = 0 : i64, tpu.core_type = #tpu.core_type<tc>, window_params = [{transform_indices = @transform_0, window_bounds = array<i64: 1000, 128>}, {transform_indices = @transform_1, window_bounds = array<i64: 1000, 128>}, {transform_indices = @transform_2, window_bounds = array<i64: 1000, 128>}, {pipeline_mode = #tpu.pipeline_mode<synchronous>, transform_indices = @transform_3, window_bounds = array<i64: 64, 64>}, {pipeline_mode = #tpu.pipeline_mode<synchronous>, transform_indices = @transform_4, window_bounds = array<i64: 1, 64>}, {transform_indices = @transform_5, window_bounds = array<i64: 1000, 128>}]} {
    %get3A = arith.constant 0 : index
    %get3A_0 = arith.constant 0 : index
    %get3A_1 = vector.load %arg1[%get3A, %get3A_0] : memref<1000x128xf32, #tpu.memory_space<vmem>>, vector<1000x1xf32>
    %add3A = arith.constant 1.000000e+00 : f32
    %add3A_2 = vector.broadcast %add3A : f32 to vector<1000x1xf32>
    %add3A_3 = arith.addf %get3A_1, %add3A_2 : vector<1000x1xf32>
    %sqrt3A = math.sqrt %add3A_3 : vector<1000x1xf32>
    %div3A = arith.constant 1.000000e+00 : f32
    %div3A_4 = vector.broadcast %div3A : f32 to vector<1000x1xf32>
    %div3A_5 = arith.divf %div3A_4, %sqrt3A : vector<1000x1xf32>
    %get3A_6 = arith.constant 0 : index
    %get3A_7 = arith.constant 0 : index
    %get3A_8 = vector.load %arg2[%get3A_6, %get3A_7] : memref<1000x128xf32, #tpu.memory_space<vmem>>, vector<1000x64xf32>
    %get3A_9 = arith.constant 0 : index
    %get3A_10 = arith.constant 0 : index
    %get3A_11 = vector.load %arg3[%get3A_9, %get3A_10] : memref<1000x128xf32, #tpu.memory_space<vmem>>, vector<1000x64xf32>
    %add3A_12 = arith.addf %get3A_8, %get3A_11 : vector<1000x64xf32>
    %mul3A = vector.broadcast %div3A_5 : vector<1000x1xf32> to vector<1000x64xf32>
    %mul3A_13 = arith.mulf %mul3A, %add3A_12 : vector<1000x64xf32>
    %get3A_14 = arith.constant 0 : index
    %get3A_15 = arith.constant 0 : index
    %get3A_16 = vector.load %arg5[%get3A_14, %get3A_15] : memref<1x64xf32, #tpu.memory_space<vmem>>, vector<1x64xf32>
    %add3A_17 = vector.broadcast %get3A_16 : vector<1x64xf32> to vector<1000x64xf32>
    %add3A_18 = arith.addf %mul3A_13, %add3A_17 : vector<1000x64xf32>
    %mul3A_19 = arith.mulf %add3A_18, %add3A_18 : vector<1000x64xf32>
    %reduce_sum3A = arith.constant dense<0.000000e+00> : vector<1000xf32>
    %reduce_sum3A_20 = vector.multi_reduction <add>, %mul3A_19, %reduce_sum3A [1] : vector<1000x64xf32> to vector<1000xf32>
    %broadcast_in_dim3A = vector.shape_cast %reduce_sum3A_20 : vector<1000xf32> to vector<1000x1xf32>
    %sqrt3A_21 = math.sqrt %broadcast_in_dim3A : vector<1000x1xf32>
    %max3A = arith.constant 9.99999996E-13 : f32
    %max3A_22 = vector.broadcast %max3A : f32 to vector<1000x1xf32>
    %max3A_23 = arith.maximumf %sqrt3A_21, %max3A_22 : vector<1000x1xf32>
    %div3A_24 = vector.broadcast %max3A_23 : vector<1000x1xf32> to vector<1000x64xf32>
    %div3A_25 = arith.divf %add3A_18, %div3A_24 : vector<1000x64xf32>
    %broadcast_in_dim3A_26 = arith.constant 0.000000e+00 : f32
    %broadcast_in_dim3A_27 = vector.broadcast %broadcast_in_dim3A_26 : f32 to vector<1000x64xf32>
    %concatenate3A = tpu.concatenate %div3A_25, %broadcast_in_dim3A_27 in 1 : vector<1000x64xf32>, vector<1000x64xf32> -> vector<1000x128xf32>
    %swap3A = arith.constant 0 : index
    %swap3A_28 = arith.constant 0 : index
    %swap3A_29 = vector.load %arg6[%swap3A, %swap3A_28] : memref<1000x128xf32, #tpu.memory_space<vmem>>, vector<1000x128xf32>
    tpu.vector_store %arg6[%swap3A, %swap3A_28], %concatenate3A {strides = array<i32>} : memref<1000x128xf32, #tpu.memory_space<vmem>>, vector<1000x128xf32>,
    return
  }
  func.func @transform_0(%arg0: i32) -> (i32, i32) {
    %c0_i32 = arith.constant 0 : i32
    %c0_i32_0 = arith.constant 0 : i32
    return %arg0, %c0_i32 : i32, i32
  }
  func.func @transform_1(%arg0: i32) -> (i32, i32) {
    %c0_i32 = arith.constant 0 : i32
    %c0_i32_0 = arith.constant 0 : i32
    return %arg0, %c0_i32 : i32, i32
  }
  func.func @transform_2(%arg0: i32) -> (i32, i32) {
    %c0_i32 = arith.constant 0 : i32
    %c0_i32_0 = arith.constant 0 : i32
    return %arg0, %c0_i32 : i32, i32
  }
  func.func @transform_3(%arg0: i32) -> (i32, i32) {
    %c0_i32 = arith.constant 0 : i32
    %c0_i32_0 = arith.constant 0 : i32
    %c0_i32_1 = arith.constant 0 : i32
    return %c0_i32, %c0_i32_0 : i32, i32
  }
  func.func @transform_4(%arg0: i32) -> (i32, i32) {
    %c0_i32 = arith.constant 0 : i32
    %c0_i32_0 = arith.constant 0 : i32
    %c0_i32_1 = arith.constant 0 : i32
    return %c0_i32, %c0_i32_0 : i32, i32
  }
  func.func @transform_5(%arg0: i32) -> (i32, i32) {
    %c0_i32 = arith.constant 0 : i32
    %c0_i32_0 = arith.constant 0 : i32
    return %arg0, %c0_i32 : i32, i32
  }
}

module attributes {stable_mosaic.version = 14 : i64} {
  func.func @body(%arg0: i32, %arg1: memref<1000x128xf32, #tpu.memory_space<vmem>>, %arg2: memref<1000x128xf32, #tpu.memory_space<vmem>>, %arg3: memref<1000x128xf32, #tpu.memory_space<vmem>>, %arg4: memref<64x128xf32, #tpu.memory_space<vmem>>, %arg5: memref<1x64xf32, #tpu.memory_space<vmem>>, %arg6: memref<64x128xf32, #tpu.memory_space<vmem>>, %arg7: memref<1x64xf32, #tpu.memory_space<vmem>>, %arg8: memref<64x64xf32, #tpu.memory_space<vmem>>, %arg9: memref<1x64xf32, #tpu.memory_space<vmem>>, %arg10: memref<64x64xf32, #tpu.memory_space<vmem>>, %arg11: memref<1x64xf32, #tpu.memory_space<vmem>>, %arg12: memref<1000x128xf32, #tpu.memory_space<vmem>>, %arg13: memref<1000x128xf32, #tpu.memory_space<vmem>>) attributes {dimension_semantics = [#tpu.dimension_semantics<arbitrary>], iteration_bounds = array<i64: 25>, scalar_prefetch = 0 : i64, scratch_operands = 0 : i64, tpu.core_type = #tpu.core_type<tc>, window_params = [{transform_indices = @transform_0, window_bounds = array<i64: 1000, 128>}, {transform_indices = @transform_1, window_bounds = array<i64: 1000, 128>}, {transform_indices = @transform_2, window_bounds = array<i64: 1000, 128>}, {pipeline_mode = #tpu.pipeline_mode<synchronous>, transform_indices = @transform_3, window_bounds = array<i64: 64, 128>}, {pipeline_mode = #tpu.pipeline_mode<synchronous>, transform_indices = @transform_4, window_bounds = array<i64: 1, 64>}, {pipeline_mode = #tpu.pipeline_mode<synchronous>, transform_indices = @transform_5, window_bounds = array<i64: 64, 128>}, {pipeline_mode = #tpu.pipeline_mode<synchronous>, transform_indices = @transform_6, window_bounds = array<i64: 1, 64>}, {pipeline_mode = #tpu.pipeline_mode<synchronous>, transform_indices = @transform_7, window_bounds = array<i64: 64, 64>}, {pipeline_mode = #tpu.pipeline_mode<synchronous>, transform_indices = @transform_8, window_bounds = array<i64: 1, 64>}, {pipeline_mode = #tpu.pipeline_mode<synchronous>, transform_indices = @transform_9, window_bounds = array<i64: 64, 64>}, {pipeline_mode = #tpu.pipeline_mode<synchronous>, transform_indices = @transform_10, window_bounds = array<i64: 1, 64>}, {transform_indices = @transform_11, window_bounds = array<i64: 1000, 128>}, {transform_indices = @transform_12, window_bounds = array<i64: 1000, 128>}]} {
    %get3A = arith.constant 0 : index
    %get3A_0 = arith.constant 0 : index
    %get3A_1 = vector.load %arg1[%get3A, %get3A_0] : memref<1000x128xf32, #tpu.memory_space<vmem>>, vector<1000x1xf32>
    %add3A = arith.constant 1.000000e+00 : f32
    %add3A_2 = vector.broadcast %add3A : f32 to vector<1000x1xf32>
    %add3A_3 = arith.addf %get3A_1, %add3A_2 : vector<1000x1xf32>
    %sqrt3A = math.sqrt %add3A_3 : vector<1000x1xf32>
    %div3A = arith.constant 1.000000e+00 : f32
    %div3A_4 = vector.broadcast %div3A : f32 to vector<1000x1xf32>
    %div3A_5 = arith.divf %div3A_4, %sqrt3A : vector<1000x1xf32>
    %get3A_6 = arith.constant 0 : index
    %get3A_7 = arith.constant 0 : index
    %get3A_8 = vector.load %arg2[%get3A_6, %get3A_7] : memref<1000x128xf32, #tpu.memory_space<vmem>>, vector<1000x128xf32>
    %get3A_9 = arith.constant 0 : index
    %get3A_10 = arith.constant 0 : index
    %get3A_11 = vector.load %arg4[%get3A_9, %get3A_10] : memref<64x128xf32, #tpu.memory_space<vmem>>, vector<64x128xf32>
    %dot_general3A = arith.constant dense<0.000000e+00> : vector<1000x64xf32>
    %dot_general3A_12 = tpu.matmul %get3A_8, %get3A_11, %dot_general3A {dimension_numbers = #tpu.dot_dimension_numbers<[1], [1], [0], [0], [0, 0, 1, 0], [], []>, precision = #tpu.contract_precision<fp32>, transpose_lhs_hint = false} : vector<1000x128xf32>, vector<64x128xf32>, vector<1000x64xf32> -> vector<1000x64xf32>
    %get3A_13 = arith.constant 0 : index
    %get3A_14 = arith.constant 0 : index
    %get3A_15 = vector.load %arg5[%get3A_13, %get3A_14] : memref<1x64xf32, #tpu.memory_space<vmem>>, vector<1x64xf32>
    %add3A_16 = vector.broadcast %get3A_15 : vector<1x64xf32> to vector<1000x64xf32>
    %add3A_17 = arith.addf %dot_general3A_12, %add3A_16 : vector<1000x64xf32>
    %get3A_18 = arith.constant 0 : index
    %get3A_19 = arith.constant 0 : index
    %get3A_20 = vector.load %arg8[%get3A_18, %get3A_19] : memref<64x64xf32, #tpu.memory_space<vmem>>, vector<64x64xf32>
    %dot_general3A_21 = arith.constant dense<0.000000e+00> : vector<1000x64xf32>
    %dot_general3A_22 = tpu.matmul %add3A_17, %get3A_20, %dot_general3A_21 {dimension_numbers = #tpu.dot_dimension_numbers<[1], [1], [0], [0], [0, 0, 1, 0], [], []>, precision = #tpu.contract_precision<fp32>, transpose_lhs_hint = false} : vector<1000x64xf32>, vector<64x64xf32>, vector<1000x64xf32> -> vector<1000x64xf32>
    %get3A_23 = arith.constant 0 : index
    %get3A_24 = arith.constant 0 : index
    %get3A_25 = vector.load %arg3[%get3A_23, %get3A_24] : memref<1000x128xf32, #tpu.memory_space<vmem>>, vector<1000x128xf32>
    %get3A_26 = arith.constant 0 : index
    %get3A_27 = arith.constant 0 : index
    %get3A_28 = vector.load %arg6[%get3A_26, %get3A_27] : memref<64x128xf32, #tpu.memory_space<vmem>>, vector<64x128xf32>
    %dot_general3A_29 = arith.constant dense<0.000000e+00> : vector<1000x64xf32>
    %dot_general3A_30 = tpu.matmul %get3A_25, %get3A_28, %dot_general3A_29 {dimension_numbers = #tpu.dot_dimension_numbers<[1], [1], [0], [0], [0, 0, 1, 0], [], []>, precision = #tpu.contract_precision<fp32>, transpose_lhs_hint = false} : vector<1000x128xf32>, vector<64x128xf32>, vector<1000x64xf32> -> vector<1000x64xf32>
    %get3A_31 = arith.constant 0 : index
    %get3A_32 = arith.constant 0 : index
    %get3A_33 = vector.load %arg7[%get3A_31, %get3A_32] : memref<1x64xf32, #tpu.memory_space<vmem>>, vector<1x64xf32>
    %add3A_34 = vector.broadcast %get3A_33 : vector<1x64xf32> to vector<1000x64xf32>
    %add3A_35 = arith.addf %dot_general3A_30, %add3A_34 : vector<1000x64xf32>
    %get3A_36 = arith.constant 0 : index
    %get3A_37 = arith.constant 0 : index
    %get3A_38 = vector.load %arg8[%get3A_36, %get3A_37] : memref<64x64xf32, #tpu.memory_space<vmem>>, vector<64x64xf32>
    %dot_general3A_39 = arith.constant dense<0.000000e+00> : vector<1000x64xf32>
    %dot_general3A_40 = tpu.matmul %add3A_35, %get3A_38, %dot_general3A_39 {dimension_numbers = #tpu.dot_dimension_numbers<[1], [1], [0], [0], [0, 0, 1, 0], [], []>, precision = #tpu.contract_precision<fp32>, transpose_lhs_hint = false} : vector<1000x64xf32>, vector<64x64xf32>, vector<1000x64xf32> -> vector<1000x64xf32>
    %get3A_41 = arith.constant 0 : index
    %get3A_42 = arith.constant 0 : index
    %get3A_43 = vector.load %arg9[%get3A_41, %get3A_42] : memref<1x64xf32, #tpu.memory_space<vmem>>, vector<1x64xf32>
    %add3A_44 = vector.broadcast %get3A_43 : vector<1x64xf32> to vector<1000x64xf32>
    %add3A_45 = arith.addf %dot_general3A_40, %add3A_44 : vector<1000x64xf32>
    %max3A = arith.constant 0.000000e+00 : f32
    %max3A_46 = vector.broadcast %max3A : f32 to vector<1000x64xf32>
    %max3A_47 = arith.maximumf %add3A_45, %max3A_46 : vector<1000x64xf32>
    %get3A_48 = arith.constant 0 : index
    %get3A_49 = arith.constant 0 : index
    %get3A_50 = vector.load %arg10[%get3A_48, %get3A_49] : memref<64x64xf32, #tpu.memory_space<vmem>>, vector<64x64xf32>
    %dot_general3A_51 = arith.constant dense<0.000000e+00> : vector<1000x64xf32>
    %dot_general3A_52 = tpu.matmul %max3A_47, %get3A_50, %dot_general3A_51 {dimension_numbers = #tpu.dot_dimension_numbers<[1], [1], [0], [0], [0, 0, 1, 0], [], []>, precision = #tpu.contract_precision<fp32>, transpose_lhs_hint = false} : vector<1000x64xf32>, vector<64x64xf32>, vector<1000x64xf32> -> vector<1000x64xf32>
    %get3A_53 = arith.constant 0 : index
    %get3A_54 = arith.constant 0 : index
    %get3A_55 = vector.load %arg11[%get3A_53, %get3A_54] : memref<1x64xf32, #tpu.memory_space<vmem>>, vector<1x64xf32>
    %add3A_56 = vector.broadcast %get3A_55 : vector<1x64xf32> to vector<1000x64xf32>
    %add3A_57 = arith.addf %dot_general3A_52, %add3A_56 : vector<1000x64xf32>
    %mul3A = vector.broadcast %div3A_5 : vector<1000x1xf32> to vector<1000x64xf32>
    %mul3A_58 = arith.mulf %mul3A, %dot_general3A_22 : vector<1000x64xf32>
    %broadcast_in_dim3A = arith.constant 0.000000e+00 : f32
    %broadcast_in_dim3A_59 = vector.broadcast %broadcast_in_dim3A : f32 to vector<1000x64xf32>
    %concatenate3A = tpu.concatenate %mul3A_58, %broadcast_in_dim3A_59 in 1 : vector<1000x64xf32>, vector<1000x64xf32> -> vector<1000x128xf32>
    %swap3A = arith.constant 0 : index
    %swap3A_60 = arith.constant 0 : index
    %swap3A_61 = vector.load %arg12[%swap3A, %swap3A_60] : memref<1000x128xf32, #tpu.memory_space<vmem>>, vector<1000x128xf32>
    tpu.vector_store %arg12[%swap3A, %swap3A_60], %concatenate3A {strides = array<i32>} : memref<1000x128xf32, #tpu.memory_space<vmem>>, vector<1000x128xf32>,
    %mul3A_62 = arith.mulf %add3A_57, %add3A_57 : vector<1000x64xf32>
    %reduce_sum3A = arith.constant dense<0.000000e+00> : vector<1000xf32>
    %reduce_sum3A_63 = vector.multi_reduction <add>, %mul3A_62, %reduce_sum3A [1] : vector<1000x64xf32> to vector<1000xf32>
    %broadcast_in_dim3A_64 = vector.shape_cast %reduce_sum3A_63 : vector<1000xf32> to vector<1000x1xf32>
    %sqrt3A_65 = math.sqrt %broadcast_in_dim3A_64 : vector<1000x1xf32>
    %max3A_66 = arith.constant 9.99999996E-13 : f32
    %max3A_67 = vector.broadcast %max3A_66 : f32 to vector<1000x1xf32>
    %max3A_68 = arith.maximumf %sqrt3A_65, %max3A_67 : vector<1000x1xf32>
    %div3A_69 = vector.broadcast %max3A_68 : vector<1000x1xf32> to vector<1000x64xf32>
    %div3A_70 = arith.divf %add3A_57, %div3A_69 : vector<1000x64xf32>
    %broadcast_in_dim3A_71 = arith.constant 0.000000e+00 : f32
    %broadcast_in_dim3A_72 = vector.broadcast %broadcast_in_dim3A_71 : f32 to vector<1000x64xf32>
    %concatenate3A_73 = tpu.concatenate %div3A_70, %broadcast_in_dim3A_72 in 1 : vector<1000x64xf32>, vector<1000x64xf32> -> vector<1000x128xf32>
    %swap3A_74 = arith.constant 0 : index
    %swap3A_75 = arith.constant 0 : index
    %swap3A_76 = vector.load %arg13[%swap3A_74, %swap3A_75] : memref<1000x128xf32, #tpu.memory_space<vmem>>, vector<1000x128xf32>
    tpu.vector_store %arg13[%swap3A_74, %swap3A_75], %concatenate3A_73 {strides = array<i32>} : memref<1000x128xf32, #tpu.memory_space<vmem>>, vector<1000x128xf32>,
    return
  }
  func.func @transform_0(%arg0: i32) -> (i32, i32) {
    %c0_i32 = arith.constant 0 : i32
    %c0_i32_0 = arith.constant 0 : i32
    return %arg0, %c0_i32 : i32, i32
  }
  func.func @transform_1(%arg0: i32) -> (i32, i32) {
    %c0_i32 = arith.constant 0 : i32
    %c0_i32_0 = arith.constant 0 : i32
    return %arg0, %c0_i32 : i32, i32
  }
  func.func @transform_2(%arg0: i32) -> (i32, i32) {
    %c0_i32 = arith.constant 0 : i32
    %c0_i32_0 = arith.constant 0 : i32
    return %arg0, %c0_i32 : i32, i32
  }
  func.func @transform_3(%arg0: i32) -> (i32, i32) {
    %c0_i32 = arith.constant 0 : i32
    %c0_i32_0 = arith.constant 0 : i32
    %c0_i32_1 = arith.constant 0 : i32
    return %c0_i32, %c0_i32_0 : i32, i32
  }
  func.func @transform_4(%arg0: i32) -> (i32, i32) {
    %c0_i32 = arith.constant 0 : i32
    %c0_i32_0 = arith.constant 0 : i32
    %c0_i32_1 = arith.constant 0 : i32
    return %c0_i32, %c0_i32_0 : i32, i32
  }
  func.func @transform_5(%arg0: i32) -> (i32, i32) {
    %c0_i32 = arith.constant 0 : i32
    %c0_i32_0 = arith.constant 0 : i32
    %c0_i32_1 = arith.constant 0 : i32
    return %c0_i32, %c0_i32_0 : i32, i32
  }
  func.func @transform_6(%arg0: i32) -> (i32, i32) {
    %c0_i32 = arith.constant 0 : i32
    %c0_i32_0 = arith.constant 0 : i32
    %c0_i32_1 = arith.constant 0 : i32
    return %c0_i32, %c0_i32_0 : i32, i32
  }
  func.func @transform_7(%arg0: i32) -> (i32, i32) {
    %c0_i32 = arith.constant 0 : i32
    %c0_i32_0 = arith.constant 0 : i32
    %c0_i32_1 = arith.constant 0 : i32
    return %c0_i32, %c0_i32_0 : i32, i32
  }
  func.func @transform_8(%arg0: i32) -> (i32, i32) {
    %c0_i32 = arith.constant 0 : i32
    %c0_i32_0 = arith.constant 0 : i32
    %c0_i32_1 = arith.constant 0 : i32
    return %c0_i32, %c0_i32_0 : i32, i32
  }
  func.func @transform_9(%arg0: i32) -> (i32, i32) {
    %c0_i32 = arith.constant 0 : i32
    %c0_i32_0 = arith.constant 0 : i32
    %c0_i32_1 = arith.constant 0 : i32
    return %c0_i32, %c0_i32_0 : i32, i32
  }
  func.func @transform_10(%arg0: i32) -> (i32, i32) {
    %c0_i32 = arith.constant 0 : i32
    %c0_i32_0 = arith.constant 0 : i32
    %c0_i32_1 = arith.constant 0 : i32
    return %c0_i32, %c0_i32_0 : i32, i32
  }
  func.func @transform_11(%arg0: i32) -> (i32, i32) {
    %c0_i32 = arith.constant 0 : i32
    %c0_i32_0 = arith.constant 0 : i32
    return %arg0, %c0_i32 : i32, i32
  }
  func.func @transform_12(%arg0: i32) -> (i32, i32) {
    %c0_i32 = arith.constant 0 : i32
    %c0_i32_0 = arith.constant 0 : i32
    return %arg0, %c0_i32 : i32, i32
  }
}

module attributes {stable_mosaic.version = 14 : i64} {
  func.func @body(%arg0: i32, %arg1: memref<4000x64xf32, #tpu.memory_space<vmem>>, %arg2: memref<64x64xf32, #tpu.memory_space<vmem>>, %arg3: memref<1x64xf32, #tpu.memory_space<vmem>>, %arg4: memref<1x64xf32, #tpu.memory_space<vmem>>, %arg5: memref<1x1xf32, #tpu.memory_space<smem>>, %arg6: memref<4000x1xf32, #tpu.memory_space<vmem>>) attributes {dimension_semantics = [#tpu.dimension_semantics<arbitrary>], iteration_bounds = array<i64: 200>, scalar_prefetch = 0 : i64, scratch_operands = 0 : i64, tpu.core_type = #tpu.core_type<tc>, window_params = [{transform_indices = @transform_0, window_bounds = array<i64: 4000, 64>}, {pipeline_mode = #tpu.pipeline_mode<synchronous>, transform_indices = @transform_1, window_bounds = array<i64: 64, 64>}, {pipeline_mode = #tpu.pipeline_mode<synchronous>, transform_indices = @transform_2, window_bounds = array<i64: 1, 64>}, {pipeline_mode = #tpu.pipeline_mode<synchronous>, transform_indices = @transform_3, window_bounds = array<i64: 1, 64>}, {transform_indices = @transform_4, window_bounds = array<i64: 1, 1>}, {transform_indices = @transform_5, window_bounds = array<i64: 4000, 1>}]} {
    %get3A = arith.constant 0 : index
    %get3A_0 = arith.constant 0 : index
    %get3A_1 = vector.load %arg1[%get3A, %get3A_0] : memref<4000x64xf32, #tpu.memory_space<vmem>>, vector<4000x64xf32>
    %get3A_2 = arith.constant 0 : index
    %get3A_3 = arith.constant 0 : index
    %get3A_4 = vector.load %arg2[%get3A_2, %get3A_3] : memref<64x64xf32, #tpu.memory_space<vmem>>, vector<64x64xf32>
    %dot_general3A = arith.constant dense<0.000000e+00> : vector<4000x64xf32>
    %dot_general3A_5 = tpu.matmul %get3A_1, %get3A_4, %dot_general3A {dimension_numbers = #tpu.dot_dimension_numbers<[1], [1], [0], [0], [0, 0, 1, 0], [], []>, precision = #tpu.contract_precision<fp32>, transpose_lhs_hint = false} : vector<4000x64xf32>, vector<64x64xf32>, vector<4000x64xf32> -> vector<4000x64xf32>
    %get3A_6 = arith.constant 0 : index
    %get3A_7 = arith.constant 0 : index
    %get3A_8 = vector.load %arg3[%get3A_6, %get3A_7] : memref<1x64xf32, #tpu.memory_space<vmem>>, vector<1x64xf32>
    %add3A = vector.broadcast %get3A_8 : vector<1x64xf32> to vector<4000x64xf32>
    %add3A_9 = arith.addf %dot_general3A_5, %add3A : vector<4000x64xf32>
    %max3A = arith.constant 0.000000e+00 : f32
    %max3A_10 = vector.broadcast %max3A : f32 to vector<4000x64xf32>
    %max3A_11 = arith.maximumf %add3A_9, %max3A_10 : vector<4000x64xf32>
    %get3A_12 = arith.constant 0 : index
    %get3A_13 = arith.constant 0 : index
    %get3A_14 = vector.load %arg4[%get3A_12, %get3A_13] : memref<1x64xf32, #tpu.memory_space<vmem>>, vector<1x64xf32>
    %mul3A = vector.broadcast %get3A_14 : vector<1x64xf32> to vector<4000x64xf32>
    %mul3A_15 = arith.mulf %max3A_11, %mul3A : vector<4000x64xf32>
    %reduce_sum3A = arith.constant dense<0.000000e+00> : vector<4000xf32>
    %reduce_sum3A_16 = vector.multi_reduction <add>, %mul3A_15, %reduce_sum3A [1] : vector<4000x64xf32> to vector<4000xf32>
    %broadcast_in_dim3A = vector.shape_cast %reduce_sum3A_16 : vector<4000xf32> to vector<4000x1xf32>
    %get3A_17 = arith.constant 0 : index
    %get3A_18 = arith.constant 0 : index
    %get3A_19 = memref.load %arg5[%get3A_17, %get3A_18] : memref<1x1xf32, #tpu.memory_space<smem>>
    %add3A_20 = vector.broadcast %get3A_19 : f32 to vector<4000x1xf32>
    %add3A_21 = arith.addf %broadcast_in_dim3A, %add3A_20 : vector<4000x1xf32>
    %swap3A = arith.constant 0 : index
    %swap3A_22 = arith.constant 0 : index
    %swap3A_23 = vector.load %arg6[%swap3A, %swap3A_22] : memref<4000x1xf32, #tpu.memory_space<vmem>>, vector<4000x1xf32>
    tpu.vector_store %arg6[%swap3A, %swap3A_22], %add3A_21 {strides = array<i32>} : memref<4000x1xf32, #tpu.memory_space<vmem>>, vector<4000x1xf32>,
    return
  }
  func.func @transform_0(%arg0: i32) -> (i32, i32) {
    %c0_i32 = arith.constant 0 : i32
    %c0_i32_0 = arith.constant 0 : i32
    return %arg0, %c0_i32 : i32, i32
  }
  func.func @transform_1(%arg0: i32) -> (i32, i32) {
    %c0_i32 = arith.constant 0 : i32
    %c0_i32_0 = arith.constant 0 : i32
    %c0_i32_1 = arith.constant 0 : i32
    return %c0_i32, %c0_i32_0 : i32, i32
  }
  func.func @transform_2(%arg0: i32) -> (i32, i32) {
    %c0_i32 = arith.constant 0 : i32
    %c0_i32_0 = arith.constant 0 : i32
    %c0_i32_1 = arith.constant 0 : i32
    return %c0_i32, %c0_i32_0 : i32, i32
  }
  func.func @transform_3(%arg0: i32) -> (i32, i32) {
    %c0_i32 = arith.constant 0 : i32
    %c0_i32_0 = arith.constant 0 : i32
    %c0_i32_1 = arith.constant 0 : i32
    return %c0_i32, %c0_i32_0 : i32, i32
  }
  func.func @transform_4(%arg0: i32) -> (i32, i32) {
    %c0_i32 = arith.constant 0 : i32
    %c0_i32_0 = arith.constant 0 : i32
    %c0_i32_1 = arith.constant 0 : i32
    return %c0_i32, %c0_i32_0 : i32, i32
  }
  func.func @transform_5(%arg0: i32) -> (i32, i32) {
    %c0_i32 = arith.constant 0 : i32
    %c0_i32_0 = arith.constant 0 : i32
    return %arg0, %c0_i32 : i32, i32
  }
}

</mosaic_0001>

<sc_bundles>
// kernel: kernel.10.cloned.1.call-start
scs
__scs_entry_jumppad:
0x0: {  	(pc) =	sbr.rel $0x88, $3  }
0x1: {  	(tag) =	ssettag $0x0;
	lr =	simm.s32 $0x1  }
0x2: {  	[smem:$0x3F92] =	sst lr;
	_ =	strace $0xD0000000  }
0x3: {  	_ = 	snop  }
0x4: {  	_ = 	snop  }
0x5: {  	_ = 	snop  }
0x6: {  	_ = 	snop  }
0x7: {  	_ = 	snop  }
__scs_overlays_trampoline_lowered:
0x8: {  	[smem:$0x3FA1] =	sst s0  }
0x9: {  	[smem:$0x3FA2] =	sst s1  }
0xa: {  	[smem:$0x3FA3] =	sst s2  }
0xb: {  	[smem:$0x3FA4] =	sst s3  }
0xc: {  	[smem:$0x3FA5] =	sst s4  }
0xd: {  	[smem:$0x3FA6] =	sst s5  }
0xe: {  	[smem:$0x3FA7] =	sst s6  }
0xf: {  	[smem:$0x3FA8] =	sst s7  }
0x10: {  	[smem:$0x3FA9] =	sst s8  }
0x11: {  	[smem:$0x3FAA] =	sst s9;
	s0 =	simm.s32 @!p0 $0x0  }
0x12: {  	s1 =	sld [smem:$0x3F90];
	s0 =	simm.s32 @p0 $0x1  }
0x13: {  	[smem:$0x3FAB] =	sst s0;
	s0 =	simm.s32 @!p1 $0x0  }
0x14: {  	s2 =	sld [smem:$0x3F8F];
	s0 =	simm.s32 @p1 $0x1  }
0x15: {  	[smem:$0x3FAC] =	sst s0;
	s0 =	simm.s32 @!p2 $0x0  }
0x16: {  	s3 =	sld [smem:$0x3FDB];
	s0 =	simm.s32 @p2 $0x1  }
0x17: {  	s4 =	simm.s32 $0x1BF5;
	[smem:$0x3FAE] =	sst s0  }
0x18: {  	s0 =	sld [smem:$0x3F91];
	_ =	swait.ge [sflag:s4], $0x0  }
0x19: {  	s7 =	sld [smem:$0x3F92]  }
0x1a: {  	s8 =	sadd.s32 $0xFFFFE003, lr  }
0x1b: {  	s9 =	sadd.s32 $0xFFFFFEF7, lr;
	s5 =	simm.s32 $0xFFFFFFFF;
	p2 =	slt.u32 s8, $0xFFFFF086  }
0x1c: {  	p1 =	slt.u32 s9, $0xF7A;
	s5 =	simm.s32 @!p2 $0x0  }
0x1d: {  	s5 =	simm.s32 @p1 $0x1;
	p0 =	seq.s32 s7, s2  }
0x1e: {  	s7 =	smul.u32 @!p0 $0xF7A, s2;
	p2 =	seq.s32 @!p0 s5, $0x0  }
0x1f: {  	s9 =	smul.u32 $0xF7A, s1;
	s8 =	simm.s32 @!p0 $0x1BF5;
	p2 =	por !p2, p0  }
0x20: {  	[sflag:s8] =	ssyncset.s32 @!p0 $0xFFFFF086;
	s6 =	sadd.s32 @!p0 s3, s7;
	s7 =	simm.s32 @!p0 $0x108  }
0x21: {  	s3 =	sadd.s32 s3, s9;
	s6 =	sadd.s32 @!p0 $0x88, s6;
	s7 =	simm.s32 @p2 $0x1082  }
0x22: {  	[simem:s7], [sflag:s8] =	dma.local @!p0 [hbm:s6], $0xF7A  }
0x23: {  	s9 =	sor.u32 $0xD0000000, s2;
	s6 =	simm.s32 $0x108;
	_ =	swait.ge @!p0 [sflag:s8], $0x0  }
0x24: {  	s3 =	sadd.s32 $0x88, s3;
	s6 =	simm.s32 @!p1 $0x1082;
	[sflag:s4] =	ssyncset.s32 $0xFFFFF086  }
0x25: {  	[simem:s6], [sflag:s4] =	dma.local [hbm:s3], $0xF7A  }
0x26: {  	[smem:$0x3F92] =	sst s1;
	(tag) =	ssettag s2;
	_ =	strace s9  }
0x27: {  	s1 =	sld [smem:$0x3FA2]  }
0x28: {  	s2 =	sld [smem:$0x3FA3]  }
0x29: {  	s4 =	sld [smem:$0x3FA5]  }
0x2a: {  	p0 =	seq.s32 s5, $0x0;
	s5 =	sld [smem:$0x3FA6]  }
0x2b: {  	s6 =	sld [smem:$0x3FA7]  }
0x2c: {  	s7 =	sld [smem:$0x3FA8]  }
0x2d: {  	s3 =	simm.s32 $0x108;
	s8 =	sld [smem:$0x3FA9]  }
0x2e: {  	s3 =	simm.s32 @!p0 $0x1082;
	s9 =	sld [smem:$0x3FAA]  }
0x2f: {  	lr =	sadd.s32 s0, s3;
	s0 =	sld [smem:$0x3FA1]  }
0x30: {  	s3 =	sld [smem:$0x3FA4]  }
0x31: {  	[smem:$0x3FAD] =	sst s10  }
0x32: {  	s10 =	sld [smem:$0x3FAB];
	_ =	sdelay $0x3  }
0x33: {  	p0 =	seq.s32 s10, $0x1;
	s10 =	sld [smem:$0x3FAD];
	_ =	sdelay $0x3  }
0x34: {  	[smem:$0x3FAD] =	sst s10  }
0x35: {  	s10 =	sld [smem:$0x3FAC];
	_ =	sdelay $0x3  }
0x36: {  	p1 =	seq.s32 s10, $0x1;
	s10 =	sld [smem:$0x3FAD];
	_ =	sdelay $0x3  }
0x37: {  	[smem:$0x3FAD] =	sst s10  }
0x38: {  	s10 =	sld [smem:$0x3FAE]  }
0x39: {  	_ = 	snop;
	(pc) =	sbr.ind lr, $3  }
0x3a: {  	_ = 	snop  }
0x3b: {  	_ = 	snop  }
0x3c: {  	p2 =	seq.s32 s10, $0x1;
	s10 =	sld [smem:$0x3FAD]  }
0x3d: {  	_ =	shalt  }
0x3e: {  	_ =	shalt  }
0x3f: {  	_ =	shalt  }
0x40: {  	_ =	shalt  }
0x41: {  	_ =	shalt  }
0x42: {  	_ =	shalt  }
0x43: {  	_ =	shalt  }
0x44: {  	_ =	shalt  }
0x45: {  	_ =	shalt  }
0x46: {  	_ =	shalt  }
0x47: {  	_ =	shalt  }
0x48: {  	_ =	shalt  }
0x49: {  	_ =	shalt  }
0x4a: {  	_ =	shalt  }
0x4b: {  	_ =	shalt  }
0x4c: {  	_ =	shalt  }
0x4d: {  	_ =	shalt  }
0x4e: {  	_ =	shalt  }
0x4f: {  	_ =	shalt  }
0x50: {  	_ =	shalt  }
0x51: {  	_ =	shalt  }
0x52: {  	_ =	shalt  }
0x53: {  	_ =	shalt  }
0x54: {  	_ =	shalt  }
0x55: {  	_ =	shalt  }
0x56: {  	_ =	shalt  }
0x57: {  	_ =	shalt  }
0x58: {  	_ =	shalt  }
0x59: {  	_ =	shalt  }
0x5a: {  	_ =	shalt  }
0x5b: {  	_ =	shalt  }
0x5c: {  	_ =	shalt  }
0x5d: {  	_ =	shalt  }
0x5e: {  	_ =	shalt  }
0x5f: {  	_ =	shalt  }
0x60: {  	_ =	shalt  }
0x61: {  	_ =	shalt  }
0x62: {  	_ =	shalt  }
0x63: {  	_ =	shalt  }
0x64: {  	_ =	shalt  }
0x65: {  	_ =	shalt  }
0x66: {  	_ =	shalt  }
0x67: {  	_ =	shalt  }
0x68: {  	_ =	shalt  }
0x69: {  	_ =	shalt  }
0x6a: {  	_ =	shalt  }
0x6b: {  	_ =	shalt  }
0x6c: {  	_ =	shalt  }
0x6d: {  	_ =	shalt  }
0x6e: {  	_ =	shalt  }
0x6f: {  	_ =	shalt  }
0x70: {  	_ =	shalt  }
0x71: {  	_ =	shalt  }
0x72: {  	_ =	shalt  }
0x73: {  	_ =	shalt  }
0x74: {  	_ =	shalt  }
0x75: {  	_ =	shalt  }
0x76: {  	_ =	shalt  }
0x77: {  	_ =	shalt  }
0x78: {  	_ =	shalt  }
0x79: {  	_ =	shalt  }
0x7a: {  	_ =	shalt  }
0x7b: {  	_ =	shalt  }
0x7c: {  	_ =	shalt  }
0x7d: {  	_ =	shalt  }
0x7e: {  	_ =	shalt  }
0x7f: {  	_ =	shalt  }
0x80: {  	_ =	shalt  }
0x81: {  	_ =	shalt  }
0x82: {  	_ =	shalt  }
0x83: {  	_ =	shalt  }
0x84: {  	_ =	shalt  }
0x85: {  	_ =	shalt  }
0x86: {  	_ =	shalt  }
0x87: {  	_ =	shalt  }
.Lfunc_end0:
.L_simem_size_0:
called_computation_lowered:
.L_overlay_start_0:
0x88: {  	s2 =	sld [smem:$0x3FD9]  }
0x89: {  	s3 =	sld [smem:$0x3FFE];
	_ =	sdelay $0x1  }
0x8a: {  	s1 =	srdreg.scid  }
0x8b: {  	s0 =	sand.u32 $0x1, s1  }
0x8c: {  	s17 =	sshll.u32 s0, $0xA;
	s2 =	sadd.s32 s3, s2  }
0x8d: {  	s2 =	sadd.s32 s2, s17  }
0x8e: {  	[smem:$0x3FB9] =	sst s2  }
0x8f: {  	_ = 	snop  }
0x90: {  	s2 =	sld [smem:$0x3FD0];
	(tm) =	ssettm $0x1  }
0x91: {  	s18 =	sld [smem:$0x3FFB];
	_ =	sdelay $0x3  }
0x92: {  	_ =	strace s18  }
0x93: {  	s3 =	sld [smem:$0x3FFC];
	_ =	sdelay $0x3  }
0x94: {  	_ =	strace s3  }
0x95: {  	s3 =	sld [smem:$0x3FFD];
	_ =	sdelay $0x3  }
0x96: {  	_ =	strace s3  }
0x97: {  	_ =	strace $0x8FFFFFFF  }
0x98: {  	s19 =	sld [smem:$0x3FDB];
	_ =	sdelay $0x1  }
0x99: {  	s4 =	simm.s32 $_scs_section_size  }
0x9a: {  	s5 =	simm.s32 $_size__tile_overlayer_lowered;
	s6 =	simm.s32 $_tile_overlayer_lowered  }
0x9b: {  	s22 =	simm.s32 $0x1BFF;
	s21 =	sshll.u32 s6, $0x1;
	s3 =	sadd.s32 s4, s19  }
0x9c: {  	s7 =	simm.s32 $0x0;
	s20 =	sshll.u32 s5, $0x1;
	s5 =	sadd.s32 s21, s3  }
0x9d: {  	[timem:s7], [sflag:s22] =	dma.local [hbm:s5], s20  }
0x9e: {  	_ =	swait.ge [sflag:s22], s20  }
0x9f: {  	s4 =	ssub.s32 $0x0, s20;
	[sflag:s22] =	ssyncset.done $0x0  }
0xa0: {  	[sflag:s22] =	ssyncadd.s32 s4;
	_ =	sdelay $0x1  }
0xa1: {  	s23 =	simm.s32 $0x1B8B  }
0xa2: {  	_ =	swait.ge [sflag:s23], $0x1  }
0xa3: {  	[sflag:s23] =	ssyncset.done $0x0  }
0xa4: {  	s25 =	simm.s32 $0x1B8E;
	s24 =	sld [smem:$0x3FFE];
	[sflag:s23] =	ssyncadd.s32 $0xFFFFFFFF  }
0xa5: {  	s26 =	simm.s32 $execute0_lowered;
	[smem:$0x3FD2] =	sst s25  }
0xa6: {  	s5 =	sshll.u32 s26, $0x1;
	_ =	strace $0x80000046;
	[dreg:$0x1] =	wrdreg $0xFFFFFFFF  }
0xa7: {  	s28 =	simm.s32 $_size_execute0_lowered;
	s3 =	sadd.s32 s3, s5;
	[dreg:$0x0] =	wrdreg $0x0  }
0xa8: {  	s5 =	sshll.u32 s28, $0x1;
	[dreg:$0x2] =	wrdreg s3  }
0xa9: {  	[dreg:$0x3] =	wrdreg s5  }
0xaa: {  	[dreg:$0x4] =	wrdreg $0xC0  }
0xab: {  	_ =	task [dreg:s7], $0x5FFFF  }
0xac: {  	[dreg:$0x1] =	wrdreg $0xFFFFFFFF  }
0xad: {  	[dreg:$0x0] =	wrdreg $0x60  }
0xae: {  	[dreg:$0x2] =	wrdreg s24  }
0xaf: {  	[dreg:$0x3] =	wrdreg s2  }
0xb0: {  	[dreg:$0x4] =	wrdreg $0x41000  }
0xb1: {  	[dreg:$0x5] =	wrdreg $0x9  }
0xb2: {  	_ =	task.clear_ibuf [dreg:s7], $0x6FFFF;
	_ =	strace $0x90000046  }
0xb3: {  	s29 =	simm.s32 $0x9;
	_ =	strace $0x80000048  }
0xb4: {  	_ =	swait.ge [sflag:s29], $0x1  }
0xb5: {  	[sflag:s29] =	ssyncadd.s32 $0xFFFFFFFF  }
0xb6: {  	_ =	strace $0x90000048  }
0xb7: {  	_ =	sfence  }
0xb8: {  	s30 =	sld [smem:$0x0];
	_ =	sdelay $0x2  }
0xb9: {  	s31 =	sshll.u32 s1, $0xD;
	s1 =	sshrl.u32 s1, $0x2  }
0xba: {  	s3 =	sand.u32 $0x4000, s31;
	s1 =	sadd.s32 s1, s30  }
0xbb: {  	s0 =	sor.u32 s3, s0;
	s1 =	sshll.u32 s1, $0x11  }
0xbc: {  	s0 =	sor.u32 s1, s0  }
0xbd: {  	s0 =	sadd.s32 $0x8F2B, s0  }
0xbe: {  	[sflag:s0] =	ssyncadd.remote.s32 $0x1  }
0xbf: {  	_ =	sfence.sel $0xFFFF  }
0xc0: {  	[dreg:$0x0] =	wrdreg $0xFFFFFFFF;
	(pc) =	sbr.abs _section_cstart, $3  }
0xc1: {  	[dreg:$0x1] =	wrdreg $0xFFFFFFFF  }
0xc2: {  	_ =	task.clear_ibuf [dreg:s7], $0x2FFFF;
	_ =	strace $0x9FFFFFFF  }
0xc3: {  	(tm) =	ssettm $0x7FFFFFFF  }
tec
execute0_lowered:
.L_overlay_start_1:
0x0: {  	(tag) =	ssettag $0x1  }
0x1: {  	s6 =	rddreg [dreg:$0x0]  }
0x2: {  	s1 =	rddreg [dreg:$0x1]  }
0x3: {  	s2 =	rddreg [dreg:$0x2]  }
0x4: {  	s3 =	srdreg.scid;
	s0 =	rddreg [dreg:$0x3]  }
0x5: {  	s4 =	simm.s32 $0x0;
	s12 =	simm.s32 $0x30E;
	s7 =	sand.u32 $0x1, s3  }
0x6: {  	s23 =	simm.s32 $0x100;
	s3 =	stileid.u32;
	s24 =	smul.u32 $0x3100, s7  }
0x7: {  	s26 =	simm.s32 $0x0;
	[smem:$0x7FF] =	sst s4;
	s8 =	smul.u32 $0x310, s3  }
0x8: {  	_ =	strace $0x80000047;
	s5 =	sshll.u32 s3, $0x4;
	s9 =	smul.u32 $0x62000, s3  }
0x9: {  	s7 =	ssub.s32 $0x2, s7;
	p0 =	slt.u32 s3, $0x4;
	s22 =	sadd.s32 s5, s6  }
0xa: {  	s5 =	sadd.s32 $0x33200, s6;
	s31 =	sshrl.u32 s7, $0x1;
	s12 =	simm.s32 @!p0 $0x30D  }
0xb: {  	s8 =	sadd.s32 s8, s24;
	s9 =	sshrl.u32 s9, $0x2;
	s21 =	ssub.s32 s7, s31  }
0xc: {  	s25 =	sadd.s32 $0x3100, s24;
	s22 =	sadd.s32 $0x2400, s22;
	s8 =	sshll.u32 s8, $0x4  }
0xd: {  	v0 =	vmov s24;
	s24 =	simm.s32 $0x1;
	s20 =	sadd.s32 s8, s6;
	s6 =	sadd.s32 s9, s2  }
0xe: {  	s21 =	smax.u32 s21, $0x1;
	v1 =	vmov s25;
	s25 =	simm.s32 $0x80;
	s7 =	sadd.s32 $0x3800, s6  }
0xf: {  	s8 =	sadd.s32 $0x7000, s6;
	s9 =	sadd.s32 $0xA800, s6;
	s10 =	sadd.s32 $0xE000, s6  }
0x10: {  	s11 =	sadd.s32 $0x11800, s6;
	s13 =	sadd.s32 $0x15000, s6;
	s14 =	sadd.s32 $0x33A00, s20  }
0x11: {  	s15 =	sadd.s32 $0x34100, s20;
	s16 =	sadd.s32 $0x34800, s20;
	s17 =	sadd.s32 $0x34F00, s20  }
0x12: {  	s18 =	sadd.s32 $0x35600, s20;
	s19 =	sadd.s32 $0x35D00, s20;
	s20 =	sadd.s32 $0x36400, s20  }
.LBB2_1:
0x13: {  	[tilespmem:s23], [sflag:$0x1] =	stream.linear.gather [hbm4b:s5+s4], $0x3800, $0x38;
	[tilespmem:$0x1C900] =	vst v63  }
0x14: {  	_ =	swait.ge [sflag:s24], $0x3800  }
0x15: {  	[sflag:s24] =	ssyncset.done $0x0  }
0x16: {  	[sflag:s24] =	ssyncadd.s32 $0xFFFFC800  }
0x17: {  	[spmem:s6] =	stream.linear.scatter [tilespmem:s23], [sflag:$0x1], $0x3800, $0x38;
	[tilespmem:$0x1C900] =	vst v63  }
0x18: {  	_ =	swait.ge [sflag:s24], $0x3800  }
0x19: {  	[sflag:s24] =	ssyncset.done $0x0  }
0x1a: {  	[sflag:s24] =	ssyncadd.s32 $0xFFFFC800  }
0x1b: {  	[spmem:s7] =	stream.linear.scatter [tilespmem:s23], [sflag:$0x1], $0x3800, $0x38;
	[tilespmem:$0x1C900] =	vst v63  }
0x1c: {  	_ =	swait.ge [sflag:s24], $0x3800  }
0x1d: {  	[sflag:s24] =	ssyncset.done $0x0  }
0x1e: {  	[sflag:s24] =	ssyncadd.s32 $0xFFFFC800  }
0x1f: {  	[spmem:s8] =	stream.linear.scatter [tilespmem:s23], [sflag:$0x1], $0x3800, $0x38;
	[tilespmem:$0x1C900] =	vst v63  }
0x20: {  	_ =	swait.ge [sflag:s24], $0x3800  }
0x21: {  	[sflag:s24] =	ssyncset.done $0x0  }
0x22: {  	[sflag:s24] =	ssyncadd.s32 $0xFFFFC800  }
0x23: {  	[spmem:s9] =	stream.linear.scatter [tilespmem:s23], [sflag:$0x1], $0x3800, $0x38;
	[tilespmem:$0x1C900] =	vst v63  }
0x24: {  	_ =	swait.ge [sflag:s24], $0x3800  }
0x25: {  	[sflag:s24] =	ssyncset.done $0x0  }
0x26: {  	[sflag:s24] =	ssyncadd.s32 $0xFFFFC800  }
0x27: {  	[spmem:s10] =	stream.linear.scatter [tilespmem:s23], [sflag:$0x1], $0x3800, $0x38;
	[tilespmem:$0x1C900] =	vst v63  }
0x28: {  	_ =	swait.ge [sflag:s24], $0x3800  }
0x29: {  	[sflag:s24] =	ssyncset.done $0x0  }
0x2a: {  	[sflag:s24] =	ssyncadd.s32 $0xFFFFC800  }
0x2b: {  	[spmem:s11] =	stream.linear.scatter [tilespmem:s23], [sflag:$0x1], $0x3800, $0x38;
	[tilespmem:$0x1C900] =	vst v63  }
0x2c: {  	_ =	swait.ge [sflag:s24], $0x3800  }
0x2d: {  	[sflag:s24] =	ssyncset.done $0x0  }
0x2e: {  	[sflag:s24] =	ssyncadd.s32 $0xFFFFC800  }
0x2f: {  	[spmem:s13] =	stream.linear.scatter [tilespmem:s23], [sflag:$0x1], $0x3800, $0x38;
	[tilespmem:$0x1C900] =	vst v63  }
0x30: {  	_ =	swait.ge [sflag:s24], $0x3800  }
0x31: {  	[sflag:s24] =	ssyncset.done $0x0  }
0x32: {  	[sflag:s24] =	ssyncadd.s32 $0xFFFFC800  }
0x33: {  	[tilespmem:s23], [sflag:$0x1] =	stream.linear.gather [hbm4b:s1+s4], $0x4000, $0x38;
	[tilespmem:$0x1C900] =	vst v63  }
0x34: {  	_ =	swait.ge [sflag:s24], $0x4000  }
0x35: {  	[sflag:s24] =	ssyncset.done $0x0  }
0x36: {  	[sflag:s24] =	ssyncadd.s32 $0xFFFFC000  }
0x37: {  	[bflag:$0x0] =	sbarrier.arrive $0xFFFF  }
0x38: {  	[tilespmem:s4], [sflag:$0x1] =	stream.linear.gather [hbm4b:s22+s4], $0x80, $0x38;
	[tilespmem:$0x1C900] =	vst v63  }
0x39: {  	_ =	swait.ge [sflag:s24], $0x80  }
0x3a: {  	[sflag:s24] =	ssyncset.done $0x0  }
0x3b: {  	[sflag:s24] =	ssyncadd.s32 $0xFFFFFF80  }
0x3c: {  	v2 =	vld [tilespmem:$0x70]  }
0x3d: {  	v3 =	vld [tilespmem:$0x60]  }
0x3e: {  	v4 =	vld [tilespmem:$0x10];
	_ =	sdelay $0x1  }
0x3f: {  	v6 =	vld [tilespmem:$0x0]  }
0x40: {  	vm0 =	vge.s32 v2, v0  }
0x41: {  	vm1 =	vlt.s32 v2, v1;
	v9 =	vsub.s32 v2, v0;
	vm2 =	vge.s32 v3, v0  }
0x42: {  	vm3 =	vlt.s32 v3, v1;
	v7 =	vsub.s32 v3, v0;
	v5 =	vsub.s32 v4, v0  }
0x43: {  	v8 =	vld [tilespmem:$0x20];
	vm4 =	vlt.s32 v4, v1;
	vm2 =	vmand vm2, vm3;
	vm0 =	vmand vm0, vm1  }
0x44: {  	v2 =	vld [tilespmem:$0x40];
	vm1 =	vlt.s32 v6, v1;
	v10 =	vnsel vm2, $0xFFFFFFFF, v7;
	vm2 =	vge.s32 v6, v0  }
0x45: {  	p0 =	sne.s32 s12, $0x1;
	v3 =	vld [tilespmem:$0x30];
	vm3 =	vge.s32 v4, v0;
	v4 =	vsub.s32 v6, v0;
	vm1 =	vmand vm2, vm1  }
.Ltmp0:
0x46: {  	v63 =	vnsel vm1, $0xFFFFFFFF, v4;
	v4 =	vld [tilespmem:$0x50];
	(pc) =	sbr.rel @!p0 .LBB2_3-.Ltmp0, $4  }
0x47: {  	_ = 	snop  }
0x48: {  	v9 =	vnsel vm0, $0xFFFFFFFF, v9;
	[tilespmem:$0xE0] =	vst v10  }
0x49: {  	v7 =	vsub.s32 v8, v0;
	[tilespmem:$0xF0] =	vst v9;
	vm2 =	vge.s32 v8, v0;
	vm1 =	vmand vm3, vm4  }
0x4a: {  	s28 =	sadd.s32 $0xFFFFFFFF, s12;
	s29 =	smov.u32 s22;
	vm3 =	vlt.s32 v8, v1;
	v6 =	vsub.s32 v2, v0;
	[tilespmem:$0x80] =	vst v63;
	vm0 =	vge.s32 v3, v0  }
.LBB2_2:
0x4b: {  	p0 =	sne.s32 s28, $0x1;
	s28 =	sadd.s32 $0xFFFFFFFF, s28;
	v5 =	vnsel vm1, $0xFFFFFFFF, v5;
	vm1 =	vlt.s32 v3, v1;
	vm4 =	vlt.s32 v4, v1;
	s29 =	sadd.s32 $0x100, s29  }
0x4c: {  	vm2 =	vmand vm2, vm3;
	v3 =	vsub.s32 v3, v0;
	vm3 =	vlt.s32 v2, v1;
	[tilespmem:$0x90] =	vst v5  }
0x4d: {  	v5 =	vnsel vm2, $0xFFFFFFFF, v7;
	vm0 =	vmand vm0, vm1;
	vm1 =	vge.s32 v2, v0  }
0x4e: {  	v2 =	vnsel vm0, $0xFFFFFFFF, v3;
	vm0 =	vmand vm1, vm3;
	vm1 =	vge.s32 v4, v0;
	[tilespmem:$0xA0] =	vst v5  }
0x4f: {  	v3 =	vsub.s32 v4, v0;
	[tilespmem:$0xB0] =	vst v2;
	v2 =	vnsel vm0, $0xFFFFFFFF, v6;
	vm0 =	vmand vm1, vm4  }
0x50: {  	[tilespmem:$0xC0] =	vst v2;
	v2 =	vnsel vm0, $0xFFFFFFFF, v3  }
0x51: {  	[tilespmem:$0xD0] =	vst v2  }
0x52: {  	(ifvalue) =	ssetifvalue $0xFFFFFFFF  }
0x53: {  	[spmem:s2] =	stream.indirect.scatter.add.f32 [tilespmem:s23], [sflag:$0x1], $0x80, s25, s25, $0x40b8;
	[tilespmem:$0x1C900] =	vst v63  }
0x54: {  	_ =	swait.ge [sflag:s24], $0x4000  }
0x55: {  	[sflag:s24] =	ssyncset.done $0x0  }
0x56: {  	[sflag:s24] =	ssyncadd.s32 $0xFFFFC000  }
0x57: {  	[tilespmem:s4], [sflag:$0x1] =	stream.linear.gather [hbm4b:s29+s4], $0x80, $0x38;
	[tilespmem:$0x1C900] =	vst v63  }
0x58: {  	_ =	swait.ge [sflag:s24], $0x80  }
0x59: {  	[sflag:s24] =	ssyncset.done $0x0  }
0x5a: {  	[sflag:s24] =	ssyncadd.s32 $0xFFFFFF80  }
0x5b: {  	v2 =	vld [tilespmem:$0x70]  }
0x5c: {  	v4 =	vld [tilespmem:$0x60]  }
0x5d: {  	v6 =	vld [tilespmem:$0x10]  }
0x5e: {  	v8 =	vld [tilespmem:$0x0]  }
0x5f: {  	v9 =	vld [tilespmem:$0x20]  }
0x60: {  	v3 =	vld [tilespmem:$0x30];
	vm0 =	vge.s32 v2, v0;
	vm1 =	vlt.s32 v2, v1;
	v10 =	vsub.s32 v2, v0  }
0x61: {  	v2 =	vld [tilespmem:$0x40];
	vm2 =	vge.s32 v4, v0;
	vm3 =	vlt.s32 v4, v1;
	v7 =	vsub.s32 v4, v0  }
0x62: {  	vm0 =	vmand vm0, vm1;
	v5 =	vsub.s32 v6, v0;
	v4 =	vld [tilespmem:$0x50];
	vm2 =	vmand vm2, vm3  }
.Ltmp1:
0x63: {  	vm3 =	vge.s32 v6, v0;
	vm1 =	vlt.s32 v8, v1;
	v11 =	vnsel vm2, $0xFFFFFFFF, v7;
	(pc) =	sbr.rel @p0 .LBB2_2-.Ltmp1, $4  }
0x64: {  	vm4 =	vlt.s32 v6, v1;
	vm2 =	vge.s32 v8, v0;
	v7 =	vsub.s32 v9, v0;
	[tilespmem:$0xE0] =	vst v11  }
0x65: {  	v6 =	vsub.s32 v8, v0;
	v8 =	vnsel vm0, $0xFFFFFFFF, v10;
	vm1 =	vmand vm2, vm1  }
0x66: {  	v10 =	vnsel vm1, $0xFFFFFFFF, v6;
	vm1 =	vmand vm3, vm4;
	v6 =	vsub.s32 v2, v0;
	[tilespmem:$0xF0] =	vst v8  }
0x67: {  	vm2 =	vge.s32 v9, v0;
	vm3 =	vlt.s32 v9, v1;
	vm0 =	vge.s32 v3, v0;
	[tilespmem:$0x80] =	vst v10  }
.LBB2_3:
0x68: {  	v5 =	vnsel vm1, $0xFFFFFFFF, v5;
	vm10 =	vlt.s32 v3, v1;
	vm4 =	vlt.s32 v4, v1  }
0x69: {  	vm2 =	vmand vm2, vm3;
	v3 =	vsub.s32 v3, v0;
	vm11 =	vlt.s32 v2, v1  }
0x6a: {  	vm12 =	vge.s32 v2, v0;
	[tilespmem:$0x90] =	vst v5;
	v63 =	vnsel vm2, $0xFFFFFFFF, v7;
	vm0 =	vmand vm0, vm10  }
0x6b: {  	vm14 =	vge.s32 v4, v0;
	vm13 =	vmand vm12, vm11;
	[tilespmem:$0xA0] =	vst v63;
	v2 =	vnsel vm0, $0xFFFFFFFF, v3  }
0x6c: {  	vm15 =	vmand vm14, vm4;
	v3 =	vsub.s32 v4, v0;
	[tilespmem:$0xB0] =	vst v2;
	v2 =	vnsel vm13, $0xFFFFFFFF, v6  }
0x6d: {  	[tilespmem:$0xC0] =	vst v2;
	v2 =	vnsel vm15, $0xFFFFFFFF, v3  }
0x6e: {  	[tilespmem:$0xD0] =	vst v2;
	(ifvalue) =	ssetifvalue $0xFFFFFFFF  }
0x6f: {  	[spmem:s2] =	stream.indirect.scatter.add.f32 [tilespmem:s23], [sflag:$0x1], $0x80, s25, s25, $0x40b8;
	[tilespmem:$0x1C900] =	vst v63  }
0x70: {  	_ =	swait.ge [sflag:s24], $0x4000  }
0x71: {  	[sflag:s24] =	ssyncset.done $0x0  }
0x72: {  	[sflag:s24] =	ssyncadd.s32 $0xFFFFC000  }
0x73: {  	[bflag:$0x0] =	sbarrier.arrive $0xFFFF  }
0x74: {  	[tilespmem:s23], [sflag:$0x1] =	stream.linear.gather [spmem:s6], $0x3800, $0x38;
	[tilespmem:$0x1C900] =	vst v63  }
0x75: {  	_ =	swait.ge [sflag:s24], $0x3800  }
0x76: {  	[sflag:s24] =	ssyncset.done $0x0  }
0x77: {  	[sflag:s24] =	ssyncadd.s32 $0xFFFFC800  }
0x78: {  	[hbm4b:s14+s4] =	stream.linear.scatter [tilespmem:s23], [sflag:$0x1], $0x3800, $0x38;
	[tilespmem:$0x1C900] =	vst v63  }
0x79: {  	_ =	swait.ge [sflag:s24], $0x3800  }
0x7a: {  	[sflag:s24] =	ssyncset.done $0x0  }
0x7b: {  	[sflag:s24] =	ssyncadd.s32 $0xFFFFC800  }
0x7c: {  	[tilespmem:s23], [sflag:$0x1] =	stream.linear.gather [spmem:s7], $0x3800, $0x38;
	[tilespmem:$0x1C900] =	vst v63  }
0x7d: {  	_ =	swait.ge [sflag:s24], $0x3800  }
0x7e: {  	[sflag:s24] =	ssyncset.done $0x0  }
0x7f: {  	[sflag:s24] =	ssyncadd.s32 $0xFFFFC800  }
0x80: {  	[hbm4b:s15+s4] =	stream.linear.scatter [tilespmem:s23], [sflag:$0x1], $0x3800, $0x38;
	[tilespmem:$0x1C900] =	vst v63  }
0x81: {  	_ =	swait.ge [sflag:s24], $0x3800  }
0x82: {  	[sflag:s24] =	ssyncset.done $0x0  }
0x83: {  	[sflag:s24] =	ssyncadd.s32 $0xFFFFC800  }
0x84: {  	[tilespmem:s23], [sflag:$0x1] =	stream.linear.gather [spmem:s8], $0x3800, $0x38;
	[tilespmem:$0x1C900] =	vst v63  }
0x85: {  	_ =	swait.ge [sflag:s24], $0x3800  }
0x86: {  	[sflag:s24] =	ssyncset.done $0x0  }
0x87: {  	[sflag:s24] =	ssyncadd.s32 $0xFFFFC800  }
0x88: {  	[hbm4b:s16+s4] =	stream.linear.scatter [tilespmem:s23], [sflag:$0x1], $0x3800, $0x38;
	[tilespmem:$0x1C900] =	vst v63  }
0x89: {  	_ =	swait.ge [sflag:s24], $0x3800  }
0x8a: {  	[sflag:s24] =	ssyncset.done $0x0  }
0x8b: {  	[sflag:s24] =	ssyncadd.s32 $0xFFFFC800  }
0x8c: {  	[tilespmem:s23], [sflag:$0x1] =	stream.linear.gather [spmem:s9], $0x3800, $0x38;
	[tilespmem:$0x1C900] =	vst v63  }
0x8d: {  	_ =	swait.ge [sflag:s24], $0x3800  }
0x8e: {  	[sflag:s24] =	ssyncset.done $0x0  }
0x8f: {  	[sflag:s24] =	ssyncadd.s32 $0xFFFFC800  }
0x90: {  	[hbm4b:s17+s4] =	stream.linear.scatter [tilespmem:s23], [sflag:$0x1], $0x3800, $0x38;
	[tilespmem:$0x1C900] =	vst v63  }
0x91: {  	_ =	swait.ge [sflag:s24], $0x3800  }
0x92: {  	[sflag:s24] =	ssyncset.done $0x0  }
0x93: {  	[sflag:s24] =	ssyncadd.s32 $0xFFFFC800  }
0x94: {  	[tilespmem:s23], [sflag:$0x1] =	stream.linear.gather [spmem:s10], $0x3800, $0x38;
	[tilespmem:$0x1C900] =	vst v63  }
0x95: {  	_ =	swait.ge [sflag:s24], $0x3800  }
0x96: {  	[sflag:s24] =	ssyncset.done $0x0  }
0x97: {  	[sflag:s24] =	ssyncadd.s32 $0xFFFFC800  }
0x98: {  	[hbm4b:s18+s4] =	stream.linear.scatter [tilespmem:s23], [sflag:$0x1], $0x3800, $0x38;
	[tilespmem:$0x1C900] =	vst v63  }
0x99: {  	_ =	swait.ge [sflag:s24], $0x3800  }
0x9a: {  	[sflag:s24] =	ssyncset.done $0x0  }
0x9b: {  	[sflag:s24] =	ssyncadd.s32 $0xFFFFC800  }
0x9c: {  	[tilespmem:s23], [sflag:$0x1] =	stream.linear.gather [spmem:s11], $0x3800, $0x38;
	[tilespmem:$0x1C900] =	vst v63  }
0x9d: {  	_ =	swait.ge [sflag:s24], $0x3800  }
0x9e: {  	[sflag:s24] =	ssyncset.done $0x0  }
0x9f: {  	[sflag:s24] =	ssyncadd.s32 $0xFFFFC800  }
0xa0: {  	[hbm4b:s19+s4] =	stream.linear.scatter [tilespmem:s23], [sflag:$0x1], $0x3800, $0x38;
	[tilespmem:$0x1C900] =	vst v63  }
0xa1: {  	_ =	swait.ge [sflag:s24], $0x3800  }
0xa2: {  	[sflag:s24] =	ssyncset.done $0x0  }
0xa3: {  	[sflag:s24] =	ssyncadd.s32 $0xFFFFC800  }
0xa4: {  	[tilespmem:s23], [sflag:$0x1] =	stream.linear.gather [spmem:s13], $0x3800, $0x38;
	[tilespmem:$0x1C900] =	vst v63  }
0xa5: {  	s26 =	sadd.s32 $0x1, s26;
	_ =	swait.ge [sflag:s24], $0x3800  }
0xa6: {  	p0 =	sne.s32 s26, s21;
	[sflag:s24] =	ssyncset.done $0x0  }
.Ltmp2:
0xa7: {  	[sflag:s24] =	ssyncadd.s32 $0xFFFFC800;
	(pc) =	sbr.rel @p0 .LBB2_1-.Ltmp2, $4  }
0xa8: {  	[hbm4b:s20+s4] =	stream.linear.scatter [tilespmem:s23], [sflag:$0x1], $0x3800, $0x38;
	[tilespmem:$0x1C900] =	vst v63  }
0xa9: {  	_ =	swait.ge [sflag:s24], $0x3800  }
0xaa: {  	[sflag:s24] =	ssyncset.done $0x0  }
0xab: {  	[sflag:s24] =	ssyncadd.s32 $0xFFFFC800  }
0xac: {  	_ =	sfence.sel $0x180000  }
0xad: {  	[bflag:$0x0] =	sbarrier.arrive $0xFFFF  }
0xae: {  	p0 =	sne.s32 s3, $0x0;
	_ =	strace $0x90000047  }
0xaf: {  	s0 =	sadd.s32 @!p0 $0x100000, s0;
	[bflag:$0x2] =	sbarrier.arrive $0xFFFF  }
0xb0: {  	[sflag:s0] =	ssyncadd.tile.s32 @!p0 $0x1;
	_ =	shalt  }
.Lfunc_end2:
_tile_overlayer_lowered:
.L_overlay_start_2:
0xb1: {  	(tag) =	ssettag $0x2  }
0xb2: {  	s0 =	rddreg [dreg:$0x0];
	s2 =	stileid.u32  }
0xb3: {  	s1 =	rddreg [dreg:$0x1];
	p0 =	sne.s32 s2, $0x0  }
0xb4: {  	s3 =	rddreg [dreg:$0x2];
	[bflag:$0x3] =	sbarrier.arrive $0xFFFF;
	s2 =	simm.s32 @!p0 $0x1C01  }
0xb5: {  	[timem:s3], [sflag:s2] =	dma.local @!p0 [hbm:s0], s1  }
0xb6: {  	s0 =	simm.s32 @!p0 $0x1  }
0xb7: {  	_ =	swait.ge @!p0 [sflag:s0], s1  }
0xb8: {  	s1 =	ssub.s32 @!p0 $0x0, s1;
	[sflag:s0] =	ssyncset.done @!p0 $0x0  }
0xb9: {  	[sflag:s0] =	ssyncadd.s32 @!p0 s1  }
0xba: {  	[bflag:$0x3] =	sbarrier.arrive $0xFFFF  }
0xbb: {  	_ =	shalt  }

// kernel: kernel.13.cloned.1.call-start
scs
__scs_entry_jumppad:
0x0: {  	(pc) =	sbr.rel $0x88, $3  }
0x1: {  	(tag) =	ssettag $0x0;
	lr =	simm.s32 $0x1  }
0x2: {  	[smem:$0x3F92] =	sst lr;
	_ =	strace $0xD0000000  }
0x3: {  	_ = 	snop  }
0x4: {  	_ = 	snop  }
0x5: {  	_ = 	snop  }
0x6: {  	_ = 	snop  }
0x7: {  	_ = 	snop  }
__scs_overlays_trampoline_lowered:
0x8: {  	[smem:$0x3FA1] =	sst s0  }
0x9: {  	[smem:$0x3FA2] =	sst s1  }
0xa: {  	[smem:$0x3FA3] =	sst s2  }
0xb: {  	[smem:$0x3FA4] =	sst s3  }
0xc: {  	[smem:$0x3FA5] =	sst s4  }
0xd: {  	[smem:$0x3FA6] =	sst s5  }
0xe: {  	[smem:$0x3FA7] =	sst s6  }
0xf: {  	[smem:$0x3FA8] =	sst s7  }
0x10: {  	[smem:$0x3FA9] =	sst s8  }
0x11: {  	[smem:$0x3FAA] =	sst s9;
	s0 =	simm.s32 @!p0 $0x0  }
0x12: {  	s1 =	sld [smem:$0x3F90];
	s0 =	simm.s32 @p0 $0x1  }
0x13: {  	[smem:$0x3FAB] =	sst s0;
	s0 =	simm.s32 @!p1 $0x0  }
0x14: {  	s2 =	sld [smem:$0x3F8F];
	s0 =	simm.s32 @p1 $0x1  }
0x15: {  	[smem:$0x3FAC] =	sst s0;
	s0 =	simm.s32 @!p2 $0x0  }
0x16: {  	s3 =	sld [smem:$0x3FDB];
	s0 =	simm.s32 @p2 $0x1  }
0x17: {  	s4 =	simm.s32 $0x1BF5;
	[smem:$0x3FAE] =	sst s0  }
0x18: {  	s0 =	sld [smem:$0x3F91];
	_ =	swait.ge [sflag:s4], $0x0  }
0x19: {  	s7 =	sld [smem:$0x3F92]  }
0x1a: {  	s8 =	sadd.s32 $0xFFFFE003, lr  }
0x1b: {  	s9 =	sadd.s32 $0xFFFFFEF7, lr;
	s5 =	simm.s32 $0xFFFFFFFF;
	p2 =	slt.u32 s8, $0xFFFFF086  }
0x1c: {  	p1 =	slt.u32 s9, $0xF7A;
	s5 =	simm.s32 @!p2 $0x0  }
0x1d: {  	s5 =	simm.s32 @p1 $0x1;
	p0 =	seq.s32 s7, s2  }
0x1e: {  	s7 =	smul.u32 @!p0 $0xF7A, s2;
	p2 =	seq.s32 @!p0 s5, $0x0  }
0x1f: {  	s9 =	smul.u32 $0xF7A, s1;
	s8 =	simm.s32 @!p0 $0x1BF5;
	p2 =	por !p2, p0  }
0x20: {  	[sflag:s8] =	ssyncset.s32 @!p0 $0xFFFFF086;
	s6 =	sadd.s32 @!p0 s3, s7;
	s7 =	simm.s32 @!p0 $0x108  }
0x21: {  	s3 =	sadd.s32 s3, s9;
	s6 =	sadd.s32 @!p0 $0x88, s6;
	s7 =	simm.s32 @p2 $0x1082  }
0x22: {  	[simem:s7], [sflag:s8] =	dma.local @!p0 [hbm:s6], $0xF7A  }
0x23: {  	s9 =	sor.u32 $0xD0000000, s2;
	s6 =	simm.s32 $0x108;
	_ =	swait.ge @!p0 [sflag:s8], $0x0  }
0x24: {  	s3 =	sadd.s32 $0x88, s3;
	s6 =	simm.s32 @!p1 $0x1082;
	[sflag:s4] =	ssyncset.s32 $0xFFFFF086  }
0x25: {  	[simem:s6], [sflag:s4] =	dma.local [hbm:s3], $0xF7A  }
0x26: {  	[smem:$0x3F92] =	sst s1;
	(tag) =	ssettag s2;
	_ =	strace s9  }
0x27: {  	s1 =	sld [smem:$0x3FA2]  }
0x28: {  	s2 =	sld [smem:$0x3FA3]  }
0x29: {  	s4 =	sld [smem:$0x3FA5]  }
0x2a: {  	p0 =	seq.s32 s5, $0x0;
	s5 =	sld [smem:$0x3FA6]  }
0x2b: {  	s6 =	sld [smem:$0x3FA7]  }
0x2c: {  	s7 =	sld [smem:$0x3FA8]  }
0x2d: {  	s3 =	simm.s32 $0x108;
	s8 =	sld [smem:$0x3FA9]  }
0x2e: {  	s3 =	simm.s32 @!p0 $0x1082;
	s9 =	sld [smem:$0x3FAA]  }
0x2f: {  	lr =	sadd.s32 s0, s3;
	s0 =	sld [smem:$0x3FA1]  }
0x30: {  	s3 =	sld [smem:$0x3FA4]  }
0x31: {  	[smem:$0x3FAD] =	sst s10  }
0x32: {  	s10 =	sld [smem:$0x3FAB];
	_ =	sdelay $0x3  }
0x33: {  	p0 =	seq.s32 s10, $0x1;
	s10 =	sld [smem:$0x3FAD];
	_ =	sdelay $0x3  }
0x34: {  	[smem:$0x3FAD] =	sst s10  }
0x35: {  	s10 =	sld [smem:$0x3FAC];
	_ =	sdelay $0x3  }
0x36: {  	p1 =	seq.s32 s10, $0x1;
	s10 =	sld [smem:$0x3FAD];
	_ =	sdelay $0x3  }
0x37: {  	[smem:$0x3FAD] =	sst s10  }
0x38: {  	s10 =	sld [smem:$0x3FAE]  }
0x39: {  	_ = 	snop;
	(pc) =	sbr.ind lr, $3  }
0x3a: {  	_ = 	snop  }
0x3b: {  	_ = 	snop  }
0x3c: {  	p2 =	seq.s32 s10, $0x1;
	s10 =	sld [smem:$0x3FAD]  }
0x3d: {  	_ =	shalt  }
0x3e: {  	_ =	shalt  }
0x3f: {  	_ =	shalt  }
0x40: {  	_ =	shalt  }
0x41: {  	_ =	shalt  }
0x42: {  	_ =	shalt  }
0x43: {  	_ =	shalt  }
0x44: {  	_ =	shalt  }
0x45: {  	_ =	shalt  }
0x46: {  	_ =	shalt  }
0x47: {  	_ =	shalt  }
0x48: {  	_ =	shalt  }
0x49: {  	_ =	shalt  }
0x4a: {  	_ =	shalt  }
0x4b: {  	_ =	shalt  }
0x4c: {  	_ =	shalt  }
0x4d: {  	_ =	shalt  }
0x4e: {  	_ =	shalt  }
0x4f: {  	_ =	shalt  }
0x50: {  	_ =	shalt  }
0x51: {  	_ =	shalt  }
0x52: {  	_ =	shalt  }
0x53: {  	_ =	shalt  }
0x54: {  	_ =	shalt  }
0x55: {  	_ =	shalt  }
0x56: {  	_ =	shalt  }
0x57: {  	_ =	shalt  }
0x58: {  	_ =	shalt  }
0x59: {  	_ =	shalt  }
0x5a: {  	_ =	shalt  }
0x5b: {  	_ =	shalt  }
0x5c: {  	_ =	shalt  }
0x5d: {  	_ =	shalt  }
0x5e: {  	_ =	shalt  }
0x5f: {  	_ =	shalt  }
0x60: {  	_ =	shalt  }
0x61: {  	_ =	shalt  }
0x62: {  	_ =	shalt  }
0x63: {  	_ =	shalt  }
0x64: {  	_ =	shalt  }
0x65: {  	_ =	shalt  }
0x66: {  	_ =	shalt  }
0x67: {  	_ =	shalt  }
0x68: {  	_ =	shalt  }
0x69: {  	_ =	shalt  }
0x6a: {  	_ =	shalt  }
0x6b: {  	_ =	shalt  }
0x6c: {  	_ =	shalt  }
0x6d: {  	_ =	shalt  }
0x6e: {  	_ =	shalt  }
0x6f: {  	_ =	shalt  }
0x70: {  	_ =	shalt  }
0x71: {  	_ =	shalt  }
0x72: {  	_ =	shalt  }
0x73: {  	_ =	shalt  }
0x74: {  	_ =	shalt  }
0x75: {  	_ =	shalt  }
0x76: {  	_ =	shalt  }
0x77: {  	_ =	shalt  }
0x78: {  	_ =	shalt  }
0x79: {  	_ =	shalt  }
0x7a: {  	_ =	shalt  }
0x7b: {  	_ =	shalt  }
0x7c: {  	_ =	shalt  }
0x7d: {  	_ =	shalt  }
0x7e: {  	_ =	shalt  }
0x7f: {  	_ =	shalt  }
0x80: {  	_ =	shalt  }
0x81: {  	_ =	shalt  }
0x82: {  	_ =	shalt  }
0x83: {  	_ =	shalt  }
0x84: {  	_ =	shalt  }
0x85: {  	_ =	shalt  }
0x86: {  	_ =	shalt  }
0x87: {  	_ =	shalt  }
.Lfunc_end0:
.L_simem_size_0:
called_computation.1_lowered:
.L_overlay_start_0:
0x88: {  	s2 =	sld [smem:$0x3FD9]  }
0x89: {  	s3 =	sld [smem:$0x3FFE];
	_ =	sdelay $0x1  }
0x8a: {  	s1 =	srdreg.scid  }
0x8b: {  	s0 =	sand.u32 $0x1, s1  }
0x8c: {  	s16 =	sshll.u32 s0, $0xA;
	s2 =	sadd.s32 s3, s2  }
0x8d: {  	s2 =	sadd.s32 s2, s16  }
0x8e: {  	[smem:$0x3FB9] =	sst s2  }
0x8f: {  	_ = 	snop  }
0x90: {  	(tm) =	ssettm $0x1  }
0x91: {  	s17 =	sld [smem:$0x3FFB];
	_ =	sdelay $0x3  }
0x92: {  	_ =	strace s17  }
0x93: {  	s2 =	sld [smem:$0x3FFC];
	_ =	sdelay $0x3  }
0x94: {  	_ =	strace s2  }
0x95: {  	s2 =	sld [smem:$0x3FFD];
	_ =	sdelay $0x3  }
0x96: {  	_ =	strace s2  }
0x97: {  	_ =	strace $0x8FFFFFFF  }
0x98: {  	s18 =	sld [smem:$0x3FDB];
	_ =	sdelay $0x1  }
0x99: {  	s19 =	simm.s32 $_scs_section_size  }
0x9a: {  	s4 =	simm.s32 $_size__tile_overlayer_lowered;
	s5 =	simm.s32 $_tile_overlayer_lowered  }
0x9b: {  	s22 =	simm.s32 $0x1BFF;
	s21 =	sshll.u32 s5, $0x1;
	s2 =	sadd.s32 s19, s18  }
0x9c: {  	s6 =	simm.s32 $0x0;
	s20 =	sshll.u32 s4, $0x1;
	s4 =	sadd.s32 s21, s2  }
0x9d: {  	[timem:s6], [sflag:s22] =	dma.local [hbm:s4], s20  }
0x9e: {  	_ =	swait.ge [sflag:s22], s20  }
0x9f: {  	s3 =	ssub.s32 $0x0, s20;
	[sflag:s22] =	ssyncset.done $0x0  }
0xa0: {  	[sflag:s22] =	ssyncadd.s32 s3;
	_ =	sdelay $0x1  }
0xa1: {  	s23 =	simm.s32 $0x1B8B  }
0xa2: {  	_ =	swait.ge [sflag:s23], $0x1  }
0xa3: {  	[sflag:s23] =	ssyncset.done $0x0  }
0xa4: {  	s25 =	simm.s32 $0x1B8E;
	s24 =	sld [smem:$0x3FFE];
	[sflag:s23] =	ssyncadd.s32 $0xFFFFFFFF  }
0xa5: {  	s26 =	simm.s32 $execute0_lowered;
	[smem:$0x3FD2] =	sst s25  }
0xa6: {  	s4 =	sshll.u32 s26, $0x1;
	_ =	strace $0x80000049;
	[dreg:$0x1] =	wrdreg $0xFFFFFFFF  }
0xa7: {  	s28 =	simm.s32 $_size_execute0_lowered;
	s2 =	sadd.s32 s2, s4;
	[dreg:$0x0] =	wrdreg $0x0  }
0xa8: {  	s4 =	sshll.u32 s28, $0x1;
	[dreg:$0x2] =	wrdreg s2  }
0xa9: {  	[dreg:$0x3] =	wrdreg s4  }
0xaa: {  	[dreg:$0x4] =	wrdreg $0xC0  }
0xab: {  	_ =	task [dreg:s6], $0x5FFFF  }
0xac: {  	[dreg:$0x1] =	wrdreg $0xFFFFFFFF  }
0xad: {  	[dreg:$0x0] =	wrdreg $0x60  }
0xae: {  	[dreg:$0x2] =	wrdreg s24  }
0xaf: {  	[dreg:$0x3] =	wrdreg $0x43000  }
0xb0: {  	[dreg:$0x4] =	wrdreg $0x9  }
0xb1: {  	_ =	task.clear_ibuf [dreg:s6], $0x5FFFF;
	_ =	strace $0x90000049  }
0xb2: {  	s29 =	simm.s32 $0x9;
	_ =	strace $0x8000004B  }
0xb3: {  	_ =	swait.ge [sflag:s29], $0x1  }
0xb4: {  	[sflag:s29] =	ssyncadd.s32 $0xFFFFFFFF  }
0xb5: {  	_ =	strace $0x9000004B  }
0xb6: {  	_ =	sfence  }
0xb7: {  	s30 =	sld [smem:$0x0];
	_ =	sdelay $0x2  }
0xb8: {  	s31 =	sshll.u32 s1, $0xD;
	s1 =	sshrl.u32 s1, $0x2  }
0xb9: {  	s3 =	sand.u32 $0x4000, s31;
	s1 =	sadd.s32 s1, s30  }
0xba: {  	s0 =	sor.u32 s3, s0;
	s1 =	sshll.u32 s1, $0x11  }
0xbb: {  	s0 =	sor.u32 s1, s0  }
0xbc: {  	s0 =	sadd.s32 $0x8F2B, s0  }
0xbd: {  	[sflag:s0] =	ssyncadd.remote.s32 $0x1  }
0xbe: {  	_ =	sfence.sel $0xFFFF  }
0xbf: {  	[dreg:$0x0] =	wrdreg $0xFFFFFFFF;
	(pc) =	sbr.abs _section_cstart, $3  }
0xc0: {  	[dreg:$0x1] =	wrdreg $0xFFFFFFFF  }
0xc1: {  	_ =	task.clear_ibuf [dreg:s6], $0x2FFFF;
	_ =	strace $0x9FFFFFFF  }
0xc2: {  	(tm) =	ssettm $0x7FFFFFFF  }
0xc3: {  	_ =	shalt  }
tec
execute0_lowered:
.L_overlay_start_1:
0x0: {  	(tag) =	ssettag $0x1  }
0x1: {  	s0 =	rddreg [dreg:$0x0]  }
0x2: {  	s1 =	rddreg [dreg:$0x1]  }
0x3: {  	s2 =	srdreg.scid;
	s3 =	simm.s32 $0x0;
	s13 =	stileid.u32  }
0x4: {  	s28 =	simm.s32 $0x1;
	s29 =	simm.s32 $0x180;
	s31 =	simm.s32 $0x280  }
0x5: {  	s2 =	sand.u32 $0x1, s2;
	[smem:$0x7FF] =	sst s3;
	s5 =	smul.u32 $0x310, s13  }
0x6: {  	s6 =	sshll.u32 s13, $0x4;
	s7 =	smul.u32 $0x62000, s13;
	s4 =	sadd.s32 $0xF7600, s0  }
0x7: {  	s23 =	sadd.s32 $0x33200, s0;
	p0 =	slt.u32 s13, $0xA;
	s15 =	smul.u32 $0x3100, s2  }
0x8: {  	_ =	strace $0x8000004A;
	s22 =	sadd.s32 s6, s0;
	[dreg:$0x3] =	wrdreg s23  }
0x9: {  	s2 =	ssub.s32 $0x2, s2;
	s23 =	simm.s32 $0x300;
	s24 =	sshrl.u32 s7, $0x2  }
0xa: {  	s25 =	sshrl.u32 s2, $0x1;
	s5 =	sadd.s32 s5, s15;
	s6 =	sadd.s32 s24, s1  }
0xb: {  	s30 =	sadd.s32 $0x3100, s15;
	s2 =	ssub.s32 s2, s25;
	s5 =	sshll.u32 s5, $0x4  }
0xc: {  	s7 =	sadd.s32 $0x3800, s6;
	s8 =	sadd.s32 $0x7000, s6;
	s9 =	sadd.s32 $0xA800, s6  }
0xd: {  	s10 =	sadd.s32 $0xE000, s6;
	s11 =	sadd.s32 $0x11800, s6;
	s12 =	sadd.s32 $0x15000, s6  }
0xe: {  	s21 =	smax.u32 s2, $0x1;
	s2 =	sadd.s32 $0x1AAA0, s22;
	s0 =	sadd.s32 s5, s0  }
0xf: {  	v1 =	vmov s30;
	s30 =	simm.s32 $0x200;
	s5 =	simm.s32 $0x187;
	s26 =	sadd.s32 $0x159200, s0  }
0x10: {  	s24 =	simm.s32 $0x2;
	s14 =	sadd.s32 $0x159900, s0;
	s17 =	sadd.s32 $0x15A700, s0  }
0x11: {  	s16 =	sadd.s32 $0x15A000, s0;
	s5 =	simm.s32 @!p0 $0x186;
	s18 =	sadd.s32 $0x15AE00, s0  }
0x12: {  	s25 =	simm.s32 $0x80;
	s19 =	sadd.s32 $0x15B500, s0;
	s20 =	sadd.s32 $0x15BC00, s0  }
0x13: {  	v0 =	vmov s15;
	s0 =	simm.s32 $0x0;
	[dreg:$0x4] =	wrdreg s26;
	s26 =	simm.s32 $0x100  }
.LBB2_1:
0x14: {  	s13 =	rddreg [dreg:$0x3]  }
0x15: {  	[tilespmem:s23], [sflag:$0x2] =	stream.linear.gather [hbm4b:s13+s3], $0x3800, $0x38;
	[tilespmem:$0x1CB00] =	vst v63  }
0x16: {  	_ =	swait.ge [sflag:s24], $0x3800  }
0x17: {  	[sflag:s24] =	ssyncset.done $0x0  }
0x18: {  	[sflag:s24] =	ssyncadd.s32 $0xFFFFC800  }
0x19: {  	[spmem:s6] =	stream.linear.scatter [tilespmem:s23], [sflag:$0x2], $0x3800, $0x38;
	[tilespmem:$0x1CB00] =	vst v63  }
0x1a: {  	_ =	swait.ge [sflag:s24], $0x3800  }
0x1b: {  	[sflag:s24] =	ssyncset.done $0x0  }
0x1c: {  	[sflag:s24] =	ssyncadd.s32 $0xFFFFC800  }
0x1d: {  	[spmem:s7] =	stream.linear.scatter [tilespmem:s23], [sflag:$0x2], $0x3800, $0x38;
	[tilespmem:$0x1CB00] =	vst v63  }
0x1e: {  	_ =	swait.ge [sflag:s24], $0x3800  }
0x1f: {  	[sflag:s24] =	ssyncset.done $0x0  }
0x20: {  	[sflag:s24] =	ssyncadd.s32 $0xFFFFC800  }
0x21: {  	[spmem:s8] =	stream.linear.scatter [tilespmem:s23], [sflag:$0x2], $0x3800, $0x38;
	[tilespmem:$0x1CB00] =	vst v63  }
0x22: {  	_ =	swait.ge [sflag:s24], $0x3800  }
0x23: {  	[sflag:s24] =	ssyncset.done $0x0  }
0x24: {  	[sflag:s24] =	ssyncadd.s32 $0xFFFFC800  }
0x25: {  	[spmem:s9] =	stream.linear.scatter [tilespmem:s23], [sflag:$0x2], $0x3800, $0x38;
	[tilespmem:$0x1CB00] =	vst v63  }
0x26: {  	_ =	swait.ge [sflag:s24], $0x3800  }
0x27: {  	[sflag:s24] =	ssyncset.done $0x0  }
0x28: {  	[sflag:s24] =	ssyncadd.s32 $0xFFFFC800  }
0x29: {  	[spmem:s10] =	stream.linear.scatter [tilespmem:s23], [sflag:$0x2], $0x3800, $0x38;
	[tilespmem:$0x1CB00] =	vst v63  }
0x2a: {  	_ =	swait.ge [sflag:s24], $0x3800  }
0x2b: {  	[sflag:s24] =	ssyncset.done $0x0  }
0x2c: {  	[sflag:s24] =	ssyncadd.s32 $0xFFFFC800  }
0x2d: {  	[spmem:s11] =	stream.linear.scatter [tilespmem:s23], [sflag:$0x2], $0x3800, $0x38;
	[tilespmem:$0x1CB00] =	vst v63  }
0x2e: {  	_ =	swait.ge [sflag:s24], $0x3800  }
0x2f: {  	[sflag:s24] =	ssyncset.done $0x0  }
0x30: {  	[sflag:s24] =	ssyncadd.s32 $0xFFFFC800  }
0x31: {  	[spmem:s12] =	stream.linear.scatter [tilespmem:s23], [sflag:$0x2], $0x3800, $0x38;
	[tilespmem:$0x1CB00] =	vst v63  }
0x32: {  	_ =	swait.ge [sflag:s24], $0x3800  }
0x33: {  	[sflag:s24] =	ssyncset.done $0x0  }
0x34: {  	[sflag:s24] =	ssyncadd.s32 $0xFFFFC800  }
0x35: {  	s22 =	smov.u32 s2;
	s15 =	smov.u32 s5;
	[bflag:$0x0] =	sbarrier.arrive $0xFFFF  }
.LBB2_2:
0x36: {  	s13 =	sadd.s32 $0xFFFE7960, s22  }
0x37: {  	[tilespmem:s3], [sflag:$0x2] =	stream.linear.gather [hbm4b:s13+s3], $0x80, $0x38;
	[tilespmem:$0x1CB00] =	vst v63  }
0x38: {  	_ =	swait.ge [sflag:s24], $0x80  }
0x39: {  	[sflag:s24] =	ssyncset.done $0x0  }
0x3a: {  	[sflag:s24] =	ssyncadd.s32 $0xFFFFFF80  }
0x3b: {  	[tilespmem:s25], [sflag:$0x2] =	stream.linear.gather [hbm4b:s22+s3], $0x80, $0x38;
	[tilespmem:$0x1CB00] =	vst v63  }
0x3c: {  	_ =	swait.ge [sflag:s24], $0x80  }
0x3d: {  	[sflag:s24] =	ssyncset.done $0x0  }
0x3e: {  	[sflag:s24] =	ssyncadd.s32 $0xFFFFFF80  }
0x3f: {  	v2 =	vld [tilespmem:$0x80]  }
0x40: {  	v3 =	vld [tilespmem:$0x0];
	_ =	sdelay $0x1  }
0x41: {  	v4 =	vld [tilespmem:$0x90];
	_ =	sdelay $0x1  }
0x42: {  	v5 =	vld [tilespmem:$0x10];
	vm0 =	vge.s32 v2, v0;
	vm1 =	vlt.s32 v2, v1  }
0x43: {  	vm11 =	vge.s32 v3, v0;
	vm0 =	vmand vm0, vm1  }
0x44: {  	vm2 =	vlt.s32 v3, v1;
	v7 =	vsub.s32 v2, v0;
	v6 =	vnsel vm0, $0xFFFFFFFF, v3  }
0x45: {  	v51 =	vld [tilespmem:$0xA0];
	vm12 =	vge.s32 v4, v0;
	vm1 =	vmand vm11, vm2;
	v50 =	vnsel vm0, $0xFFFFFFFF, v7;
	[tilespmem:$0x100] =	vst v6  }
0x46: {  	v52 =	vld [tilespmem:$0x20];
	vm13 =	vlt.s32 v4, v1;
	v2 =	vnsel vm1, $0xFFFFFFFF, v2;
	v3 =	vsub.s32 v3, v0;
	[tilespmem:$0x180] =	vst v50  }
0x47: {  	vm14 =	vge.s32 v5, v0;
	vm0 =	vmand vm12, vm13;
	v3 =	vnsel vm1, $0xFFFFFFFF, v3;
	[tilespmem:$0x200] =	vst v2  }
0x48: {  	v54 =	vld [tilespmem:$0xB0];
	vm15 =	vlt.s32 v5, v1;
	v2 =	vnsel vm0, $0xFFFFFFFF, v5;
	[tilespmem:$0x280] =	vst v3;
	v3 =	vsub.s32 v4, v0  }
0x49: {  	v53 =	vsub.s32 v5, v0;
	vm1 =	vmand vm14, vm15;
	[tilespmem:$0x110] =	vst v2;
	v2 =	vnsel vm0, $0xFFFFFFFF, v3  }
0x4a: {  	v55 =	vld [tilespmem:$0x30];
	vm4 =	vge.s32 v51, v0;
	vm5 =	vlt.s32 v51, v1;
	v3 =	vnsel vm1, $0xFFFFFFFF, v4;
	[tilespmem:$0x190] =	vst v2  }
0x4b: {  	vm6 =	vge.s32 v52, v0;
	vm0 =	vmand vm4, vm5;
	v2 =	vnsel vm1, $0xFFFFFFFF, v53;
	[tilespmem:$0x210] =	vst v3  }
0x4c: {  	v56 =	vld [tilespmem:$0xC0];
	vm7 =	vlt.s32 v52, v1;
	v3 =	vsub.s32 v51, v0;
	[tilespmem:$0x290] =	vst v2;
	v2 =	vnsel vm0, $0xFFFFFFFF, v52  }
0x4d: {  	vm8 =	vge.s32 v54, v0;
	vm1 =	vmand vm6, vm7;
	[tilespmem:$0x120] =	vst v2;
	v2 =	vnsel vm0, $0xFFFFFFFF, v3  }
0x4e: {  	v57 =	vld [tilespmem:$0x40];
	vm9 =	vlt.s32 v54, v1;
	v6 =	vsub.s32 v52, v0;
	v3 =	vnsel vm1, $0xFFFFFFFF, v51;
	[tilespmem:$0x1A0] =	vst v2  }
0x4f: {  	vm10 =	vge.s32 v55, v0;
	vm0 =	vmand vm8, vm9;
	v2 =	vnsel vm1, $0xFFFFFFFF, v6;
	[tilespmem:$0x220] =	vst v3  }
0x50: {  	v58 =	vld [tilespmem:$0xD0];
	vm11 =	vlt.s32 v55, v1;
	v3 =	vsub.s32 v54, v0;
	[tilespmem:$0x2A0] =	vst v2;
	v2 =	vnsel vm0, $0xFFFFFFFF, v55  }
0x51: {  	vm12 =	vge.s32 v56, v0;
	vm1 =	vmand vm10, vm11;
	[tilespmem:$0x130] =	vst v2;
	v2 =	vnsel vm0, $0xFFFFFFFF, v3  }
0x52: {  	v59 =	vld [tilespmem:$0x50];
	vm13 =	vlt.s32 v56, v1;
	v4 =	vsub.s32 v55, v0;
	v3 =	vnsel vm1, $0xFFFFFFFF, v54;
	[tilespmem:$0x1B0] =	vst v2  }
0x53: {  	vm14 =	vge.s32 v57, v0;
	vm0 =	vmand vm12, vm13;
	v2 =	vnsel vm1, $0xFFFFFFFF, v4;
	[tilespmem:$0x230] =	vst v3  }
0x54: {  	v60 =	vld [tilespmem:$0xE0];
	vm15 =	vlt.s32 v57, v1;
	v3 =	vsub.s32 v56, v0;
	[tilespmem:$0x2B0] =	vst v2;
	v2 =	vnsel vm0, $0xFFFFFFFF, v57  }
0x55: {  	vm4 =	vge.s32 v58, v0;
	vm1 =	vmand vm14, vm15;
	[tilespmem:$0x140] =	vst v2;
	v2 =	vnsel vm0, $0xFFFFFFFF, v3  }
0x56: {  	v61 =	vld [tilespmem:$0x60];
	vm5 =	vlt.s32 v58, v1;
	v6 =	vsub.s32 v57, v0;
	v3 =	vnsel vm1, $0xFFFFFFFF, v56;
	[tilespmem:$0x1C0] =	vst v2  }
0x57: {  	vm6 =	vge.s32 v59, v0;
	vm0 =	vmand vm4, vm5;
	v2 =	vnsel vm1, $0xFFFFFFFF, v6;
	[tilespmem:$0x240] =	vst v3  }
0x58: {  	v62 =	vld [tilespmem:$0xF0];
	vm7 =	vlt.s32 v59, v1;
	v3 =	vsub.s32 v58, v0;
	[tilespmem:$0x2C0] =	vst v2;
	v2 =	vnsel vm0, $0xFFFFFFFF, v59  }
0x59: {  	vm8 =	vge.s32 v60, v0;
	vm1 =	vmand vm6, vm7;
	[tilespmem:$0x150] =	vst v2;
	v2 =	vnsel vm0, $0xFFFFFFFF, v3  }
0x5a: {  	v63 =	vld [tilespmem:$0x70];
	vm9 =	vlt.s32 v60, v1;
	v4 =	vsub.s32 v59, v0;
	v3 =	vnsel vm1, $0xFFFFFFFF, v58;
	[tilespmem:$0x1D0] =	vst v2  }
0x5b: {  	vm10 =	vge.s32 v61, v0;
	vm0 =	vmand vm8, vm9;
	v2 =	vnsel vm1, $0xFFFFFFFF, v4;
	[tilespmem:$0x250] =	vst v3  }
0x5c: {  	vm11 =	vlt.s32 v61, v1;
	v3 =	vsub.s32 v60, v0;
	[tilespmem:$0x2D0] =	vst v2;
	v2 =	vnsel vm0, $0xFFFFFFFF, v61  }
0x5d: {  	vm12 =	vge.s32 v62, v0;
	vm1 =	vmand vm10, vm11;
	[tilespmem:$0x160] =	vst v2;
	v2 =	vnsel vm0, $0xFFFFFFFF, v3  }
0x5e: {  	vm13 =	vlt.s32 v62, v1;
	v3 =	vnsel vm1, $0xFFFFFFFF, v60;
	[tilespmem:$0x1E0] =	vst v2;
	v2 =	vsub.s32 v61, v0  }
0x5f: {  	vm14 =	vge.s32 v63, v0;
	vm0 =	vmand vm12, vm13;
	[tilespmem:$0x260] =	vst v3;
	v2 =	vnsel vm1, $0xFFFFFFFF, v2  }
0x60: {  	vm15 =	vlt.s32 v63, v1;
	v3 =	vsub.s32 v62, v0;
	[tilespmem:$0x2E0] =	vst v2;
	v2 =	vnsel vm0, $0xFFFFFFFF, v63  }
0x61: {  	vm1 =	vmand vm14, vm15;
	[tilespmem:$0x170] =	vst v2;
	v2 =	vnsel vm0, $0xFFFFFFFF, v3  }
0x62: {  	v3 =	vsub.s32 v63, v0;
	[tilespmem:$0x1F0] =	vst v2;
	v2 =	vnsel vm1, $0xFFFFFFFF, v62  }
0x63: {  	[tilespmem:$0x270] =	vst v2;
	v2 =	vnsel vm1, $0xFFFFFFFF, v3  }
0x64: {  	[tilespmem:$0x2F0] =	vst v2;
	(ifvalue) =	ssetifvalue $0xFFFFFFFF  }
0x65: {  	(ifvalue) =	ssetifvalue $0xFFFFFFFF  }
0x66: {  	[tilespmem:s23], [sflag:$0x1] =	stream.indirect.gather [hbm4b:s4+s25], $0x80, s26, s25, $0x40b8;
	[tilespmem:$0x1CB00] =	vst v63  }
0x67: {  	_ =	swait.ge [sflag:s28], $0x4000  }
0x68: {  	[sflag:s28] =	ssyncset.done $0x0  }
0x69: {  	[sflag:s28] =	ssyncadd.s32 $0xFFFFC000;
	(ifvalue) =	ssetifvalue $0xFFFFFFFF  }
0x6a: {  	[spmem:s1] =	stream.indirect.scatter.add.f32 [tilespmem:s23], [sflag:$0x2], $0x80, s29, s25, $0x40b8;
	[tilespmem:$0x1CB00] =	vst v63  }
0x6b: {  	_ =	swait.ge [sflag:s24], $0x4000  }
0x6c: {  	[sflag:s24] =	ssyncset.done $0x0  }
0x6d: {  	[sflag:s24] =	ssyncadd.s32 $0xFFFFC000;
	(ifvalue) =	ssetifvalue $0xFFFFFFFF  }
0x6e: {  	(ifvalue) =	ssetifvalue $0xFFFFFFFF  }
0x6f: {  	[tilespmem:s23], [sflag:$0x1] =	stream.indirect.gather [hbm4b:s4+s25], $0x80, s30, s25, $0x40b8;
	[tilespmem:$0x1CB00] =	vst v63  }
0x70: {  	_ =	swait.ge [sflag:s28], $0x4000  }
0x71: {  	p0 =	sne.s32 s15, $0x1;
	[sflag:s28] =	ssyncset.done $0x0  }
.Ltmp0:
0x72: {  	[sflag:s28] =	ssyncadd.s32 $0xFFFFC000;
	(ifvalue) =	ssetifvalue $0xFFFFFFFF;
	(pc) =	sbr.rel @p0 .LBB2_2-.Ltmp0, $4  }
0x73: {  	[spmem:s1] =	stream.indirect.scatter.add.f32 [tilespmem:s23], [sflag:$0x2], $0x80, s31, s25, $0x40b8;
	[tilespmem:$0x1CB00] =	vst v63  }
0x74: {  	_ =	swait.ge [sflag:s24], $0x4000  }
0x75: {  	[sflag:s24] =	ssyncset.done $0x0  }
0x76: {  	s15 =	sadd.s32 $0xFFFFFFFF, s15;
	s22 =	sadd.s32 $0x100, s22;
	[sflag:s24] =	ssyncadd.s32 $0xFFFFC000  }
0x77: {  	[bflag:$0x0] =	sbarrier.arrive $0xFFFF  }
0x78: {  	[tilespmem:s23], [sflag:$0x2] =	stream.linear.gather [spmem:s6], $0x3800, $0x38;
	[tilespmem:$0x1CB00] =	vst v63  }
0x79: {  	_ =	swait.ge [sflag:s24], $0x3800  }
0x7a: {  	[sflag:s24] =	ssyncset.done $0x0  }
0x7b: {  	s13 =	rddreg [dreg:$0x4];
	[sflag:s24] =	ssyncadd.s32 $0xFFFFC800  }
0x7c: {  	[hbm4b:s13+s3] =	stream.linear.scatter [tilespmem:s23], [sflag:$0x2], $0x3800, $0x38;
	[tilespmem:$0x1CB00] =	vst v63  }
0x7d: {  	_ =	swait.ge [sflag:s24], $0x3800  }
0x7e: {  	[sflag:s24] =	ssyncset.done $0x0  }
0x7f: {  	[sflag:s24] =	ssyncadd.s32 $0xFFFFC800  }
0x80: {  	[tilespmem:s23], [sflag:$0x2] =	stream.linear.gather [spmem:s7], $0x3800, $0x38;
	[tilespmem:$0x1CB00] =	vst v63  }
0x81: {  	_ =	swait.ge [sflag:s24], $0x3800  }
0x82: {  	[sflag:s24] =	ssyncset.done $0x0  }
0x83: {  	[sflag:s24] =	ssyncadd.s32 $0xFFFFC800  }
0x84: {  	[hbm4b:s14+s3] =	stream.linear.scatter [tilespmem:s23], [sflag:$0x2], $0x3800, $0x38;
	[tilespmem:$0x1CB00] =	vst v63  }
0x85: {  	_ =	swait.ge [sflag:s24], $0x3800  }
0x86: {  	[sflag:s24] =	ssyncset.done $0x0  }
0x87: {  	[sflag:s24] =	ssyncadd.s32 $0xFFFFC800  }
0x88: {  	[tilespmem:s23], [sflag:$0x2] =	stream.linear.gather [spmem:s8], $0x3800, $0x38;
	[tilespmem:$0x1CB00] =	vst v63  }
0x89: {  	_ =	swait.ge [sflag:s24], $0x3800  }
0x8a: {  	[sflag:s24] =	ssyncset.done $0x0  }
0x8b: {  	[sflag:s24] =	ssyncadd.s32 $0xFFFFC800  }
0x8c: {  	[hbm4b:s16+s3] =	stream.linear.scatter [tilespmem:s23], [sflag:$0x2], $0x3800, $0x38;
	[tilespmem:$0x1CB00] =	vst v63  }
0x8d: {  	_ =	swait.ge [sflag:s24], $0x3800  }
0x8e: {  	[sflag:s24] =	ssyncset.done $0x0  }
0x8f: {  	[sflag:s24] =	ssyncadd.s32 $0xFFFFC800  }
0x90: {  	[tilespmem:s23], [sflag:$0x2] =	stream.linear.gather [spmem:s9], $0x3800, $0x38;
	[tilespmem:$0x1CB00] =	vst v63  }
0x91: {  	_ =	swait.ge [sflag:s24], $0x3800  }
0x92: {  	[sflag:s24] =	ssyncset.done $0x0  }
0x93: {  	[sflag:s24] =	ssyncadd.s32 $0xFFFFC800  }
0x94: {  	[hbm4b:s17+s3] =	stream.linear.scatter [tilespmem:s23], [sflag:$0x2], $0x3800, $0x38;
	[tilespmem:$0x1CB00] =	vst v63  }
0x95: {  	_ =	swait.ge [sflag:s24], $0x3800  }
0x96: {  	[sflag:s24] =	ssyncset.done $0x0  }
0x97: {  	[sflag:s24] =	ssyncadd.s32 $0xFFFFC800  }
0x98: {  	[tilespmem:s23], [sflag:$0x2] =	stream.linear.gather [spmem:s10], $0x3800, $0x38;
	[tilespmem:$0x1CB00] =	vst v63  }
0x99: {  	_ =	swait.ge [sflag:s24], $0x3800  }
0x9a: {  	[sflag:s24] =	ssyncset.done $0x0  }
0x9b: {  	[sflag:s24] =	ssyncadd.s32 $0xFFFFC800  }
0x9c: {  	[hbm4b:s18+s3] =	stream.linear.scatter [tilespmem:s23], [sflag:$0x2], $0x3800, $0x38;
	[tilespmem:$0x1CB00] =	vst v63  }
0x9d: {  	_ =	swait.ge [sflag:s24], $0x3800  }
0x9e: {  	[sflag:s24] =	ssyncset.done $0x0  }
0x9f: {  	[sflag:s24] =	ssyncadd.s32 $0xFFFFC800  }
0xa0: {  	[tilespmem:s23], [sflag:$0x2] =	stream.linear.gather [spmem:s11], $0x3800, $0x38;
	[tilespmem:$0x1CB00] =	vst v63  }
0xa1: {  	_ =	swait.ge [sflag:s24], $0x3800  }
0xa2: {  	[sflag:s24] =	ssyncset.done $0x0  }
0xa3: {  	[sflag:s24] =	ssyncadd.s32 $0xFFFFC800  }
0xa4: {  	[hbm4b:s19+s3] =	stream.linear.scatter [tilespmem:s23], [sflag:$0x2], $0x3800, $0x38;
	[tilespmem:$0x1CB00] =	vst v63  }
0xa5: {  	_ =	swait.ge [sflag:s24], $0x3800  }
0xa6: {  	[sflag:s24] =	ssyncset.done $0x0  }
0xa7: {  	[sflag:s24] =	ssyncadd.s32 $0xFFFFC800  }
0xa8: {  	[tilespmem:s23], [sflag:$0x2] =	stream.linear.gather [spmem:s12], $0x3800, $0x38;
	[tilespmem:$0x1CB00] =	vst v63  }
0xa9: {  	s0 =	sadd.s32 $0x1, s0;
	_ =	swait.ge [sflag:s24], $0x3800  }
0xaa: {  	p0 =	sne.s32 s0, s21;
	[sflag:s24] =	ssyncset.done $0x0  }
.Ltmp1:
0xab: {  	[sflag:s24] =	ssyncadd.s32 $0xFFFFC800;
	(pc) =	sbr.rel @p0 .LBB2_1-.Ltmp1, $4  }
0xac: {  	[hbm4b:s20+s3] =	stream.linear.scatter [tilespmem:s23], [sflag:$0x2], $0x3800, $0x38;
	[tilespmem:$0x1CB00] =	vst v63  }
0xad: {  	_ =	swait.ge [sflag:s24], $0x3800  }
0xae: {  	[sflag:s24] =	ssyncset.done $0x0  }
0xaf: {  	[sflag:s24] =	ssyncadd.s32 $0xFFFFC800  }
0xb0: {  	_ =	sfence.sel $0x180000  }
0xb1: {  	[bflag:$0x0] =	sbarrier.arrive $0xFFFF  }
0xb2: {  	_ =	strace $0x9000004A  }
0xb3: {  	s0 =	stileid.u32;
	[bflag:$0x2] =	sbarrier.arrive $0xFFFF  }
0xb4: {  	p0 =	sne.s32 s0, $0x0;
	s0 =	rddreg [dreg:$0x2]  }
0xb5: {  	s0 =	sadd.s32 @!p0 $0x100000, s0  }
0xb6: {  	[sflag:s0] =	ssyncadd.tile.s32 @!p0 $0x1;
	_ =	shalt  }
.Lfunc_end2:
_tile_overlayer_lowered:
.L_overlay_start_2:
0xb7: {  	(tag) =	ssettag $0x2  }
0xb8: {  	s0 =	rddreg [dreg:$0x0];
	s2 =	stileid.u32  }
0xb9: {  	s1 =	rddreg [dreg:$0x1];
	p0 =	sne.s32 s2, $0x0  }
0xba: {  	s3 =	rddreg [dreg:$0x2];
	[bflag:$0x3] =	sbarrier.arrive $0xFFFF;
	s2 =	simm.s32 @!p0 $0x1C02  }
0xbb: {  	[timem:s3], [sflag:s2] =	dma.local @!p0 [hbm:s0], s1  }
0xbc: {  	s0 =	simm.s32 @!p0 $0x2  }
0xbd: {  	_ =	swait.ge @!p0 [sflag:s0], s1  }
0xbe: {  	s1 =	ssub.s32 @!p0 $0x0, s1;
	[sflag:s0] =	ssyncset.done @!p0 $0x0  }
0xbf: {  	[sflag:s0] =	ssyncadd.s32 @!p0 s1  }
0xc0: {  	[bflag:$0x3] =	sbarrier.arrive $0xFFFF  }
0xc1: {  	_ =	shalt  }

// kernel: kernel.16.cloned.1.call-start
scs
__scs_entry_jumppad:
0x0: {  	(pc) =	sbr.rel $0x88, $3  }
0x1: {  	(tag) =	ssettag $0x0;
	lr =	simm.s32 $0x1  }
0x2: {  	[smem:$0x3F92] =	sst lr;
	_ =	strace $0xD0000000  }
0x3: {  	_ = 	snop  }
0x4: {  	_ = 	snop  }
0x5: {  	_ = 	snop  }
0x6: {  	_ = 	snop  }
0x7: {  	_ = 	snop  }
__scs_overlays_trampoline_lowered:
0x8: {  	[smem:$0x3FA1] =	sst s0  }
0x9: {  	[smem:$0x3FA2] =	sst s1  }
0xa: {  	[smem:$0x3FA3] =	sst s2  }
0xb: {  	[smem:$0x3FA4] =	sst s3  }
0xc: {  	[smem:$0x3FA5] =	sst s4  }
0xd: {  	[smem:$0x3FA6] =	sst s5  }
0xe: {  	[smem:$0x3FA7] =	sst s6  }
0xf: {  	[smem:$0x3FA8] =	sst s7  }
0x10: {  	[smem:$0x3FA9] =	sst s8  }
0x11: {  	[smem:$0x3FAA] =	sst s9;
	s0 =	simm.s32 @!p0 $0x0  }
0x12: {  	s1 =	sld [smem:$0x3F90];
	s0 =	simm.s32 @p0 $0x1  }
0x13: {  	[smem:$0x3FAB] =	sst s0;
	s0 =	simm.s32 @!p1 $0x0  }
0x14: {  	s2 =	sld [smem:$0x3F8F];
	s0 =	simm.s32 @p1 $0x1  }
0x15: {  	[smem:$0x3FAC] =	sst s0;
	s0 =	simm.s32 @!p2 $0x0  }
0x16: {  	s3 =	sld [smem:$0x3FDB];
	s0 =	simm.s32 @p2 $0x1  }
0x17: {  	s4 =	simm.s32 $0x1BF5;
	[smem:$0x3FAE] =	sst s0  }
0x18: {  	s0 =	sld [smem:$0x3F91];
	_ =	swait.ge [sflag:s4], $0x0  }
0x19: {  	s7 =	sld [smem:$0x3F92]  }
0x1a: {  	s8 =	sadd.s32 $0xFFFFE003, lr  }
0x1b: {  	s9 =	sadd.s32 $0xFFFFFEF7, lr;
	s5 =	simm.s32 $0xFFFFFFFF;
	p2 =	slt.u32 s8, $0xFFFFF086  }
0x1c: {  	p1 =	slt.u32 s9, $0xF7A;
	s5 =	simm.s32 @!p2 $0x0  }
0x1d: {  	s5 =	simm.s32 @p1 $0x1;
	p0 =	seq.s32 s7, s2  }
0x1e: {  	s7 =	smul.u32 @!p0 $0xF7A, s2;
	p2 =	seq.s32 @!p0 s5, $0x0  }
0x1f: {  	s9 =	smul.u32 $0xF7A, s1;
	s8 =	simm.s32 @!p0 $0x1BF5;
	p2 =	por !p2, p0  }
0x20: {  	[sflag:s8] =	ssyncset.s32 @!p0 $0xFFFFF086;
	s6 =	sadd.s32 @!p0 s3, s7;
	s7 =	simm.s32 @!p0 $0x108  }
0x21: {  	s3 =	sadd.s32 s3, s9;
	s6 =	sadd.s32 @!p0 $0x88, s6;
	s7 =	simm.s32 @p2 $0x1082  }
0x22: {  	[simem:s7], [sflag:s8] =	dma.local @!p0 [hbm:s6], $0xF7A  }
0x23: {  	s9 =	sor.u32 $0xD0000000, s2;
	s6 =	simm.s32 $0x108;
	_ =	swait.ge @!p0 [sflag:s8], $0x0  }
0x24: {  	s3 =	sadd.s32 $0x88, s3;
	s6 =	simm.s32 @!p1 $0x1082;
	[sflag:s4] =	ssyncset.s32 $0xFFFFF086  }
0x25: {  	[simem:s6], [sflag:s4] =	dma.local [hbm:s3], $0xF7A  }
0x26: {  	[smem:$0x3F92] =	sst s1;
	(tag) =	ssettag s2;
	_ =	strace s9  }
0x27: {  	s1 =	sld [smem:$0x3FA2]  }
0x28: {  	s2 =	sld [smem:$0x3FA3]  }
0x29: {  	s4 =	sld [smem:$0x3FA5]  }
0x2a: {  	p0 =	seq.s32 s5, $0x0;
	s5 =	sld [smem:$0x3FA6]  }
0x2b: {  	s6 =	sld [smem:$0x3FA7]  }
0x2c: {  	s7 =	sld [smem:$0x3FA8]  }
0x2d: {  	s3 =	simm.s32 $0x108;
	s8 =	sld [smem:$0x3FA9]  }
0x2e: {  	s3 =	simm.s32 @!p0 $0x1082;
	s9 =	sld [smem:$0x3FAA]  }
0x2f: {  	lr =	sadd.s32 s0, s3;
	s0 =	sld [smem:$0x3FA1]  }
0x30: {  	s3 =	sld [smem:$0x3FA4]  }
0x31: {  	[smem:$0x3FAD] =	sst s10  }
0x32: {  	s10 =	sld [smem:$0x3FAB];
	_ =	sdelay $0x3  }
0x33: {  	p0 =	seq.s32 s10, $0x1;
	s10 =	sld [smem:$0x3FAD];
	_ =	sdelay $0x3  }
0x34: {  	[smem:$0x3FAD] =	sst s10  }
0x35: {  	s10 =	sld [smem:$0x3FAC];
	_ =	sdelay $0x3  }
0x36: {  	p1 =	seq.s32 s10, $0x1;
	s10 =	sld [smem:$0x3FAD];
	_ =	sdelay $0x3  }
0x37: {  	[smem:$0x3FAD] =	sst s10  }
0x38: {  	s10 =	sld [smem:$0x3FAE]  }
0x39: {  	_ = 	snop;
	(pc) =	sbr.ind lr, $3  }
0x3a: {  	_ = 	snop  }
0x3b: {  	_ = 	snop  }
0x3c: {  	p2 =	seq.s32 s10, $0x1;
	s10 =	sld [smem:$0x3FAD]  }
0x3d: {  	_ =	shalt  }
0x3e: {  	_ =	shalt  }
0x3f: {  	_ =	shalt  }
0x40: {  	_ =	shalt  }
0x41: {  	_ =	shalt  }
0x42: {  	_ =	shalt  }
0x43: {  	_ =	shalt  }
0x44: {  	_ =	shalt  }
0x45: {  	_ =	shalt  }
0x46: {  	_ =	shalt  }
0x47: {  	_ =	shalt  }
0x48: {  	_ =	shalt  }
0x49: {  	_ =	shalt  }
0x4a: {  	_ =	shalt  }
0x4b: {  	_ =	shalt  }
0x4c: {  	_ =	shalt  }
0x4d: {  	_ =	shalt  }
0x4e: {  	_ =	shalt  }
0x4f: {  	_ =	shalt  }
0x50: {  	_ =	shalt  }
0x51: {  	_ =	shalt  }
0x52: {  	_ =	shalt  }
0x53: {  	_ =	shalt  }
0x54: {  	_ =	shalt  }
0x55: {  	_ =	shalt  }
0x56: {  	_ =	shalt  }
0x57: {  	_ =	shalt  }
0x58: {  	_ =	shalt  }
0x59: {  	_ =	shalt  }
0x5a: {  	_ =	shalt  }
0x5b: {  	_ =	shalt  }
0x5c: {  	_ =	shalt  }
0x5d: {  	_ =	shalt  }
0x5e: {  	_ =	shalt  }
0x5f: {  	_ =	shalt  }
0x60: {  	_ =	shalt  }
0x61: {  	_ =	shalt  }
0x62: {  	_ =	shalt  }
0x63: {  	_ =	shalt  }
0x64: {  	_ =	shalt  }
0x65: {  	_ =	shalt  }
0x66: {  	_ =	shalt  }
0x67: {  	_ =	shalt  }
0x68: {  	_ =	shalt  }
0x69: {  	_ =	shalt  }
0x6a: {  	_ =	shalt  }
0x6b: {  	_ =	shalt  }
0x6c: {  	_ =	shalt  }
0x6d: {  	_ =	shalt  }
0x6e: {  	_ =	shalt  }
0x6f: {  	_ =	shalt  }
0x70: {  	_ =	shalt  }
0x71: {  	_ =	shalt  }
0x72: {  	_ =	shalt  }
0x73: {  	_ =	shalt  }
0x74: {  	_ =	shalt  }
0x75: {  	_ =	shalt  }
0x76: {  	_ =	shalt  }
0x77: {  	_ =	shalt  }
0x78: {  	_ =	shalt  }
0x79: {  	_ =	shalt  }
0x7a: {  	_ =	shalt  }
0x7b: {  	_ =	shalt  }
0x7c: {  	_ =	shalt  }
0x7d: {  	_ =	shalt  }
0x7e: {  	_ =	shalt  }
0x7f: {  	_ =	shalt  }
0x80: {  	_ =	shalt  }
0x81: {  	_ =	shalt  }
0x82: {  	_ =	shalt  }
0x83: {  	_ =	shalt  }
0x84: {  	_ =	shalt  }
0x85: {  	_ =	shalt  }
0x86: {  	_ =	shalt  }
0x87: {  	_ =	shalt  }
.Lfunc_end0:
.L_simem_size_0:
called_computation.2_lowered:
.L_overlay_start_0:
0x88: {  	s2 =	sld [smem:$0x3FD9]  }
0x89: {  	s3 =	sld [smem:$0x3FFE];
	_ =	sdelay $0x1  }
0x8a: {  	s1 =	srdreg.scid  }
0x8b: {  	s0 =	sand.u32 $0x1, s1  }
0x8c: {  	s16 =	sshll.u32 s0, $0xA;
	s2 =	sadd.s32 s3, s2  }
0x8d: {  	s2 =	sadd.s32 s2, s16  }
0x8e: {  	[smem:$0x3FB9] =	sst s2  }
0x8f: {  	_ = 	snop  }
0x90: {  	(tm) =	ssettm $0x1  }
0x91: {  	s17 =	sld [smem:$0x3FFB];
	_ =	sdelay $0x3  }
0x92: {  	_ =	strace s17  }
0x93: {  	s2 =	sld [smem:$0x3FFC];
	_ =	sdelay $0x3  }
0x94: {  	_ =	strace s2  }
0x95: {  	s2 =	sld [smem:$0x3FFD];
	_ =	sdelay $0x3  }
0x96: {  	_ =	strace s2  }
0x97: {  	_ =	strace $0x8FFFFFFF  }
0x98: {  	s18 =	sld [smem:$0x3FDB];
	_ =	sdelay $0x1  }
0x99: {  	s19 =	simm.s32 $_scs_section_size  }
0x9a: {  	s4 =	simm.s32 $_size__tile_overlayer_lowered;
	s5 =	simm.s32 $_tile_overlayer_lowered  }
0x9b: {  	s22 =	simm.s32 $0x1BFF;
	s21 =	sshll.u32 s5, $0x1;
	s2 =	sadd.s32 s19, s18  }
0x9c: {  	s6 =	simm.s32 $0x0;
	s20 =	sshll.u32 s4, $0x1;
	s4 =	sadd.s32 s21, s2  }
0x9d: {  	[timem:s6], [sflag:s22] =	dma.local [hbm:s4], s20  }
0x9e: {  	_ =	swait.ge [sflag:s22], s20  }
0x9f: {  	s3 =	ssub.s32 $0x0, s20;
	[sflag:s22] =	ssyncset.done $0x0  }
0xa0: {  	[sflag:s22] =	ssyncadd.s32 s3;
	_ =	sdelay $0x1  }
0xa1: {  	s23 =	simm.s32 $0x1B8B  }
0xa2: {  	_ =	swait.ge [sflag:s23], $0x1  }
0xa3: {  	[sflag:s23] =	ssyncset.done $0x0  }
0xa4: {  	s25 =	simm.s32 $0x1B8E;
	s24 =	sld [smem:$0x3FFE];
	[sflag:s23] =	ssyncadd.s32 $0xFFFFFFFF  }
0xa5: {  	s26 =	simm.s32 $execute0_lowered;
	[smem:$0x3FD2] =	sst s25  }
0xa6: {  	s4 =	sshll.u32 s26, $0x1;
	_ =	strace $0x8000004C;
	[dreg:$0x1] =	wrdreg $0xFFFFFFFF  }
0xa7: {  	s28 =	simm.s32 $_size_execute0_lowered;
	s2 =	sadd.s32 s2, s4;
	[dreg:$0x0] =	wrdreg $0x0  }
0xa8: {  	s4 =	sshll.u32 s28, $0x1;
	[dreg:$0x2] =	wrdreg s2  }
0xa9: {  	[dreg:$0x3] =	wrdreg s4  }
0xaa: {  	[dreg:$0x4] =	wrdreg $0xC0  }
0xab: {  	_ =	task [dreg:s6], $0x5FFFF  }
0xac: {  	[dreg:$0x1] =	wrdreg $0xFFFFFFFF  }
0xad: {  	[dreg:$0x0] =	wrdreg $0x60  }
0xae: {  	[dreg:$0x2] =	wrdreg s24  }
0xaf: {  	[dreg:$0x3] =	wrdreg $0x43000  }
0xb0: {  	[dreg:$0x4] =	wrdreg $0x9  }
0xb1: {  	_ =	task.clear_ibuf [dreg:s6], $0x5FFFF;
	_ =	strace $0x9000004C  }
0xb2: {  	s29 =	simm.s32 $0x9;
	_ =	strace $0x8000004E  }
0xb3: {  	_ =	swait.ge [sflag:s29], $0x1  }
0xb4: {  	[sflag:s29] =	ssyncadd.s32 $0xFFFFFFFF  }
0xb5: {  	_ =	strace $0x9000004E  }
0xb6: {  	_ =	sfence  }
0xb7: {  	s30 =	sld [smem:$0x0];
	_ =	sdelay $0x2  }
0xb8: {  	s31 =	sshll.u32 s1, $0xD;
	s1 =	sshrl.u32 s1, $0x2  }
0xb9: {  	s3 =	sand.u32 $0x4000, s31;
	s1 =	sadd.s32 s1, s30  }
0xba: {  	s0 =	sor.u32 s3, s0;
	s1 =	sshll.u32 s1, $0x11  }
0xbb: {  	s0 =	sor.u32 s1, s0  }
0xbc: {  	s0 =	sadd.s32 $0x8F2B, s0  }
0xbd: {  	[sflag:s0] =	ssyncadd.remote.s32 $0x1  }
0xbe: {  	_ =	sfence.sel $0xFFFF  }
0xbf: {  	[dreg:$0x0] =	wrdreg $0xFFFFFFFF;
	(pc) =	sbr.abs _section_cstart, $3  }
0xc0: {  	[dreg:$0x1] =	wrdreg $0xFFFFFFFF  }
0xc1: {  	_ =	task.clear_ibuf [dreg:s6], $0x2FFFF;
	_ =	strace $0x9FFFFFFF  }
0xc2: {  	(tm) =	ssettm $0x7FFFFFFF  }
0xc3: {  	_ =	shalt  }
tec
execute0_lowered:
.L_overlay_start_1:
0x0: {  	(tag) =	ssettag $0x1  }
0x1: {  	s0 =	rddreg [dreg:$0x0]  }
0x2: {  	s1 =	rddreg [dreg:$0x1]  }
0x3: {  	s2 =	srdreg.scid;
	s3 =	simm.s32 $0x0;
	s13 =	stileid.u32  }
0x4: {  	s28 =	simm.s32 $0x1;
	s29 =	simm.s32 $0x180;
	s31 =	simm.s32 $0x280  }
0x5: {  	s2 =	sand.u32 $0x1, s2;
	[smem:$0x7FF] =	sst s3;
	s5 =	smul.u32 $0x310, s13  }
0x6: {  	s6 =	sshll.u32 s13, $0x4;
	s7 =	smul.u32 $0x62000, s13;
	s4 =	sadd.s32 $0xF7600, s0  }
0x7: {  	s23 =	sadd.s32 $0x33200, s0;
	p0 =	slt.u32 s13, $0xA;
	s15 =	smul.u32 $0x3100, s2  }
0x8: {  	_ =	strace $0x8000004D;
	s22 =	sadd.s32 s6, s0;
	[dreg:$0x3] =	wrdreg s23  }
0x9: {  	s2 =	ssub.s32 $0x2, s2;
	s23 =	simm.s32 $0x300;
	s24 =	sshrl.u32 s7, $0x2  }
0xa: {  	s25 =	sshrl.u32 s2, $0x1;
	s5 =	sadd.s32 s5, s15;
	s6 =	sadd.s32 s24, s1  }
0xb: {  	s30 =	sadd.s32 $0x3100, s15;
	s2 =	ssub.s32 s2, s25;
	s5 =	sshll.u32 s5, $0x4  }
0xc: {  	s7 =	sadd.s32 $0x3800, s6;
	s8 =	sadd.s32 $0x7000, s6;
	s9 =	sadd.s32 $0xA800, s6  }
0xd: {  	s10 =	sadd.s32 $0xE000, s6;
	s11 =	sadd.s32 $0x11800, s6;
	s12 =	sadd.s32 $0x15000, s6  }
0xe: {  	s21 =	smax.u32 s2, $0x1;
	s2 =	sadd.s32 $0x1AAA0, s22;
	s0 =	sadd.s32 s5, s0  }
0xf: {  	v1 =	vmov s30;
	s30 =	simm.s32 $0x200;
	s5 =	simm.s32 $0x187;
	s26 =	sadd.s32 $0x159200, s0  }
0x10: {  	s24 =	simm.s32 $0x2;
	s14 =	sadd.s32 $0x159900, s0;
	s17 =	sadd.s32 $0x15A700, s0  }
0x11: {  	s16 =	sadd.s32 $0x15A000, s0;
	s5 =	simm.s32 @!p0 $0x186;
	s18 =	sadd.s32 $0x15AE00, s0  }
0x12: {  	s25 =	simm.s32 $0x80;
	s19 =	sadd.s32 $0x15B500, s0;
	s20 =	sadd.s32 $0x15BC00, s0  }
0x13: {  	v0 =	vmov s15;
	s0 =	simm.s32 $0x0;
	[dreg:$0x4] =	wrdreg s26;
	s26 =	simm.s32 $0x100  }
.LBB2_1:
0x14: {  	s13 =	rddreg [dreg:$0x3]  }
0x15: {  	[tilespmem:s23], [sflag:$0x2] =	stream.linear.gather [hbm4b:s13+s3], $0x3800, $0x38;
	[tilespmem:$0x1CB00] =	vst v63  }
0x16: {  	_ =	swait.ge [sflag:s24], $0x3800  }
0x17: {  	[sflag:s24] =	ssyncset.done $0x0  }
0x18: {  	[sflag:s24] =	ssyncadd.s32 $0xFFFFC800  }
0x19: {  	[spmem:s6] =	stream.linear.scatter [tilespmem:s23], [sflag:$0x2], $0x3800, $0x38;
	[tilespmem:$0x1CB00] =	vst v63  }
0x1a: {  	_ =	swait.ge [sflag:s24], $0x3800  }
0x1b: {  	[sflag:s24] =	ssyncset.done $0x0  }
0x1c: {  	[sflag:s24] =	ssyncadd.s32 $0xFFFFC800  }
0x1d: {  	[spmem:s7] =	stream.linear.scatter [tilespmem:s23], [sflag:$0x2], $0x3800, $0x38;
	[tilespmem:$0x1CB00] =	vst v63  }
0x1e: {  	_ =	swait.ge [sflag:s24], $0x3800  }
0x1f: {  	[sflag:s24] =	ssyncset.done $0x0  }
0x20: {  	[sflag:s24] =	ssyncadd.s32 $0xFFFFC800  }
0x21: {  	[spmem:s8] =	stream.linear.scatter [tilespmem:s23], [sflag:$0x2], $0x3800, $0x38;
	[tilespmem:$0x1CB00] =	vst v63  }
0x22: {  	_ =	swait.ge [sflag:s24], $0x3800  }
0x23: {  	[sflag:s24] =	ssyncset.done $0x0  }
0x24: {  	[sflag:s24] =	ssyncadd.s32 $0xFFFFC800  }
0x25: {  	[spmem:s9] =	stream.linear.scatter [tilespmem:s23], [sflag:$0x2], $0x3800, $0x38;
	[tilespmem:$0x1CB00] =	vst v63  }
0x26: {  	_ =	swait.ge [sflag:s24], $0x3800  }
0x27: {  	[sflag:s24] =	ssyncset.done $0x0  }
0x28: {  	[sflag:s24] =	ssyncadd.s32 $0xFFFFC800  }
0x29: {  	[spmem:s10] =	stream.linear.scatter [tilespmem:s23], [sflag:$0x2], $0x3800, $0x38;
	[tilespmem:$0x1CB00] =	vst v63  }
0x2a: {  	_ =	swait.ge [sflag:s24], $0x3800  }
0x2b: {  	[sflag:s24] =	ssyncset.done $0x0  }
0x2c: {  	[sflag:s24] =	ssyncadd.s32 $0xFFFFC800  }
0x2d: {  	[spmem:s11] =	stream.linear.scatter [tilespmem:s23], [sflag:$0x2], $0x3800, $0x38;
	[tilespmem:$0x1CB00] =	vst v63  }
0x2e: {  	_ =	swait.ge [sflag:s24], $0x3800  }
0x2f: {  	[sflag:s24] =	ssyncset.done $0x0  }
0x30: {  	[sflag:s24] =	ssyncadd.s32 $0xFFFFC800  }
0x31: {  	[spmem:s12] =	stream.linear.scatter [tilespmem:s23], [sflag:$0x2], $0x3800, $0x38;
	[tilespmem:$0x1CB00] =	vst v63  }
0x32: {  	_ =	swait.ge [sflag:s24], $0x3800  }
0x33: {  	[sflag:s24] =	ssyncset.done $0x0  }
0x34: {  	[sflag:s24] =	ssyncadd.s32 $0xFFFFC800  }
0x35: {  	s22 =	smov.u32 s2;
	s15 =	smov.u32 s5;
	[bflag:$0x0] =	sbarrier.arrive $0xFFFF  }
.LBB2_2:
0x36: {  	s13 =	sadd.s32 $0xFFFE7960, s22  }
0x37: {  	[tilespmem:s3], [sflag:$0x2] =	stream.linear.gather [hbm4b:s13+s3], $0x80, $0x38;
	[tilespmem:$0x1CB00] =	vst v63  }
0x38: {  	_ =	swait.ge [sflag:s24], $0x80  }
0x39: {  	[sflag:s24] =	ssyncset.done $0x0  }
0x3a: {  	[sflag:s24] =	ssyncadd.s32 $0xFFFFFF80  }
0x3b: {  	[tilespmem:s25], [sflag:$0x2] =	stream.linear.gather [hbm4b:s22+s3], $0x80, $0x38;
	[tilespmem:$0x1CB00] =	vst v63  }
0x3c: {  	_ =	swait.ge [sflag:s24], $0x80  }
0x3d: {  	[sflag:s24] =	ssyncset.done $0x0  }
0x3e: {  	[sflag:s24] =	ssyncadd.s32 $0xFFFFFF80  }
0x3f: {  	v2 =	vld [tilespmem:$0x80]  }
0x40: {  	v3 =	vld [tilespmem:$0x0];
	_ =	sdelay $0x1  }
0x41: {  	v4 =	vld [tilespmem:$0x90];
	_ =	sdelay $0x1  }
0x42: {  	v5 =	vld [tilespmem:$0x10];
	vm0 =	vge.s32 v2, v0;
	vm1 =	vlt.s32 v2, v1  }
0x43: {  	vm11 =	vge.s32 v3, v0;
	vm0 =	vmand vm0, vm1  }
0x44: {  	vm2 =	vlt.s32 v3, v1;
	v7 =	vsub.s32 v2, v0;
	v6 =	vnsel vm0, $0xFFFFFFFF, v3  }
0x45: {  	v51 =	vld [tilespmem:$0xA0];
	vm12 =	vge.s32 v4, v0;
	vm1 =	vmand vm11, vm2;
	v50 =	vnsel vm0, $0xFFFFFFFF, v7;
	[tilespmem:$0x100] =	vst v6  }
0x46: {  	v52 =	vld [tilespmem:$0x20];
	vm13 =	vlt.s32 v4, v1;
	v2 =	vnsel vm1, $0xFFFFFFFF, v2;
	v3 =	vsub.s32 v3, v0;
	[tilespmem:$0x180] =	vst v50  }
0x47: {  	vm14 =	vge.s32 v5, v0;
	vm0 =	vmand vm12, vm13;
	v3 =	vnsel vm1, $0xFFFFFFFF, v3;
	[tilespmem:$0x200] =	vst v2  }
0x48: {  	v54 =	vld [tilespmem:$0xB0];
	vm15 =	vlt.s32 v5, v1;
	v2 =	vnsel vm0, $0xFFFFFFFF, v5;
	[tilespmem:$0x280] =	vst v3;
	v3 =	vsub.s32 v4, v0  }
0x49: {  	v53 =	vsub.s32 v5, v0;
	vm1 =	vmand vm14, vm15;
	[tilespmem:$0x110] =	vst v2;
	v2 =	vnsel vm0, $0xFFFFFFFF, v3  }
0x4a: {  	v55 =	vld [tilespmem:$0x30];
	vm4 =	vge.s32 v51, v0;
	vm5 =	vlt.s32 v51, v1;
	v3 =	vnsel vm1, $0xFFFFFFFF, v4;
	[tilespmem:$0x190] =	vst v2  }
0x4b: {  	vm6 =	vge.s32 v52, v0;
	vm0 =	vmand vm4, vm5;
	v2 =	vnsel vm1, $0xFFFFFFFF, v53;
	[tilespmem:$0x210] =	vst v3  }
0x4c: {  	v56 =	vld [tilespmem:$0xC0];
	vm7 =	vlt.s32 v52, v1;
	v3 =	vsub.s32 v51, v0;
	[tilespmem:$0x290] =	vst v2;
	v2 =	vnsel vm0, $0xFFFFFFFF, v52  }
0x4d: {  	vm8 =	vge.s32 v54, v0;
	vm1 =	vmand vm6, vm7;
	[tilespmem:$0x120] =	vst v2;
	v2 =	vnsel vm0, $0xFFFFFFFF, v3  }
0x4e: {  	v57 =	vld [tilespmem:$0x40];
	vm9 =	vlt.s32 v54, v1;
	v6 =	vsub.s32 v52, v0;
	v3 =	vnsel vm1, $0xFFFFFFFF, v51;
	[tilespmem:$0x1A0] =	vst v2  }
0x4f: {  	vm10 =	vge.s32 v55, v0;
	vm0 =	vmand vm8, vm9;
	v2 =	vnsel vm1, $0xFFFFFFFF, v6;
	[tilespmem:$0x220] =	vst v3  }
0x50: {  	v58 =	vld [tilespmem:$0xD0];
	vm11 =	vlt.s32 v55, v1;
	v3 =	vsub.s32 v54, v0;
	[tilespmem:$0x2A0] =	vst v2;
	v2 =	vnsel vm0, $0xFFFFFFFF, v55  }
0x51: {  	vm12 =	vge.s32 v56, v0;
	vm1 =	vmand vm10, vm11;
	[tilespmem:$0x130] =	vst v2;
	v2 =	vnsel vm0, $0xFFFFFFFF, v3  }
0x52: {  	v59 =	vld [tilespmem:$0x50];
	vm13 =	vlt.s32 v56, v1;
	v4 =	vsub.s32 v55, v0;
	v3 =	vnsel vm1, $0xFFFFFFFF, v54;
	[tilespmem:$0x1B0] =	vst v2  }
0x53: {  	vm14 =	vge.s32 v57, v0;
	vm0 =	vmand vm12, vm13;
	v2 =	vnsel vm1, $0xFFFFFFFF, v4;
	[tilespmem:$0x230] =	vst v3  }
0x54: {  	v60 =	vld [tilespmem:$0xE0];
	vm15 =	vlt.s32 v57, v1;
	v3 =	vsub.s32 v56, v0;
	[tilespmem:$0x2B0] =	vst v2;
	v2 =	vnsel vm0, $0xFFFFFFFF, v57  }
0x55: {  	vm4 =	vge.s32 v58, v0;
	vm1 =	vmand vm14, vm15;
	[tilespmem:$0x140] =	vst v2;
	v2 =	vnsel vm0, $0xFFFFFFFF, v3  }
0x56: {  	v61 =	vld [tilespmem:$0x60];
	vm5 =	vlt.s32 v58, v1;
	v6 =	vsub.s32 v57, v0;
	v3 =	vnsel vm1, $0xFFFFFFFF, v56;
	[tilespmem:$0x1C0] =	vst v2  }
0x57: {  	vm6 =	vge.s32 v59, v0;
	vm0 =	vmand vm4, vm5;
	v2 =	vnsel vm1, $0xFFFFFFFF, v6;
	[tilespmem:$0x240] =	vst v3  }
0x58: {  	v62 =	vld [tilespmem:$0xF0];
	vm7 =	vlt.s32 v59, v1;
	v3 =	vsub.s32 v58, v0;
	[tilespmem:$0x2C0] =	vst v2;
	v2 =	vnsel vm0, $0xFFFFFFFF, v59  }
0x59: {  	vm8 =	vge.s32 v60, v0;
	vm1 =	vmand vm6, vm7;
	[tilespmem:$0x150] =	vst v2;
	v2 =	vnsel vm0, $0xFFFFFFFF, v3  }
0x5a: {  	v63 =	vld [tilespmem:$0x70];
	vm9 =	vlt.s32 v60, v1;
	v4 =	vsub.s32 v59, v0;
	v3 =	vnsel vm1, $0xFFFFFFFF, v58;
	[tilespmem:$0x1D0] =	vst v2  }
0x5b: {  	vm10 =	vge.s32 v61, v0;
	vm0 =	vmand vm8, vm9;
	v2 =	vnsel vm1, $0xFFFFFFFF, v4;
	[tilespmem:$0x250] =	vst v3  }
0x5c: {  	vm11 =	vlt.s32 v61, v1;
	v3 =	vsub.s32 v60, v0;
	[tilespmem:$0x2D0] =	vst v2;
	v2 =	vnsel vm0, $0xFFFFFFFF, v61  }
0x5d: {  	vm12 =	vge.s32 v62, v0;
	vm1 =	vmand vm10, vm11;
	[tilespmem:$0x160] =	vst v2;
	v2 =	vnsel vm0, $0xFFFFFFFF, v3  }
0x5e: {  	vm13 =	vlt.s32 v62, v1;
	v3 =	vnsel vm1, $0xFFFFFFFF, v60;
	[tilespmem:$0x1E0] =	vst v2;
	v2 =	vsub.s32 v61, v0  }
0x5f: {  	vm14 =	vge.s32 v63, v0;
	vm0 =	vmand vm12, vm13;
	[tilespmem:$0x260] =	vst v3;
	v2 =	vnsel vm1, $0xFFFFFFFF, v2  }
0x60: {  	vm15 =	vlt.s32 v63, v1;
	v3 =	vsub.s32 v62, v0;
	[tilespmem:$0x2E0] =	vst v2;
	v2 =	vnsel vm0, $0xFFFFFFFF, v63  }
0x61: {  	vm1 =	vmand vm14, vm15;
	[tilespmem:$0x170] =	vst v2;
	v2 =	vnsel vm0, $0xFFFFFFFF, v3  }
0x62: {  	v3 =	vsub.s32 v63, v0;
	[tilespmem:$0x1F0] =	vst v2;
	v2 =	vnsel vm1, $0xFFFFFFFF, v62  }
0x63: {  	[tilespmem:$0x270] =	vst v2;
	v2 =	vnsel vm1, $0xFFFFFFFF, v3  }
0x64: {  	[tilespmem:$0x2F0] =	vst v2;
	(ifvalue) =	ssetifvalue $0xFFFFFFFF  }
0x65: {  	(ifvalue) =	ssetifvalue $0xFFFFFFFF  }
0x66: {  	[tilespmem:s23], [sflag:$0x1] =	stream.indirect.gather [hbm4b:s4+s25], $0x80, s26, s25, $0x40b8;
	[tilespmem:$0x1CB00] =	vst v63  }
0x67: {  	_ =	swait.ge [sflag:s28], $0x4000  }
0x68: {  	[sflag:s28] =	ssyncset.done $0x0  }
0x69: {  	[sflag:s28] =	ssyncadd.s32 $0xFFFFC000;
	(ifvalue) =	ssetifvalue $0xFFFFFFFF  }
0x6a: {  	[spmem:s1] =	stream.indirect.scatter.add.f32 [tilespmem:s23], [sflag:$0x2], $0x80, s29, s25, $0x40b8;
	[tilespmem:$0x1CB00] =	vst v63  }
0x6b: {  	_ =	swait.ge [sflag:s24], $0x4000  }
0x6c: {  	[sflag:s24] =	ssyncset.done $0x0  }
0x6d: {  	[sflag:s24] =	ssyncadd.s32 $0xFFFFC000;
	(ifvalue) =	ssetifvalue $0xFFFFFFFF  }
0x6e: {  	(ifvalue) =	ssetifvalue $0xFFFFFFFF  }
0x6f: {  	[tilespmem:s23], [sflag:$0x1] =	stream.indirect.gather [hbm4b:s4+s25], $0x80, s30, s25, $0x40b8;
	[tilespmem:$0x1CB00] =	vst v63  }
0x70: {  	_ =	swait.ge [sflag:s28], $0x4000  }
0x71: {  	p0 =	sne.s32 s15, $0x1;
	[sflag:s28] =	ssyncset.done $0x0  }
.Ltmp0:
0x72: {  	[sflag:s28] =	ssyncadd.s32 $0xFFFFC000;
	(ifvalue) =	ssetifvalue $0xFFFFFFFF;
	(pc) =	sbr.rel @p0 .LBB2_2-.Ltmp0, $4  }
0x73: {  	[spmem:s1] =	stream.indirect.scatter.add.f32 [tilespmem:s23], [sflag:$0x2], $0x80, s31, s25, $0x40b8;
	[tilespmem:$0x1CB00] =	vst v63  }
0x74: {  	_ =	swait.ge [sflag:s24], $0x4000  }
0x75: {  	[sflag:s24] =	ssyncset.done $0x0  }
0x76: {  	s15 =	sadd.s32 $0xFFFFFFFF, s15;
	s22 =	sadd.s32 $0x100, s22;
	[sflag:s24] =	ssyncadd.s32 $0xFFFFC000  }
0x77: {  	[bflag:$0x0] =	sbarrier.arrive $0xFFFF  }
0x78: {  	[tilespmem:s23], [sflag:$0x2] =	stream.linear.gather [spmem:s6], $0x3800, $0x38;
	[tilespmem:$0x1CB00] =	vst v63  }
0x79: {  	_ =	swait.ge [sflag:s24], $0x3800  }
0x7a: {  	[sflag:s24] =	ssyncset.done $0x0  }
0x7b: {  	s13 =	rddreg [dreg:$0x4];
	[sflag:s24] =	ssyncadd.s32 $0xFFFFC800  }
0x7c: {  	[hbm4b:s13+s3] =	stream.linear.scatter [tilespmem:s23], [sflag:$0x2], $0x3800, $0x38;
	[tilespmem:$0x1CB00] =	vst v63  }
0x7d: {  	_ =	swait.ge [sflag:s24], $0x3800  }
0x7e: {  	[sflag:s24] =	ssyncset.done $0x0  }
0x7f: {  	[sflag:s24] =	ssyncadd.s32 $0xFFFFC800  }
0x80: {  	[tilespmem:s23], [sflag:$0x2] =	stream.linear.gather [spmem:s7], $0x3800, $0x38;
	[tilespmem:$0x1CB00] =	vst v63  }
0x81: {  	_ =	swait.ge [sflag:s24], $0x3800  }
0x82: {  	[sflag:s24] =	ssyncset.done $0x0  }
0x83: {  	[sflag:s24] =	ssyncadd.s32 $0xFFFFC800  }
0x84: {  	[hbm4b:s14+s3] =	stream.linear.scatter [tilespmem:s23], [sflag:$0x2], $0x3800, $0x38;
	[tilespmem:$0x1CB00] =	vst v63  }
0x85: {  	_ =	swait.ge [sflag:s24], $0x3800  }
0x86: {  	[sflag:s24] =	ssyncset.done $0x0  }
0x87: {  	[sflag:s24] =	ssyncadd.s32 $0xFFFFC800  }
0x88: {  	[tilespmem:s23], [sflag:$0x2] =	stream.linear.gather [spmem:s8], $0x3800, $0x38;
	[tilespmem:$0x1CB00] =	vst v63  }
0x89: {  	_ =	swait.ge [sflag:s24], $0x3800  }
0x8a: {  	[sflag:s24] =	ssyncset.done $0x0  }
0x8b: {  	[sflag:s24] =	ssyncadd.s32 $0xFFFFC800  }
0x8c: {  	[hbm4b:s16+s3] =	stream.linear.scatter [tilespmem:s23], [sflag:$0x2], $0x3800, $0x38;
	[tilespmem:$0x1CB00] =	vst v63  }
0x8d: {  	_ =	swait.ge [sflag:s24], $0x3800  }
0x8e: {  	[sflag:s24] =	ssyncset.done $0x0  }
0x8f: {  	[sflag:s24] =	ssyncadd.s32 $0xFFFFC800  }
0x90: {  	[tilespmem:s23], [sflag:$0x2] =	stream.linear.gather [spmem:s9], $0x3800, $0x38;
	[tilespmem:$0x1CB00] =	vst v63  }
0x91: {  	_ =	swait.ge [sflag:s24], $0x3800  }
0x92: {  	[sflag:s24] =	ssyncset.done $0x0  }
0x93: {  	[sflag:s24] =	ssyncadd.s32 $0xFFFFC800  }
0x94: {  	[hbm4b:s17+s3] =	stream.linear.scatter [tilespmem:s23], [sflag:$0x2], $0x3800, $0x38;
	[tilespmem:$0x1CB00] =	vst v63  }
0x95: {  	_ =	swait.ge [sflag:s24], $0x3800  }
0x96: {  	[sflag:s24] =	ssyncset.done $0x0  }
0x97: {  	[sflag:s24] =	ssyncadd.s32 $0xFFFFC800  }
0x98: {  	[tilespmem:s23], [sflag:$0x2] =	stream.linear.gather [spmem:s10], $0x3800, $0x38;
	[tilespmem:$0x1CB00] =	vst v63  }
0x99: {  	_ =	swait.ge [sflag:s24], $0x3800  }
0x9a: {  	[sflag:s24] =	ssyncset.done $0x0  }
0x9b: {  	[sflag:s24] =	ssyncadd.s32 $0xFFFFC800  }
0x9c: {  	[hbm4b:s18+s3] =	stream.linear.scatter [tilespmem:s23], [sflag:$0x2], $0x3800, $0x38;
	[tilespmem:$0x1CB00] =	vst v63  }
0x9d: {  	_ =	swait.ge [sflag:s24], $0x3800  }
0x9e: {  	[sflag:s24] =	ssyncset.done $0x0  }
0x9f: {  	[sflag:s24] =	ssyncadd.s32 $0xFFFFC800  }
0xa0: {  	[tilespmem:s23], [sflag:$0x2] =	stream.linear.gather [spmem:s11], $0x3800, $0x38;
	[tilespmem:$0x1CB00] =	vst v63  }
0xa1: {  	_ =	swait.ge [sflag:s24], $0x3800  }
0xa2: {  	[sflag:s24] =	ssyncset.done $0x0  }
0xa3: {  	[sflag:s24] =	ssyncadd.s32 $0xFFFFC800  }
0xa4: {  	[hbm4b:s19+s3] =	stream.linear.scatter [tilespmem:s23], [sflag:$0x2], $0x3800, $0x38;
	[tilespmem:$0x1CB00] =	vst v63  }
0xa5: {  	_ =	swait.ge [sflag:s24], $0x3800  }
0xa6: {  	[sflag:s24] =	ssyncset.done $0x0  }
0xa7: {  	[sflag:s24] =	ssyncadd.s32 $0xFFFFC800  }
0xa8: {  	[tilespmem:s23], [sflag:$0x2] =	stream.linear.gather [spmem:s12], $0x3800, $0x38;
	[tilespmem:$0x1CB00] =	vst v63  }
0xa9: {  	s0 =	sadd.s32 $0x1, s0;
	_ =	swait.ge [sflag:s24], $0x3800  }
0xaa: {  	p0 =	sne.s32 s0, s21;
	[sflag:s24] =	ssyncset.done $0x0  }
.Ltmp1:
0xab: {  	[sflag:s24] =	ssyncadd.s32 $0xFFFFC800;
	(pc) =	sbr.rel @p0 .LBB2_1-.Ltmp1, $4  }
0xac: {  	[hbm4b:s20+s3] =	stream.linear.scatter [tilespmem:s23], [sflag:$0x2], $0x3800, $0x38;
	[tilespmem:$0x1CB00] =	vst v63  }
0xad: {  	_ =	swait.ge [sflag:s24], $0x3800  }
0xae: {  	[sflag:s24] =	ssyncset.done $0x0  }
0xaf: {  	[sflag:s24] =	ssyncadd.s32 $0xFFFFC800  }
0xb0: {  	_ =	sfence.sel $0x180000  }
0xb1: {  	[bflag:$0x0] =	sbarrier.arrive $0xFFFF  }
0xb2: {  	_ =	strace $0x9000004D  }
0xb3: {  	s0 =	stileid.u32;
	[bflag:$0x2] =	sbarrier.arrive $0xFFFF  }
0xb4: {  	p0 =	sne.s32 s0, $0x0;
	s0 =	rddreg [dreg:$0x2]  }
0xb5: {  	s0 =	sadd.s32 @!p0 $0x100000, s0  }
0xb6: {  	[sflag:s0] =	ssyncadd.tile.s32 @!p0 $0x1;
	_ =	shalt  }
.Lfunc_end2:
_tile_overlayer_lowered:
.L_overlay_start_2:
0xb7: {  	(tag) =	ssettag $0x2  }
0xb8: {  	s0 =	rddreg [dreg:$0x0];
	s2 =	stileid.u32  }
0xb9: {  	s1 =	rddreg [dreg:$0x1];
	p0 =	sne.s32 s2, $0x0  }
0xba: {  	s3 =	rddreg [dreg:$0x2];
	[bflag:$0x3] =	sbarrier.arrive $0xFFFF;
	s2 =	simm.s32 @!p0 $0x1C02  }
0xbb: {  	[timem:s3], [sflag:s2] =	dma.local @!p0 [hbm:s0], s1  }
0xbc: {  	s0 =	simm.s32 @!p0 $0x2  }
0xbd: {  	_ =	swait.ge @!p0 [sflag:s0], s1  }
0xbe: {  	s1 =	ssub.s32 @!p0 $0x0, s1;
	[sflag:s0] =	ssyncset.done @!p0 $0x0  }
0xbf: {  	[sflag:s0] =	ssyncadd.s32 @!p0 s1  }
0xc0: {  	[bflag:$0x3] =	sbarrier.arrive $0xFFFF  }
0xc1: {  	_ =	shalt  }

// kernel: kernel.19.cloned.1.call-start
scs
__scs_entry_jumppad:
0x0: {  	(pc) =	sbr.rel $0x88, $3  }
0x1: {  	(tag) =	ssettag $0x0;
	lr =	simm.s32 $0x1  }
0x2: {  	[smem:$0x3F92] =	sst lr;
	_ =	strace $0xD0000000  }
0x3: {  	_ = 	snop  }
0x4: {  	_ = 	snop  }
0x5: {  	_ = 	snop  }
0x6: {  	_ = 	snop  }
0x7: {  	_ = 	snop  }
__scs_overlays_trampoline_lowered:
0x8: {  	[smem:$0x3FA1] =	sst s0  }
0x9: {  	[smem:$0x3FA2] =	sst s1  }
0xa: {  	[smem:$0x3FA3] =	sst s2  }
0xb: {  	[smem:$0x3FA4] =	sst s3  }
0xc: {  	[smem:$0x3FA5] =	sst s4  }
0xd: {  	[smem:$0x3FA6] =	sst s5  }
0xe: {  	[smem:$0x3FA7] =	sst s6  }
0xf: {  	[smem:$0x3FA8] =	sst s7  }
0x10: {  	[smem:$0x3FA9] =	sst s8  }
0x11: {  	[smem:$0x3FAA] =	sst s9;
	s0 =	simm.s32 @!p0 $0x0  }
0x12: {  	s1 =	sld [smem:$0x3F90];
	s0 =	simm.s32 @p0 $0x1  }
0x13: {  	[smem:$0x3FAB] =	sst s0;
	s0 =	simm.s32 @!p1 $0x0  }
0x14: {  	s2 =	sld [smem:$0x3F8F];
	s0 =	simm.s32 @p1 $0x1  }
0x15: {  	[smem:$0x3FAC] =	sst s0;
	s0 =	simm.s32 @!p2 $0x0  }
0x16: {  	s3 =	sld [smem:$0x3FDB];
	s0 =	simm.s32 @p2 $0x1  }
0x17: {  	s4 =	simm.s32 $0x1BF5;
	[smem:$0x3FAE] =	sst s0  }
0x18: {  	s0 =	sld [smem:$0x3F91];
	_ =	swait.ge [sflag:s4], $0x0  }
0x19: {  	s7 =	sld [smem:$0x3F92]  }
0x1a: {  	s8 =	sadd.s32 $0xFFFFE003, lr  }
0x1b: {  	s9 =	sadd.s32 $0xFFFFFEF7, lr;
	s5 =	simm.s32 $0xFFFFFFFF;
	p2 =	slt.u32 s8, $0xFFFFF086  }
0x1c: {  	p1 =	slt.u32 s9, $0xF7A;
	s5 =	simm.s32 @!p2 $0x0  }
0x1d: {  	s5 =	simm.s32 @p1 $0x1;
	p0 =	seq.s32 s7, s2  }
0x1e: {  	s7 =	smul.u32 @!p0 $0xF7A, s2;
	p2 =	seq.s32 @!p0 s5, $0x0  }
0x1f: {  	s9 =	smul.u32 $0xF7A, s1;
	s8 =	simm.s32 @!p0 $0x1BF5;
	p2 =	por !p2, p0  }
0x20: {  	[sflag:s8] =	ssyncset.s32 @!p0 $0xFFFFF086;
	s6 =	sadd.s32 @!p0 s3, s7;
	s7 =	simm.s32 @!p0 $0x108  }
0x21: {  	s3 =	sadd.s32 s3, s9;
	s6 =	sadd.s32 @!p0 $0x88, s6;
	s7 =	simm.s32 @p2 $0x1082  }
0x22: {  	[simem:s7], [sflag:s8] =	dma.local @!p0 [hbm:s6], $0xF7A  }
0x23: {  	s9 =	sor.u32 $0xD0000000, s2;
	s6 =	simm.s32 $0x108;
	_ =	swait.ge @!p0 [sflag:s8], $0x0  }
0x24: {  	s3 =	sadd.s32 $0x88, s3;
	s6 =	simm.s32 @!p1 $0x1082;
	[sflag:s4] =	ssyncset.s32 $0xFFFFF086  }
0x25: {  	[simem:s6], [sflag:s4] =	dma.local [hbm:s3], $0xF7A  }
0x26: {  	[smem:$0x3F92] =	sst s1;
	(tag) =	ssettag s2;
	_ =	strace s9  }
0x27: {  	s1 =	sld [smem:$0x3FA2]  }
0x28: {  	s2 =	sld [smem:$0x3FA3]  }
0x29: {  	s4 =	sld [smem:$0x3FA5]  }
0x2a: {  	p0 =	seq.s32 s5, $0x0;
	s5 =	sld [smem:$0x3FA6]  }
0x2b: {  	s6 =	sld [smem:$0x3FA7]  }
0x2c: {  	s7 =	sld [smem:$0x3FA8]  }
0x2d: {  	s3 =	simm.s32 $0x108;
	s8 =	sld [smem:$0x3FA9]  }
0x2e: {  	s3 =	simm.s32 @!p0 $0x1082;
	s9 =	sld [smem:$0x3FAA]  }
0x2f: {  	lr =	sadd.s32 s0, s3;
	s0 =	sld [smem:$0x3FA1]  }
0x30: {  	s3 =	sld [smem:$0x3FA4]  }
0x31: {  	[smem:$0x3FAD] =	sst s10  }
0x32: {  	s10 =	sld [smem:$0x3FAB];
	_ =	sdelay $0x3  }
0x33: {  	p0 =	seq.s32 s10, $0x1;
	s10 =	sld [smem:$0x3FAD];
	_ =	sdelay $0x3  }
0x34: {  	[smem:$0x3FAD] =	sst s10  }
0x35: {  	s10 =	sld [smem:$0x3FAC];
	_ =	sdelay $0x3  }
0x36: {  	p1 =	seq.s32 s10, $0x1;
	s10 =	sld [smem:$0x3FAD];
	_ =	sdelay $0x3  }
0x37: {  	[smem:$0x3FAD] =	sst s10  }
0x38: {  	s10 =	sld [smem:$0x3FAE]  }
0x39: {  	_ = 	snop;
	(pc) =	sbr.ind lr, $3  }
0x3a: {  	_ = 	snop  }
0x3b: {  	_ = 	snop  }
0x3c: {  	p2 =	seq.s32 s10, $0x1;
	s10 =	sld [smem:$0x3FAD]  }
0x3d: {  	_ =	shalt  }
0x3e: {  	_ =	shalt  }
0x3f: {  	_ =	shalt  }
0x40: {  	_ =	shalt  }
0x41: {  	_ =	shalt  }
0x42: {  	_ =	shalt  }
0x43: {  	_ =	shalt  }
0x44: {  	_ =	shalt  }
0x45: {  	_ =	shalt  }
0x46: {  	_ =	shalt  }
0x47: {  	_ =	shalt  }
0x48: {  	_ =	shalt  }
0x49: {  	_ =	shalt  }
0x4a: {  	_ =	shalt  }
0x4b: {  	_ =	shalt  }
0x4c: {  	_ =	shalt  }
0x4d: {  	_ =	shalt  }
0x4e: {  	_ =	shalt  }
0x4f: {  	_ =	shalt  }
0x50: {  	_ =	shalt  }
0x51: {  	_ =	shalt  }
0x52: {  	_ =	shalt  }
0x53: {  	_ =	shalt  }
0x54: {  	_ =	shalt  }
0x55: {  	_ =	shalt  }
0x56: {  	_ =	shalt  }
0x57: {  	_ =	shalt  }
0x58: {  	_ =	shalt  }
0x59: {  	_ =	shalt  }
0x5a: {  	_ =	shalt  }
0x5b: {  	_ =	shalt  }
0x5c: {  	_ =	shalt  }
0x5d: {  	_ =	shalt  }
0x5e: {  	_ =	shalt  }
0x5f: {  	_ =	shalt  }
0x60: {  	_ =	shalt  }
0x61: {  	_ =	shalt  }
0x62: {  	_ =	shalt  }
0x63: {  	_ =	shalt  }
0x64: {  	_ =	shalt  }
0x65: {  	_ =	shalt  }
0x66: {  	_ =	shalt  }
0x67: {  	_ =	shalt  }
0x68: {  	_ =	shalt  }
0x69: {  	_ =	shalt  }
0x6a: {  	_ =	shalt  }
0x6b: {  	_ =	shalt  }
0x6c: {  	_ =	shalt  }
0x6d: {  	_ =	shalt  }
0x6e: {  	_ =	shalt  }
0x6f: {  	_ =	shalt  }
0x70: {  	_ =	shalt  }
0x71: {  	_ =	shalt  }
0x72: {  	_ =	shalt  }
0x73: {  	_ =	shalt  }
0x74: {  	_ =	shalt  }
0x75: {  	_ =	shalt  }
0x76: {  	_ =	shalt  }
0x77: {  	_ =	shalt  }
0x78: {  	_ =	shalt  }
0x79: {  	_ =	shalt  }
0x7a: {  	_ =	shalt  }
0x7b: {  	_ =	shalt  }
0x7c: {  	_ =	shalt  }
0x7d: {  	_ =	shalt  }
0x7e: {  	_ =	shalt  }
0x7f: {  	_ =	shalt  }
0x80: {  	_ =	shalt  }
0x81: {  	_ =	shalt  }
0x82: {  	_ =	shalt  }
0x83: {  	_ =	shalt  }
0x84: {  	_ =	shalt  }
0x85: {  	_ =	shalt  }
0x86: {  	_ =	shalt  }
0x87: {  	_ =	shalt  }
.Lfunc_end0:
.L_simem_size_0:
called_computation.3_lowered:
.L_overlay_start_0:
0x88: {  	s2 =	sld [smem:$0x3FD9]  }
0x89: {  	s3 =	sld [smem:$0x3FFE];
	_ =	sdelay $0x1  }
0x8a: {  	s1 =	srdreg.scid  }
0x8b: {  	s0 =	sand.u32 $0x1, s1  }
0x8c: {  	s16 =	sshll.u32 s0, $0xA;
	s2 =	sadd.s32 s3, s2  }
0x8d: {  	s2 =	sadd.s32 s2, s16  }
0x8e: {  	[smem:$0x3FB9] =	sst s2  }
0x8f: {  	_ = 	snop  }
0x90: {  	(tm) =	ssettm $0x1  }
0x91: {  	s17 =	sld [smem:$0x3FFB];
	_ =	sdelay $0x3  }
0x92: {  	_ =	strace s17  }
0x93: {  	s2 =	sld [smem:$0x3FFC];
	_ =	sdelay $0x3  }
0x94: {  	_ =	strace s2  }
0x95: {  	s2 =	sld [smem:$0x3FFD];
	_ =	sdelay $0x3  }
0x96: {  	_ =	strace s2  }
0x97: {  	_ =	strace $0x8FFFFFFF  }
0x98: {  	s18 =	sld [smem:$0x3FDB];
	_ =	sdelay $0x1  }
0x99: {  	s19 =	simm.s32 $_scs_section_size  }
0x9a: {  	s4 =	simm.s32 $_size__tile_overlayer_lowered;
	s5 =	simm.s32 $_tile_overlayer_lowered  }
0x9b: {  	s22 =	simm.s32 $0x1BFF;
	s21 =	sshll.u32 s5, $0x1;
	s2 =	sadd.s32 s19, s18  }
0x9c: {  	s6 =	simm.s32 $0x0;
	s20 =	sshll.u32 s4, $0x1;
	s4 =	sadd.s32 s21, s2  }
0x9d: {  	[timem:s6], [sflag:s22] =	dma.local [hbm:s4], s20  }
0x9e: {  	_ =	swait.ge [sflag:s22], s20  }
0x9f: {  	s3 =	ssub.s32 $0x0, s20;
	[sflag:s22] =	ssyncset.done $0x0  }
0xa0: {  	[sflag:s22] =	ssyncadd.s32 s3;
	_ =	sdelay $0x1  }
0xa1: {  	s23 =	simm.s32 $0x1B8B  }
0xa2: {  	_ =	swait.ge [sflag:s23], $0x1  }
0xa3: {  	[sflag:s23] =	ssyncset.done $0x0  }
0xa4: {  	s25 =	simm.s32 $0x1B8E;
	s24 =	sld [smem:$0x3FFE];
	[sflag:s23] =	ssyncadd.s32 $0xFFFFFFFF  }
0xa5: {  	s26 =	simm.s32 $execute0_lowered;
	[smem:$0x3FD2] =	sst s25  }
0xa6: {  	s4 =	sshll.u32 s26, $0x1;
	_ =	strace $0x8000004F;
	[dreg:$0x1] =	wrdreg $0xFFFFFFFF  }
0xa7: {  	s28 =	simm.s32 $_size_execute0_lowered;
	s2 =	sadd.s32 s2, s4;
	[dreg:$0x0] =	wrdreg $0x0  }
0xa8: {  	s4 =	sshll.u32 s28, $0x1;
	[dreg:$0x2] =	wrdreg s2  }
0xa9: {  	[dreg:$0x3] =	wrdreg s4  }
0xaa: {  	[dreg:$0x4] =	wrdreg $0xC0  }
0xab: {  	_ =	task [dreg:s6], $0x5FFFF  }
0xac: {  	[dreg:$0x1] =	wrdreg $0xFFFFFFFF  }
0xad: {  	[dreg:$0x0] =	wrdreg $0x60  }
0xae: {  	[dreg:$0x2] =	wrdreg s24  }
0xaf: {  	[dreg:$0x3] =	wrdreg $0x9  }
0xb0: {  	_ =	task.clear_ibuf [dreg:s6], $0x4FFFF;
	_ =	strace $0x9000004F  }
0xb1: {  	s29 =	simm.s32 $0x9;
	_ =	strace $0x80000051  }
0xb2: {  	_ =	swait.ge [sflag:s29], $0x1  }
0xb3: {  	[sflag:s29] =	ssyncadd.s32 $0xFFFFFFFF  }
0xb4: {  	_ =	strace $0x90000051  }
0xb5: {  	_ =	sfence  }
0xb6: {  	s30 =	sld [smem:$0x0];
	_ =	sdelay $0x2  }
0xb7: {  	s31 =	sshll.u32 s1, $0xD;
	s1 =	sshrl.u32 s1, $0x2  }
0xb8: {  	s3 =	sand.u32 $0x4000, s31;
	s1 =	sadd.s32 s1, s30  }
0xb9: {  	s0 =	sor.u32 s3, s0;
	s1 =	sshll.u32 s1, $0x11  }
0xba: {  	s0 =	sor.u32 s1, s0  }
0xbb: {  	s0 =	sadd.s32 $0x8F2B, s0  }
0xbc: {  	[sflag:s0] =	ssyncadd.remote.s32 $0x1  }
0xbd: {  	_ =	sfence.sel $0xFFFF  }
0xbe: {  	[dreg:$0x0] =	wrdreg $0xFFFFFFFF;
	(pc) =	sbr.abs _section_cstart, $3  }
0xbf: {  	[dreg:$0x1] =	wrdreg $0xFFFFFFFF  }
0xc0: {  	_ =	task.clear_ibuf [dreg:s6], $0x2FFFF;
	_ =	strace $0x9FFFFFFF  }
0xc1: {  	(tm) =	ssettm $0x7FFFFFFF  }
tec
execute0_lowered:
.L_overlay_start_1:
0x0: {  	(tag) =	ssettag $0x1  }
0x1: {  	s7 =	rddreg [dreg:$0x0]  }
0x2: {  	s0 =	rddreg [dreg:$0x1]  }
0x3: {  	s1 =	simm.s32 $0x0;
	s2 =	srdreg.scid;
	s11 =	simm.s32 $0x80  }
0x4: {  	s12 =	simm.s32 $0x100;
	s13 =	simm.s32 $0x4100;
	s14 =	simm.s32 $0x1  }
0x5: {  	s15 =	simm.s32 $0x8100;
	s16 =	simm.s32 $0x0;
	[smem:$0x7FF] =	sst s1  }
0x6: {  	s3 =	sadd.s32 $0x33200, s7;
	s6 =	sand.u32 $0x1, s2;
	s4 =	sadd.s32 $0x95A00, s7  }
0x7: {  	s2 =	stileid.u32;
	s5 =	sadd.s32 $0x2400, s7;
	s7 =	sadd.s32 $0xF7600, s7  }
0x8: {  	_ =	strace $0x80000050;
	s8 =	sshll.u32 s6, $0x4;
	s9 =	ssub.s32 $0x2, s6  }
0x9: {  	s6 =	simm.s32 $0xC4;
	s8 =	sor.u32 s2, s8;
	s10 =	sshrl.u32 s9, $0x1  }
0xa: {  	p0 =	slt.u32 s8, $0xA;
	s9 =	ssub.s32 s9, s10;
	s8 =	sshll.u32 s8, $0x7  }
0xb: {  	s10 =	simm.s32 $0x2;
	s6 =	simm.s32 @!p0 $0xC3;
	s9 =	smax.u32 s9, $0x1  }
.LBB2_1:
0xc: {  	s17 =	simm.s32 $0x0  }
.LBB2_2:
0xd: {  	s18 =	sshll.u32 s17, $0xC  }
0xe: {  	s18 =	sor.u32 s8, s18  }
0xf: {  	s19 =	sshrl.u32 s18, $0x3  }
0x10: {  	s20 =	simm.s32 $0x0;
	s19 =	sadd.s32 s5, s19  }
0x11: {  	[tilespmem:s20], [sflag:$0x2] =	stream.linear.gather [hbm4b:s19+s20], $0x80, $0x38;
	[tilespmem:$0xC100] =	vst v63  }
0x12: {  	_ =	swait.ge [sflag:s10], $0x80  }
0x13: {  	[sflag:s10] =	ssyncset.done $0x0  }
0x14: {  	s19 =	sadd.s32 $0x186A0, s19;
	[sflag:s10] =	ssyncadd.s32 $0xFFFFFF80  }
0x15: {  	[tilespmem:s11], [sflag:$0x2] =	stream.linear.gather [hbm4b:s19+s20], $0x80, $0x38;
	[tilespmem:$0xC100] =	vst v63  }
0x16: {  	_ =	swait.ge [sflag:s10], $0x80  }
0x17: {  	[sflag:s10] =	ssyncset.done $0x0  }
0x18: {  	[sflag:s10] =	ssyncadd.s32 $0xFFFFFF80  }
0x19: {  	[tilespmem:s12], [sflag:$0x1] =	stream.indirect.gather [hbm4b:s3+s11], $0x80, s20, s11, $0xb8;
	[tilespmem:$0xC100] =	vst v63  }
0x1a: {  	_ = 	snop  }
0x1b: {  	[tilespmem:s13], [sflag:$0x1] =	stream.indirect.gather [hbm4b:s4+s11], $0x80, s11, s11, $0xb8;
	[tilespmem:$0xC100] =	vst v63  }
0x1c: {  	_ =	swait.ge [sflag:s14], $0x4000  }
0x1d: {  	[sflag:s14] =	ssyncset.done $0x0  }
0x1e: {  	[sflag:s14] =	ssyncadd.s32 $0xFFFFC000  }
0x1f: {  	_ =	swait.ge [sflag:s14], $0x4000  }
0x20: {  	[sflag:s14] =	ssyncset.done $0x0  }
0x21: {  	s19 =	simm.s32 $0x0;
	[sflag:s14] =	ssyncadd.s32 $0xFFFFC000  }
0x22: {  	v2 =	vld [tilespmem:s19+$0x130]  }
0x23: {  	v4 =	vld [tilespmem:s19+$0x4130]  }
0x24: {  	v5 =	vld [tilespmem:s19+$0x100]  }
0x25: {  	v6 =	vld [tilespmem:s19+$0x4100]  }
0x26: {  	v1 =	vld [tilespmem:s19+$0x110]  }
0x27: {  	v3 =	vld [tilespmem:s19+$0x4110]  }
0x28: {  	v0 =	vld [tilespmem:s19+$0x120];
	v7 =	vmul.f32 v4, v2  }
0x29: {  	s20 =	simm.s32 $0x80;
	v4 =	vld [tilespmem:s19+$0x4120]  }
0x2a: {  	s21 =	simm.s32 $0x400;
	v2 =	vld [tilespmem:s20+$0x130];
	v5 =	vmul.f32 v6, v5;
	[tilespmem:s19+$0x8130] =	vst v7  }
.LBB2_3:
0x2b: {  	p0 =	sne.s32 s21, $0xFE00;
	v6 =	vld [tilespmem:s20+$0x4130]  }
0x2c: {  	v7 =	vld [tilespmem:s20+$0x100];
	[tilespmem:s19+$0x8100] =	vst v5;
	v3 =	vmul.f32 v3, v1  }
0x2d: {  	v5 =	vld [tilespmem:s20+$0x4100]  }
.Ltmp0:
0x2e: {  	v1 =	vld [tilespmem:s20+$0x110];
	[tilespmem:s19+$0x8110] =	vst v3;
	v4 =	vmul.f32 v4, v0;
	(pc) =	sbr.rel @p0 .LBB2_3-.Ltmp0, $4  }
0x2f: {  	v3 =	vld [tilespmem:s20+$0x4110]  }
0x30: {  	v0 =	vld [tilespmem:s20+$0x120];
	v6 =	vmul.f32 v6, v2;
	[tilespmem:s19+$0x8120] =	vst v4;
	s19 =	smov.u32 s20  }
0x31: {  	s20 =	sshra.s32 s21, $0x2;
	v4 =	vld [tilespmem:s19+$0x4120]  }
0x32: {  	s21 =	sadd.s32 $0x200, s21;
	v2 =	vld [tilespmem:s20+$0x130];
	v5 =	vmul.f32 v5, v7;
	[tilespmem:s19+$0x8130] =	vst v6  }
0x33: {  	v6 =	vld [tilespmem:s20+$0x4130]  }
0x34: {  	v7 =	vld [tilespmem:s20+$0x100];
	[tilespmem:s19+$0x8100] =	vst v5;
	v1 =	vmul.f32 v3, v1  }
0x35: {  	v62 =	vld [tilespmem:s20+$0x4100]  }
0x36: {  	v5 =	vld [tilespmem:s20+$0x110];
	[tilespmem:s19+$0x8110] =	vst v1;
	v0 =	vmul.f32 v4, v0  }
0x37: {  	v1 =	vld [tilespmem:s20+$0x4110]  }
0x38: {  	v63 =	vld [tilespmem:s20+$0x120];
	[tilespmem:s19+$0x8120] =	vst v0  }
0x39: {  	v0 =	vld [tilespmem:s20+$0x4120];
	_ =	sdelay $0x1  }
0x3a: {  	v2 =	vmul.f32 v6, v2  }
0x3b: {  	v3 =	vmul.f32 v62, v7  }
0x3c: {  	[tilespmem:s20+$0x8130] =	vst v2;
	v1 =	vmul.f32 v1, v5  }
0x3d: {  	s17 =	sadd.s32 $0x1, s17;
	[tilespmem:s20+$0x8100] =	vst v3;
	v0 =	vmul.f32 v0, v63  }
0x3e: {  	s18 =	sshll.u32 s18, $0x4;
	p0 =	sne.s32 s17, s6;
	[tilespmem:s20+$0x8110] =	vst v1  }
.Ltmp1:
0x3f: {  	s18 =	sadd.s32 s7, s18;
	[tilespmem:s20+$0x8120] =	vst v0;
	(pc) =	sbr.rel @p0 .LBB2_2-.Ltmp1, $4  }
0x40: {  	[hbm4b:s18+s1] =	stream.linear.scatter [tilespmem:s15], [sflag:$0x2], $0x4000, $0x38;
	[tilespmem:$0xC100] =	vst v63  }
0x41: {  	_ =	swait.ge [sflag:s10], $0x4000  }
0x42: {  	[sflag:s10] =	ssyncset.done $0x0  }
0x43: {  	[sflag:s10] =	ssyncadd.s32 $0xFFFFC000  }
0x44: {  	s16 =	sadd.s32 $0x1, s16  }
0x45: {  	p0 =	sne.s32 s16, s9  }
.Ltmp2:
0x46: {  	_ = 	snop;
	(pc) =	sbr.rel @p0 .LBB2_1-.Ltmp2, $1  }
0x47: {  	_ =	sdelay $0x3  }
0x48: {  	_ =	sfence.sel $0x180000  }
0x49: {  	[bflag:$0x0] =	sbarrier.arrive $0xFFFF  }
0x4a: {  	p0 =	sne.s32 s2, $0x0;
	_ =	strace $0x90000050  }
0x4b: {  	s0 =	sadd.s32 @!p0 $0x100000, s0;
	[bflag:$0x2] =	sbarrier.arrive $0xFFFF  }
0x4c: {  	[sflag:s0] =	ssyncadd.tile.s32 @!p0 $0x1;
	_ =	shalt  }
.Lfunc_end2:
_tile_overlayer_lowered:
.L_overlay_start_2:
0x4d: {  	(tag) =	ssettag $0x2  }
0x4e: {  	s0 =	rddreg [dreg:$0x0];
	s2 =	stileid.u32  }
0x4f: {  	s1 =	rddreg [dreg:$0x1];
	p0 =	sne.s32 s2, $0x0  }
0x50: {  	s3 =	rddreg [dreg:$0x2];
	[bflag:$0x3] =	sbarrier.arrive $0xFFFF;
	s2 =	simm.s32 @!p0 $0x1C02  }
0x51: {  	[timem:s3], [sflag:s2] =	dma.local @!p0 [hbm:s0], s1  }
0x52: {  	s0 =	simm.s32 @!p0 $0x2  }
0x53: {  	_ =	swait.ge @!p0 [sflag:s0], s1  }
0x54: {  	s1 =	ssub.s32 @!p0 $0x0, s1;
	[sflag:s0] =	ssyncset.done @!p0 $0x0  }
0x55: {  	[sflag:s0] =	ssyncadd.s32 @!p0 s1  }
0x56: {  	[bflag:$0x3] =	sbarrier.arrive $0xFFFF  }
0x57: {  	_ =	shalt  }

</sc_bundles>
